<compile_context>
chip_gen: v7x
topology: tpu7x:2x2x1
jax: 0.10.2.dev20260603
libtpu: 0.0.44.dev20260713+nightly
codegen_flags: <defaults>
</compile_context>

<pallas_src>
import functools

import jax
import jax.numpy as jnp
from jax import lax
from jax.experimental import pallas as pl
from jax.experimental.pallas import tpu as pltpu
from jax.experimental.pallas import tpu_sc as plsc

N_EDGES = 320000
VOCAB = 100000
EMB_DIM = 48
HIDDEN = 128
LANES = 16

NC, NS = 2, 16
NW = NC * NS
SEG = 2
ROWS_SEG = N_EDGES // SEG
ROWS_PER_W = ROWS_SEG // NW
CHUNK = 200
NCHUNK = ROWS_PER_W // CHUNK
NPAIR = (NCHUNK - 1) // 2


def _gather_sum_body(seg_base, e_all, t0, t1, t2, t3, s_hbm,
                     i0, i1, i2, i3, rows_a, rows_b, sem_a, sem_b):
    wid = lax.axis_index("s") * NC + lax.axis_index("c")
    base = wid * ROWS_PER_W
    idx_bufs = (i0, i1, i2, i3)
    tables = (t0, t1, t2, t3)

    for f in range(4):
        pltpu.sync_copy(
            e_all.at[pl.ds(f * N_EDGES + seg_base + base, ROWS_PER_W)],
            idx_bufs[f])

    def fire(c, buf, sem):
        off = c * CHUNK
        for f in range(4):
            pltpu.async_copy(tables[f].at[idx_bufs[f].at[pl.ds(off, CHUNK)]],
                             buf.at[f], sem)

    def drain(buf, sem):
        for f in range(4):
            pltpu.make_async_copy(tables[f].at[idx_bufs[f].at[pl.ds(0, CHUNK)]],
                                  buf.at[f], sem).wait()

    def sum_and_out(c, buf):
        def row_body(rp, carry):
            r = rp * 2
            for j in range(EMB_DIM // LANES):
                sl = pl.ds(j * LANES, LANES)
                acc = (buf[0, pl.ds(r, 2), sl] + buf[1, pl.ds(r, 2), sl]
                       + buf[2, pl.ds(r, 2), sl] + buf[3, pl.ds(r, 2), sl])
                buf[0, pl.ds(r, 2), sl] = acc
            return carry

        lax.fori_loop(0, CHUNK // 2, row_body, 0, unroll=2)
        pltpu.sync_copy(buf.at[0],
                        s_hbm.at[pl.ds(base + c * CHUNK, CHUNK),
                                 pl.ds(0, EMB_DIM)])

    fire(0, rows_a, sem_a)

    def pair_body(cp, carry):
        c0 = cp * 2
        fire(c0 + 1, rows_b, sem_b)
        drain(rows_a, sem_a)
        sum_and_out(c0, rows_a)
        fire(c0 + 2, rows_a, sem_a)
        drain(rows_b, sem_b)
        sum_and_out(c0 + 1, rows_b)
        return carry

    lax.fori_loop(0, NPAIR, pair_body, 0)
    drain(rows_a, sem_a)
    sum_and_out(NCHUNK - 1, rows_a)


_gather_sum_cache = {}


def _gather_sum(k, *args):
    if k not in _gather_sum_cache:
        _gather_sum_cache[k] = functools.partial(
            pl.kernel,
            out_type=jax.ShapeDtypeStruct((ROWS_SEG, HIDDEN), jnp.bfloat16),
            mesh=plsc.VectorSubcoreMesh(core_axis_name="c",
                                        subcore_axis_name="s",
                                        num_cores=NC, num_subcores=NS),
            scratch_types=[
                pltpu.VMEM((ROWS_PER_W,), jnp.int32),
                pltpu.VMEM((ROWS_PER_W,), jnp.int32),
                pltpu.VMEM((ROWS_PER_W,), jnp.int32),
                pltpu.VMEM((ROWS_PER_W,), jnp.int32),
                pltpu.VMEM((4, CHUNK, EMB_DIM), jnp.bfloat16),
                pltpu.VMEM((4, CHUNK, EMB_DIM), jnp.bfloat16),
                pltpu.SemaphoreType.DMA,
                pltpu.SemaphoreType.DMA,
            ],
            compiler_params=pltpu.CompilerParams(use_tc_tiling_on_sc=False),
        )(functools.partial(_gather_sum_body, k * ROWS_SEG))
    return _gather_sum_cache[k](*args)


TC_BLK = 3200
SEG_BLKS = ROWS_SEG // TC_BLK


def _proj_body(s_ref, w_ref, b_ref, o_ref):
    h = jnp.dot(s_ref[:, :EMB_DIM].astype(jnp.float32), w_ref[...],
                preferred_element_type=jnp.float32) + b_ref[...]
    o_ref[...] = 0.5 * h * (1.0 + lax.erf(h * 0.7071067811865476))


def _make_proj(k, aliased):
    in_specs = [
        pl.BlockSpec((TC_BLK, HIDDEN), lambda i: (i, 0)),
        pl.BlockSpec((EMB_DIM, HIDDEN), lambda i: (0, 0)),
        pl.BlockSpec((1, HIDDEN), lambda i: (0, 0)),
    ]
    kwargs = {}
    if aliased:
        in_specs.append(pl.BlockSpec(memory_space=pl.ANY))
        kwargs["input_output_aliases"] = {3: 0}
    return pl.pallas_call(
        _proj_body,
        grid=(SEG_BLKS,),
        in_specs=in_specs,
        out_specs=pl.BlockSpec((TC_BLK, HIDDEN),
                               lambda i, _k=k: (i + _k * SEG_BLKS, 0)),
        out_shape=jax.ShapeDtypeStruct((N_EDGES, HIDDEN), jnp.float32),
        **kwargs,
    )


def _proj_body_aliased(s_ref, w_ref, b_ref, prev_ref, o_ref):
    _proj_body(s_ref, w_ref, b_ref, o_ref)


def kernel(e, emb0, emb1, emb2, emb3, W, b):
    e32 = e.astype(jnp.int32)
    e_all = jnp.concatenate([e32[:, f] for f in range(4)])
    b2 = b.reshape(1, HIDDEN)
    tabs = tuple(t.astype(jnp.bfloat16) for t in (emb0, emb1, emb2, emb3))

    s0 = _gather_sum(0, e_all, *tabs)
    s1 = _gather_sum(1, e_all, *tabs)
    out = _make_proj(0, aliased=False)(s0, W, b2)
    out = pl.pallas_call(
        _proj_body_aliased,
        grid=(SEG_BLKS,),
        in_specs=[
            pl.BlockSpec((TC_BLK, HIDDEN), lambda i: (i, 0)),
            pl.BlockSpec((EMB_DIM, HIDDEN), lambda i: (0, 0)),
            pl.BlockSpec((1, HIDDEN), lambda i: (0, 0)),
            pl.BlockSpec(memory_space=pl.ANY),
        ],
        out_specs=pl.BlockSpec((TC_BLK, HIDDEN),
                               lambda i: (i + SEG_BLKS, 0)),
        out_shape=jax.ShapeDtypeStruct((N_EDGES, HIDDEN), jnp.float32),
        input_output_aliases={3: 0},
    )(s1, W, b2, out)
    return out

# --- scband reference (transcript-rebuilt; emitter-appended) ---
"""Pipeline reference for scband-edge-encoder-37349035606236 (READ-ONLY COPY).

The authoritative reference and input builder live on the scoring server;
editing this copy changes nothing except your own understanding.
"""

import jax, jax.numpy as jnp
import numpy as np

N_EDGES = 320000
N_FIELDS = 4
VOCAB = 100000
EMB_DIM = 48
HIDDEN = 128


def setup_inputs(seed: int = 0) -> dict:
    key = jax.random.key(seed)
    ks = jax.random.split(key, 8)
    e = jax.random.randint(ks[0], (N_EDGES, N_FIELDS), 0, VOCAB)
    emb0 = jax.random.normal(ks[1], (VOCAB, EMB_DIM), dtype=jnp.float32) * 0.02
    emb1 = jax.random.normal(ks[2], (VOCAB, EMB_DIM), dtype=jnp.float32) * 0.02
    emb2 = jax.random.normal(ks[3], (VOCAB, EMB_DIM), dtype=jnp.float32) * 0.02
    emb3 = jax.random.normal(ks[4], (VOCAB, EMB_DIM), dtype=jnp.float32) * 0.02
    W = jax.random.normal(ks[5], (EMB_DIM, HIDDEN), dtype=jnp.float32) * (1.0 / np.sqrt(EMB_DIM))
    b = jnp.zeros((HIDDEN,), dtype=jnp.float32)
    return {"e": e, "emb0": emb0, "emb1": emb1, "emb2": emb2, "emb3": emb3, "W": W, "b": b}


def reference(e, emb0, emb1, emb2, emb3, W, b):
    # sum of per-field embedding lookups (gathers)
    s = (jnp.take(emb0, e[:, 0], axis=0)
         + jnp.take(emb1, e[:, 1], axis=0)
         + jnp.take(emb2, e[:, 2], axis=0)
         + jnp.take(emb3, e[:, 3], axis=0))
    # proj: Linear(48, hidden) -> GELU (exact, matching torch default) -> Dropout is identity in eval
    h = s @ W + b
    return jax.nn.gelu(h, approximate=False)

if __name__ == "__main__":
    import jax
    _d = setup_inputs()
    print(jax.jit(kernel)(*tuple(_d.values())))

</pallas_src>

<mosaic_0001>
#map = affine_map<(d0, d1) -> (0)>
#map1 = affine_map<(d0, d1) -> (0, 0)>
module attributes {stable_mosaic.version = 14 : i64} {
  func.func @_gather_sum_body(%arg0: i32, %arg1: i32, %arg2: memref<1280000xi32, #tpu.memory_space<hbm>>, %arg3: memref<100000x48xbf16, #tpu.memory_space<hbm>>, %arg4: memref<100000x48xbf16, #tpu.memory_space<hbm>>, %arg5: memref<100000x48xbf16, #tpu.memory_space<hbm>>, %arg6: memref<100000x48xbf16, #tpu.memory_space<hbm>>, %arg7: memref<160000x128xbf16, #tpu.memory_space<hbm>>, %arg8: memref<5000xi32, #tpu.memory_space<vmem>>, %arg9: memref<5000xi32, #tpu.memory_space<vmem>>, %arg10: memref<5000xi32, #tpu.memory_space<vmem>>, %arg11: memref<5000xi32, #tpu.memory_space<vmem>>, %arg12: memref<4x200x48xbf16, #tpu.memory_space<vmem>>, %arg13: memref<4x200x48xbf16, #tpu.memory_space<vmem>>, %arg14: memref<!tpu.dma_semaphore, #tpu.memory_space<semaphore_mem>>, %arg15: memref<!tpu.dma_semaphore, #tpu.memory_space<semaphore_mem>>) attributes {dimension_semantics = [#tpu.dimension_semantics<core_parallel>, #tpu.dimension_semantics<subcore_parallel>], iteration_bounds = array<i64: 2, 16>, scalar_prefetch = 0 : i64, scratch_operands = 8 : i64, tpu.core_type = #tpu.core_type<sc_vector_subcore>, window_params = [{transform_indices = #map}, {transform_indices = #map1}, {transform_indices = #map1}, {transform_indices = #map1}, {transform_indices = #map1}, {transform_indices = #map1}]} {
    %mul3A = arith.constant 2 : i32
    %mul3A_0 = arith.muli %arg1, %mul3A : i32
    %add3A = arith.addi %mul3A_0, %arg0 : i32
    %mul3A_1 = arith.constant 5000 : i32
    %mul3A_2 = arith.muli %add3A, %mul3A_1 : i32
    %add3A_3 = arith.constant 0 : i32
    %add3A_4 = arith.addi %add3A_3, %mul3A_2 : i32
    "tpu.region"() ({
      %run_scoped3A_102 = tpu.sem_alloc : memref<!tpu.dma_semaphore, #tpu.memory_space<semaphore_mem>>
      %dma_start3A_103 = tpu.memref_slice %arg2[%add3A_4] : memref<1280000xi32, #tpu.memory_space<hbm>> -> memref<5000xi32, #tpu.memory_space<hbm>>
      %dma_start3A_104 = tpu.memref_slice %arg2[%add3A_4] : memref<1280000xi32, #tpu.memory_space<hbm>> -> memref<5000xi32, #tpu.memory_space<hbm>>
      tpu.enqueue_dma source(%dma_start3A_104 : memref<5000xi32, #tpu.memory_space<hbm>>) target(%arg8 : memref<5000xi32, #tpu.memory_space<vmem>>) target_semaphore(%run_scoped3A_102 : memref<!tpu.dma_semaphore, #tpu.memory_space<semaphore_mem>>)
      %dma_wait3A_105 = tpu.memref_slice %arg2[%add3A_4] : memref<1280000xi32, #tpu.memory_space<hbm>> -> memref<5000xi32, #tpu.memory_space<hbm>>
      %dma_wait3A_106 = tpu.memref_slice %arg2[%add3A_4] : memref<1280000xi32, #tpu.memory_space<hbm>> -> memref<5000xi32, #tpu.memory_space<hbm>>
      tpu.wait_dma2 semaphore(%run_scoped3A_102 : memref<!tpu.dma_semaphore, #tpu.memory_space<semaphore_mem>>) src(%dma_wait3A_106 : memref<5000xi32, #tpu.memory_space<hbm>>) dst(%arg8 : memref<5000xi32, #tpu.memory_space<vmem>>)
      tpu.yield
    }) : () -> ()
    %add3A_5 = arith.constant 320000 : i32
    %add3A_6 = arith.addi %add3A_5, %mul3A_2 : i32
    "tpu.region"() ({
      %run_scoped3A_102 = tpu.sem_alloc : memref<!tpu.dma_semaphore, #tpu.memory_space<semaphore_mem>>
      %dma_start3A_103 = tpu.memref_slice %arg2[%add3A_6] : memref<1280000xi32, #tpu.memory_space<hbm>> -> memref<5000xi32, #tpu.memory_space<hbm>>
      %dma_start3A_104 = tpu.memref_slice %arg2[%add3A_6] : memref<1280000xi32, #tpu.memory_space<hbm>> -> memref<5000xi32, #tpu.memory_space<hbm>>
      tpu.enqueue_dma source(%dma_start3A_104 : memref<5000xi32, #tpu.memory_space<hbm>>) target(%arg9 : memref<5000xi32, #tpu.memory_space<vmem>>) target_semaphore(%run_scoped3A_102 : memref<!tpu.dma_semaphore, #tpu.memory_space<semaphore_mem>>)
      %dma_wait3A_105 = tpu.memref_slice %arg2[%add3A_6] : memref<1280000xi32, #tpu.memory_space<hbm>> -> memref<5000xi32, #tpu.memory_space<hbm>>
      %dma_wait3A_106 = tpu.memref_slice %arg2[%add3A_6] : memref<1280000xi32, #tpu.memory_space<hbm>> -> memref<5000xi32, #tpu.memory_space<hbm>>
      tpu.wait_dma2 semaphore(%run_scoped3A_102 : memref<!tpu.dma_semaphore, #tpu.memory_space<semaphore_mem>>) src(%dma_wait3A_106 : memref<5000xi32, #tpu.memory_space<hbm>>) dst(%arg9 : memref<5000xi32, #tpu.memory_space<vmem>>)
      tpu.yield
    }) : () -> ()
    %add3A_7 = arith.constant 640000 : i32
    %add3A_8 = arith.addi %add3A_7, %mul3A_2 : i32
    "tpu.region"() ({
      %run_scoped3A_102 = tpu.sem_alloc : memref<!tpu.dma_semaphore, #tpu.memory_space<semaphore_mem>>
      %dma_start3A_103 = tpu.memref_slice %arg2[%add3A_8] : memref<1280000xi32, #tpu.memory_space<hbm>> -> memref<5000xi32, #tpu.memory_space<hbm>>
      %dma_start3A_104 = tpu.memref_slice %arg2[%add3A_8] : memref<1280000xi32, #tpu.memory_space<hbm>> -> memref<5000xi32, #tpu.memory_space<hbm>>
      tpu.enqueue_dma source(%dma_start3A_104 : memref<5000xi32, #tpu.memory_space<hbm>>) target(%arg10 : memref<5000xi32, #tpu.memory_space<vmem>>) target_semaphore(%run_scoped3A_102 : memref<!tpu.dma_semaphore, #tpu.memory_space<semaphore_mem>>)
      %dma_wait3A_105 = tpu.memref_slice %arg2[%add3A_8] : memref<1280000xi32, #tpu.memory_space<hbm>> -> memref<5000xi32, #tpu.memory_space<hbm>>
      %dma_wait3A_106 = tpu.memref_slice %arg2[%add3A_8] : memref<1280000xi32, #tpu.memory_space<hbm>> -> memref<5000xi32, #tpu.memory_space<hbm>>
      tpu.wait_dma2 semaphore(%run_scoped3A_102 : memref<!tpu.dma_semaphore, #tpu.memory_space<semaphore_mem>>) src(%dma_wait3A_106 : memref<5000xi32, #tpu.memory_space<hbm>>) dst(%arg10 : memref<5000xi32, #tpu.memory_space<vmem>>)
      tpu.yield
    }) : () -> ()
    %add3A_9 = arith.constant 960000 : i32
    %add3A_10 = arith.addi %add3A_9, %mul3A_2 : i32
    "tpu.region"() ({
      %run_scoped3A_102 = tpu.sem_alloc : memref<!tpu.dma_semaphore, #tpu.memory_space<semaphore_mem>>
      %dma_start3A_103 = tpu.memref_slice %arg2[%add3A_10] : memref<1280000xi32, #tpu.memory_space<hbm>> -> memref<5000xi32, #tpu.memory_space<hbm>>
      %dma_start3A_104 = tpu.memref_slice %arg2[%add3A_10] : memref<1280000xi32, #tpu.memory_space<hbm>> -> memref<5000xi32, #tpu.memory_space<hbm>>
      tpu.enqueue_dma source(%dma_start3A_104 : memref<5000xi32, #tpu.memory_space<hbm>>) target(%arg11 : memref<5000xi32, #tpu.memory_space<vmem>>) target_semaphore(%run_scoped3A_102 : memref<!tpu.dma_semaphore, #tpu.memory_space<semaphore_mem>>)
      %dma_wait3A_105 = tpu.memref_slice %arg2[%add3A_10] : memref<1280000xi32, #tpu.memory_space<hbm>> -> memref<5000xi32, #tpu.memory_space<hbm>>
      %dma_wait3A_106 = tpu.memref_slice %arg2[%add3A_10] : memref<1280000xi32, #tpu.memory_space<hbm>> -> memref<5000xi32, #tpu.memory_space<hbm>>
      tpu.wait_dma2 semaphore(%run_scoped3A_102 : memref<!tpu.dma_semaphore, #tpu.memory_space<semaphore_mem>>) src(%dma_wait3A_106 : memref<5000xi32, #tpu.memory_space<hbm>>) dst(%arg11 : memref<5000xi32, #tpu.memory_space<vmem>>)
      tpu.yield
    }) : () -> ()
    %dma_start3A = arith.constant 0 : i32
    %dma_start3A_11 = arith.constant 0 : i32
    %dma_start3A_12 = arith.constant 0 : i32
    %dma_start3A_13 = tpu.memref_slice %arg12[%dma_start3A, %dma_start3A_11, %dma_start3A_12] : memref<4x200x48xbf16, #tpu.memory_space<vmem>> -> memref<1x200x48xbf16, #tpu.memory_space<vmem>>
    %dma_start3A_14 = tpu.memref_squeeze %dma_start3A_13 : memref<1x200x48xbf16, #tpu.memory_space<vmem>> -> memref<200x48xbf16, #tpu.memory_space<vmem>>
    %dma_start3A_15 = arith.constant 0 : i32
    %dma_start3A_16 = tpu.memref_slice %arg8[%dma_start3A_15] : memref<5000xi32, #tpu.memory_space<vmem>> -> memref<200xi32, #tpu.memory_space<vmem>>
    %dma_start3A_17 = arith.constant 0 : i32
    %dma_start3A_18 = arith.constant 0 : i32
    %dma_start3A_19 = tpu.memref_slice %arg3[%dma_start3A_17, %dma_start3A_18] : memref<100000x48xbf16, #tpu.memory_space<hbm>> -> memref<100000x48xbf16, #tpu.memory_space<hbm>>
    tpu.enqueue_indirect_dma source(%dma_start3A_19 : memref<100000x48xbf16, #tpu.memory_space<hbm>>) target(%dma_start3A_14 : memref<200x48xbf16, #tpu.memory_space<vmem>>) offsets(%dma_start3A_16 : memref<200xi32, #tpu.memory_space<vmem>>) semaphore(%arg14 : memref<!tpu.dma_semaphore, #tpu.memory_space<semaphore_mem>>)
    %dma_start3A_20 = arith.constant 1 : i32
    %dma_start3A_21 = arith.constant 0 : i32
    %dma_start3A_22 = arith.constant 0 : i32
    %dma_start3A_23 = tpu.memref_slice %arg12[%dma_start3A_20, %dma_start3A_21, %dma_start3A_22] : memref<4x200x48xbf16, #tpu.memory_space<vmem>> -> memref<1x200x48xbf16, #tpu.memory_space<vmem>>
    %dma_start3A_24 = tpu.memref_squeeze %dma_start3A_23 : memref<1x200x48xbf16, #tpu.memory_space<vmem>> -> memref<200x48xbf16, #tpu.memory_space<vmem>>
    %dma_start3A_25 = arith.constant 0 : i32
    %dma_start3A_26 = tpu.memref_slice %arg9[%dma_start3A_25] : memref<5000xi32, #tpu.memory_space<vmem>> -> memref<200xi32, #tpu.memory_space<vmem>>
    %dma_start3A_27 = arith.constant 0 : i32
    %dma_start3A_28 = arith.constant 0 : i32
    %dma_start3A_29 = tpu.memref_slice %arg4[%dma_start3A_27, %dma_start3A_28] : memref<100000x48xbf16, #tpu.memory_space<hbm>> -> memref<100000x48xbf16, #tpu.memory_space<hbm>>
    tpu.enqueue_indirect_dma source(%dma_start3A_29 : memref<100000x48xbf16, #tpu.memory_space<hbm>>) target(%dma_start3A_24 : memref<200x48xbf16, #tpu.memory_space<vmem>>) offsets(%dma_start3A_26 : memref<200xi32, #tpu.memory_space<vmem>>) semaphore(%arg14 : memref<!tpu.dma_semaphore, #tpu.memory_space<semaphore_mem>>)
    %dma_start3A_30 = arith.constant 2 : i32
    %dma_start3A_31 = arith.constant 0 : i32
    %dma_start3A_32 = arith.constant 0 : i32
    %dma_start3A_33 = tpu.memref_slice %arg12[%dma_start3A_30, %dma_start3A_31, %dma_start3A_32] : memref<4x200x48xbf16, #tpu.memory_space<vmem>> -> memref<1x200x48xbf16, #tpu.memory_space<vmem>>
    %dma_start3A_34 = tpu.memref_squeeze %dma_start3A_33 : memref<1x200x48xbf16, #tpu.memory_space<vmem>> -> memref<200x48xbf16, #tpu.memory_space<vmem>>
    %dma_start3A_35 = arith.constant 0 : i32
    %dma_start3A_36 = tpu.memref_slice %arg10[%dma_start3A_35] : memref<5000xi32, #tpu.memory_space<vmem>> -> memref<200xi32, #tpu.memory_space<vmem>>
    %dma_start3A_37 = arith.constant 0 : i32
    %dma_start3A_38 = arith.constant 0 : i32
    %dma_start3A_39 = tpu.memref_slice %arg5[%dma_start3A_37, %dma_start3A_38] : memref<100000x48xbf16, #tpu.memory_space<hbm>> -> memref<100000x48xbf16, #tpu.memory_space<hbm>>
    tpu.enqueue_indirect_dma source(%dma_start3A_39 : memref<100000x48xbf16, #tpu.memory_space<hbm>>) target(%dma_start3A_34 : memref<200x48xbf16, #tpu.memory_space<vmem>>) offsets(%dma_start3A_36 : memref<200xi32, #tpu.memory_space<vmem>>) semaphore(%arg14 : memref<!tpu.dma_semaphore, #tpu.memory_space<semaphore_mem>>)
    %dma_start3A_40 = arith.constant 3 : i32
    %dma_start3A_41 = arith.constant 0 : i32
    %dma_start3A_42 = arith.constant 0 : i32
    %dma_start3A_43 = tpu.memref_slice %arg12[%dma_start3A_40, %dma_start3A_41, %dma_start3A_42] : memref<4x200x48xbf16, #tpu.memory_space<vmem>> -> memref<1x200x48xbf16, #tpu.memory_space<vmem>>
    %dma_start3A_44 = tpu.memref_squeeze %dma_start3A_43 : memref<1x200x48xbf16, #tpu.memory_space<vmem>> -> memref<200x48xbf16, #tpu.memory_space<vmem>>
    %dma_start3A_45 = arith.constant 0 : i32
    %dma_start3A_46 = tpu.memref_slice %arg11[%dma_start3A_45] : memref<5000xi32, #tpu.memory_space<vmem>> -> memref<200xi32, #tpu.memory_space<vmem>>
    %dma_start3A_47 = arith.constant 0 : i32
    %dma_start3A_48 = arith.constant 0 : i32
    %dma_start3A_49 = tpu.memref_slice %arg6[%dma_start3A_47, %dma_start3A_48] : memref<100000x48xbf16, #tpu.memory_space<hbm>> -> memref<100000x48xbf16, #tpu.memory_space<hbm>>
    tpu.enqueue_indirect_dma source(%dma_start3A_49 : memref<100000x48xbf16, #tpu.memory_space<hbm>>) target(%dma_start3A_44 : memref<200x48xbf16, #tpu.memory_space<vmem>>) offsets(%dma_start3A_46 : memref<200xi32, #tpu.memory_space<vmem>>) semaphore(%arg14 : memref<!tpu.dma_semaphore, #tpu.memory_space<semaphore_mem>>)
    %scan3A = arith.constant 0 : i32
    %scan3A_50 = arith.constant 0 : i32
    %scan3A_51 = arith.constant 12 : i32
    %scan3A_52 = arith.addi %scan3A_50, %scan3A_51 : i32
    %scan3A_53 = arith.constant 1 : i32
    scf.for %scan3A_102 = %scan3A_50 to %scan3A_52 step %scan3A_53  : i32 {
      %mul3A_103 = arith.constant 2 : i32
      %mul3A_104 = arith.muli %scan3A_102, %mul3A_103 : i32
      %add3A_105 = arith.constant 1 : i32
      %add3A_106 = arith.addi %mul3A_104, %add3A_105 : i32
      %mul3A_107 = arith.constant 200 : i32
      %mul3A_108 = arith.muli %add3A_106, %mul3A_107 : i32
      %dma_start3A_109 = arith.constant 0 : i32
      %dma_start3A_110 = arith.constant 0 : i32
      %dma_start3A_111 = arith.constant 0 : i32
      %dma_start3A_112 = tpu.memref_slice %arg13[%dma_start3A_109, %dma_start3A_110, %dma_start3A_111] : memref<4x200x48xbf16, #tpu.memory_space<vmem>> -> memref<1x200x48xbf16, #tpu.memory_space<vmem>>
      %dma_start3A_113 = tpu.memref_squeeze %dma_start3A_112 : memref<1x200x48xbf16, #tpu.memory_space<vmem>> -> memref<200x48xbf16, #tpu.memory_space<vmem>>
      %dma_start3A_114 = tpu.memref_slice %arg8[%mul3A_108] : memref<5000xi32, #tpu.memory_space<vmem>> -> memref<200xi32, #tpu.memory_space<vmem>>
      %dma_start3A_115 = arith.constant 0 : i32
      %dma_start3A_116 = arith.constant 0 : i32
      %dma_start3A_117 = tpu.memref_slice %arg3[%dma_start3A_115, %dma_start3A_116] : memref<100000x48xbf16, #tpu.memory_space<hbm>> -> memref<100000x48xbf16, #tpu.memory_space<hbm>>
      tpu.enqueue_indirect_dma source(%dma_start3A_117 : memref<100000x48xbf16, #tpu.memory_space<hbm>>) target(%dma_start3A_113 : memref<200x48xbf16, #tpu.memory_space<vmem>>) offsets(%dma_start3A_114 : memref<200xi32, #tpu.memory_space<vmem>>) semaphore(%arg15 : memref<!tpu.dma_semaphore, #tpu.memory_space<semaphore_mem>>)
      %dma_start3A_118 = arith.constant 1 : i32
      %dma_start3A_119 = arith.constant 0 : i32
      %dma_start3A_120 = arith.constant 0 : i32
      %dma_start3A_121 = tpu.memref_slice %arg13[%dma_start3A_118, %dma_start3A_119, %dma_start3A_120] : memref<4x200x48xbf16, #tpu.memory_space<vmem>> -> memref<1x200x48xbf16, #tpu.memory_space<vmem>>
      %dma_start3A_122 = tpu.memref_squeeze %dma_start3A_121 : memref<1x200x48xbf16, #tpu.memory_space<vmem>> -> memref<200x48xbf16, #tpu.memory_space<vmem>>
      %dma_start3A_123 = tpu.memref_slice %arg9[%mul3A_108] : memref<5000xi32, #tpu.memory_space<vmem>> -> memref<200xi32, #tpu.memory_space<vmem>>
      %dma_start3A_124 = arith.constant 0 : i32
      %dma_start3A_125 = arith.constant 0 : i32
      %dma_start3A_126 = tpu.memref_slice %arg4[%dma_start3A_124, %dma_start3A_125] : memref<100000x48xbf16, #tpu.memory_space<hbm>> -> memref<100000x48xbf16, #tpu.memory_space<hbm>>
      tpu.enqueue_indirect_dma source(%dma_start3A_126 : memref<100000x48xbf16, #tpu.memory_space<hbm>>) target(%dma_start3A_122 : memref<200x48xbf16, #tpu.memory_space<vmem>>) offsets(%dma_start3A_123 : memref<200xi32, #tpu.memory_space<vmem>>) semaphore(%arg15 : memref<!tpu.dma_semaphore, #tpu.memory_space<semaphore_mem>>)
      %dma_start3A_127 = arith.constant 2 : i32
      %dma_start3A_128 = arith.constant 0 : i32
      %dma_start3A_129 = arith.constant 0 : i32
      %dma_start3A_130 = tpu.memref_slice %arg13[%dma_start3A_127, %dma_start3A_128, %dma_start3A_129] : memref<4x200x48xbf16, #tpu.memory_space<vmem>> -> memref<1x200x48xbf16, #tpu.memory_space<vmem>>
      %dma_start3A_131 = tpu.memref_squeeze %dma_start3A_130 : memref<1x200x48xbf16, #tpu.memory_space<vmem>> -> memref<200x48xbf16, #tpu.memory_space<vmem>>
      %dma_start3A_132 = tpu.memref_slice %arg10[%mul3A_108] : memref<5000xi32, #tpu.memory_space<vmem>> -> memref<200xi32, #tpu.memory_space<vmem>>
      %dma_start3A_133 = arith.constant 0 : i32
      %dma_start3A_134 = arith.constant 0 : i32
      %dma_start3A_135 = tpu.memref_slice %arg5[%dma_start3A_133, %dma_start3A_134] : memref<100000x48xbf16, #tpu.memory_space<hbm>> -> memref<100000x48xbf16, #tpu.memory_space<hbm>>
      tpu.enqueue_indirect_dma source(%dma_start3A_135 : memref<100000x48xbf16, #tpu.memory_space<hbm>>) target(%dma_start3A_131 : memref<200x48xbf16, #tpu.memory_space<vmem>>) offsets(%dma_start3A_132 : memref<200xi32, #tpu.memory_space<vmem>>) semaphore(%arg15 : memref<!tpu.dma_semaphore, #tpu.memory_space<semaphore_mem>>)
      %dma_start3A_136 = arith.constant 3 : i32
      %dma_start3A_137 = arith.constant 0 : i32
      %dma_start3A_138 = arith.constant 0 : i32
      %dma_start3A_139 = tpu.memref_slice %arg13[%dma_start3A_136, %dma_start3A_137, %dma_start3A_138] : memref<4x200x48xbf16, #tpu.memory_space<vmem>> -> memref<1x200x48xbf16, #tpu.memory_space<vmem>>
      %dma_start3A_140 = tpu.memref_squeeze %dma_start3A_139 : memref<1x200x48xbf16, #tpu.memory_space<vmem>> -> memref<200x48xbf16, #tpu.memory_space<vmem>>
      %dma_start3A_141 = tpu.memref_slice %arg11[%mul3A_108] : memref<5000xi32, #tpu.memory_space<vmem>> -> memref<200xi32, #tpu.memory_space<vmem>>
      %dma_start3A_142 = arith.constant 0 : i32
      %dma_start3A_143 = arith.constant 0 : i32
      %dma_start3A_144 = tpu.memref_slice %arg6[%dma_start3A_142, %dma_start3A_143] : memref<100000x48xbf16, #tpu.memory_space<hbm>> -> memref<100000x48xbf16, #tpu.memory_space<hbm>>
      tpu.enqueue_indirect_dma source(%dma_start3A_144 : memref<100000x48xbf16, #tpu.memory_space<hbm>>) target(%dma_start3A_140 : memref<200x48xbf16, #tpu.memory_space<vmem>>) offsets(%dma_start3A_141 : memref<200xi32, #tpu.memory_space<vmem>>) semaphore(%arg15 : memref<!tpu.dma_semaphore, #tpu.memory_space<semaphore_mem>>)
      %dma_wait3A_145 = arith.constant 0 : i32
      %dma_wait3A_146 = arith.constant 0 : i32
      %dma_wait3A_147 = arith.constant 0 : i32
      %dma_wait3A_148 = tpu.memref_slice %arg12[%dma_wait3A_145, %dma_wait3A_146, %dma_wait3A_147] : memref<4x200x48xbf16, #tpu.memory_space<vmem>> -> memref<1x200x48xbf16, #tpu.memory_space<vmem>>
      %dma_wait3A_149 = tpu.memref_squeeze %dma_wait3A_148 : memref<1x200x48xbf16, #tpu.memory_space<vmem>> -> memref<200x48xbf16, #tpu.memory_space<vmem>>
      %dma_wait3A_150 = arith.constant 0 : i32
      %dma_wait3A_151 = tpu.memref_slice %arg8[%dma_wait3A_150] : memref<5000xi32, #tpu.memory_space<vmem>> -> memref<200xi32, #tpu.memory_space<vmem>>
      %dma_wait3A_152 = arith.constant 0 : i32
      %dma_wait3A_153 = arith.constant 0 : i32
      %dma_wait3A_154 = tpu.memref_slice %arg3[%dma_wait3A_152, %dma_wait3A_153] : memref<100000x48xbf16, #tpu.memory_space<hbm>> -> memref<100000x48xbf16, #tpu.memory_space<hbm>>
      tpu.wait_indirect_dma semaphore(%arg14 : memref<!tpu.dma_semaphore, #tpu.memory_space<semaphore_mem>>) src(%dma_wait3A_154 : memref<100000x48xbf16, #tpu.memory_space<hbm>>) dst(%dma_wait3A_149 : memref<200x48xbf16, #tpu.memory_space<vmem>>)
      %dma_wait3A_155 = arith.constant 1 : i32
      %dma_wait3A_156 = arith.constant 0 : i32
      %dma_wait3A_157 = arith.constant 0 : i32
      %dma_wait3A_158 = tpu.memref_slice %arg12[%dma_wait3A_155, %dma_wait3A_156, %dma_wait3A_157] : memref<4x200x48xbf16, #tpu.memory_space<vmem>> -> memref<1x200x48xbf16, #tpu.memory_space<vmem>>
      %dma_wait3A_159 = tpu.memref_squeeze %dma_wait3A_158 : memref<1x200x48xbf16, #tpu.memory_space<vmem>> -> memref<200x48xbf16, #tpu.memory_space<vmem>>
      %dma_wait3A_160 = arith.constant 0 : i32
      %dma_wait3A_161 = tpu.memref_slice %arg9[%dma_wait3A_160] : memref<5000xi32, #tpu.memory_space<vmem>> -> memref<200xi32, #tpu.memory_space<vmem>>
      %dma_wait3A_162 = arith.constant 0 : i32
      %dma_wait3A_163 = arith.constant 0 : i32
      %dma_wait3A_164 = tpu.memref_slice %arg4[%dma_wait3A_162, %dma_wait3A_163] : memref<100000x48xbf16, #tpu.memory_space<hbm>> -> memref<100000x48xbf16, #tpu.memory_space<hbm>>
      tpu.wait_indirect_dma semaphore(%arg14 : memref<!tpu.dma_semaphore, #tpu.memory_space<semaphore_mem>>) src(%dma_wait3A_164 : memref<100000x48xbf16, #tpu.memory_space<hbm>>) dst(%dma_wait3A_159 : memref<200x48xbf16, #tpu.memory_space<vmem>>)
      %dma_wait3A_165 = arith.constant 2 : i32
      %dma_wait3A_166 = arith.constant 0 : i32
      %dma_wait3A_167 = arith.constant 0 : i32
      %dma_wait3A_168 = tpu.memref_slice %arg12[%dma_wait3A_165, %dma_wait3A_166, %dma_wait3A_167] : memref<4x200x48xbf16, #tpu.memory_space<vmem>> -> memref<1x200x48xbf16, #tpu.memory_space<vmem>>
      %dma_wait3A_169 = tpu.memref_squeeze %dma_wait3A_168 : memref<1x200x48xbf16, #tpu.memory_space<vmem>> -> memref<200x48xbf16, #tpu.memory_space<vmem>>
      %dma_wait3A_170 = arith.constant 0 : i32
      %dma_wait3A_171 = tpu.memref_slice %arg10[%dma_wait3A_170] : memref<5000xi32, #tpu.memory_space<vmem>> -> memref<200xi32, #tpu.memory_space<vmem>>
      %dma_wait3A_172 = arith.constant 0 : i32
      %dma_wait3A_173 = arith.constant 0 : i32
      %dma_wait3A_174 = tpu.memref_slice %arg5[%dma_wait3A_172, %dma_wait3A_173] : memref<100000x48xbf16, #tpu.memory_space<hbm>> -> memref<100000x48xbf16, #tpu.memory_space<hbm>>
      tpu.wait_indirect_dma semaphore(%arg14 : memref<!tpu.dma_semaphore, #tpu.memory_space<semaphore_mem>>) src(%dma_wait3A_174 : memref<100000x48xbf16, #tpu.memory_space<hbm>>) dst(%dma_wait3A_169 : memref<200x48xbf16, #tpu.memory_space<vmem>>)
      %dma_wait3A_175 = arith.constant 3 : i32
      %dma_wait3A_176 = arith.constant 0 : i32
      %dma_wait3A_177 = arith.constant 0 : i32
      %dma_wait3A_178 = tpu.memref_slice %arg12[%dma_wait3A_175, %dma_wait3A_176, %dma_wait3A_177] : memref<4x200x48xbf16, #tpu.memory_space<vmem>> -> memref<1x200x48xbf16, #tpu.memory_space<vmem>>
      %dma_wait3A_179 = tpu.memref_squeeze %dma_wait3A_178 : memref<1x200x48xbf16, #tpu.memory_space<vmem>> -> memref<200x48xbf16, #tpu.memory_space<vmem>>
      %dma_wait3A_180 = arith.constant 0 : i32
      %dma_wait3A_181 = tpu.memref_slice %arg11[%dma_wait3A_180] : memref<5000xi32, #tpu.memory_space<vmem>> -> memref<200xi32, #tpu.memory_space<vmem>>
      %dma_wait3A_182 = arith.constant 0 : i32
      %dma_wait3A_183 = arith.constant 0 : i32
      %dma_wait3A_184 = tpu.memref_slice %arg6[%dma_wait3A_182, %dma_wait3A_183] : memref<100000x48xbf16, #tpu.memory_space<hbm>> -> memref<100000x48xbf16, #tpu.memory_space<hbm>>
      tpu.wait_indirect_dma semaphore(%arg14 : memref<!tpu.dma_semaphore, #tpu.memory_space<semaphore_mem>>) src(%dma_wait3A_184 : memref<100000x48xbf16, #tpu.memory_space<hbm>>) dst(%dma_wait3A_179 : memref<200x48xbf16, #tpu.memory_space<vmem>>)
      %scan3A_185 = arith.constant 0 : i32
      %scan3A_186 = arith.constant 0 : i32
      %scan3A_187 = arith.constant 100 : i32
      %scan3A_188 = arith.addi %scan3A_186, %scan3A_187 : i32
      %scan3A_189 = arith.constant 2 : i32
      scf.for %scan3A_287 = %scan3A_186 to %scan3A_188 step %scan3A_189  : i32 {
        %mul3A_288 = arith.constant 2 : i32
        %mul3A_289 = arith.muli %scan3A_287, %mul3A_288 : i32
        %get3A = arith.constant 0 : i32
        %get3A_290 = arith.index_cast %get3A : i32 to index
        %get3A_291 = arith.index_cast %mul3A_289 : i32 to index
        %get3A_292 = arith.constant 0 : index
        %get3A_293 = tpu.vector_load %arg12[%get3A_290, %get3A_291, %get3A_292] {strides = array<i32>} : memref<4x200x48xbf16, #tpu.memory_space<vmem>>, vector<1x2x16xbf16>,
        %get3A_294 = vector.shape_cast %get3A_293 : vector<1x2x16xbf16> to vector<2x16xbf16>
        %get3A_295 = arith.constant 1 : i32
        %get3A_296 = arith.index_cast %get3A_295 : i32 to index
        %get3A_297 = arith.index_cast %mul3A_289 : i32 to index
        %get3A_298 = arith.constant 0 : index
        %get3A_299 = tpu.vector_load %arg12[%get3A_296, %get3A_297, %get3A_298] {strides = array<i32>} : memref<4x200x48xbf16, #tpu.memory_space<vmem>>, vector<1x2x16xbf16>,
        %get3A_300 = vector.shape_cast %get3A_299 : vector<1x2x16xbf16> to vector<2x16xbf16>
        %add3A_301 = arith.addf %get3A_294, %get3A_300 : vector<2x16xbf16>
        %get3A_302 = arith.constant 2 : i32
        %get3A_303 = arith.index_cast %get3A_302 : i32 to index
        %get3A_304 = arith.index_cast %mul3A_289 : i32 to index
        %get3A_305 = arith.constant 0 : index
        %get3A_306 = tpu.vector_load %arg12[%get3A_303, %get3A_304, %get3A_305] {strides = array<i32>} : memref<4x200x48xbf16, #tpu.memory_space<vmem>>, vector<1x2x16xbf16>,
        %get3A_307 = vector.shape_cast %get3A_306 : vector<1x2x16xbf16> to vector<2x16xbf16>
        %add3A_308 = arith.addf %add3A_301, %get3A_307 : vector<2x16xbf16>
        %get3A_309 = arith.constant 3 : i32
        %get3A_310 = arith.index_cast %get3A_309 : i32 to index
        %get3A_311 = arith.index_cast %mul3A_289 : i32 to index
        %get3A_312 = arith.constant 0 : index
        %get3A_313 = tpu.vector_load %arg12[%get3A_310, %get3A_311, %get3A_312] {strides = array<i32>} : memref<4x200x48xbf16, #tpu.memory_space<vmem>>, vector<1x2x16xbf16>,
        %get3A_314 = vector.shape_cast %get3A_313 : vector<1x2x16xbf16> to vector<2x16xbf16>
        %add3A_315 = arith.addf %add3A_308, %get3A_314 : vector<2x16xbf16>
        %swap3A = arith.constant 0 : i32
        %swap3A_316 = arith.index_cast %swap3A : i32 to index
        %swap3A_317 = arith.index_cast %mul3A_289 : i32 to index
        %swap3A_318 = arith.constant 0 : index
        %swap3A_319 = tpu.vector_load %arg12[%swap3A_316, %swap3A_317, %swap3A_318] {strides = array<i32>} : memref<4x200x48xbf16, #tpu.memory_space<vmem>>, vector<1x2x16xbf16>,
        %swap3A_320 = vector.shape_cast %swap3A_319 : vector<1x2x16xbf16> to vector<2x16xbf16>
        %swap3A_321 = vector.shape_cast %add3A_315 : vector<2x16xbf16> to vector<1x2x16xbf16>
        tpu.vector_store %arg12[%swap3A_316, %swap3A_317, %swap3A_318], %swap3A_321 {strides = array<i32>} : memref<4x200x48xbf16, #tpu.memory_space<vmem>>, vector<1x2x16xbf16>,
        %get3A_322 = arith.constant 0 : i32
        %get3A_323 = arith.index_cast %get3A_322 : i32 to index
        %get3A_324 = arith.index_cast %mul3A_289 : i32 to index
        %get3A_325 = arith.constant 16 : index
        %get3A_326 = tpu.vector_load %arg12[%get3A_323, %get3A_324, %get3A_325] {strides = array<i32>} : memref<4x200x48xbf16, #tpu.memory_space<vmem>>, vector<1x2x16xbf16>,
        %get3A_327 = vector.shape_cast %get3A_326 : vector<1x2x16xbf16> to vector<2x16xbf16>
        %get3A_328 = arith.constant 1 : i32
        %get3A_329 = arith.index_cast %get3A_328 : i32 to index
        %get3A_330 = arith.index_cast %mul3A_289 : i32 to index
        %get3A_331 = arith.constant 16 : index
        %get3A_332 = tpu.vector_load %arg12[%get3A_329, %get3A_330, %get3A_331] {strides = array<i32>} : memref<4x200x48xbf16, #tpu.memory_space<vmem>>, vector<1x2x16xbf16>,
        %get3A_333 = vector.shape_cast %get3A_332 : vector<1x2x16xbf16> to vector<2x16xbf16>
        %add3A_334 = arith.addf %get3A_327, %get3A_333 : vector<2x16xbf16>
        %get3A_335 = arith.constant 2 : i32
        %get3A_336 = arith.index_cast %get3A_335 : i32 to index
        %get3A_337 = arith.index_cast %mul3A_289 : i32 to index
        %get3A_338 = arith.constant 16 : index
        %get3A_339 = tpu.vector_load %arg12[%get3A_336, %get3A_337, %get3A_338] {strides = array<i32>} : memref<4x200x48xbf16, #tpu.memory_space<vmem>>, vector<1x2x16xbf16>,
        %get3A_340 = vector.shape_cast %get3A_339 : vector<1x2x16xbf16> to vector<2x16xbf16>
        %add3A_341 = arith.addf %add3A_334, %get3A_340 : vector<2x16xbf16>
        %get3A_342 = arith.constant 3 : i32
        %get3A_343 = arith.index_cast %get3A_342 : i32 to index
        %get3A_344 = arith.index_cast %mul3A_289 : i32 to index
        %get3A_345 = arith.constant 16 : index
        %get3A_346 = tpu.vector_load %arg12[%get3A_343, %get3A_344, %get3A_345] {strides = array<i32>} : memref<4x200x48xbf16, #tpu.memory_space<vmem>>, vector<1x2x16xbf16>,
        %get3A_347 = vector.shape_cast %get3A_346 : vector<1x2x16xbf16> to vector<2x16xbf16>
        %add3A_348 = arith.addf %add3A_341, %get3A_347 : vector<2x16xbf16>
        %swap3A_349 = arith.constant 0 : i32
        %swap3A_350 = arith.index_cast %swap3A_349 : i32 to index
        %swap3A_351 = arith.index_cast %mul3A_289 : i32 to index
        %swap3A_352 = arith.constant 16 : index
        %swap3A_353 = tpu.vector_load %arg12[%swap3A_350, %swap3A_351, %swap3A_352] {strides = array<i32>} : memref<4x200x48xbf16, #tpu.memory_space<vmem>>, vector<1x2x16xbf16>,
        %swap3A_354 = vector.shape_cast %swap3A_353 : vector<1x2x16xbf16> to vector<2x16xbf16>
        %swap3A_355 = vector.shape_cast %add3A_348 : vector<2x16xbf16> to vector<1x2x16xbf16>
        tpu.vector_store %arg12[%swap3A_350, %swap3A_351, %swap3A_352], %swap3A_355 {strides = array<i32>} : memref<4x200x48xbf16, #tpu.memory_space<vmem>>, vector<1x2x16xbf16>,
        %get3A_356 = arith.constant 0 : i32
        %get3A_357 = arith.index_cast %get3A_356 : i32 to index
        %get3A_358 = arith.index_cast %mul3A_289 : i32 to index
        %get3A_359 = arith.constant 32 : index
        %get3A_360 = tpu.vector_load %arg12[%get3A_357, %get3A_358, %get3A_359] {strides = array<i32>} : memref<4x200x48xbf16, #tpu.memory_space<vmem>>, vector<1x2x16xbf16>,
        %get3A_361 = vector.shape_cast %get3A_360 : vector<1x2x16xbf16> to vector<2x16xbf16>
        %get3A_362 = arith.constant 1 : i32
        %get3A_363 = arith.index_cast %get3A_362 : i32 to index
        %get3A_364 = arith.index_cast %mul3A_289 : i32 to index
        %get3A_365 = arith.constant 32 : index
        %get3A_366 = tpu.vector_load %arg12[%get3A_363, %get3A_364, %get3A_365] {strides = array<i32>} : memref<4x200x48xbf16, #tpu.memory_space<vmem>>, vector<1x2x16xbf16>,
        %get3A_367 = vector.shape_cast %get3A_366 : vector<1x2x16xbf16> to vector<2x16xbf16>
        %add3A_368 = arith.addf %get3A_361, %get3A_367 : vector<2x16xbf16>
        %get3A_369 = arith.constant 2 : i32
        %get3A_370 = arith.index_cast %get3A_369 : i32 to index
        %get3A_371 = arith.index_cast %mul3A_289 : i32 to index
        %get3A_372 = arith.constant 32 : index
        %get3A_373 = tpu.vector_load %arg12[%get3A_370, %get3A_371, %get3A_372] {strides = array<i32>} : memref<4x200x48xbf16, #tpu.memory_space<vmem>>, vector<1x2x16xbf16>,
        %get3A_374 = vector.shape_cast %get3A_373 : vector<1x2x16xbf16> to vector<2x16xbf16>
        %add3A_375 = arith.addf %add3A_368, %get3A_374 : vector<2x16xbf16>
        %get3A_376 = arith.constant 3 : i32
        %get3A_377 = arith.index_cast %get3A_376 : i32 to index
        %get3A_378 = arith.index_cast %mul3A_289 : i32 to index
        %get3A_379 = arith.constant 32 : index
        %get3A_380 = tpu.vector_load %arg12[%get3A_377, %get3A_378, %get3A_379] {strides = array<i32>} : memref<4x200x48xbf16, #tpu.memory_space<vmem>>, vector<1x2x16xbf16>,
        %get3A_381 = vector.shape_cast %get3A_380 : vector<1x2x16xbf16> to vector<2x16xbf16>
        %add3A_382 = arith.addf %add3A_375, %get3A_381 : vector<2x16xbf16>
        %swap3A_383 = arith.constant 0 : i32
        %swap3A_384 = arith.index_cast %swap3A_383 : i32 to index
        %swap3A_385 = arith.index_cast %mul3A_289 : i32 to index
        %swap3A_386 = arith.constant 32 : index
        %swap3A_387 = tpu.vector_load %arg12[%swap3A_384, %swap3A_385, %swap3A_386] {strides = array<i32>} : memref<4x200x48xbf16, #tpu.memory_space<vmem>>, vector<1x2x16xbf16>,
        %swap3A_388 = vector.shape_cast %swap3A_387 : vector<1x2x16xbf16> to vector<2x16xbf16>
        %swap3A_389 = vector.shape_cast %add3A_382 : vector<2x16xbf16> to vector<1x2x16xbf16>
        tpu.vector_store %arg12[%swap3A_384, %swap3A_385, %swap3A_386], %swap3A_389 {strides = array<i32>} : memref<4x200x48xbf16, #tpu.memory_space<vmem>>, vector<1x2x16xbf16>,
        %scan3A_390 = arith.constant 1 : i32
        %scan3A_391 = arith.addi %scan3A_287, %scan3A_390 : i32
        %mul3A_392 = arith.constant 2 : i32
        %mul3A_393 = arith.muli %scan3A_391, %mul3A_392 : i32
        %get3A_394 = arith.constant 0 : i32
        %get3A_395 = arith.index_cast %get3A_394 : i32 to index
        %get3A_396 = arith.index_cast %mul3A_393 : i32 to index
        %get3A_397 = arith.constant 0 : index
        %get3A_398 = tpu.vector_load %arg12[%get3A_395, %get3A_396, %get3A_397] {strides = array<i32>} : memref<4x200x48xbf16, #tpu.memory_space<vmem>>, vector<1x2x16xbf16>,
        %get3A_399 = vector.shape_cast %get3A_398 : vector<1x2x16xbf16> to vector<2x16xbf16>
        %get3A_400 = arith.constant 1 : i32
        %get3A_401 = arith.index_cast %get3A_400 : i32 to index
        %get3A_402 = arith.index_cast %mul3A_393 : i32 to index
        %get3A_403 = arith.constant 0 : index
        %get3A_404 = tpu.vector_load %arg12[%get3A_401, %get3A_402, %get3A_403] {strides = array<i32>} : memref<4x200x48xbf16, #tpu.memory_space<vmem>>, vector<1x2x16xbf16>,
        %get3A_405 = vector.shape_cast %get3A_404 : vector<1x2x16xbf16> to vector<2x16xbf16>
        %add3A_406 = arith.addf %get3A_399, %get3A_405 : vector<2x16xbf16>
        %get3A_407 = arith.constant 2 : i32
        %get3A_408 = arith.index_cast %get3A_407 : i32 to index
        %get3A_409 = arith.index_cast %mul3A_393 : i32 to index
        %get3A_410 = arith.constant 0 : index
        %get3A_411 = tpu.vector_load %arg12[%get3A_408, %get3A_409, %get3A_410] {strides = array<i32>} : memref<4x200x48xbf16, #tpu.memory_space<vmem>>, vector<1x2x16xbf16>,
        %get3A_412 = vector.shape_cast %get3A_411 : vector<1x2x16xbf16> to vector<2x16xbf16>
        %add3A_413 = arith.addf %add3A_406, %get3A_412 : vector<2x16xbf16>
        %get3A_414 = arith.constant 3 : i32
        %get3A_415 = arith.index_cast %get3A_414 : i32 to index
        %get3A_416 = arith.index_cast %mul3A_393 : i32 to index
        %get3A_417 = arith.constant 0 : index
        %get3A_418 = tpu.vector_load %arg12[%get3A_415, %get3A_416, %get3A_417] {strides = array<i32>} : memref<4x200x48xbf16, #tpu.memory_space<vmem>>, vector<1x2x16xbf16>,
        %get3A_419 = vector.shape_cast %get3A_418 : vector<1x2x16xbf16> to vector<2x16xbf16>
        %add3A_420 = arith.addf %add3A_413, %get3A_419 : vector<2x16xbf16>
        %swap3A_421 = arith.constant 0 : i32
        %swap3A_422 = arith.index_cast %swap3A_421 : i32 to index
        %swap3A_423 = arith.index_cast %mul3A_393 : i32 to index
        %swap3A_424 = arith.constant 0 : index
        %swap3A_425 = tpu.vector_load %arg12[%swap3A_422, %swap3A_423, %swap3A_424] {strides = array<i32>} : memref<4x200x48xbf16, #tpu.memory_space<vmem>>, vector<1x2x16xbf16>,
        %swap3A_426 = vector.shape_cast %swap3A_425 : vector<1x2x16xbf16> to vector<2x16xbf16>
        %swap3A_427 = vector.shape_cast %add3A_420 : vector<2x16xbf16> to vector<1x2x16xbf16>
        tpu.vector_store %arg12[%swap3A_422, %swap3A_423, %swap3A_424], %swap3A_427 {strides = array<i32>} : memref<4x200x48xbf16, #tpu.memory_space<vmem>>, vector<1x2x16xbf16>,
        %get3A_428 = arith.constant 0 : i32
        %get3A_429 = arith.index_cast %get3A_428 : i32 to index
        %get3A_430 = arith.index_cast %mul3A_393 : i32 to index
        %get3A_431 = arith.constant 16 : index
        %get3A_432 = tpu.vector_load %arg12[%get3A_429, %get3A_430, %get3A_431] {strides = array<i32>} : memref<4x200x48xbf16, #tpu.memory_space<vmem>>, vector<1x2x16xbf16>,
        %get3A_433 = vector.shape_cast %get3A_432 : vector<1x2x16xbf16> to vector<2x16xbf16>
        %get3A_434 = arith.constant 1 : i32
        %get3A_435 = arith.index_cast %get3A_434 : i32 to index
        %get3A_436 = arith.index_cast %mul3A_393 : i32 to index
        %get3A_437 = arith.constant 16 : index
        %get3A_438 = tpu.vector_load %arg12[%get3A_435, %get3A_436, %get3A_437] {strides = array<i32>} : memref<4x200x48xbf16, #tpu.memory_space<vmem>>, vector<1x2x16xbf16>,
        %get3A_439 = vector.shape_cast %get3A_438 : vector<1x2x16xbf16> to vector<2x16xbf16>
        %add3A_440 = arith.addf %get3A_433, %get3A_439 : vector<2x16xbf16>
        %get3A_441 = arith.constant 2 : i32
        %get3A_442 = arith.index_cast %get3A_441 : i32 to index
        %get3A_443 = arith.index_cast %mul3A_393 : i32 to index
        %get3A_444 = arith.constant 16 : index
        %get3A_445 = tpu.vector_load %arg12[%get3A_442, %get3A_443, %get3A_444] {strides = array<i32>} : memref<4x200x48xbf16, #tpu.memory_space<vmem>>, vector<1x2x16xbf16>,
        %get3A_446 = vector.shape_cast %get3A_445 : vector<1x2x16xbf16> to vector<2x16xbf16>
        %add3A_447 = arith.addf %add3A_440, %get3A_446 : vector<2x16xbf16>
        %get3A_448 = arith.constant 3 : i32
        %get3A_449 = arith.index_cast %get3A_448 : i32 to index
        %get3A_450 = arith.index_cast %mul3A_393 : i32 to index
        %get3A_451 = arith.constant 16 : index
        %get3A_452 = tpu.vector_load %arg12[%get3A_449, %get3A_450, %get3A_451] {strides = array<i32>} : memref<4x200x48xbf16, #tpu.memory_space<vmem>>, vector<1x2x16xbf16>,
        %get3A_453 = vector.shape_cast %get3A_452 : vector<1x2x16xbf16> to vector<2x16xbf16>
        %add3A_454 = arith.addf %add3A_447, %get3A_453 : vector<2x16xbf16>
        %swap3A_455 = arith.constant 0 : i32
        %swap3A_456 = arith.index_cast %swap3A_455 : i32 to index
        %swap3A_457 = arith.index_cast %mul3A_393 : i32 to index
        %swap3A_458 = arith.constant 16 : index
        %swap3A_459 = tpu.vector_load %arg12[%swap3A_456, %swap3A_457, %swap3A_458] {strides = array<i32>} : memref<4x200x48xbf16, #tpu.memory_space<vmem>>, vector<1x2x16xbf16>,
        %swap3A_460 = vector.shape_cast %swap3A_459 : vector<1x2x16xbf16> to vector<2x16xbf16>
        %swap3A_461 = vector.shape_cast %add3A_454 : vector<2x16xbf16> to vector<1x2x16xbf16>
        tpu.vector_store %arg12[%swap3A_456, %swap3A_457, %swap3A_458], %swap3A_461 {strides = array<i32>} : memref<4x200x48xbf16, #tpu.memory_space<vmem>>, vector<1x2x16xbf16>,
        %get3A_462 = arith.constant 0 : i32
        %get3A_463 = arith.index_cast %get3A_462 : i32 to index
        %get3A_464 = arith.index_cast %mul3A_393 : i32 to index
        %get3A_465 = arith.constant 32 : index
        %get3A_466 = tpu.vector_load %arg12[%get3A_463, %get3A_464, %get3A_465] {strides = array<i32>} : memref<4x200x48xbf16, #tpu.memory_space<vmem>>, vector<1x2x16xbf16>,
        %get3A_467 = vector.shape_cast %get3A_466 : vector<1x2x16xbf16> to vector<2x16xbf16>
        %get3A_468 = arith.constant 1 : i32
        %get3A_469 = arith.index_cast %get3A_468 : i32 to index
        %get3A_470 = arith.index_cast %mul3A_393 : i32 to index
        %get3A_471 = arith.constant 32 : index
        %get3A_472 = tpu.vector_load %arg12[%get3A_469, %get3A_470, %get3A_471] {strides = array<i32>} : memref<4x200x48xbf16, #tpu.memory_space<vmem>>, vector<1x2x16xbf16>,
        %get3A_473 = vector.shape_cast %get3A_472 : vector<1x2x16xbf16> to vector<2x16xbf16>
        %add3A_474 = arith.addf %get3A_467, %get3A_473 : vector<2x16xbf16>
        %get3A_475 = arith.constant 2 : i32
        %get3A_476 = arith.index_cast %get3A_475 : i32 to index
        %get3A_477 = arith.index_cast %mul3A_393 : i32 to index
        %get3A_478 = arith.constant 32 : index
        %get3A_479 = tpu.vector_load %arg12[%get3A_476, %get3A_477, %get3A_478] {strides = array<i32>} : memref<4x200x48xbf16, #tpu.memory_space<vmem>>, vector<1x2x16xbf16>,
        %get3A_480 = vector.shape_cast %get3A_479 : vector<1x2x16xbf16> to vector<2x16xbf16>
        %add3A_481 = arith.addf %add3A_474, %get3A_480 : vector<2x16xbf16>
        %get3A_482 = arith.constant 3 : i32
        %get3A_483 = arith.index_cast %get3A_482 : i32 to index
        %get3A_484 = arith.index_cast %mul3A_393 : i32 to index
        %get3A_485 = arith.constant 32 : index
        %get3A_486 = tpu.vector_load %arg12[%get3A_483, %get3A_484, %get3A_485] {strides = array<i32>} : memref<4x200x48xbf16, #tpu.memory_space<vmem>>, vector<1x2x16xbf16>,
        %get3A_487 = vector.shape_cast %get3A_486 : vector<1x2x16xbf16> to vector<2x16xbf16>
        %add3A_488 = arith.addf %add3A_481, %get3A_487 : vector<2x16xbf16>
        %swap3A_489 = arith.constant 0 : i32
        %swap3A_490 = arith.index_cast %swap3A_489 : i32 to index
        %swap3A_491 = arith.index_cast %mul3A_393 : i32 to index
        %swap3A_492 = arith.constant 32 : index
        %swap3A_493 = tpu.vector_load %arg12[%swap3A_490, %swap3A_491, %swap3A_492] {strides = array<i32>} : memref<4x200x48xbf16, #tpu.memory_space<vmem>>, vector<1x2x16xbf16>,
        %swap3A_494 = vector.shape_cast %swap3A_493 : vector<1x2x16xbf16> to vector<2x16xbf16>
        %swap3A_495 = vector.shape_cast %add3A_488 : vector<2x16xbf16> to vector<1x2x16xbf16>
        tpu.vector_store %arg12[%swap3A_490, %swap3A_491, %swap3A_492], %swap3A_495 {strides = array<i32>} : memref<4x200x48xbf16, #tpu.memory_space<vmem>>, vector<1x2x16xbf16>,
      }
      %scan3A_190 = arith.constant 100 : i32
      %mul3A_191 = arith.constant 200 : i32
      %mul3A_192 = arith.muli %mul3A_104, %mul3A_191 : i32
      %add3A_193 = arith.addi %mul3A_2, %mul3A_192 : i32
      %run_scoped3A_194 = arith.constant 0 : i32
      "tpu.region"() ({
        %run_scoped3A_287 = tpu.sem_alloc : memref<!tpu.dma_semaphore, #tpu.memory_space<semaphore_mem>>
        %dma_start3A_288 = arith.constant 0 : i32
        %dma_start3A_289 = arith.constant 0 : i32
        %dma_start3A_290 = tpu.memref_slice %arg12[%run_scoped3A_194, %dma_start3A_288, %dma_start3A_289] : memref<4x200x48xbf16, #tpu.memory_space<vmem>> -> memref<1x200x48xbf16, #tpu.memory_space<vmem>>
        %dma_start3A_291 = tpu.memref_squeeze %dma_start3A_290 : memref<1x200x48xbf16, #tpu.memory_space<vmem>> -> memref<200x48xbf16, #tpu.memory_space<vmem>>
        %dma_start3A_292 = arith.constant 0 : i32
        %dma_start3A_293 = tpu.memref_slice %arg7[%add3A_193, %dma_start3A_292] : memref<160000x128xbf16, #tpu.memory_space<hbm>> -> memref<200x48xbf16, #tpu.memory_space<hbm>>
        %dma_start3A_294 = arith.constant 0 : i32
        %dma_start3A_295 = tpu.memref_slice %arg7[%add3A_193, %dma_start3A_294] : memref<160000x128xbf16, #tpu.memory_space<hbm>> -> memref<200x48xbf16, #tpu.memory_space<hbm>>
        %dma_start3A_296 = arith.constant 0 : i32
        %dma_start3A_297 = arith.constant 0 : i32
        %dma_start3A_298 = tpu.memref_slice %arg12[%run_scoped3A_194, %dma_start3A_296, %dma_start3A_297] : memref<4x200x48xbf16, #tpu.memory_space<vmem>> -> memref<1x200x48xbf16, #tpu.memory_space<vmem>>
        %dma_start3A_299 = tpu.memref_squeeze %dma_start3A_298 : memref<1x200x48xbf16, #tpu.memory_space<vmem>> -> memref<200x48xbf16, #tpu.memory_space<vmem>>
        tpu.enqueue_dma source(%dma_start3A_299 : memref<200x48xbf16, #tpu.memory_space<vmem>>) target(%dma_start3A_295 : memref<200x48xbf16, #tpu.memory_space<hbm>>) target_semaphore(%run_scoped3A_287 : memref<!tpu.dma_semaphore, #tpu.memory_space<semaphore_mem>>)
        %dma_wait3A_300 = arith.constant 0 : i32
        %dma_wait3A_301 = arith.constant 0 : i32
        %dma_wait3A_302 = tpu.memref_slice %arg12[%run_scoped3A_194, %dma_wait3A_300, %dma_wait3A_301] : memref<4x200x48xbf16, #tpu.memory_space<vmem>> -> memref<1x200x48xbf16, #tpu.memory_space<vmem>>
        %dma_wait3A_303 = tpu.memref_squeeze %dma_wait3A_302 : memref<1x200x48xbf16, #tpu.memory_space<vmem>> -> memref<200x48xbf16, #tpu.memory_space<vmem>>
        %dma_wait3A_304 = arith.constant 0 : i32
        %dma_wait3A_305 = tpu.memref_slice %arg7[%add3A_193, %dma_wait3A_304] : memref<160000x128xbf16, #tpu.memory_space<hbm>> -> memref<200x48xbf16, #tpu.memory_space<hbm>>
        %dma_wait3A_306 = arith.constant 0 : i32
        %dma_wait3A_307 = tpu.memref_slice %arg7[%add3A_193, %dma_wait3A_306] : memref<160000x128xbf16, #tpu.memory_space<hbm>> -> memref<200x48xbf16, #tpu.memory_space<hbm>>
        %dma_wait3A_308 = arith.constant 0 : i32
        %dma_wait3A_309 = arith.constant 0 : i32
        %dma_wait3A_310 = tpu.memref_slice %arg12[%run_scoped3A_194, %dma_wait3A_308, %dma_wait3A_309] : memref<4x200x48xbf16, #tpu.memory_space<vmem>> -> memref<1x200x48xbf16, #tpu.memory_space<vmem>>
        %dma_wait3A_311 = tpu.memref_squeeze %dma_wait3A_310 : memref<1x200x48xbf16, #tpu.memory_space<vmem>> -> memref<200x48xbf16, #tpu.memory_space<vmem>>
        tpu.wait_dma2 semaphore(%run_scoped3A_287 : memref<!tpu.dma_semaphore, #tpu.memory_space<semaphore_mem>>) src(%dma_wait3A_311 : memref<200x48xbf16, #tpu.memory_space<vmem>>) dst(%dma_wait3A_307 : memref<200x48xbf16, #tpu.memory_space<hbm>>)
        tpu.yield
      }) : () -> ()
      %add3A_195 = arith.constant 2 : i32
      %add3A_196 = arith.addi %mul3A_104, %add3A_195 : i32
      %mul3A_197 = arith.constant 200 : i32
      %mul3A_198 = arith.muli %add3A_196, %mul3A_197 : i32
      %dma_start3A_199 = arith.constant 0 : i32
      %dma_start3A_200 = arith.constant 0 : i32
      %dma_start3A_201 = arith.constant 0 : i32
      %dma_start3A_202 = tpu.memref_slice %arg12[%dma_start3A_199, %dma_start3A_200, %dma_start3A_201] : memref<4x200x48xbf16, #tpu.memory_space<vmem>> -> memref<1x200x48xbf16, #tpu.memory_space<vmem>>
      %dma_start3A_203 = tpu.memref_squeeze %dma_start3A_202 : memref<1x200x48xbf16, #tpu.memory_space<vmem>> -> memref<200x48xbf16, #tpu.memory_space<vmem>>
      %dma_start3A_204 = tpu.memref_slice %arg8[%mul3A_198] : memref<5000xi32, #tpu.memory_space<vmem>> -> memref<200xi32, #tpu.memory_space<vmem>>
      %dma_start3A_205 = arith.constant 0 : i32
      %dma_start3A_206 = arith.constant 0 : i32
      %dma_start3A_207 = tpu.memref_slice %arg3[%dma_start3A_205, %dma_start3A_206] : memref<100000x48xbf16, #tpu.memory_space<hbm>> -> memref<100000x48xbf16, #tpu.memory_space<hbm>>
      tpu.enqueue_indirect_dma source(%dma_start3A_207 : memref<100000x48xbf16, #tpu.memory_space<hbm>>) target(%dma_start3A_203 : memref<200x48xbf16, #tpu.memory_space<vmem>>) offsets(%dma_start3A_204 : memref<200xi32, #tpu.memory_space<vmem>>) semaphore(%arg14 : memref<!tpu.dma_semaphore, #tpu.memory_space<semaphore_mem>>)
      %dma_start3A_208 = arith.constant 1 : i32
      %dma_start3A_209 = arith.constant 0 : i32
      %dma_start3A_210 = arith.constant 0 : i32
      %dma_start3A_211 = tpu.memref_slice %arg12[%dma_start3A_208, %dma_start3A_209, %dma_start3A_210] : memref<4x200x48xbf16, #tpu.memory_space<vmem>> -> memref<1x200x48xbf16, #tpu.memory_space<vmem>>
      %dma_start3A_212 = tpu.memref_squeeze %dma_start3A_211 : memref<1x200x48xbf16, #tpu.memory_space<vmem>> -> memref<200x48xbf16, #tpu.memory_space<vmem>>
      %dma_start3A_213 = tpu.memref_slice %arg9[%mul3A_198] : memref<5000xi32, #tpu.memory_space<vmem>> -> memref<200xi32, #tpu.memory_space<vmem>>
      %dma_start3A_214 = arith.constant 0 : i32
      %dma_start3A_215 = arith.constant 0 : i32
      %dma_start3A_216 = tpu.memref_slice %arg4[%dma_start3A_214, %dma_start3A_215] : memref<100000x48xbf16, #tpu.memory_space<hbm>> -> memref<100000x48xbf16, #tpu.memory_space<hbm>>
      tpu.enqueue_indirect_dma source(%dma_start3A_216 : memref<100000x48xbf16, #tpu.memory_space<hbm>>) target(%dma_start3A_212 : memref<200x48xbf16, #tpu.memory_space<vmem>>) offsets(%dma_start3A_213 : memref<200xi32, #tpu.memory_space<vmem>>) semaphore(%arg14 : memref<!tpu.dma_semaphore, #tpu.memory_space<semaphore_mem>>)
      %dma_start3A_217 = arith.constant 2 : i32
      %dma_start3A_218 = arith.constant 0 : i32
      %dma_start3A_219 = arith.constant 0 : i32
      %dma_start3A_220 = tpu.memref_slice %arg12[%dma_start3A_217, %dma_start3A_218, %dma_start3A_219] : memref<4x200x48xbf16, #tpu.memory_space<vmem>> -> memref<1x200x48xbf16, #tpu.memory_space<vmem>>
      %dma_start3A_221 = tpu.memref_squeeze %dma_start3A_220 : memref<1x200x48xbf16, #tpu.memory_space<vmem>> -> memref<200x48xbf16, #tpu.memory_space<vmem>>
      %dma_start3A_222 = tpu.memref_slice %arg10[%mul3A_198] : memref<5000xi32, #tpu.memory_space<vmem>> -> memref<200xi32, #tpu.memory_space<vmem>>
      %dma_start3A_223 = arith.constant 0 : i32
      %dma_start3A_224 = arith.constant 0 : i32
      %dma_start3A_225 = tpu.memref_slice %arg5[%dma_start3A_223, %dma_start3A_224] : memref<100000x48xbf16, #tpu.memory_space<hbm>> -> memref<100000x48xbf16, #tpu.memory_space<hbm>>
      tpu.enqueue_indirect_dma source(%dma_start3A_225 : memref<100000x48xbf16, #tpu.memory_space<hbm>>) target(%dma_start3A_221 : memref<200x48xbf16, #tpu.memory_space<vmem>>) offsets(%dma_start3A_222 : memref<200xi32, #tpu.memory_space<vmem>>) semaphore(%arg14 : memref<!tpu.dma_semaphore, #tpu.memory_space<semaphore_mem>>)
      %dma_start3A_226 = arith.constant 3 : i32
      %dma_start3A_227 = arith.constant 0 : i32
      %dma_start3A_228 = arith.constant 0 : i32
      %dma_start3A_229 = tpu.memref_slice %arg12[%dma_start3A_226, %dma_start3A_227, %dma_start3A_228] : memref<4x200x48xbf16, #tpu.memory_space<vmem>> -> memref<1x200x48xbf16, #tpu.memory_space<vmem>>
      %dma_start3A_230 = tpu.memref_squeeze %dma_start3A_229 : memref<1x200x48xbf16, #tpu.memory_space<vmem>> -> memref<200x48xbf16, #tpu.memory_space<vmem>>
      %dma_start3A_231 = tpu.memref_slice %arg11[%mul3A_198] : memref<5000xi32, #tpu.memory_space<vmem>> -> memref<200xi32, #tpu.memory_space<vmem>>
      %dma_start3A_232 = arith.constant 0 : i32
      %dma_start3A_233 = arith.constant 0 : i32
      %dma_start3A_234 = tpu.memref_slice %arg6[%dma_start3A_232, %dma_start3A_233] : memref<100000x48xbf16, #tpu.memory_space<hbm>> -> memref<100000x48xbf16, #tpu.memory_space<hbm>>
      tpu.enqueue_indirect_dma source(%dma_start3A_234 : memref<100000x48xbf16, #tpu.memory_space<hbm>>) target(%dma_start3A_230 : memref<200x48xbf16, #tpu.memory_space<vmem>>) offsets(%dma_start3A_231 : memref<200xi32, #tpu.memory_space<vmem>>) semaphore(%arg14 : memref<!tpu.dma_semaphore, #tpu.memory_space<semaphore_mem>>)
      %dma_wait3A_235 = arith.constant 0 : i32
      %dma_wait3A_236 = arith.constant 0 : i32
      %dma_wait3A_237 = arith.constant 0 : i32
      %dma_wait3A_238 = tpu.memref_slice %arg13[%dma_wait3A_235, %dma_wait3A_236, %dma_wait3A_237] : memref<4x200x48xbf16, #tpu.memory_space<vmem>> -> memref<1x200x48xbf16, #tpu.memory_space<vmem>>
      %dma_wait3A_239 = tpu.memref_squeeze %dma_wait3A_238 : memref<1x200x48xbf16, #tpu.memory_space<vmem>> -> memref<200x48xbf16, #tpu.memory_space<vmem>>
      %dma_wait3A_240 = arith.constant 0 : i32
      %dma_wait3A_241 = tpu.memref_slice %arg8[%dma_wait3A_240] : memref<5000xi32, #tpu.memory_space<vmem>> -> memref<200xi32, #tpu.memory_space<vmem>>
      %dma_wait3A_242 = arith.constant 0 : i32
      %dma_wait3A_243 = arith.constant 0 : i32
      %dma_wait3A_244 = tpu.memref_slice %arg3[%dma_wait3A_242, %dma_wait3A_243] : memref<100000x48xbf16, #tpu.memory_space<hbm>> -> memref<100000x48xbf16, #tpu.memory_space<hbm>>
      tpu.wait_indirect_dma semaphore(%arg15 : memref<!tpu.dma_semaphore, #tpu.memory_space<semaphore_mem>>) src(%dma_wait3A_244 : memref<100000x48xbf16, #tpu.memory_space<hbm>>) dst(%dma_wait3A_239 : memref<200x48xbf16, #tpu.memory_space<vmem>>)
      %dma_wait3A_245 = arith.constant 1 : i32
      %dma_wait3A_246 = arith.constant 0 : i32
      %dma_wait3A_247 = arith.constant 0 : i32
      %dma_wait3A_248 = tpu.memref_slice %arg13[%dma_wait3A_245, %dma_wait3A_246, %dma_wait3A_247] : memref<4x200x48xbf16, #tpu.memory_space<vmem>> -> memref<1x200x48xbf16, #tpu.memory_space<vmem>>
      %dma_wait3A_249 = tpu.memref_squeeze %dma_wait3A_248 : memref<1x200x48xbf16, #tpu.memory_space<vmem>> -> memref<200x48xbf16, #tpu.memory_space<vmem>>
      %dma_wait3A_250 = arith.constant 0 : i32
      %dma_wait3A_251 = tpu.memref_slice %arg9[%dma_wait3A_250] : memref<5000xi32, #tpu.memory_space<vmem>> -> memref<200xi32, #tpu.memory_space<vmem>>
      %dma_wait3A_252 = arith.constant 0 : i32
      %dma_wait3A_253 = arith.constant 0 : i32
      %dma_wait3A_254 = tpu.memref_slice %arg4[%dma_wait3A_252, %dma_wait3A_253] : memref<100000x48xbf16, #tpu.memory_space<hbm>> -> memref<100000x48xbf16, #tpu.memory_space<hbm>>
      tpu.wait_indirect_dma semaphore(%arg15 : memref<!tpu.dma_semaphore, #tpu.memory_space<semaphore_mem>>) src(%dma_wait3A_254 : memref<100000x48xbf16, #tpu.memory_space<hbm>>) dst(%dma_wait3A_249 : memref<200x48xbf16, #tpu.memory_space<vmem>>)
      %dma_wait3A_255 = arith.constant 2 : i32
      %dma_wait3A_256 = arith.constant 0 : i32
      %dma_wait3A_257 = arith.constant 0 : i32
      %dma_wait3A_258 = tpu.memref_slice %arg13[%dma_wait3A_255, %dma_wait3A_256, %dma_wait3A_257] : memref<4x200x48xbf16, #tpu.memory_space<vmem>> -> memref<1x200x48xbf16, #tpu.memory_space<vmem>>
      %dma_wait3A_259 = tpu.memref_squeeze %dma_wait3A_258 : memref<1x200x48xbf16, #tpu.memory_space<vmem>> -> memref<200x48xbf16, #tpu.memory_space<vmem>>
      %dma_wait3A_260 = arith.constant 0 : i32
      %dma_wait3A_261 = tpu.memref_slice %arg10[%dma_wait3A_260] : memref<5000xi32, #tpu.memory_space<vmem>> -> memref<200xi32, #tpu.memory_space<vmem>>
      %dma_wait3A_262 = arith.constant 0 : i32
      %dma_wait3A_263 = arith.constant 0 : i32
      %dma_wait3A_264 = tpu.memref_slice %arg5[%dma_wait3A_262, %dma_wait3A_263] : memref<100000x48xbf16, #tpu.memory_space<hbm>> -> memref<100000x48xbf16, #tpu.memory_space<hbm>>
      tpu.wait_indirect_dma semaphore(%arg15 : memref<!tpu.dma_semaphore, #tpu.memory_space<semaphore_mem>>) src(%dma_wait3A_264 : memref<100000x48xbf16, #tpu.memory_space<hbm>>) dst(%dma_wait3A_259 : memref<200x48xbf16, #tpu.memory_space<vmem>>)
      %dma_wait3A_265 = arith.constant 3 : i32
      %dma_wait3A_266 = arith.constant 0 : i32
      %dma_wait3A_267 = arith.constant 0 : i32
      %dma_wait3A_268 = tpu.memref_slice %arg13[%dma_wait3A_265, %dma_wait3A_266, %dma_wait3A_267] : memref<4x200x48xbf16, #tpu.memory_space<vmem>> -> memref<1x200x48xbf16, #tpu.memory_space<vmem>>
      %dma_wait3A_269 = tpu.memref_squeeze %dma_wait3A_268 : memref<1x200x48xbf16, #tpu.memory_space<vmem>> -> memref<200x48xbf16, #tpu.memory_space<vmem>>
      %dma_wait3A_270 = arith.constant 0 : i32
      %dma_wait3A_271 = tpu.memref_slice %arg11[%dma_wait3A_270] : memref<5000xi32, #tpu.memory_space<vmem>> -> memref<200xi32, #tpu.memory_space<vmem>>
      %dma_wait3A_272 = arith.constant 0 : i32
      %dma_wait3A_273 = arith.constant 0 : i32
      %dma_wait3A_274 = tpu.memref_slice %arg6[%dma_wait3A_272, %dma_wait3A_273] : memref<100000x48xbf16, #tpu.memory_space<hbm>> -> memref<100000x48xbf16, #tpu.memory_space<hbm>>
      tpu.wait_indirect_dma semaphore(%arg15 : memref<!tpu.dma_semaphore, #tpu.memory_space<semaphore_mem>>) src(%dma_wait3A_274 : memref<100000x48xbf16, #tpu.memory_space<hbm>>) dst(%dma_wait3A_269 : memref<200x48xbf16, #tpu.memory_space<vmem>>)
      %add3A_275 = arith.constant 1 : i32
      %add3A_276 = arith.addi %mul3A_104, %add3A_275 : i32
      %scan3A_277 = arith.constant 0 : i32
      %scan3A_278 = arith.constant 0 : i32
      %scan3A_279 = arith.constant 100 : i32
      %scan3A_280 = arith.addi %scan3A_278, %scan3A_279 : i32
      %scan3A_281 = arith.constant 2 : i32
      scf.for %scan3A_287 = %scan3A_278 to %scan3A_280 step %scan3A_281  : i32 {
        %mul3A_288 = arith.constant 2 : i32
        %mul3A_289 = arith.muli %scan3A_287, %mul3A_288 : i32
        %get3A = arith.constant 0 : i32
        %get3A_290 = arith.index_cast %get3A : i32 to index
        %get3A_291 = arith.index_cast %mul3A_289 : i32 to index
        %get3A_292 = arith.constant 0 : index
        %get3A_293 = tpu.vector_load %arg13[%get3A_290, %get3A_291, %get3A_292] {strides = array<i32>} : memref<4x200x48xbf16, #tpu.memory_space<vmem>>, vector<1x2x16xbf16>,
        %get3A_294 = vector.shape_cast %get3A_293 : vector<1x2x16xbf16> to vector<2x16xbf16>
        %get3A_295 = arith.constant 1 : i32
        %get3A_296 = arith.index_cast %get3A_295 : i32 to index
        %get3A_297 = arith.index_cast %mul3A_289 : i32 to index
        %get3A_298 = arith.constant 0 : index
        %get3A_299 = tpu.vector_load %arg13[%get3A_296, %get3A_297, %get3A_298] {strides = array<i32>} : memref<4x200x48xbf16, #tpu.memory_space<vmem>>, vector<1x2x16xbf16>,
        %get3A_300 = vector.shape_cast %get3A_299 : vector<1x2x16xbf16> to vector<2x16xbf16>
        %add3A_301 = arith.addf %get3A_294, %get3A_300 : vector<2x16xbf16>
        %get3A_302 = arith.constant 2 : i32
        %get3A_303 = arith.index_cast %get3A_302 : i32 to index
        %get3A_304 = arith.index_cast %mul3A_289 : i32 to index
        %get3A_305 = arith.constant 0 : index
        %get3A_306 = tpu.vector_load %arg13[%get3A_303, %get3A_304, %get3A_305] {strides = array<i32>} : memref<4x200x48xbf16, #tpu.memory_space<vmem>>, vector<1x2x16xbf16>,
        %get3A_307 = vector.shape_cast %get3A_306 : vector<1x2x16xbf16> to vector<2x16xbf16>
        %add3A_308 = arith.addf %add3A_301, %get3A_307 : vector<2x16xbf16>
        %get3A_309 = arith.constant 3 : i32
        %get3A_310 = arith.index_cast %get3A_309 : i32 to index
        %get3A_311 = arith.index_cast %mul3A_289 : i32 to index
        %get3A_312 = arith.constant 0 : index
        %get3A_313 = tpu.vector_load %arg13[%get3A_310, %get3A_311, %get3A_312] {strides = array<i32>} : memref<4x200x48xbf16, #tpu.memory_space<vmem>>, vector<1x2x16xbf16>,
        %get3A_314 = vector.shape_cast %get3A_313 : vector<1x2x16xbf16> to vector<2x16xbf16>
        %add3A_315 = arith.addf %add3A_308, %get3A_314 : vector<2x16xbf16>
        %swap3A = arith.constant 0 : i32
        %swap3A_316 = arith.index_cast %swap3A : i32 to index
        %swap3A_317 = arith.index_cast %mul3A_289 : i32 to index
        %swap3A_318 = arith.constant 0 : index
        %swap3A_319 = tpu.vector_load %arg13[%swap3A_316, %swap3A_317, %swap3A_318] {strides = array<i32>} : memref<4x200x48xbf16, #tpu.memory_space<vmem>>, vector<1x2x16xbf16>,
        %swap3A_320 = vector.shape_cast %swap3A_319 : vector<1x2x16xbf16> to vector<2x16xbf16>
        %swap3A_321 = vector.shape_cast %add3A_315 : vector<2x16xbf16> to vector<1x2x16xbf16>
        tpu.vector_store %arg13[%swap3A_316, %swap3A_317, %swap3A_318], %swap3A_321 {strides = array<i32>} : memref<4x200x48xbf16, #tpu.memory_space<vmem>>, vector<1x2x16xbf16>,
        %get3A_322 = arith.constant 0 : i32
        %get3A_323 = arith.index_cast %get3A_322 : i32 to index
        %get3A_324 = arith.index_cast %mul3A_289 : i32 to index
        %get3A_325 = arith.constant 16 : index
        %get3A_326 = tpu.vector_load %arg13[%get3A_323, %get3A_324, %get3A_325] {strides = array<i32>} : memref<4x200x48xbf16, #tpu.memory_space<vmem>>, vector<1x2x16xbf16>,
        %get3A_327 = vector.shape_cast %get3A_326 : vector<1x2x16xbf16> to vector<2x16xbf16>
        %get3A_328 = arith.constant 1 : i32
        %get3A_329 = arith.index_cast %get3A_328 : i32 to index
        %get3A_330 = arith.index_cast %mul3A_289 : i32 to index
        %get3A_331 = arith.constant 16 : index
        %get3A_332 = tpu.vector_load %arg13[%get3A_329, %get3A_330, %get3A_331] {strides = array<i32>} : memref<4x200x48xbf16, #tpu.memory_space<vmem>>, vector<1x2x16xbf16>,
        %get3A_333 = vector.shape_cast %get3A_332 : vector<1x2x16xbf16> to vector<2x16xbf16>
        %add3A_334 = arith.addf %get3A_327, %get3A_333 : vector<2x16xbf16>
        %get3A_335 = arith.constant 2 : i32
        %get3A_336 = arith.index_cast %get3A_335 : i32 to index
        %get3A_337 = arith.index_cast %mul3A_289 : i32 to index
        %get3A_338 = arith.constant 16 : index
        %get3A_339 = tpu.vector_load %arg13[%get3A_336, %get3A_337, %get3A_338] {strides = array<i32>} : memref<4x200x48xbf16, #tpu.memory_space<vmem>>, vector<1x2x16xbf16>,
        %get3A_340 = vector.shape_cast %get3A_339 : vector<1x2x16xbf16> to vector<2x16xbf16>
        %add3A_341 = arith.addf %add3A_334, %get3A_340 : vector<2x16xbf16>
        %get3A_342 = arith.constant 3 : i32
        %get3A_343 = arith.index_cast %get3A_342 : i32 to index
        %get3A_344 = arith.index_cast %mul3A_289 : i32 to index
        %get3A_345 = arith.constant 16 : index
        %get3A_346 = tpu.vector_load %arg13[%get3A_343, %get3A_344, %get3A_345] {strides = array<i32>} : memref<4x200x48xbf16, #tpu.memory_space<vmem>>, vector<1x2x16xbf16>,
        %get3A_347 = vector.shape_cast %get3A_346 : vector<1x2x16xbf16> to vector<2x16xbf16>
        %add3A_348 = arith.addf %add3A_341, %get3A_347 : vector<2x16xbf16>
        %swap3A_349 = arith.constant 0 : i32
        %swap3A_350 = arith.index_cast %swap3A_349 : i32 to index
        %swap3A_351 = arith.index_cast %mul3A_289 : i32 to index
        %swap3A_352 = arith.constant 16 : index
        %swap3A_353 = tpu.vector_load %arg13[%swap3A_350, %swap3A_351, %swap3A_352] {strides = array<i32>} : memref<4x200x48xbf16, #tpu.memory_space<vmem>>, vector<1x2x16xbf16>,
        %swap3A_354 = vector.shape_cast %swap3A_353 : vector<1x2x16xbf16> to vector<2x16xbf16>
        %swap3A_355 = vector.shape_cast %add3A_348 : vector<2x16xbf16> to vector<1x2x16xbf16>
        tpu.vector_store %arg13[%swap3A_350, %swap3A_351, %swap3A_352], %swap3A_355 {strides = array<i32>} : memref<4x200x48xbf16, #tpu.memory_space<vmem>>, vector<1x2x16xbf16>,
        %get3A_356 = arith.constant 0 : i32
        %get3A_357 = arith.index_cast %get3A_356 : i32 to index
        %get3A_358 = arith.index_cast %mul3A_289 : i32 to index
        %get3A_359 = arith.constant 32 : index
        %get3A_360 = tpu.vector_load %arg13[%get3A_357, %get3A_358, %get3A_359] {strides = array<i32>} : memref<4x200x48xbf16, #tpu.memory_space<vmem>>, vector<1x2x16xbf16>,
        %get3A_361 = vector.shape_cast %get3A_360 : vector<1x2x16xbf16> to vector<2x16xbf16>
        %get3A_362 = arith.constant 1 : i32
        %get3A_363 = arith.index_cast %get3A_362 : i32 to index
        %get3A_364 = arith.index_cast %mul3A_289 : i32 to index
        %get3A_365 = arith.constant 32 : index
        %get3A_366 = tpu.vector_load %arg13[%get3A_363, %get3A_364, %get3A_365] {strides = array<i32>} : memref<4x200x48xbf16, #tpu.memory_space<vmem>>, vector<1x2x16xbf16>,
        %get3A_367 = vector.shape_cast %get3A_366 : vector<1x2x16xbf16> to vector<2x16xbf16>
        %add3A_368 = arith.addf %get3A_361, %get3A_367 : vector<2x16xbf16>
        %get3A_369 = arith.constant 2 : i32
        %get3A_370 = arith.index_cast %get3A_369 : i32 to index
        %get3A_371 = arith.index_cast %mul3A_289 : i32 to index
        %get3A_372 = arith.constant 32 : index
        %get3A_373 = tpu.vector_load %arg13[%get3A_370, %get3A_371, %get3A_372] {strides = array<i32>} : memref<4x200x48xbf16, #tpu.memory_space<vmem>>, vector<1x2x16xbf16>,
        %get3A_374 = vector.shape_cast %get3A_373 : vector<1x2x16xbf16> to vector<2x16xbf16>
        %add3A_375 = arith.addf %add3A_368, %get3A_374 : vector<2x16xbf16>
        %get3A_376 = arith.constant 3 : i32
        %get3A_377 = arith.index_cast %get3A_376 : i32 to index
        %get3A_378 = arith.index_cast %mul3A_289 : i32 to index
        %get3A_379 = arith.constant 32 : index
        %get3A_380 = tpu.vector_load %arg13[%get3A_377, %get3A_378, %get3A_379] {strides = array<i32>} : memref<4x200x48xbf16, #tpu.memory_space<vmem>>, vector<1x2x16xbf16>,
        %get3A_381 = vector.shape_cast %get3A_380 : vector<1x2x16xbf16> to vector<2x16xbf16>
        %add3A_382 = arith.addf %add3A_375, %get3A_381 : vector<2x16xbf16>
        %swap3A_383 = arith.constant 0 : i32
        %swap3A_384 = arith.index_cast %swap3A_383 : i32 to index
        %swap3A_385 = arith.index_cast %mul3A_289 : i32 to index
        %swap3A_386 = arith.constant 32 : index
        %swap3A_387 = tpu.vector_load %arg13[%swap3A_384, %swap3A_385, %swap3A_386] {strides = array<i32>} : memref<4x200x48xbf16, #tpu.memory_space<vmem>>, vector<1x2x16xbf16>,
        %swap3A_388 = vector.shape_cast %swap3A_387 : vector<1x2x16xbf16> to vector<2x16xbf16>
        %swap3A_389 = vector.shape_cast %add3A_382 : vector<2x16xbf16> to vector<1x2x16xbf16>
        tpu.vector_store %arg13[%swap3A_384, %swap3A_385, %swap3A_386], %swap3A_389 {strides = array<i32>} : memref<4x200x48xbf16, #tpu.memory_space<vmem>>, vector<1x2x16xbf16>,
        %scan3A_390 = arith.constant 1 : i32
        %scan3A_391 = arith.addi %scan3A_287, %scan3A_390 : i32
        %mul3A_392 = arith.constant 2 : i32
        %mul3A_393 = arith.muli %scan3A_391, %mul3A_392 : i32
        %get3A_394 = arith.constant 0 : i32
        %get3A_395 = arith.index_cast %get3A_394 : i32 to index
        %get3A_396 = arith.index_cast %mul3A_393 : i32 to index
        %get3A_397 = arith.constant 0 : index
        %get3A_398 = tpu.vector_load %arg13[%get3A_395, %get3A_396, %get3A_397] {strides = array<i32>} : memref<4x200x48xbf16, #tpu.memory_space<vmem>>, vector<1x2x16xbf16>,
        %get3A_399 = vector.shape_cast %get3A_398 : vector<1x2x16xbf16> to vector<2x16xbf16>
        %get3A_400 = arith.constant 1 : i32
        %get3A_401 = arith.index_cast %get3A_400 : i32 to index
        %get3A_402 = arith.index_cast %mul3A_393 : i32 to index
        %get3A_403 = arith.constant 0 : index
        %get3A_404 = tpu.vector_load %arg13[%get3A_401, %get3A_402, %get3A_403] {strides = array<i32>} : memref<4x200x48xbf16, #tpu.memory_space<vmem>>, vector<1x2x16xbf16>,
        %get3A_405 = vector.shape_cast %get3A_404 : vector<1x2x16xbf16> to vector<2x16xbf16>
        %add3A_406 = arith.addf %get3A_399, %get3A_405 : vector<2x16xbf16>
        %get3A_407 = arith.constant 2 : i32
        %get3A_408 = arith.index_cast %get3A_407 : i32 to index
        %get3A_409 = arith.index_cast %mul3A_393 : i32 to index
        %get3A_410 = arith.constant 0 : index
        %get3A_411 = tpu.vector_load %arg13[%get3A_408, %get3A_409, %get3A_410] {strides = array<i32>} : memref<4x200x48xbf16, #tpu.memory_space<vmem>>, vector<1x2x16xbf16>,
        %get3A_412 = vector.shape_cast %get3A_411 : vector<1x2x16xbf16> to vector<2x16xbf16>
        %add3A_413 = arith.addf %add3A_406, %get3A_412 : vector<2x16xbf16>
        %get3A_414 = arith.constant 3 : i32
        %get3A_415 = arith.index_cast %get3A_414 : i32 to index
        %get3A_416 = arith.index_cast %mul3A_393 : i32 to index
        %get3A_417 = arith.constant 0 : index
        %get3A_418 = tpu.vector_load %arg13[%get3A_415, %get3A_416, %get3A_417] {strides = array<i32>} : memref<4x200x48xbf16, #tpu.memory_space<vmem>>, vector<1x2x16xbf16>,
        %get3A_419 = vector.shape_cast %get3A_418 : vector<1x2x16xbf16> to vector<2x16xbf16>
        %add3A_420 = arith.addf %add3A_413, %get3A_419 : vector<2x16xbf16>
        %swap3A_421 = arith.constant 0 : i32
        %swap3A_422 = arith.index_cast %swap3A_421 : i32 to index
        %swap3A_423 = arith.index_cast %mul3A_393 : i32 to index
        %swap3A_424 = arith.constant 0 : index
        %swap3A_425 = tpu.vector_load %arg13[%swap3A_422, %swap3A_423, %swap3A_424] {strides = array<i32>} : memref<4x200x48xbf16, #tpu.memory_space<vmem>>, vector<1x2x16xbf16>,
        %swap3A_426 = vector.shape_cast %swap3A_425 : vector<1x2x16xbf16> to vector<2x16xbf16>
        %swap3A_427 = vector.shape_cast %add3A_420 : vector<2x16xbf16> to vector<1x2x16xbf16>
        tpu.vector_store %arg13[%swap3A_422, %swap3A_423, %swap3A_424], %swap3A_427 {strides = array<i32>} : memref<4x200x48xbf16, #tpu.memory_space<vmem>>, vector<1x2x16xbf16>,
        %get3A_428 = arith.constant 0 : i32
        %get3A_429 = arith.index_cast %get3A_428 : i32 to index
        %get3A_430 = arith.index_cast %mul3A_393 : i32 to index
        %get3A_431 = arith.constant 16 : index
        %get3A_432 = tpu.vector_load %arg13[%get3A_429, %get3A_430, %get3A_431] {strides = array<i32>} : memref<4x200x48xbf16, #tpu.memory_space<vmem>>, vector<1x2x16xbf16>,
        %get3A_433 = vector.shape_cast %get3A_432 : vector<1x2x16xbf16> to vector<2x16xbf16>
        %get3A_434 = arith.constant 1 : i32
        %get3A_435 = arith.index_cast %get3A_434 : i32 to index
        %get3A_436 = arith.index_cast %mul3A_393 : i32 to index
        %get3A_437 = arith.constant 16 : index
        %get3A_438 = tpu.vector_load %arg13[%get3A_435, %get3A_436, %get3A_437] {strides = array<i32>} : memref<4x200x48xbf16, #tpu.memory_space<vmem>>, vector<1x2x16xbf16>,
        %get3A_439 = vector.shape_cast %get3A_438 : vector<1x2x16xbf16> to vector<2x16xbf16>
        %add3A_440 = arith.addf %get3A_433, %get3A_439 : vector<2x16xbf16>
        %get3A_441 = arith.constant 2 : i32
        %get3A_442 = arith.index_cast %get3A_441 : i32 to index
        %get3A_443 = arith.index_cast %mul3A_393 : i32 to index
        %get3A_444 = arith.constant 16 : index
        %get3A_445 = tpu.vector_load %arg13[%get3A_442, %get3A_443, %get3A_444] {strides = array<i32>} : memref<4x200x48xbf16, #tpu.memory_space<vmem>>, vector<1x2x16xbf16>,
        %get3A_446 = vector.shape_cast %get3A_445 : vector<1x2x16xbf16> to vector<2x16xbf16>
        %add3A_447 = arith.addf %add3A_440, %get3A_446 : vector<2x16xbf16>
        %get3A_448 = arith.constant 3 : i32
        %get3A_449 = arith.index_cast %get3A_448 : i32 to index
        %get3A_450 = arith.index_cast %mul3A_393 : i32 to index
        %get3A_451 = arith.constant 16 : index
        %get3A_452 = tpu.vector_load %arg13[%get3A_449, %get3A_450, %get3A_451] {strides = array<i32>} : memref<4x200x48xbf16, #tpu.memory_space<vmem>>, vector<1x2x16xbf16>,
        %get3A_453 = vector.shape_cast %get3A_452 : vector<1x2x16xbf16> to vector<2x16xbf16>
        %add3A_454 = arith.addf %add3A_447, %get3A_453 : vector<2x16xbf16>
        %swap3A_455 = arith.constant 0 : i32
        %swap3A_456 = arith.index_cast %swap3A_455 : i32 to index
        %swap3A_457 = arith.index_cast %mul3A_393 : i32 to index
        %swap3A_458 = arith.constant 16 : index
        %swap3A_459 = tpu.vector_load %arg13[%swap3A_456, %swap3A_457, %swap3A_458] {strides = array<i32>} : memref<4x200x48xbf16, #tpu.memory_space<vmem>>, vector<1x2x16xbf16>,
        %swap3A_460 = vector.shape_cast %swap3A_459 : vector<1x2x16xbf16> to vector<2x16xbf16>
        %swap3A_461 = vector.shape_cast %add3A_454 : vector<2x16xbf16> to vector<1x2x16xbf16>
        tpu.vector_store %arg13[%swap3A_456, %swap3A_457, %swap3A_458], %swap3A_461 {strides = array<i32>} : memref<4x200x48xbf16, #tpu.memory_space<vmem>>, vector<1x2x16xbf16>,
        %get3A_462 = arith.constant 0 : i32
        %get3A_463 = arith.index_cast %get3A_462 : i32 to index
        %get3A_464 = arith.index_cast %mul3A_393 : i32 to index
        %get3A_465 = arith.constant 32 : index
        %get3A_466 = tpu.vector_load %arg13[%get3A_463, %get3A_464, %get3A_465] {strides = array<i32>} : memref<4x200x48xbf16, #tpu.memory_space<vmem>>, vector<1x2x16xbf16>,
        %get3A_467 = vector.shape_cast %get3A_466 : vector<1x2x16xbf16> to vector<2x16xbf16>
        %get3A_468 = arith.constant 1 : i32
        %get3A_469 = arith.index_cast %get3A_468 : i32 to index
        %get3A_470 = arith.index_cast %mul3A_393 : i32 to index
        %get3A_471 = arith.constant 32 : index
        %get3A_472 = tpu.vector_load %arg13[%get3A_469, %get3A_470, %get3A_471] {strides = array<i32>} : memref<4x200x48xbf16, #tpu.memory_space<vmem>>, vector<1x2x16xbf16>,
        %get3A_473 = vector.shape_cast %get3A_472 : vector<1x2x16xbf16> to vector<2x16xbf16>
        %add3A_474 = arith.addf %get3A_467, %get3A_473 : vector<2x16xbf16>
        %get3A_475 = arith.constant 2 : i32
        %get3A_476 = arith.index_cast %get3A_475 : i32 to index
        %get3A_477 = arith.index_cast %mul3A_393 : i32 to index
        %get3A_478 = arith.constant 32 : index
        %get3A_479 = tpu.vector_load %arg13[%get3A_476, %get3A_477, %get3A_478] {strides = array<i32>} : memref<4x200x48xbf16, #tpu.memory_space<vmem>>, vector<1x2x16xbf16>,
        %get3A_480 = vector.shape_cast %get3A_479 : vector<1x2x16xbf16> to vector<2x16xbf16>
        %add3A_481 = arith.addf %add3A_474, %get3A_480 : vector<2x16xbf16>
        %get3A_482 = arith.constant 3 : i32
        %get3A_483 = arith.index_cast %get3A_482 : i32 to index
        %get3A_484 = arith.index_cast %mul3A_393 : i32 to index
        %get3A_485 = arith.constant 32 : index
        %get3A_486 = tpu.vector_load %arg13[%get3A_483, %get3A_484, %get3A_485] {strides = array<i32>} : memref<4x200x48xbf16, #tpu.memory_space<vmem>>, vector<1x2x16xbf16>,
        %get3A_487 = vector.shape_cast %get3A_486 : vector<1x2x16xbf16> to vector<2x16xbf16>
        %add3A_488 = arith.addf %add3A_481, %get3A_487 : vector<2x16xbf16>
        %swap3A_489 = arith.constant 0 : i32
        %swap3A_490 = arith.index_cast %swap3A_489 : i32 to index
        %swap3A_491 = arith.index_cast %mul3A_393 : i32 to index
        %swap3A_492 = arith.constant 32 : index
        %swap3A_493 = tpu.vector_load %arg13[%swap3A_490, %swap3A_491, %swap3A_492] {strides = array<i32>} : memref<4x200x48xbf16, #tpu.memory_space<vmem>>, vector<1x2x16xbf16>,
        %swap3A_494 = vector.shape_cast %swap3A_493 : vector<1x2x16xbf16> to vector<2x16xbf16>
        %swap3A_495 = vector.shape_cast %add3A_488 : vector<2x16xbf16> to vector<1x2x16xbf16>
        tpu.vector_store %arg13[%swap3A_490, %swap3A_491, %swap3A_492], %swap3A_495 {strides = array<i32>} : memref<4x200x48xbf16, #tpu.memory_space<vmem>>, vector<1x2x16xbf16>,
      }
      %scan3A_282 = arith.constant 100 : i32
      %mul3A_283 = arith.constant 200 : i32
      %mul3A_284 = arith.muli %add3A_276, %mul3A_283 : i32
      %add3A_285 = arith.addi %mul3A_2, %mul3A_284 : i32
      %run_scoped3A_286 = arith.constant 0 : i32
      "tpu.region"() ({
        %run_scoped3A_287 = tpu.sem_alloc : memref<!tpu.dma_semaphore, #tpu.memory_space<semaphore_mem>>
        %dma_start3A_288 = arith.constant 0 : i32
        %dma_start3A_289 = arith.constant 0 : i32
        %dma_start3A_290 = tpu.memref_slice %arg13[%run_scoped3A_286, %dma_start3A_288, %dma_start3A_289] : memref<4x200x48xbf16, #tpu.memory_space<vmem>> -> memref<1x200x48xbf16, #tpu.memory_space<vmem>>
        %dma_start3A_291 = tpu.memref_squeeze %dma_start3A_290 : memref<1x200x48xbf16, #tpu.memory_space<vmem>> -> memref<200x48xbf16, #tpu.memory_space<vmem>>
        %dma_start3A_292 = arith.constant 0 : i32
        %dma_start3A_293 = tpu.memref_slice %arg7[%add3A_285, %dma_start3A_292] : memref<160000x128xbf16, #tpu.memory_space<hbm>> -> memref<200x48xbf16, #tpu.memory_space<hbm>>
        %dma_start3A_294 = arith.constant 0 : i32
        %dma_start3A_295 = tpu.memref_slice %arg7[%add3A_285, %dma_start3A_294] : memref<160000x128xbf16, #tpu.memory_space<hbm>> -> memref<200x48xbf16, #tpu.memory_space<hbm>>
        %dma_start3A_296 = arith.constant 0 : i32
        %dma_start3A_297 = arith.constant 0 : i32
        %dma_start3A_298 = tpu.memref_slice %arg13[%run_scoped3A_286, %dma_start3A_296, %dma_start3A_297] : memref<4x200x48xbf16, #tpu.memory_space<vmem>> -> memref<1x200x48xbf16, #tpu.memory_space<vmem>>
        %dma_start3A_299 = tpu.memref_squeeze %dma_start3A_298 : memref<1x200x48xbf16, #tpu.memory_space<vmem>> -> memref<200x48xbf16, #tpu.memory_space<vmem>>
        tpu.enqueue_dma source(%dma_start3A_299 : memref<200x48xbf16, #tpu.memory_space<vmem>>) target(%dma_start3A_295 : memref<200x48xbf16, #tpu.memory_space<hbm>>) target_semaphore(%run_scoped3A_287 : memref<!tpu.dma_semaphore, #tpu.memory_space<semaphore_mem>>)
        %dma_wait3A_300 = arith.constant 0 : i32
        %dma_wait3A_301 = arith.constant 0 : i32
        %dma_wait3A_302 = tpu.memref_slice %arg13[%run_scoped3A_286, %dma_wait3A_300, %dma_wait3A_301] : memref<4x200x48xbf16, #tpu.memory_space<vmem>> -> memref<1x200x48xbf16, #tpu.memory_space<vmem>>
        %dma_wait3A_303 = tpu.memref_squeeze %dma_wait3A_302 : memref<1x200x48xbf16, #tpu.memory_space<vmem>> -> memref<200x48xbf16, #tpu.memory_space<vmem>>
        %dma_wait3A_304 = arith.constant 0 : i32
        %dma_wait3A_305 = tpu.memref_slice %arg7[%add3A_285, %dma_wait3A_304] : memref<160000x128xbf16, #tpu.memory_space<hbm>> -> memref<200x48xbf16, #tpu.memory_space<hbm>>
        %dma_wait3A_306 = arith.constant 0 : i32
        %dma_wait3A_307 = tpu.memref_slice %arg7[%add3A_285, %dma_wait3A_306] : memref<160000x128xbf16, #tpu.memory_space<hbm>> -> memref<200x48xbf16, #tpu.memory_space<hbm>>
        %dma_wait3A_308 = arith.constant 0 : i32
        %dma_wait3A_309 = arith.constant 0 : i32
        %dma_wait3A_310 = tpu.memref_slice %arg13[%run_scoped3A_286, %dma_wait3A_308, %dma_wait3A_309] : memref<4x200x48xbf16, #tpu.memory_space<vmem>> -> memref<1x200x48xbf16, #tpu.memory_space<vmem>>
        %dma_wait3A_311 = tpu.memref_squeeze %dma_wait3A_310 : memref<1x200x48xbf16, #tpu.memory_space<vmem>> -> memref<200x48xbf16, #tpu.memory_space<vmem>>
        tpu.wait_dma2 semaphore(%run_scoped3A_287 : memref<!tpu.dma_semaphore, #tpu.memory_space<semaphore_mem>>) src(%dma_wait3A_311 : memref<200x48xbf16, #tpu.memory_space<vmem>>) dst(%dma_wait3A_307 : memref<200x48xbf16, #tpu.memory_space<hbm>>)
        tpu.yield
      }) : () -> ()
    }
    %scan3A_54 = arith.constant 12 : i32
    %dma_wait3A = arith.constant 0 : i32
    %dma_wait3A_55 = arith.constant 0 : i32
    %dma_wait3A_56 = arith.constant 0 : i32
    %dma_wait3A_57 = tpu.memref_slice %arg12[%dma_wait3A, %dma_wait3A_55, %dma_wait3A_56] : memref<4x200x48xbf16, #tpu.memory_space<vmem>> -> memref<1x200x48xbf16, #tpu.memory_space<vmem>>
    %dma_wait3A_58 = tpu.memref_squeeze %dma_wait3A_57 : memref<1x200x48xbf16, #tpu.memory_space<vmem>> -> memref<200x48xbf16, #tpu.memory_space<vmem>>
    %dma_wait3A_59 = arith.constant 0 : i32
    %dma_wait3A_60 = tpu.memref_slice %arg8[%dma_wait3A_59] : memref<5000xi32, #tpu.memory_space<vmem>> -> memref<200xi32, #tpu.memory_space<vmem>>
    %dma_wait3A_61 = arith.constant 0 : i32
    %dma_wait3A_62 = arith.constant 0 : i32
    %dma_wait3A_63 = tpu.memref_slice %arg3[%dma_wait3A_61, %dma_wait3A_62] : memref<100000x48xbf16, #tpu.memory_space<hbm>> -> memref<100000x48xbf16, #tpu.memory_space<hbm>>
    tpu.wait_indirect_dma semaphore(%arg14 : memref<!tpu.dma_semaphore, #tpu.memory_space<semaphore_mem>>) src(%dma_wait3A_63 : memref<100000x48xbf16, #tpu.memory_space<hbm>>) dst(%dma_wait3A_58 : memref<200x48xbf16, #tpu.memory_space<vmem>>)
    %dma_wait3A_64 = arith.constant 1 : i32
    %dma_wait3A_65 = arith.constant 0 : i32
    %dma_wait3A_66 = arith.constant 0 : i32
    %dma_wait3A_67 = tpu.memref_slice %arg12[%dma_wait3A_64, %dma_wait3A_65, %dma_wait3A_66] : memref<4x200x48xbf16, #tpu.memory_space<vmem>> -> memref<1x200x48xbf16, #tpu.memory_space<vmem>>
    %dma_wait3A_68 = tpu.memref_squeeze %dma_wait3A_67 : memref<1x200x48xbf16, #tpu.memory_space<vmem>> -> memref<200x48xbf16, #tpu.memory_space<vmem>>
    %dma_wait3A_69 = arith.constant 0 : i32
    %dma_wait3A_70 = tpu.memref_slice %arg9[%dma_wait3A_69] : memref<5000xi32, #tpu.memory_space<vmem>> -> memref<200xi32, #tpu.memory_space<vmem>>
    %dma_wait3A_71 = arith.constant 0 : i32
    %dma_wait3A_72 = arith.constant 0 : i32
    %dma_wait3A_73 = tpu.memref_slice %arg4[%dma_wait3A_71, %dma_wait3A_72] : memref<100000x48xbf16, #tpu.memory_space<hbm>> -> memref<100000x48xbf16, #tpu.memory_space<hbm>>
    tpu.wait_indirect_dma semaphore(%arg14 : memref<!tpu.dma_semaphore, #tpu.memory_space<semaphore_mem>>) src(%dma_wait3A_73 : memref<100000x48xbf16, #tpu.memory_space<hbm>>) dst(%dma_wait3A_68 : memref<200x48xbf16, #tpu.memory_space<vmem>>)
    %dma_wait3A_74 = arith.constant 2 : i32
    %dma_wait3A_75 = arith.constant 0 : i32
    %dma_wait3A_76 = arith.constant 0 : i32
    %dma_wait3A_77 = tpu.memref_slice %arg12[%dma_wait3A_74, %dma_wait3A_75, %dma_wait3A_76] : memref<4x200x48xbf16, #tpu.memory_space<vmem>> -> memref<1x200x48xbf16, #tpu.memory_space<vmem>>
    %dma_wait3A_78 = tpu.memref_squeeze %dma_wait3A_77 : memref<1x200x48xbf16, #tpu.memory_space<vmem>> -> memref<200x48xbf16, #tpu.memory_space<vmem>>
    %dma_wait3A_79 = arith.constant 0 : i32
    %dma_wait3A_80 = tpu.memref_slice %arg10[%dma_wait3A_79] : memref<5000xi32, #tpu.memory_space<vmem>> -> memref<200xi32, #tpu.memory_space<vmem>>
    %dma_wait3A_81 = arith.constant 0 : i32
    %dma_wait3A_82 = arith.constant 0 : i32
    %dma_wait3A_83 = tpu.memref_slice %arg5[%dma_wait3A_81, %dma_wait3A_82] : memref<100000x48xbf16, #tpu.memory_space<hbm>> -> memref<100000x48xbf16, #tpu.memory_space<hbm>>
    tpu.wait_indirect_dma semaphore(%arg14 : memref<!tpu.dma_semaphore, #tpu.memory_space<semaphore_mem>>) src(%dma_wait3A_83 : memref<100000x48xbf16, #tpu.memory_space<hbm>>) dst(%dma_wait3A_78 : memref<200x48xbf16, #tpu.memory_space<vmem>>)
    %dma_wait3A_84 = arith.constant 3 : i32
    %dma_wait3A_85 = arith.constant 0 : i32
    %dma_wait3A_86 = arith.constant 0 : i32
    %dma_wait3A_87 = tpu.memref_slice %arg12[%dma_wait3A_84, %dma_wait3A_85, %dma_wait3A_86] : memref<4x200x48xbf16, #tpu.memory_space<vmem>> -> memref<1x200x48xbf16, #tpu.memory_space<vmem>>
    %dma_wait3A_88 = tpu.memref_squeeze %dma_wait3A_87 : memref<1x200x48xbf16, #tpu.memory_space<vmem>> -> memref<200x48xbf16, #tpu.memory_space<vmem>>
    %dma_wait3A_89 = arith.constant 0 : i32
    %dma_wait3A_90 = tpu.memref_slice %arg11[%dma_wait3A_89] : memref<5000xi32, #tpu.memory_space<vmem>> -> memref<200xi32, #tpu.memory_space<vmem>>
    %dma_wait3A_91 = arith.constant 0 : i32
    %dma_wait3A_92 = arith.constant 0 : i32
    %dma_wait3A_93 = tpu.memref_slice %arg6[%dma_wait3A_91, %dma_wait3A_92] : memref<100000x48xbf16, #tpu.memory_space<hbm>> -> memref<100000x48xbf16, #tpu.memory_space<hbm>>
    tpu.wait_indirect_dma semaphore(%arg14 : memref<!tpu.dma_semaphore, #tpu.memory_space<semaphore_mem>>) src(%dma_wait3A_93 : memref<100000x48xbf16, #tpu.memory_space<hbm>>) dst(%dma_wait3A_88 : memref<200x48xbf16, #tpu.memory_space<vmem>>)
    %scan3A_94 = arith.constant 0 : i32
    %scan3A_95 = arith.constant 0 : i32
    %scan3A_96 = arith.constant 100 : i32
    %scan3A_97 = arith.addi %scan3A_95, %scan3A_96 : i32
    %scan3A_98 = arith.constant 2 : i32
    scf.for %scan3A_102 = %scan3A_95 to %scan3A_97 step %scan3A_98  : i32 {
      %mul3A_103 = arith.constant 2 : i32
      %mul3A_104 = arith.muli %scan3A_102, %mul3A_103 : i32
      %get3A = arith.constant 0 : i32
      %get3A_105 = arith.index_cast %get3A : i32 to index
      %get3A_106 = arith.index_cast %mul3A_104 : i32 to index
      %get3A_107 = arith.constant 0 : index
      %get3A_108 = tpu.vector_load %arg12[%get3A_105, %get3A_106, %get3A_107] {strides = array<i32>} : memref<4x200x48xbf16, #tpu.memory_space<vmem>>, vector<1x2x16xbf16>,
      %get3A_109 = vector.shape_cast %get3A_108 : vector<1x2x16xbf16> to vector<2x16xbf16>
      %get3A_110 = arith.constant 1 : i32
      %get3A_111 = arith.index_cast %get3A_110 : i32 to index
      %get3A_112 = arith.index_cast %mul3A_104 : i32 to index
      %get3A_113 = arith.constant 0 : index
      %get3A_114 = tpu.vector_load %arg12[%get3A_111, %get3A_112, %get3A_113] {strides = array<i32>} : memref<4x200x48xbf16, #tpu.memory_space<vmem>>, vector<1x2x16xbf16>,
      %get3A_115 = vector.shape_cast %get3A_114 : vector<1x2x16xbf16> to vector<2x16xbf16>
      %add3A_116 = arith.addf %get3A_109, %get3A_115 : vector<2x16xbf16>
      %get3A_117 = arith.constant 2 : i32
      %get3A_118 = arith.index_cast %get3A_117 : i32 to index
      %get3A_119 = arith.index_cast %mul3A_104 : i32 to index
      %get3A_120 = arith.constant 0 : index
      %get3A_121 = tpu.vector_load %arg12[%get3A_118, %get3A_119, %get3A_120] {strides = array<i32>} : memref<4x200x48xbf16, #tpu.memory_space<vmem>>, vector<1x2x16xbf16>,
      %get3A_122 = vector.shape_cast %get3A_121 : vector<1x2x16xbf16> to vector<2x16xbf16>
      %add3A_123 = arith.addf %add3A_116, %get3A_122 : vector<2x16xbf16>
      %get3A_124 = arith.constant 3 : i32
      %get3A_125 = arith.index_cast %get3A_124 : i32 to index
      %get3A_126 = arith.index_cast %mul3A_104 : i32 to index
      %get3A_127 = arith.constant 0 : index
      %get3A_128 = tpu.vector_load %arg12[%get3A_125, %get3A_126, %get3A_127] {strides = array<i32>} : memref<4x200x48xbf16, #tpu.memory_space<vmem>>, vector<1x2x16xbf16>,
      %get3A_129 = vector.shape_cast %get3A_128 : vector<1x2x16xbf16> to vector<2x16xbf16>
      %add3A_130 = arith.addf %add3A_123, %get3A_129 : vector<2x16xbf16>
      %swap3A = arith.constant 0 : i32
      %swap3A_131 = arith.index_cast %swap3A : i32 to index
      %swap3A_132 = arith.index_cast %mul3A_104 : i32 to index
      %swap3A_133 = arith.constant 0 : index
      %swap3A_134 = tpu.vector_load %arg12[%swap3A_131, %swap3A_132, %swap3A_133] {strides = array<i32>} : memref<4x200x48xbf16, #tpu.memory_space<vmem>>, vector<1x2x16xbf16>,
      %swap3A_135 = vector.shape_cast %swap3A_134 : vector<1x2x16xbf16> to vector<2x16xbf16>
      %swap3A_136 = vector.shape_cast %add3A_130 : vector<2x16xbf16> to vector<1x2x16xbf16>
      tpu.vector_store %arg12[%swap3A_131, %swap3A_132, %swap3A_133], %swap3A_136 {strides = array<i32>} : memref<4x200x48xbf16, #tpu.memory_space<vmem>>, vector<1x2x16xbf16>,
      %get3A_137 = arith.constant 0 : i32
      %get3A_138 = arith.index_cast %get3A_137 : i32 to index
      %get3A_139 = arith.index_cast %mul3A_104 : i32 to index
      %get3A_140 = arith.constant 16 : index
      %get3A_141 = tpu.vector_load %arg12[%get3A_138, %get3A_139, %get3A_140] {strides = array<i32>} : memref<4x200x48xbf16, #tpu.memory_space<vmem>>, vector<1x2x16xbf16>,
      %get3A_142 = vector.shape_cast %get3A_141 : vector<1x2x16xbf16> to vector<2x16xbf16>
      %get3A_143 = arith.constant 1 : i32
      %get3A_144 = arith.index_cast %get3A_143 : i32 to index
      %get3A_145 = arith.index_cast %mul3A_104 : i32 to index
      %get3A_146 = arith.constant 16 : index
      %get3A_147 = tpu.vector_load %arg12[%get3A_144, %get3A_145, %get3A_146] {strides = array<i32>} : memref<4x200x48xbf16, #tpu.memory_space<vmem>>, vector<1x2x16xbf16>,
      %get3A_148 = vector.shape_cast %get3A_147 : vector<1x2x16xbf16> to vector<2x16xbf16>
      %add3A_149 = arith.addf %get3A_142, %get3A_148 : vector<2x16xbf16>
      %get3A_150 = arith.constant 2 : i32
      %get3A_151 = arith.index_cast %get3A_150 : i32 to index
      %get3A_152 = arith.index_cast %mul3A_104 : i32 to index
      %get3A_153 = arith.constant 16 : index
      %get3A_154 = tpu.vector_load %arg12[%get3A_151, %get3A_152, %get3A_153] {strides = array<i32>} : memref<4x200x48xbf16, #tpu.memory_space<vmem>>, vector<1x2x16xbf16>,
      %get3A_155 = vector.shape_cast %get3A_154 : vector<1x2x16xbf16> to vector<2x16xbf16>
      %add3A_156 = arith.addf %add3A_149, %get3A_155 : vector<2x16xbf16>
      %get3A_157 = arith.constant 3 : i32
      %get3A_158 = arith.index_cast %get3A_157 : i32 to index
      %get3A_159 = arith.index_cast %mul3A_104 : i32 to index
      %get3A_160 = arith.constant 16 : index
      %get3A_161 = tpu.vector_load %arg12[%get3A_158, %get3A_159, %get3A_160] {strides = array<i32>} : memref<4x200x48xbf16, #tpu.memory_space<vmem>>, vector<1x2x16xbf16>,
      %get3A_162 = vector.shape_cast %get3A_161 : vector<1x2x16xbf16> to vector<2x16xbf16>
      %add3A_163 = arith.addf %add3A_156, %get3A_162 : vector<2x16xbf16>
      %swap3A_164 = arith.constant 0 : i32
      %swap3A_165 = arith.index_cast %swap3A_164 : i32 to index
      %swap3A_166 = arith.index_cast %mul3A_104 : i32 to index
      %swap3A_167 = arith.constant 16 : index
      %swap3A_168 = tpu.vector_load %arg12[%swap3A_165, %swap3A_166, %swap3A_167] {strides = array<i32>} : memref<4x200x48xbf16, #tpu.memory_space<vmem>>, vector<1x2x16xbf16>,
      %swap3A_169 = vector.shape_cast %swap3A_168 : vector<1x2x16xbf16> to vector<2x16xbf16>
      %swap3A_170 = vector.shape_cast %add3A_163 : vector<2x16xbf16> to vector<1x2x16xbf16>
      tpu.vector_store %arg12[%swap3A_165, %swap3A_166, %swap3A_167], %swap3A_170 {strides = array<i32>} : memref<4x200x48xbf16, #tpu.memory_space<vmem>>, vector<1x2x16xbf16>,
      %get3A_171 = arith.constant 0 : i32
      %get3A_172 = arith.index_cast %get3A_171 : i32 to index
      %get3A_173 = arith.index_cast %mul3A_104 : i32 to index
      %get3A_174 = arith.constant 32 : index
      %get3A_175 = tpu.vector_load %arg12[%get3A_172, %get3A_173, %get3A_174] {strides = array<i32>} : memref<4x200x48xbf16, #tpu.memory_space<vmem>>, vector<1x2x16xbf16>,
      %get3A_176 = vector.shape_cast %get3A_175 : vector<1x2x16xbf16> to vector<2x16xbf16>
      %get3A_177 = arith.constant 1 : i32
      %get3A_178 = arith.index_cast %get3A_177 : i32 to index
      %get3A_179 = arith.index_cast %mul3A_104 : i32 to index
      %get3A_180 = arith.constant 32 : index
      %get3A_181 = tpu.vector_load %arg12[%get3A_178, %get3A_179, %get3A_180] {strides = array<i32>} : memref<4x200x48xbf16, #tpu.memory_space<vmem>>, vector<1x2x16xbf16>,
      %get3A_182 = vector.shape_cast %get3A_181 : vector<1x2x16xbf16> to vector<2x16xbf16>
      %add3A_183 = arith.addf %get3A_176, %get3A_182 : vector<2x16xbf16>
      %get3A_184 = arith.constant 2 : i32
      %get3A_185 = arith.index_cast %get3A_184 : i32 to index
      %get3A_186 = arith.index_cast %mul3A_104 : i32 to index
      %get3A_187 = arith.constant 32 : index
      %get3A_188 = tpu.vector_load %arg12[%get3A_185, %get3A_186, %get3A_187] {strides = array<i32>} : memref<4x200x48xbf16, #tpu.memory_space<vmem>>, vector<1x2x16xbf16>,
      %get3A_189 = vector.shape_cast %get3A_188 : vector<1x2x16xbf16> to vector<2x16xbf16>
      %add3A_190 = arith.addf %add3A_183, %get3A_189 : vector<2x16xbf16>
      %get3A_191 = arith.constant 3 : i32
      %get3A_192 = arith.index_cast %get3A_191 : i32 to index
      %get3A_193 = arith.index_cast %mul3A_104 : i32 to index
      %get3A_194 = arith.constant 32 : index
      %get3A_195 = tpu.vector_load %arg12[%get3A_192, %get3A_193, %get3A_194] {strides = array<i32>} : memref<4x200x48xbf16, #tpu.memory_space<vmem>>, vector<1x2x16xbf16>,
      %get3A_196 = vector.shape_cast %get3A_195 : vector<1x2x16xbf16> to vector<2x16xbf16>
      %add3A_197 = arith.addf %add3A_190, %get3A_196 : vector<2x16xbf16>
      %swap3A_198 = arith.constant 0 : i32
      %swap3A_199 = arith.index_cast %swap3A_198 : i32 to index
      %swap3A_200 = arith.index_cast %mul3A_104 : i32 to index
      %swap3A_201 = arith.constant 32 : index
      %swap3A_202 = tpu.vector_load %arg12[%swap3A_199, %swap3A_200, %swap3A_201] {strides = array<i32>} : memref<4x200x48xbf16, #tpu.memory_space<vmem>>, vector<1x2x16xbf16>,
      %swap3A_203 = vector.shape_cast %swap3A_202 : vector<1x2x16xbf16> to vector<2x16xbf16>
      %swap3A_204 = vector.shape_cast %add3A_197 : vector<2x16xbf16> to vector<1x2x16xbf16>
      tpu.vector_store %arg12[%swap3A_199, %swap3A_200, %swap3A_201], %swap3A_204 {strides = array<i32>} : memref<4x200x48xbf16, #tpu.memory_space<vmem>>, vector<1x2x16xbf16>,
      %scan3A_205 = arith.constant 1 : i32
      %scan3A_206 = arith.addi %scan3A_102, %scan3A_205 : i32
      %mul3A_207 = arith.constant 2 : i32
      %mul3A_208 = arith.muli %scan3A_206, %mul3A_207 : i32
      %get3A_209 = arith.constant 0 : i32
      %get3A_210 = arith.index_cast %get3A_209 : i32 to index
      %get3A_211 = arith.index_cast %mul3A_208 : i32 to index
      %get3A_212 = arith.constant 0 : index
      %get3A_213 = tpu.vector_load %arg12[%get3A_210, %get3A_211, %get3A_212] {strides = array<i32>} : memref<4x200x48xbf16, #tpu.memory_space<vmem>>, vector<1x2x16xbf16>,
      %get3A_214 = vector.shape_cast %get3A_213 : vector<1x2x16xbf16> to vector<2x16xbf16>
      %get3A_215 = arith.constant 1 : i32
      %get3A_216 = arith.index_cast %get3A_215 : i32 to index
      %get3A_217 = arith.index_cast %mul3A_208 : i32 to index
      %get3A_218 = arith.constant 0 : index
      %get3A_219 = tpu.vector_load %arg12[%get3A_216, %get3A_217, %get3A_218] {strides = array<i32>} : memref<4x200x48xbf16, #tpu.memory_space<vmem>>, vector<1x2x16xbf16>,
      %get3A_220 = vector.shape_cast %get3A_219 : vector<1x2x16xbf16> to vector<2x16xbf16>
      %add3A_221 = arith.addf %get3A_214, %get3A_220 : vector<2x16xbf16>
      %get3A_222 = arith.constant 2 : i32
      %get3A_223 = arith.index_cast %get3A_222 : i32 to index
      %get3A_224 = arith.index_cast %mul3A_208 : i32 to index
      %get3A_225 = arith.constant 0 : index
      %get3A_226 = tpu.vector_load %arg12[%get3A_223, %get3A_224, %get3A_225] {strides = array<i32>} : memref<4x200x48xbf16, #tpu.memory_space<vmem>>, vector<1x2x16xbf16>,
      %get3A_227 = vector.shape_cast %get3A_226 : vector<1x2x16xbf16> to vector<2x16xbf16>
      %add3A_228 = arith.addf %add3A_221, %get3A_227 : vector<2x16xbf16>
      %get3A_229 = arith.constant 3 : i32
      %get3A_230 = arith.index_cast %get3A_229 : i32 to index
      %get3A_231 = arith.index_cast %mul3A_208 : i32 to index
      %get3A_232 = arith.constant 0 : index
      %get3A_233 = tpu.vector_load %arg12[%get3A_230, %get3A_231, %get3A_232] {strides = array<i32>} : memref<4x200x48xbf16, #tpu.memory_space<vmem>>, vector<1x2x16xbf16>,
      %get3A_234 = vector.shape_cast %get3A_233 : vector<1x2x16xbf16> to vector<2x16xbf16>
      %add3A_235 = arith.addf %add3A_228, %get3A_234 : vector<2x16xbf16>
      %swap3A_236 = arith.constant 0 : i32
      %swap3A_237 = arith.index_cast %swap3A_236 : i32 to index
      %swap3A_238 = arith.index_cast %mul3A_208 : i32 to index
      %swap3A_239 = arith.constant 0 : index
      %swap3A_240 = tpu.vector_load %arg12[%swap3A_237, %swap3A_238, %swap3A_239] {strides = array<i32>} : memref<4x200x48xbf16, #tpu.memory_space<vmem>>, vector<1x2x16xbf16>,
      %swap3A_241 = vector.shape_cast %swap3A_240 : vector<1x2x16xbf16> to vector<2x16xbf16>
      %swap3A_242 = vector.shape_cast %add3A_235 : vector<2x16xbf16> to vector<1x2x16xbf16>
      tpu.vector_store %arg12[%swap3A_237, %swap3A_238, %swap3A_239], %swap3A_242 {strides = array<i32>} : memref<4x200x48xbf16, #tpu.memory_space<vmem>>, vector<1x2x16xbf16>,
      %get3A_243 = arith.constant 0 : i32
      %get3A_244 = arith.index_cast %get3A_243 : i32 to index
      %get3A_245 = arith.index_cast %mul3A_208 : i32 to index
      %get3A_246 = arith.constant 16 : index
      %get3A_247 = tpu.vector_load %arg12[%get3A_244, %get3A_245, %get3A_246] {strides = array<i32>} : memref<4x200x48xbf16, #tpu.memory_space<vmem>>, vector<1x2x16xbf16>,
      %get3A_248 = vector.shape_cast %get3A_247 : vector<1x2x16xbf16> to vector<2x16xbf16>
      %get3A_249 = arith.constant 1 : i32
      %get3A_250 = arith.index_cast %get3A_249 : i32 to index
      %get3A_251 = arith.index_cast %mul3A_208 : i32 to index
      %get3A_252 = arith.constant 16 : index
      %get3A_253 = tpu.vector_load %arg12[%get3A_250, %get3A_251, %get3A_252] {strides = array<i32>} : memref<4x200x48xbf16, #tpu.memory_space<vmem>>, vector<1x2x16xbf16>,
      %get3A_254 = vector.shape_cast %get3A_253 : vector<1x2x16xbf16> to vector<2x16xbf16>
      %add3A_255 = arith.addf %get3A_248, %get3A_254 : vector<2x16xbf16>
      %get3A_256 = arith.constant 2 : i32
      %get3A_257 = arith.index_cast %get3A_256 : i32 to index
      %get3A_258 = arith.index_cast %mul3A_208 : i32 to index
      %get3A_259 = arith.constant 16 : index
      %get3A_260 = tpu.vector_load %arg12[%get3A_257, %get3A_258, %get3A_259] {strides = array<i32>} : memref<4x200x48xbf16, #tpu.memory_space<vmem>>, vector<1x2x16xbf16>,
      %get3A_261 = vector.shape_cast %get3A_260 : vector<1x2x16xbf16> to vector<2x16xbf16>
      %add3A_262 = arith.addf %add3A_255, %get3A_261 : vector<2x16xbf16>
      %get3A_263 = arith.constant 3 : i32
      %get3A_264 = arith.index_cast %get3A_263 : i32 to index
      %get3A_265 = arith.index_cast %mul3A_208 : i32 to index
      %get3A_266 = arith.constant 16 : index
      %get3A_267 = tpu.vector_load %arg12[%get3A_264, %get3A_265, %get3A_266] {strides = array<i32>} : memref<4x200x48xbf16, #tpu.memory_space<vmem>>, vector<1x2x16xbf16>,
      %get3A_268 = vector.shape_cast %get3A_267 : vector<1x2x16xbf16> to vector<2x16xbf16>
      %add3A_269 = arith.addf %add3A_262, %get3A_268 : vector<2x16xbf16>
      %swap3A_270 = arith.constant 0 : i32
      %swap3A_271 = arith.index_cast %swap3A_270 : i32 to index
      %swap3A_272 = arith.index_cast %mul3A_208 : i32 to index
      %swap3A_273 = arith.constant 16 : index
      %swap3A_274 = tpu.vector_load %arg12[%swap3A_271, %swap3A_272, %swap3A_273] {strides = array<i32>} : memref<4x200x48xbf16, #tpu.memory_space<vmem>>, vector<1x2x16xbf16>,
      %swap3A_275 = vector.shape_cast %swap3A_274 : vector<1x2x16xbf16> to vector<2x16xbf16>
      %swap3A_276 = vector.shape_cast %add3A_269 : vector<2x16xbf16> to vector<1x2x16xbf16>
      tpu.vector_store %arg12[%swap3A_271, %swap3A_272, %swap3A_273], %swap3A_276 {strides = array<i32>} : memref<4x200x48xbf16, #tpu.memory_space<vmem>>, vector<1x2x16xbf16>,
      %get3A_277 = arith.constant 0 : i32
      %get3A_278 = arith.index_cast %get3A_277 : i32 to index
      %get3A_279 = arith.index_cast %mul3A_208 : i32 to index
      %get3A_280 = arith.constant 32 : index
      %get3A_281 = tpu.vector_load %arg12[%get3A_278, %get3A_279, %get3A_280] {strides = array<i32>} : memref<4x200x48xbf16, #tpu.memory_space<vmem>>, vector<1x2x16xbf16>,
      %get3A_282 = vector.shape_cast %get3A_281 : vector<1x2x16xbf16> to vector<2x16xbf16>
      %get3A_283 = arith.constant 1 : i32
      %get3A_284 = arith.index_cast %get3A_283 : i32 to index
      %get3A_285 = arith.index_cast %mul3A_208 : i32 to index
      %get3A_286 = arith.constant 32 : index
      %get3A_287 = tpu.vector_load %arg12[%get3A_284, %get3A_285, %get3A_286] {strides = array<i32>} : memref<4x200x48xbf16, #tpu.memory_space<vmem>>, vector<1x2x16xbf16>,
      %get3A_288 = vector.shape_cast %get3A_287 : vector<1x2x16xbf16> to vector<2x16xbf16>
      %add3A_289 = arith.addf %get3A_282, %get3A_288 : vector<2x16xbf16>
      %get3A_290 = arith.constant 2 : i32
      %get3A_291 = arith.index_cast %get3A_290 : i32 to index
      %get3A_292 = arith.index_cast %mul3A_208 : i32 to index
      %get3A_293 = arith.constant 32 : index
      %get3A_294 = tpu.vector_load %arg12[%get3A_291, %get3A_292, %get3A_293] {strides = array<i32>} : memref<4x200x48xbf16, #tpu.memory_space<vmem>>, vector<1x2x16xbf16>,
      %get3A_295 = vector.shape_cast %get3A_294 : vector<1x2x16xbf16> to vector<2x16xbf16>
      %add3A_296 = arith.addf %add3A_289, %get3A_295 : vector<2x16xbf16>
      %get3A_297 = arith.constant 3 : i32
      %get3A_298 = arith.index_cast %get3A_297 : i32 to index
      %get3A_299 = arith.index_cast %mul3A_208 : i32 to index
      %get3A_300 = arith.constant 32 : index
      %get3A_301 = tpu.vector_load %arg12[%get3A_298, %get3A_299, %get3A_300] {strides = array<i32>} : memref<4x200x48xbf16, #tpu.memory_space<vmem>>, vector<1x2x16xbf16>,
      %get3A_302 = vector.shape_cast %get3A_301 : vector<1x2x16xbf16> to vector<2x16xbf16>
      %add3A_303 = arith.addf %add3A_296, %get3A_302 : vector<2x16xbf16>
      %swap3A_304 = arith.constant 0 : i32
      %swap3A_305 = arith.index_cast %swap3A_304 : i32 to index
      %swap3A_306 = arith.index_cast %mul3A_208 : i32 to index
      %swap3A_307 = arith.constant 32 : index
      %swap3A_308 = tpu.vector_load %arg12[%swap3A_305, %swap3A_306, %swap3A_307] {strides = array<i32>} : memref<4x200x48xbf16, #tpu.memory_space<vmem>>, vector<1x2x16xbf16>,
      %swap3A_309 = vector.shape_cast %swap3A_308 : vector<1x2x16xbf16> to vector<2x16xbf16>
      %swap3A_310 = vector.shape_cast %add3A_303 : vector<2x16xbf16> to vector<1x2x16xbf16>
      tpu.vector_store %arg12[%swap3A_305, %swap3A_306, %swap3A_307], %swap3A_310 {strides = array<i32>} : memref<4x200x48xbf16, #tpu.memory_space<vmem>>, vector<1x2x16xbf16>,
    }
    %scan3A_99 = arith.constant 100 : i32
    %add3A_100 = arith.constant 4800 : i32
    %add3A_101 = arith.addi %mul3A_2, %add3A_100 : i32
    %run_scoped3A = arith.constant 0 : i32
    "tpu.region"() ({
      %run_scoped3A_102 = tpu.sem_alloc : memref<!tpu.dma_semaphore, #tpu.memory_space<semaphore_mem>>
      %dma_start3A_103 = arith.constant 0 : i32
      %dma_start3A_104 = arith.constant 0 : i32
      %dma_start3A_105 = tpu.memref_slice %arg12[%run_scoped3A, %dma_start3A_103, %dma_start3A_104] : memref<4x200x48xbf16, #tpu.memory_space<vmem>> -> memref<1x200x48xbf16, #tpu.memory_space<vmem>>
      %dma_start3A_106 = tpu.memref_squeeze %dma_start3A_105 : memref<1x200x48xbf16, #tpu.memory_space<vmem>> -> memref<200x48xbf16, #tpu.memory_space<vmem>>
      %dma_start3A_107 = arith.constant 0 : i32
      %dma_start3A_108 = tpu.memref_slice %arg7[%add3A_101, %dma_start3A_107] : memref<160000x128xbf16, #tpu.memory_space<hbm>> -> memref<200x48xbf16, #tpu.memory_space<hbm>>
      %dma_start3A_109 = arith.constant 0 : i32
      %dma_start3A_110 = tpu.memref_slice %arg7[%add3A_101, %dma_start3A_109] : memref<160000x128xbf16, #tpu.memory_space<hbm>> -> memref<200x48xbf16, #tpu.memory_space<hbm>>
      %dma_start3A_111 = arith.constant 0 : i32
      %dma_start3A_112 = arith.constant 0 : i32
      %dma_start3A_113 = tpu.memref_slice %arg12[%run_scoped3A, %dma_start3A_111, %dma_start3A_112] : memref<4x200x48xbf16, #tpu.memory_space<vmem>> -> memref<1x200x48xbf16, #tpu.memory_space<vmem>>
      %dma_start3A_114 = tpu.memref_squeeze %dma_start3A_113 : memref<1x200x48xbf16, #tpu.memory_space<vmem>> -> memref<200x48xbf16, #tpu.memory_space<vmem>>
      tpu.enqueue_dma source(%dma_start3A_114 : memref<200x48xbf16, #tpu.memory_space<vmem>>) target(%dma_start3A_110 : memref<200x48xbf16, #tpu.memory_space<hbm>>) target_semaphore(%run_scoped3A_102 : memref<!tpu.dma_semaphore, #tpu.memory_space<semaphore_mem>>)
      %dma_wait3A_115 = arith.constant 0 : i32
      %dma_wait3A_116 = arith.constant 0 : i32
      %dma_wait3A_117 = tpu.memref_slice %arg12[%run_scoped3A, %dma_wait3A_115, %dma_wait3A_116] : memref<4x200x48xbf16, #tpu.memory_space<vmem>> -> memref<1x200x48xbf16, #tpu.memory_space<vmem>>
      %dma_wait3A_118 = tpu.memref_squeeze %dma_wait3A_117 : memref<1x200x48xbf16, #tpu.memory_space<vmem>> -> memref<200x48xbf16, #tpu.memory_space<vmem>>
      %dma_wait3A_119 = arith.constant 0 : i32
      %dma_wait3A_120 = tpu.memref_slice %arg7[%add3A_101, %dma_wait3A_119] : memref<160000x128xbf16, #tpu.memory_space<hbm>> -> memref<200x48xbf16, #tpu.memory_space<hbm>>
      %dma_wait3A_121 = arith.constant 0 : i32
      %dma_wait3A_122 = tpu.memref_slice %arg7[%add3A_101, %dma_wait3A_121] : memref<160000x128xbf16, #tpu.memory_space<hbm>> -> memref<200x48xbf16, #tpu.memory_space<hbm>>
      %dma_wait3A_123 = arith.constant 0 : i32
      %dma_wait3A_124 = arith.constant 0 : i32
      %dma_wait3A_125 = tpu.memref_slice %arg12[%run_scoped3A, %dma_wait3A_123, %dma_wait3A_124] : memref<4x200x48xbf16, #tpu.memory_space<vmem>> -> memref<1x200x48xbf16, #tpu.memory_space<vmem>>
      %dma_wait3A_126 = tpu.memref_squeeze %dma_wait3A_125 : memref<1x200x48xbf16, #tpu.memory_space<vmem>> -> memref<200x48xbf16, #tpu.memory_space<vmem>>
      tpu.wait_dma2 semaphore(%run_scoped3A_102 : memref<!tpu.dma_semaphore, #tpu.memory_space<semaphore_mem>>) src(%dma_wait3A_126 : memref<200x48xbf16, #tpu.memory_space<vmem>>) dst(%dma_wait3A_122 : memref<200x48xbf16, #tpu.memory_space<hbm>>)
      tpu.yield
    }) : () -> ()
    return
  }
}

#map = affine_map<(d0, d1) -> (0)>
#map1 = affine_map<(d0, d1) -> (0, 0)>
module attributes {stable_mosaic.version = 14 : i64} {
  func.func @_gather_sum_body(%arg0: i32, %arg1: i32, %arg2: memref<1280000xi32, #tpu.memory_space<hbm>>, %arg3: memref<100000x48xbf16, #tpu.memory_space<hbm>>, %arg4: memref<100000x48xbf16, #tpu.memory_space<hbm>>, %arg5: memref<100000x48xbf16, #tpu.memory_space<hbm>>, %arg6: memref<100000x48xbf16, #tpu.memory_space<hbm>>, %arg7: memref<160000x128xbf16, #tpu.memory_space<hbm>>, %arg8: memref<5000xi32, #tpu.memory_space<vmem>>, %arg9: memref<5000xi32, #tpu.memory_space<vmem>>, %arg10: memref<5000xi32, #tpu.memory_space<vmem>>, %arg11: memref<5000xi32, #tpu.memory_space<vmem>>, %arg12: memref<4x200x48xbf16, #tpu.memory_space<vmem>>, %arg13: memref<4x200x48xbf16, #tpu.memory_space<vmem>>, %arg14: memref<!tpu.dma_semaphore, #tpu.memory_space<semaphore_mem>>, %arg15: memref<!tpu.dma_semaphore, #tpu.memory_space<semaphore_mem>>) attributes {dimension_semantics = [#tpu.dimension_semantics<core_parallel>, #tpu.dimension_semantics<subcore_parallel>], iteration_bounds = array<i64: 2, 16>, scalar_prefetch = 0 : i64, scratch_operands = 8 : i64, tpu.core_type = #tpu.core_type<sc_vector_subcore>, window_params = [{transform_indices = #map}, {transform_indices = #map1}, {transform_indices = #map1}, {transform_indices = #map1}, {transform_indices = #map1}, {transform_indices = #map1}]} {
    %mul3A = arith.constant 2 : i32
    %mul3A_0 = arith.muli %arg1, %mul3A : i32
    %add3A = arith.addi %mul3A_0, %arg0 : i32
    %mul3A_1 = arith.constant 5000 : i32
    %mul3A_2 = arith.muli %add3A, %mul3A_1 : i32
    %add3A_3 = arith.constant 160000 : i32
    %add3A_4 = arith.addi %add3A_3, %mul3A_2 : i32
    "tpu.region"() ({
      %run_scoped3A_102 = tpu.sem_alloc : memref<!tpu.dma_semaphore, #tpu.memory_space<semaphore_mem>>
      %dma_start3A_103 = tpu.memref_slice %arg2[%add3A_4] : memref<1280000xi32, #tpu.memory_space<hbm>> -> memref<5000xi32, #tpu.memory_space<hbm>>
      %dma_start3A_104 = tpu.memref_slice %arg2[%add3A_4] : memref<1280000xi32, #tpu.memory_space<hbm>> -> memref<5000xi32, #tpu.memory_space<hbm>>
      tpu.enqueue_dma source(%dma_start3A_104 : memref<5000xi32, #tpu.memory_space<hbm>>) target(%arg8 : memref<5000xi32, #tpu.memory_space<vmem>>) target_semaphore(%run_scoped3A_102 : memref<!tpu.dma_semaphore, #tpu.memory_space<semaphore_mem>>)
      %dma_wait3A_105 = tpu.memref_slice %arg2[%add3A_4] : memref<1280000xi32, #tpu.memory_space<hbm>> -> memref<5000xi32, #tpu.memory_space<hbm>>
      %dma_wait3A_106 = tpu.memref_slice %arg2[%add3A_4] : memref<1280000xi32, #tpu.memory_space<hbm>> -> memref<5000xi32, #tpu.memory_space<hbm>>
      tpu.wait_dma2 semaphore(%run_scoped3A_102 : memref<!tpu.dma_semaphore, #tpu.memory_space<semaphore_mem>>) src(%dma_wait3A_106 : memref<5000xi32, #tpu.memory_space<hbm>>) dst(%arg8 : memref<5000xi32, #tpu.memory_space<vmem>>)
      tpu.yield
    }) : () -> ()
    %add3A_5 = arith.constant 480000 : i32
    %add3A_6 = arith.addi %add3A_5, %mul3A_2 : i32
    "tpu.region"() ({
      %run_scoped3A_102 = tpu.sem_alloc : memref<!tpu.dma_semaphore, #tpu.memory_space<semaphore_mem>>
      %dma_start3A_103 = tpu.memref_slice %arg2[%add3A_6] : memref<1280000xi32, #tpu.memory_space<hbm>> -> memref<5000xi32, #tpu.memory_space<hbm>>
      %dma_start3A_104 = tpu.memref_slice %arg2[%add3A_6] : memref<1280000xi32, #tpu.memory_space<hbm>> -> memref<5000xi32, #tpu.memory_space<hbm>>
      tpu.enqueue_dma source(%dma_start3A_104 : memref<5000xi32, #tpu.memory_space<hbm>>) target(%arg9 : memref<5000xi32, #tpu.memory_space<vmem>>) target_semaphore(%run_scoped3A_102 : memref<!tpu.dma_semaphore, #tpu.memory_space<semaphore_mem>>)
      %dma_wait3A_105 = tpu.memref_slice %arg2[%add3A_6] : memref<1280000xi32, #tpu.memory_space<hbm>> -> memref<5000xi32, #tpu.memory_space<hbm>>
      %dma_wait3A_106 = tpu.memref_slice %arg2[%add3A_6] : memref<1280000xi32, #tpu.memory_space<hbm>> -> memref<5000xi32, #tpu.memory_space<hbm>>
      tpu.wait_dma2 semaphore(%run_scoped3A_102 : memref<!tpu.dma_semaphore, #tpu.memory_space<semaphore_mem>>) src(%dma_wait3A_106 : memref<5000xi32, #tpu.memory_space<hbm>>) dst(%arg9 : memref<5000xi32, #tpu.memory_space<vmem>>)
      tpu.yield
    }) : () -> ()
    %add3A_7 = arith.constant 800000 : i32
    %add3A_8 = arith.addi %add3A_7, %mul3A_2 : i32
    "tpu.region"() ({
      %run_scoped3A_102 = tpu.sem_alloc : memref<!tpu.dma_semaphore, #tpu.memory_space<semaphore_mem>>
      %dma_start3A_103 = tpu.memref_slice %arg2[%add3A_8] : memref<1280000xi32, #tpu.memory_space<hbm>> -> memref<5000xi32, #tpu.memory_space<hbm>>
      %dma_start3A_104 = tpu.memref_slice %arg2[%add3A_8] : memref<1280000xi32, #tpu.memory_space<hbm>> -> memref<5000xi32, #tpu.memory_space<hbm>>
      tpu.enqueue_dma source(%dma_start3A_104 : memref<5000xi32, #tpu.memory_space<hbm>>) target(%arg10 : memref<5000xi32, #tpu.memory_space<vmem>>) target_semaphore(%run_scoped3A_102 : memref<!tpu.dma_semaphore, #tpu.memory_space<semaphore_mem>>)
      %dma_wait3A_105 = tpu.memref_slice %arg2[%add3A_8] : memref<1280000xi32, #tpu.memory_space<hbm>> -> memref<5000xi32, #tpu.memory_space<hbm>>
      %dma_wait3A_106 = tpu.memref_slice %arg2[%add3A_8] : memref<1280000xi32, #tpu.memory_space<hbm>> -> memref<5000xi32, #tpu.memory_space<hbm>>
      tpu.wait_dma2 semaphore(%run_scoped3A_102 : memref<!tpu.dma_semaphore, #tpu.memory_space<semaphore_mem>>) src(%dma_wait3A_106 : memref<5000xi32, #tpu.memory_space<hbm>>) dst(%arg10 : memref<5000xi32, #tpu.memory_space<vmem>>)
      tpu.yield
    }) : () -> ()
    %add3A_9 = arith.constant 1120000 : i32
    %add3A_10 = arith.addi %add3A_9, %mul3A_2 : i32
    "tpu.region"() ({
      %run_scoped3A_102 = tpu.sem_alloc : memref<!tpu.dma_semaphore, #tpu.memory_space<semaphore_mem>>
      %dma_start3A_103 = tpu.memref_slice %arg2[%add3A_10] : memref<1280000xi32, #tpu.memory_space<hbm>> -> memref<5000xi32, #tpu.memory_space<hbm>>
      %dma_start3A_104 = tpu.memref_slice %arg2[%add3A_10] : memref<1280000xi32, #tpu.memory_space<hbm>> -> memref<5000xi32, #tpu.memory_space<hbm>>
      tpu.enqueue_dma source(%dma_start3A_104 : memref<5000xi32, #tpu.memory_space<hbm>>) target(%arg11 : memref<5000xi32, #tpu.memory_space<vmem>>) target_semaphore(%run_scoped3A_102 : memref<!tpu.dma_semaphore, #tpu.memory_space<semaphore_mem>>)
      %dma_wait3A_105 = tpu.memref_slice %arg2[%add3A_10] : memref<1280000xi32, #tpu.memory_space<hbm>> -> memref<5000xi32, #tpu.memory_space<hbm>>
      %dma_wait3A_106 = tpu.memref_slice %arg2[%add3A_10] : memref<1280000xi32, #tpu.memory_space<hbm>> -> memref<5000xi32, #tpu.memory_space<hbm>>
      tpu.wait_dma2 semaphore(%run_scoped3A_102 : memref<!tpu.dma_semaphore, #tpu.memory_space<semaphore_mem>>) src(%dma_wait3A_106 : memref<5000xi32, #tpu.memory_space<hbm>>) dst(%arg11 : memref<5000xi32, #tpu.memory_space<vmem>>)
      tpu.yield
    }) : () -> ()
    %dma_start3A = arith.constant 0 : i32
    %dma_start3A_11 = arith.constant 0 : i32
    %dma_start3A_12 = arith.constant 0 : i32
    %dma_start3A_13 = tpu.memref_slice %arg12[%dma_start3A, %dma_start3A_11, %dma_start3A_12] : memref<4x200x48xbf16, #tpu.memory_space<vmem>> -> memref<1x200x48xbf16, #tpu.memory_space<vmem>>
    %dma_start3A_14 = tpu.memref_squeeze %dma_start3A_13 : memref<1x200x48xbf16, #tpu.memory_space<vmem>> -> memref<200x48xbf16, #tpu.memory_space<vmem>>
    %dma_start3A_15 = arith.constant 0 : i32
    %dma_start3A_16 = tpu.memref_slice %arg8[%dma_start3A_15] : memref<5000xi32, #tpu.memory_space<vmem>> -> memref<200xi32, #tpu.memory_space<vmem>>
    %dma_start3A_17 = arith.constant 0 : i32
    %dma_start3A_18 = arith.constant 0 : i32
    %dma_start3A_19 = tpu.memref_slice %arg3[%dma_start3A_17, %dma_start3A_18] : memref<100000x48xbf16, #tpu.memory_space<hbm>> -> memref<100000x48xbf16, #tpu.memory_space<hbm>>
    tpu.enqueue_indirect_dma source(%dma_start3A_19 : memref<100000x48xbf16, #tpu.memory_space<hbm>>) target(%dma_start3A_14 : memref<200x48xbf16, #tpu.memory_space<vmem>>) offsets(%dma_start3A_16 : memref<200xi32, #tpu.memory_space<vmem>>) semaphore(%arg14 : memref<!tpu.dma_semaphore, #tpu.memory_space<semaphore_mem>>)
    %dma_start3A_20 = arith.constant 1 : i32
    %dma_start3A_21 = arith.constant 0 : i32
    %dma_start3A_22 = arith.constant 0 : i32
    %dma_start3A_23 = tpu.memref_slice %arg12[%dma_start3A_20, %dma_start3A_21, %dma_start3A_22] : memref<4x200x48xbf16, #tpu.memory_space<vmem>> -> memref<1x200x48xbf16, #tpu.memory_space<vmem>>
    %dma_start3A_24 = tpu.memref_squeeze %dma_start3A_23 : memref<1x200x48xbf16, #tpu.memory_space<vmem>> -> memref<200x48xbf16, #tpu.memory_space<vmem>>
    %dma_start3A_25 = arith.constant 0 : i32
    %dma_start3A_26 = tpu.memref_slice %arg9[%dma_start3A_25] : memref<5000xi32, #tpu.memory_space<vmem>> -> memref<200xi32, #tpu.memory_space<vmem>>
    %dma_start3A_27 = arith.constant 0 : i32
    %dma_start3A_28 = arith.constant 0 : i32
    %dma_start3A_29 = tpu.memref_slice %arg4[%dma_start3A_27, %dma_start3A_28] : memref<100000x48xbf16, #tpu.memory_space<hbm>> -> memref<100000x48xbf16, #tpu.memory_space<hbm>>
    tpu.enqueue_indirect_dma source(%dma_start3A_29 : memref<100000x48xbf16, #tpu.memory_space<hbm>>) target(%dma_start3A_24 : memref<200x48xbf16, #tpu.memory_space<vmem>>) offsets(%dma_start3A_26 : memref<200xi32, #tpu.memory_space<vmem>>) semaphore(%arg14 : memref<!tpu.dma_semaphore, #tpu.memory_space<semaphore_mem>>)
    %dma_start3A_30 = arith.constant 2 : i32
    %dma_start3A_31 = arith.constant 0 : i32
    %dma_start3A_32 = arith.constant 0 : i32
    %dma_start3A_33 = tpu.memref_slice %arg12[%dma_start3A_30, %dma_start3A_31, %dma_start3A_32] : memref<4x200x48xbf16, #tpu.memory_space<vmem>> -> memref<1x200x48xbf16, #tpu.memory_space<vmem>>
    %dma_start3A_34 = tpu.memref_squeeze %dma_start3A_33 : memref<1x200x48xbf16, #tpu.memory_space<vmem>> -> memref<200x48xbf16, #tpu.memory_space<vmem>>
    %dma_start3A_35 = arith.constant 0 : i32
    %dma_start3A_36 = tpu.memref_slice %arg10[%dma_start3A_35] : memref<5000xi32, #tpu.memory_space<vmem>> -> memref<200xi32, #tpu.memory_space<vmem>>
    %dma_start3A_37 = arith.constant 0 : i32
    %dma_start3A_38 = arith.constant 0 : i32
    %dma_start3A_39 = tpu.memref_slice %arg5[%dma_start3A_37, %dma_start3A_38] : memref<100000x48xbf16, #tpu.memory_space<hbm>> -> memref<100000x48xbf16, #tpu.memory_space<hbm>>
    tpu.enqueue_indirect_dma source(%dma_start3A_39 : memref<100000x48xbf16, #tpu.memory_space<hbm>>) target(%dma_start3A_34 : memref<200x48xbf16, #tpu.memory_space<vmem>>) offsets(%dma_start3A_36 : memref<200xi32, #tpu.memory_space<vmem>>) semaphore(%arg14 : memref<!tpu.dma_semaphore, #tpu.memory_space<semaphore_mem>>)
    %dma_start3A_40 = arith.constant 3 : i32
    %dma_start3A_41 = arith.constant 0 : i32
    %dma_start3A_42 = arith.constant 0 : i32
    %dma_start3A_43 = tpu.memref_slice %arg12[%dma_start3A_40, %dma_start3A_41, %dma_start3A_42] : memref<4x200x48xbf16, #tpu.memory_space<vmem>> -> memref<1x200x48xbf16, #tpu.memory_space<vmem>>
    %dma_start3A_44 = tpu.memref_squeeze %dma_start3A_43 : memref<1x200x48xbf16, #tpu.memory_space<vmem>> -> memref<200x48xbf16, #tpu.memory_space<vmem>>
    %dma_start3A_45 = arith.constant 0 : i32
    %dma_start3A_46 = tpu.memref_slice %arg11[%dma_start3A_45] : memref<5000xi32, #tpu.memory_space<vmem>> -> memref<200xi32, #tpu.memory_space<vmem>>
    %dma_start3A_47 = arith.constant 0 : i32
    %dma_start3A_48 = arith.constant 0 : i32
    %dma_start3A_49 = tpu.memref_slice %arg6[%dma_start3A_47, %dma_start3A_48] : memref<100000x48xbf16, #tpu.memory_space<hbm>> -> memref<100000x48xbf16, #tpu.memory_space<hbm>>
    tpu.enqueue_indirect_dma source(%dma_start3A_49 : memref<100000x48xbf16, #tpu.memory_space<hbm>>) target(%dma_start3A_44 : memref<200x48xbf16, #tpu.memory_space<vmem>>) offsets(%dma_start3A_46 : memref<200xi32, #tpu.memory_space<vmem>>) semaphore(%arg14 : memref<!tpu.dma_semaphore, #tpu.memory_space<semaphore_mem>>)
    %scan3A = arith.constant 0 : i32
    %scan3A_50 = arith.constant 0 : i32
    %scan3A_51 = arith.constant 12 : i32
    %scan3A_52 = arith.addi %scan3A_50, %scan3A_51 : i32
    %scan3A_53 = arith.constant 1 : i32
    scf.for %scan3A_102 = %scan3A_50 to %scan3A_52 step %scan3A_53  : i32 {
      %mul3A_103 = arith.constant 2 : i32
      %mul3A_104 = arith.muli %scan3A_102, %mul3A_103 : i32
      %add3A_105 = arith.constant 1 : i32
      %add3A_106 = arith.addi %mul3A_104, %add3A_105 : i32
      %mul3A_107 = arith.constant 200 : i32
      %mul3A_108 = arith.muli %add3A_106, %mul3A_107 : i32
      %dma_start3A_109 = arith.constant 0 : i32
      %dma_start3A_110 = arith.constant 0 : i32
      %dma_start3A_111 = arith.constant 0 : i32
      %dma_start3A_112 = tpu.memref_slice %arg13[%dma_start3A_109, %dma_start3A_110, %dma_start3A_111] : memref<4x200x48xbf16, #tpu.memory_space<vmem>> -> memref<1x200x48xbf16, #tpu.memory_space<vmem>>
      %dma_start3A_113 = tpu.memref_squeeze %dma_start3A_112 : memref<1x200x48xbf16, #tpu.memory_space<vmem>> -> memref<200x48xbf16, #tpu.memory_space<vmem>>
      %dma_start3A_114 = tpu.memref_slice %arg8[%mul3A_108] : memref<5000xi32, #tpu.memory_space<vmem>> -> memref<200xi32, #tpu.memory_space<vmem>>
      %dma_start3A_115 = arith.constant 0 : i32
      %dma_start3A_116 = arith.constant 0 : i32
      %dma_start3A_117 = tpu.memref_slice %arg3[%dma_start3A_115, %dma_start3A_116] : memref<100000x48xbf16, #tpu.memory_space<hbm>> -> memref<100000x48xbf16, #tpu.memory_space<hbm>>
      tpu.enqueue_indirect_dma source(%dma_start3A_117 : memref<100000x48xbf16, #tpu.memory_space<hbm>>) target(%dma_start3A_113 : memref<200x48xbf16, #tpu.memory_space<vmem>>) offsets(%dma_start3A_114 : memref<200xi32, #tpu.memory_space<vmem>>) semaphore(%arg15 : memref<!tpu.dma_semaphore, #tpu.memory_space<semaphore_mem>>)
      %dma_start3A_118 = arith.constant 1 : i32
      %dma_start3A_119 = arith.constant 0 : i32
      %dma_start3A_120 = arith.constant 0 : i32
      %dma_start3A_121 = tpu.memref_slice %arg13[%dma_start3A_118, %dma_start3A_119, %dma_start3A_120] : memref<4x200x48xbf16, #tpu.memory_space<vmem>> -> memref<1x200x48xbf16, #tpu.memory_space<vmem>>
      %dma_start3A_122 = tpu.memref_squeeze %dma_start3A_121 : memref<1x200x48xbf16, #tpu.memory_space<vmem>> -> memref<200x48xbf16, #tpu.memory_space<vmem>>
      %dma_start3A_123 = tpu.memref_slice %arg9[%mul3A_108] : memref<5000xi32, #tpu.memory_space<vmem>> -> memref<200xi32, #tpu.memory_space<vmem>>
      %dma_start3A_124 = arith.constant 0 : i32
      %dma_start3A_125 = arith.constant 0 : i32
      %dma_start3A_126 = tpu.memref_slice %arg4[%dma_start3A_124, %dma_start3A_125] : memref<100000x48xbf16, #tpu.memory_space<hbm>> -> memref<100000x48xbf16, #tpu.memory_space<hbm>>
      tpu.enqueue_indirect_dma source(%dma_start3A_126 : memref<100000x48xbf16, #tpu.memory_space<hbm>>) target(%dma_start3A_122 : memref<200x48xbf16, #tpu.memory_space<vmem>>) offsets(%dma_start3A_123 : memref<200xi32, #tpu.memory_space<vmem>>) semaphore(%arg15 : memref<!tpu.dma_semaphore, #tpu.memory_space<semaphore_mem>>)
      %dma_start3A_127 = arith.constant 2 : i32
      %dma_start3A_128 = arith.constant 0 : i32
      %dma_start3A_129 = arith.constant 0 : i32
      %dma_start3A_130 = tpu.memref_slice %arg13[%dma_start3A_127, %dma_start3A_128, %dma_start3A_129] : memref<4x200x48xbf16, #tpu.memory_space<vmem>> -> memref<1x200x48xbf16, #tpu.memory_space<vmem>>
      %dma_start3A_131 = tpu.memref_squeeze %dma_start3A_130 : memref<1x200x48xbf16, #tpu.memory_space<vmem>> -> memref<200x48xbf16, #tpu.memory_space<vmem>>
      %dma_start3A_132 = tpu.memref_slice %arg10[%mul3A_108] : memref<5000xi32, #tpu.memory_space<vmem>> -> memref<200xi32, #tpu.memory_space<vmem>>
      %dma_start3A_133 = arith.constant 0 : i32
      %dma_start3A_134 = arith.constant 0 : i32
      %dma_start3A_135 = tpu.memref_slice %arg5[%dma_start3A_133, %dma_start3A_134] : memref<100000x48xbf16, #tpu.memory_space<hbm>> -> memref<100000x48xbf16, #tpu.memory_space<hbm>>
      tpu.enqueue_indirect_dma source(%dma_start3A_135 : memref<100000x48xbf16, #tpu.memory_space<hbm>>) target(%dma_start3A_131 : memref<200x48xbf16, #tpu.memory_space<vmem>>) offsets(%dma_start3A_132 : memref<200xi32, #tpu.memory_space<vmem>>) semaphore(%arg15 : memref<!tpu.dma_semaphore, #tpu.memory_space<semaphore_mem>>)
      %dma_start3A_136 = arith.constant 3 : i32
      %dma_start3A_137 = arith.constant 0 : i32
      %dma_start3A_138 = arith.constant 0 : i32
      %dma_start3A_139 = tpu.memref_slice %arg13[%dma_start3A_136, %dma_start3A_137, %dma_start3A_138] : memref<4x200x48xbf16, #tpu.memory_space<vmem>> -> memref<1x200x48xbf16, #tpu.memory_space<vmem>>
      %dma_start3A_140 = tpu.memref_squeeze %dma_start3A_139 : memref<1x200x48xbf16, #tpu.memory_space<vmem>> -> memref<200x48xbf16, #tpu.memory_space<vmem>>
      %dma_start3A_141 = tpu.memref_slice %arg11[%mul3A_108] : memref<5000xi32, #tpu.memory_space<vmem>> -> memref<200xi32, #tpu.memory_space<vmem>>
      %dma_start3A_142 = arith.constant 0 : i32
      %dma_start3A_143 = arith.constant 0 : i32
      %dma_start3A_144 = tpu.memref_slice %arg6[%dma_start3A_142, %dma_start3A_143] : memref<100000x48xbf16, #tpu.memory_space<hbm>> -> memref<100000x48xbf16, #tpu.memory_space<hbm>>
      tpu.enqueue_indirect_dma source(%dma_start3A_144 : memref<100000x48xbf16, #tpu.memory_space<hbm>>) target(%dma_start3A_140 : memref<200x48xbf16, #tpu.memory_space<vmem>>) offsets(%dma_start3A_141 : memref<200xi32, #tpu.memory_space<vmem>>) semaphore(%arg15 : memref<!tpu.dma_semaphore, #tpu.memory_space<semaphore_mem>>)
      %dma_wait3A_145 = arith.constant 0 : i32
      %dma_wait3A_146 = arith.constant 0 : i32
      %dma_wait3A_147 = arith.constant 0 : i32
      %dma_wait3A_148 = tpu.memref_slice %arg12[%dma_wait3A_145, %dma_wait3A_146, %dma_wait3A_147] : memref<4x200x48xbf16, #tpu.memory_space<vmem>> -> memref<1x200x48xbf16, #tpu.memory_space<vmem>>
      %dma_wait3A_149 = tpu.memref_squeeze %dma_wait3A_148 : memref<1x200x48xbf16, #tpu.memory_space<vmem>> -> memref<200x48xbf16, #tpu.memory_space<vmem>>
      %dma_wait3A_150 = arith.constant 0 : i32
      %dma_wait3A_151 = tpu.memref_slice %arg8[%dma_wait3A_150] : memref<5000xi32, #tpu.memory_space<vmem>> -> memref<200xi32, #tpu.memory_space<vmem>>
      %dma_wait3A_152 = arith.constant 0 : i32
      %dma_wait3A_153 = arith.constant 0 : i32
      %dma_wait3A_154 = tpu.memref_slice %arg3[%dma_wait3A_152, %dma_wait3A_153] : memref<100000x48xbf16, #tpu.memory_space<hbm>> -> memref<100000x48xbf16, #tpu.memory_space<hbm>>
      tpu.wait_indirect_dma semaphore(%arg14 : memref<!tpu.dma_semaphore, #tpu.memory_space<semaphore_mem>>) src(%dma_wait3A_154 : memref<100000x48xbf16, #tpu.memory_space<hbm>>) dst(%dma_wait3A_149 : memref<200x48xbf16, #tpu.memory_space<vmem>>)
      %dma_wait3A_155 = arith.constant 1 : i32
      %dma_wait3A_156 = arith.constant 0 : i32
      %dma_wait3A_157 = arith.constant 0 : i32
      %dma_wait3A_158 = tpu.memref_slice %arg12[%dma_wait3A_155, %dma_wait3A_156, %dma_wait3A_157] : memref<4x200x48xbf16, #tpu.memory_space<vmem>> -> memref<1x200x48xbf16, #tpu.memory_space<vmem>>
      %dma_wait3A_159 = tpu.memref_squeeze %dma_wait3A_158 : memref<1x200x48xbf16, #tpu.memory_space<vmem>> -> memref<200x48xbf16, #tpu.memory_space<vmem>>
      %dma_wait3A_160 = arith.constant 0 : i32
      %dma_wait3A_161 = tpu.memref_slice %arg9[%dma_wait3A_160] : memref<5000xi32, #tpu.memory_space<vmem>> -> memref<200xi32, #tpu.memory_space<vmem>>
      %dma_wait3A_162 = arith.constant 0 : i32
      %dma_wait3A_163 = arith.constant 0 : i32
      %dma_wait3A_164 = tpu.memref_slice %arg4[%dma_wait3A_162, %dma_wait3A_163] : memref<100000x48xbf16, #tpu.memory_space<hbm>> -> memref<100000x48xbf16, #tpu.memory_space<hbm>>
      tpu.wait_indirect_dma semaphore(%arg14 : memref<!tpu.dma_semaphore, #tpu.memory_space<semaphore_mem>>) src(%dma_wait3A_164 : memref<100000x48xbf16, #tpu.memory_space<hbm>>) dst(%dma_wait3A_159 : memref<200x48xbf16, #tpu.memory_space<vmem>>)
      %dma_wait3A_165 = arith.constant 2 : i32
      %dma_wait3A_166 = arith.constant 0 : i32
      %dma_wait3A_167 = arith.constant 0 : i32
      %dma_wait3A_168 = tpu.memref_slice %arg12[%dma_wait3A_165, %dma_wait3A_166, %dma_wait3A_167] : memref<4x200x48xbf16, #tpu.memory_space<vmem>> -> memref<1x200x48xbf16, #tpu.memory_space<vmem>>
      %dma_wait3A_169 = tpu.memref_squeeze %dma_wait3A_168 : memref<1x200x48xbf16, #tpu.memory_space<vmem>> -> memref<200x48xbf16, #tpu.memory_space<vmem>>
      %dma_wait3A_170 = arith.constant 0 : i32
      %dma_wait3A_171 = tpu.memref_slice %arg10[%dma_wait3A_170] : memref<5000xi32, #tpu.memory_space<vmem>> -> memref<200xi32, #tpu.memory_space<vmem>>
      %dma_wait3A_172 = arith.constant 0 : i32
      %dma_wait3A_173 = arith.constant 0 : i32
      %dma_wait3A_174 = tpu.memref_slice %arg5[%dma_wait3A_172, %dma_wait3A_173] : memref<100000x48xbf16, #tpu.memory_space<hbm>> -> memref<100000x48xbf16, #tpu.memory_space<hbm>>
      tpu.wait_indirect_dma semaphore(%arg14 : memref<!tpu.dma_semaphore, #tpu.memory_space<semaphore_mem>>) src(%dma_wait3A_174 : memref<100000x48xbf16, #tpu.memory_space<hbm>>) dst(%dma_wait3A_169 : memref<200x48xbf16, #tpu.memory_space<vmem>>)
      %dma_wait3A_175 = arith.constant 3 : i32
      %dma_wait3A_176 = arith.constant 0 : i32
      %dma_wait3A_177 = arith.constant 0 : i32
      %dma_wait3A_178 = tpu.memref_slice %arg12[%dma_wait3A_175, %dma_wait3A_176, %dma_wait3A_177] : memref<4x200x48xbf16, #tpu.memory_space<vmem>> -> memref<1x200x48xbf16, #tpu.memory_space<vmem>>
      %dma_wait3A_179 = tpu.memref_squeeze %dma_wait3A_178 : memref<1x200x48xbf16, #tpu.memory_space<vmem>> -> memref<200x48xbf16, #tpu.memory_space<vmem>>
      %dma_wait3A_180 = arith.constant 0 : i32
      %dma_wait3A_181 = tpu.memref_slice %arg11[%dma_wait3A_180] : memref<5000xi32, #tpu.memory_space<vmem>> -> memref<200xi32, #tpu.memory_space<vmem>>
      %dma_wait3A_182 = arith.constant 0 : i32
      %dma_wait3A_183 = arith.constant 0 : i32
      %dma_wait3A_184 = tpu.memref_slice %arg6[%dma_wait3A_182, %dma_wait3A_183] : memref<100000x48xbf16, #tpu.memory_space<hbm>> -> memref<100000x48xbf16, #tpu.memory_space<hbm>>
      tpu.wait_indirect_dma semaphore(%arg14 : memref<!tpu.dma_semaphore, #tpu.memory_space<semaphore_mem>>) src(%dma_wait3A_184 : memref<100000x48xbf16, #tpu.memory_space<hbm>>) dst(%dma_wait3A_179 : memref<200x48xbf16, #tpu.memory_space<vmem>>)
      %scan3A_185 = arith.constant 0 : i32
      %scan3A_186 = arith.constant 0 : i32
      %scan3A_187 = arith.constant 100 : i32
      %scan3A_188 = arith.addi %scan3A_186, %scan3A_187 : i32
      %scan3A_189 = arith.constant 2 : i32
      scf.for %scan3A_287 = %scan3A_186 to %scan3A_188 step %scan3A_189  : i32 {
        %mul3A_288 = arith.constant 2 : i32
        %mul3A_289 = arith.muli %scan3A_287, %mul3A_288 : i32
        %get3A = arith.constant 0 : i32
        %get3A_290 = arith.index_cast %get3A : i32 to index
        %get3A_291 = arith.index_cast %mul3A_289 : i32 to index
        %get3A_292 = arith.constant 0 : index
        %get3A_293 = tpu.vector_load %arg12[%get3A_290, %get3A_291, %get3A_292] {strides = array<i32>} : memref<4x200x48xbf16, #tpu.memory_space<vmem>>, vector<1x2x16xbf16>,
        %get3A_294 = vector.shape_cast %get3A_293 : vector<1x2x16xbf16> to vector<2x16xbf16>
        %get3A_295 = arith.constant 1 : i32
        %get3A_296 = arith.index_cast %get3A_295 : i32 to index
        %get3A_297 = arith.index_cast %mul3A_289 : i32 to index
        %get3A_298 = arith.constant 0 : index
        %get3A_299 = tpu.vector_load %arg12[%get3A_296, %get3A_297, %get3A_298] {strides = array<i32>} : memref<4x200x48xbf16, #tpu.memory_space<vmem>>, vector<1x2x16xbf16>,
        %get3A_300 = vector.shape_cast %get3A_299 : vector<1x2x16xbf16> to vector<2x16xbf16>
        %add3A_301 = arith.addf %get3A_294, %get3A_300 : vector<2x16xbf16>
        %get3A_302 = arith.constant 2 : i32
        %get3A_303 = arith.index_cast %get3A_302 : i32 to index
        %get3A_304 = arith.index_cast %mul3A_289 : i32 to index
        %get3A_305 = arith.constant 0 : index
        %get3A_306 = tpu.vector_load %arg12[%get3A_303, %get3A_304, %get3A_305] {strides = array<i32>} : memref<4x200x48xbf16, #tpu.memory_space<vmem>>, vector<1x2x16xbf16>,
        %get3A_307 = vector.shape_cast %get3A_306 : vector<1x2x16xbf16> to vector<2x16xbf16>
        %add3A_308 = arith.addf %add3A_301, %get3A_307 : vector<2x16xbf16>
        %get3A_309 = arith.constant 3 : i32
        %get3A_310 = arith.index_cast %get3A_309 : i32 to index
        %get3A_311 = arith.index_cast %mul3A_289 : i32 to index
        %get3A_312 = arith.constant 0 : index
        %get3A_313 = tpu.vector_load %arg12[%get3A_310, %get3A_311, %get3A_312] {strides = array<i32>} : memref<4x200x48xbf16, #tpu.memory_space<vmem>>, vector<1x2x16xbf16>,
        %get3A_314 = vector.shape_cast %get3A_313 : vector<1x2x16xbf16> to vector<2x16xbf16>
        %add3A_315 = arith.addf %add3A_308, %get3A_314 : vector<2x16xbf16>
        %swap3A = arith.constant 0 : i32
        %swap3A_316 = arith.index_cast %swap3A : i32 to index
        %swap3A_317 = arith.index_cast %mul3A_289 : i32 to index
        %swap3A_318 = arith.constant 0 : index
        %swap3A_319 = tpu.vector_load %arg12[%swap3A_316, %swap3A_317, %swap3A_318] {strides = array<i32>} : memref<4x200x48xbf16, #tpu.memory_space<vmem>>, vector<1x2x16xbf16>,
        %swap3A_320 = vector.shape_cast %swap3A_319 : vector<1x2x16xbf16> to vector<2x16xbf16>
        %swap3A_321 = vector.shape_cast %add3A_315 : vector<2x16xbf16> to vector<1x2x16xbf16>
        tpu.vector_store %arg12[%swap3A_316, %swap3A_317, %swap3A_318], %swap3A_321 {strides = array<i32>} : memref<4x200x48xbf16, #tpu.memory_space<vmem>>, vector<1x2x16xbf16>,
        %get3A_322 = arith.constant 0 : i32
        %get3A_323 = arith.index_cast %get3A_322 : i32 to index
        %get3A_324 = arith.index_cast %mul3A_289 : i32 to index
        %get3A_325 = arith.constant 16 : index
        %get3A_326 = tpu.vector_load %arg12[%get3A_323, %get3A_324, %get3A_325] {strides = array<i32>} : memref<4x200x48xbf16, #tpu.memory_space<vmem>>, vector<1x2x16xbf16>,
        %get3A_327 = vector.shape_cast %get3A_326 : vector<1x2x16xbf16> to vector<2x16xbf16>
        %get3A_328 = arith.constant 1 : i32
        %get3A_329 = arith.index_cast %get3A_328 : i32 to index
        %get3A_330 = arith.index_cast %mul3A_289 : i32 to index
        %get3A_331 = arith.constant 16 : index
        %get3A_332 = tpu.vector_load %arg12[%get3A_329, %get3A_330, %get3A_331] {strides = array<i32>} : memref<4x200x48xbf16, #tpu.memory_space<vmem>>, vector<1x2x16xbf16>,
        %get3A_333 = vector.shape_cast %get3A_332 : vector<1x2x16xbf16> to vector<2x16xbf16>
        %add3A_334 = arith.addf %get3A_327, %get3A_333 : vector<2x16xbf16>
        %get3A_335 = arith.constant 2 : i32
        %get3A_336 = arith.index_cast %get3A_335 : i32 to index
        %get3A_337 = arith.index_cast %mul3A_289 : i32 to index
        %get3A_338 = arith.constant 16 : index
        %get3A_339 = tpu.vector_load %arg12[%get3A_336, %get3A_337, %get3A_338] {strides = array<i32>} : memref<4x200x48xbf16, #tpu.memory_space<vmem>>, vector<1x2x16xbf16>,
        %get3A_340 = vector.shape_cast %get3A_339 : vector<1x2x16xbf16> to vector<2x16xbf16>
        %add3A_341 = arith.addf %add3A_334, %get3A_340 : vector<2x16xbf16>
        %get3A_342 = arith.constant 3 : i32
        %get3A_343 = arith.index_cast %get3A_342 : i32 to index
        %get3A_344 = arith.index_cast %mul3A_289 : i32 to index
        %get3A_345 = arith.constant 16 : index
        %get3A_346 = tpu.vector_load %arg12[%get3A_343, %get3A_344, %get3A_345] {strides = array<i32>} : memref<4x200x48xbf16, #tpu.memory_space<vmem>>, vector<1x2x16xbf16>,
        %get3A_347 = vector.shape_cast %get3A_346 : vector<1x2x16xbf16> to vector<2x16xbf16>
        %add3A_348 = arith.addf %add3A_341, %get3A_347 : vector<2x16xbf16>
        %swap3A_349 = arith.constant 0 : i32
        %swap3A_350 = arith.index_cast %swap3A_349 : i32 to index
        %swap3A_351 = arith.index_cast %mul3A_289 : i32 to index
        %swap3A_352 = arith.constant 16 : index
        %swap3A_353 = tpu.vector_load %arg12[%swap3A_350, %swap3A_351, %swap3A_352] {strides = array<i32>} : memref<4x200x48xbf16, #tpu.memory_space<vmem>>, vector<1x2x16xbf16>,
        %swap3A_354 = vector.shape_cast %swap3A_353 : vector<1x2x16xbf16> to vector<2x16xbf16>
        %swap3A_355 = vector.shape_cast %add3A_348 : vector<2x16xbf16> to vector<1x2x16xbf16>
        tpu.vector_store %arg12[%swap3A_350, %swap3A_351, %swap3A_352], %swap3A_355 {strides = array<i32>} : memref<4x200x48xbf16, #tpu.memory_space<vmem>>, vector<1x2x16xbf16>,
        %get3A_356 = arith.constant 0 : i32
        %get3A_357 = arith.index_cast %get3A_356 : i32 to index
        %get3A_358 = arith.index_cast %mul3A_289 : i32 to index
        %get3A_359 = arith.constant 32 : index
        %get3A_360 = tpu.vector_load %arg12[%get3A_357, %get3A_358, %get3A_359] {strides = array<i32>} : memref<4x200x48xbf16, #tpu.memory_space<vmem>>, vector<1x2x16xbf16>,
        %get3A_361 = vector.shape_cast %get3A_360 : vector<1x2x16xbf16> to vector<2x16xbf16>
        %get3A_362 = arith.constant 1 : i32
        %get3A_363 = arith.index_cast %get3A_362 : i32 to index
        %get3A_364 = arith.index_cast %mul3A_289 : i32 to index
        %get3A_365 = arith.constant 32 : index
        %get3A_366 = tpu.vector_load %arg12[%get3A_363, %get3A_364, %get3A_365] {strides = array<i32>} : memref<4x200x48xbf16, #tpu.memory_space<vmem>>, vector<1x2x16xbf16>,
        %get3A_367 = vector.shape_cast %get3A_366 : vector<1x2x16xbf16> to vector<2x16xbf16>
        %add3A_368 = arith.addf %get3A_361, %get3A_367 : vector<2x16xbf16>
        %get3A_369 = arith.constant 2 : i32
        %get3A_370 = arith.index_cast %get3A_369 : i32 to index
        %get3A_371 = arith.index_cast %mul3A_289 : i32 to index
        %get3A_372 = arith.constant 32 : index
        %get3A_373 = tpu.vector_load %arg12[%get3A_370, %get3A_371, %get3A_372] {strides = array<i32>} : memref<4x200x48xbf16, #tpu.memory_space<vmem>>, vector<1x2x16xbf16>,
        %get3A_374 = vector.shape_cast %get3A_373 : vector<1x2x16xbf16> to vector<2x16xbf16>
        %add3A_375 = arith.addf %add3A_368, %get3A_374 : vector<2x16xbf16>
        %get3A_376 = arith.constant 3 : i32
        %get3A_377 = arith.index_cast %get3A_376 : i32 to index
        %get3A_378 = arith.index_cast %mul3A_289 : i32 to index
        %get3A_379 = arith.constant 32 : index
        %get3A_380 = tpu.vector_load %arg12[%get3A_377, %get3A_378, %get3A_379] {strides = array<i32>} : memref<4x200x48xbf16, #tpu.memory_space<vmem>>, vector<1x2x16xbf16>,
        %get3A_381 = vector.shape_cast %get3A_380 : vector<1x2x16xbf16> to vector<2x16xbf16>
        %add3A_382 = arith.addf %add3A_375, %get3A_381 : vector<2x16xbf16>
        %swap3A_383 = arith.constant 0 : i32
        %swap3A_384 = arith.index_cast %swap3A_383 : i32 to index
        %swap3A_385 = arith.index_cast %mul3A_289 : i32 to index
        %swap3A_386 = arith.constant 32 : index
        %swap3A_387 = tpu.vector_load %arg12[%swap3A_384, %swap3A_385, %swap3A_386] {strides = array<i32>} : memref<4x200x48xbf16, #tpu.memory_space<vmem>>, vector<1x2x16xbf16>,
        %swap3A_388 = vector.shape_cast %swap3A_387 : vector<1x2x16xbf16> to vector<2x16xbf16>
        %swap3A_389 = vector.shape_cast %add3A_382 : vector<2x16xbf16> to vector<1x2x16xbf16>
        tpu.vector_store %arg12[%swap3A_384, %swap3A_385, %swap3A_386], %swap3A_389 {strides = array<i32>} : memref<4x200x48xbf16, #tpu.memory_space<vmem>>, vector<1x2x16xbf16>,
        %scan3A_390 = arith.constant 1 : i32
        %scan3A_391 = arith.addi %scan3A_287, %scan3A_390 : i32
        %mul3A_392 = arith.constant 2 : i32
        %mul3A_393 = arith.muli %scan3A_391, %mul3A_392 : i32
        %get3A_394 = arith.constant 0 : i32
        %get3A_395 = arith.index_cast %get3A_394 : i32 to index
        %get3A_396 = arith.index_cast %mul3A_393 : i32 to index
        %get3A_397 = arith.constant 0 : index
        %get3A_398 = tpu.vector_load %arg12[%get3A_395, %get3A_396, %get3A_397] {strides = array<i32>} : memref<4x200x48xbf16, #tpu.memory_space<vmem>>, vector<1x2x16xbf16>,
        %get3A_399 = vector.shape_cast %get3A_398 : vector<1x2x16xbf16> to vector<2x16xbf16>
        %get3A_400 = arith.constant 1 : i32
        %get3A_401 = arith.index_cast %get3A_400 : i32 to index
        %get3A_402 = arith.index_cast %mul3A_393 : i32 to index
        %get3A_403 = arith.constant 0 : index
        %get3A_404 = tpu.vector_load %arg12[%get3A_401, %get3A_402, %get3A_403] {strides = array<i32>} : memref<4x200x48xbf16, #tpu.memory_space<vmem>>, vector<1x2x16xbf16>,
        %get3A_405 = vector.shape_cast %get3A_404 : vector<1x2x16xbf16> to vector<2x16xbf16>
        %add3A_406 = arith.addf %get3A_399, %get3A_405 : vector<2x16xbf16>
        %get3A_407 = arith.constant 2 : i32
        %get3A_408 = arith.index_cast %get3A_407 : i32 to index
        %get3A_409 = arith.index_cast %mul3A_393 : i32 to index
        %get3A_410 = arith.constant 0 : index
        %get3A_411 = tpu.vector_load %arg12[%get3A_408, %get3A_409, %get3A_410] {strides = array<i32>} : memref<4x200x48xbf16, #tpu.memory_space<vmem>>, vector<1x2x16xbf16>,
        %get3A_412 = vector.shape_cast %get3A_411 : vector<1x2x16xbf16> to vector<2x16xbf16>
        %add3A_413 = arith.addf %add3A_406, %get3A_412 : vector<2x16xbf16>
        %get3A_414 = arith.constant 3 : i32
        %get3A_415 = arith.index_cast %get3A_414 : i32 to index
        %get3A_416 = arith.index_cast %mul3A_393 : i32 to index
        %get3A_417 = arith.constant 0 : index
        %get3A_418 = tpu.vector_load %arg12[%get3A_415, %get3A_416, %get3A_417] {strides = array<i32>} : memref<4x200x48xbf16, #tpu.memory_space<vmem>>, vector<1x2x16xbf16>,
        %get3A_419 = vector.shape_cast %get3A_418 : vector<1x2x16xbf16> to vector<2x16xbf16>
        %add3A_420 = arith.addf %add3A_413, %get3A_419 : vector<2x16xbf16>
        %swap3A_421 = arith.constant 0 : i32
        %swap3A_422 = arith.index_cast %swap3A_421 : i32 to index
        %swap3A_423 = arith.index_cast %mul3A_393 : i32 to index
        %swap3A_424 = arith.constant 0 : index
        %swap3A_425 = tpu.vector_load %arg12[%swap3A_422, %swap3A_423, %swap3A_424] {strides = array<i32>} : memref<4x200x48xbf16, #tpu.memory_space<vmem>>, vector<1x2x16xbf16>,
        %swap3A_426 = vector.shape_cast %swap3A_425 : vector<1x2x16xbf16> to vector<2x16xbf16>
        %swap3A_427 = vector.shape_cast %add3A_420 : vector<2x16xbf16> to vector<1x2x16xbf16>
        tpu.vector_store %arg12[%swap3A_422, %swap3A_423, %swap3A_424], %swap3A_427 {strides = array<i32>} : memref<4x200x48xbf16, #tpu.memory_space<vmem>>, vector<1x2x16xbf16>,
        %get3A_428 = arith.constant 0 : i32
        %get3A_429 = arith.index_cast %get3A_428 : i32 to index
        %get3A_430 = arith.index_cast %mul3A_393 : i32 to index
        %get3A_431 = arith.constant 16 : index
        %get3A_432 = tpu.vector_load %arg12[%get3A_429, %get3A_430, %get3A_431] {strides = array<i32>} : memref<4x200x48xbf16, #tpu.memory_space<vmem>>, vector<1x2x16xbf16>,
        %get3A_433 = vector.shape_cast %get3A_432 : vector<1x2x16xbf16> to vector<2x16xbf16>
        %get3A_434 = arith.constant 1 : i32
        %get3A_435 = arith.index_cast %get3A_434 : i32 to index
        %get3A_436 = arith.index_cast %mul3A_393 : i32 to index
        %get3A_437 = arith.constant 16 : index
        %get3A_438 = tpu.vector_load %arg12[%get3A_435, %get3A_436, %get3A_437] {strides = array<i32>} : memref<4x200x48xbf16, #tpu.memory_space<vmem>>, vector<1x2x16xbf16>,
        %get3A_439 = vector.shape_cast %get3A_438 : vector<1x2x16xbf16> to vector<2x16xbf16>
        %add3A_440 = arith.addf %get3A_433, %get3A_439 : vector<2x16xbf16>
        %get3A_441 = arith.constant 2 : i32
        %get3A_442 = arith.index_cast %get3A_441 : i32 to index
        %get3A_443 = arith.index_cast %mul3A_393 : i32 to index
        %get3A_444 = arith.constant 16 : index
        %get3A_445 = tpu.vector_load %arg12[%get3A_442, %get3A_443, %get3A_444] {strides = array<i32>} : memref<4x200x48xbf16, #tpu.memory_space<vmem>>, vector<1x2x16xbf16>,
        %get3A_446 = vector.shape_cast %get3A_445 : vector<1x2x16xbf16> to vector<2x16xbf16>
        %add3A_447 = arith.addf %add3A_440, %get3A_446 : vector<2x16xbf16>
        %get3A_448 = arith.constant 3 : i32
        %get3A_449 = arith.index_cast %get3A_448 : i32 to index
        %get3A_450 = arith.index_cast %mul3A_393 : i32 to index
        %get3A_451 = arith.constant 16 : index
        %get3A_452 = tpu.vector_load %arg12[%get3A_449, %get3A_450, %get3A_451] {strides = array<i32>} : memref<4x200x48xbf16, #tpu.memory_space<vmem>>, vector<1x2x16xbf16>,
        %get3A_453 = vector.shape_cast %get3A_452 : vector<1x2x16xbf16> to vector<2x16xbf16>
        %add3A_454 = arith.addf %add3A_447, %get3A_453 : vector<2x16xbf16>
        %swap3A_455 = arith.constant 0 : i32
        %swap3A_456 = arith.index_cast %swap3A_455 : i32 to index
        %swap3A_457 = arith.index_cast %mul3A_393 : i32 to index
        %swap3A_458 = arith.constant 16 : index
        %swap3A_459 = tpu.vector_load %arg12[%swap3A_456, %swap3A_457, %swap3A_458] {strides = array<i32>} : memref<4x200x48xbf16, #tpu.memory_space<vmem>>, vector<1x2x16xbf16>,
        %swap3A_460 = vector.shape_cast %swap3A_459 : vector<1x2x16xbf16> to vector<2x16xbf16>
        %swap3A_461 = vector.shape_cast %add3A_454 : vector<2x16xbf16> to vector<1x2x16xbf16>
        tpu.vector_store %arg12[%swap3A_456, %swap3A_457, %swap3A_458], %swap3A_461 {strides = array<i32>} : memref<4x200x48xbf16, #tpu.memory_space<vmem>>, vector<1x2x16xbf16>,
        %get3A_462 = arith.constant 0 : i32
        %get3A_463 = arith.index_cast %get3A_462 : i32 to index
        %get3A_464 = arith.index_cast %mul3A_393 : i32 to index
        %get3A_465 = arith.constant 32 : index
        %get3A_466 = tpu.vector_load %arg12[%get3A_463, %get3A_464, %get3A_465] {strides = array<i32>} : memref<4x200x48xbf16, #tpu.memory_space<vmem>>, vector<1x2x16xbf16>,
        %get3A_467 = vector.shape_cast %get3A_466 : vector<1x2x16xbf16> to vector<2x16xbf16>
        %get3A_468 = arith.constant 1 : i32
        %get3A_469 = arith.index_cast %get3A_468 : i32 to index
        %get3A_470 = arith.index_cast %mul3A_393 : i32 to index
        %get3A_471 = arith.constant 32 : index
        %get3A_472 = tpu.vector_load %arg12[%get3A_469, %get3A_470, %get3A_471] {strides = array<i32>} : memref<4x200x48xbf16, #tpu.memory_space<vmem>>, vector<1x2x16xbf16>,
        %get3A_473 = vector.shape_cast %get3A_472 : vector<1x2x16xbf16> to vector<2x16xbf16>
        %add3A_474 = arith.addf %get3A_467, %get3A_473 : vector<2x16xbf16>
        %get3A_475 = arith.constant 2 : i32
        %get3A_476 = arith.index_cast %get3A_475 : i32 to index
        %get3A_477 = arith.index_cast %mul3A_393 : i32 to index
        %get3A_478 = arith.constant 32 : index
        %get3A_479 = tpu.vector_load %arg12[%get3A_476, %get3A_477, %get3A_478] {strides = array<i32>} : memref<4x200x48xbf16, #tpu.memory_space<vmem>>, vector<1x2x16xbf16>,
        %get3A_480 = vector.shape_cast %get3A_479 : vector<1x2x16xbf16> to vector<2x16xbf16>
        %add3A_481 = arith.addf %add3A_474, %get3A_480 : vector<2x16xbf16>
        %get3A_482 = arith.constant 3 : i32
        %get3A_483 = arith.index_cast %get3A_482 : i32 to index
        %get3A_484 = arith.index_cast %mul3A_393 : i32 to index
        %get3A_485 = arith.constant 32 : index
        %get3A_486 = tpu.vector_load %arg12[%get3A_483, %get3A_484, %get3A_485] {strides = array<i32>} : memref<4x200x48xbf16, #tpu.memory_space<vmem>>, vector<1x2x16xbf16>,
        %get3A_487 = vector.shape_cast %get3A_486 : vector<1x2x16xbf16> to vector<2x16xbf16>
        %add3A_488 = arith.addf %add3A_481, %get3A_487 : vector<2x16xbf16>
        %swap3A_489 = arith.constant 0 : i32
        %swap3A_490 = arith.index_cast %swap3A_489 : i32 to index
        %swap3A_491 = arith.index_cast %mul3A_393 : i32 to index
        %swap3A_492 = arith.constant 32 : index
        %swap3A_493 = tpu.vector_load %arg12[%swap3A_490, %swap3A_491, %swap3A_492] {strides = array<i32>} : memref<4x200x48xbf16, #tpu.memory_space<vmem>>, vector<1x2x16xbf16>,
        %swap3A_494 = vector.shape_cast %swap3A_493 : vector<1x2x16xbf16> to vector<2x16xbf16>
        %swap3A_495 = vector.shape_cast %add3A_488 : vector<2x16xbf16> to vector<1x2x16xbf16>
        tpu.vector_store %arg12[%swap3A_490, %swap3A_491, %swap3A_492], %swap3A_495 {strides = array<i32>} : memref<4x200x48xbf16, #tpu.memory_space<vmem>>, vector<1x2x16xbf16>,
      }
      %scan3A_190 = arith.constant 100 : i32
      %mul3A_191 = arith.constant 200 : i32
      %mul3A_192 = arith.muli %mul3A_104, %mul3A_191 : i32
      %add3A_193 = arith.addi %mul3A_2, %mul3A_192 : i32
      %run_scoped3A_194 = arith.constant 0 : i32
      "tpu.region"() ({
        %run_scoped3A_287 = tpu.sem_alloc : memref<!tpu.dma_semaphore, #tpu.memory_space<semaphore_mem>>
        %dma_start3A_288 = arith.constant 0 : i32
        %dma_start3A_289 = arith.constant 0 : i32
        %dma_start3A_290 = tpu.memref_slice %arg12[%run_scoped3A_194, %dma_start3A_288, %dma_start3A_289] : memref<4x200x48xbf16, #tpu.memory_space<vmem>> -> memref<1x200x48xbf16, #tpu.memory_space<vmem>>
        %dma_start3A_291 = tpu.memref_squeeze %dma_start3A_290 : memref<1x200x48xbf16, #tpu.memory_space<vmem>> -> memref<200x48xbf16, #tpu.memory_space<vmem>>
        %dma_start3A_292 = arith.constant 0 : i32
        %dma_start3A_293 = tpu.memref_slice %arg7[%add3A_193, %dma_start3A_292] : memref<160000x128xbf16, #tpu.memory_space<hbm>> -> memref<200x48xbf16, #tpu.memory_space<hbm>>
        %dma_start3A_294 = arith.constant 0 : i32
        %dma_start3A_295 = tpu.memref_slice %arg7[%add3A_193, %dma_start3A_294] : memref<160000x128xbf16, #tpu.memory_space<hbm>> -> memref<200x48xbf16, #tpu.memory_space<hbm>>
        %dma_start3A_296 = arith.constant 0 : i32
        %dma_start3A_297 = arith.constant 0 : i32
        %dma_start3A_298 = tpu.memref_slice %arg12[%run_scoped3A_194, %dma_start3A_296, %dma_start3A_297] : memref<4x200x48xbf16, #tpu.memory_space<vmem>> -> memref<1x200x48xbf16, #tpu.memory_space<vmem>>
        %dma_start3A_299 = tpu.memref_squeeze %dma_start3A_298 : memref<1x200x48xbf16, #tpu.memory_space<vmem>> -> memref<200x48xbf16, #tpu.memory_space<vmem>>
        tpu.enqueue_dma source(%dma_start3A_299 : memref<200x48xbf16, #tpu.memory_space<vmem>>) target(%dma_start3A_295 : memref<200x48xbf16, #tpu.memory_space<hbm>>) target_semaphore(%run_scoped3A_287 : memref<!tpu.dma_semaphore, #tpu.memory_space<semaphore_mem>>)
        %dma_wait3A_300 = arith.constant 0 : i32
        %dma_wait3A_301 = arith.constant 0 : i32
        %dma_wait3A_302 = tpu.memref_slice %arg12[%run_scoped3A_194, %dma_wait3A_300, %dma_wait3A_301] : memref<4x200x48xbf16, #tpu.memory_space<vmem>> -> memref<1x200x48xbf16, #tpu.memory_space<vmem>>
        %dma_wait3A_303 = tpu.memref_squeeze %dma_wait3A_302 : memref<1x200x48xbf16, #tpu.memory_space<vmem>> -> memref<200x48xbf16, #tpu.memory_space<vmem>>
        %dma_wait3A_304 = arith.constant 0 : i32
        %dma_wait3A_305 = tpu.memref_slice %arg7[%add3A_193, %dma_wait3A_304] : memref<160000x128xbf16, #tpu.memory_space<hbm>> -> memref<200x48xbf16, #tpu.memory_space<hbm>>
        %dma_wait3A_306 = arith.constant 0 : i32
        %dma_wait3A_307 = tpu.memref_slice %arg7[%add3A_193, %dma_wait3A_306] : memref<160000x128xbf16, #tpu.memory_space<hbm>> -> memref<200x48xbf16, #tpu.memory_space<hbm>>
        %dma_wait3A_308 = arith.constant 0 : i32
        %dma_wait3A_309 = arith.constant 0 : i32
        %dma_wait3A_310 = tpu.memref_slice %arg12[%run_scoped3A_194, %dma_wait3A_308, %dma_wait3A_309] : memref<4x200x48xbf16, #tpu.memory_space<vmem>> -> memref<1x200x48xbf16, #tpu.memory_space<vmem>>
        %dma_wait3A_311 = tpu.memref_squeeze %dma_wait3A_310 : memref<1x200x48xbf16, #tpu.memory_space<vmem>> -> memref<200x48xbf16, #tpu.memory_space<vmem>>
        tpu.wait_dma2 semaphore(%run_scoped3A_287 : memref<!tpu.dma_semaphore, #tpu.memory_space<semaphore_mem>>) src(%dma_wait3A_311 : memref<200x48xbf16, #tpu.memory_space<vmem>>) dst(%dma_wait3A_307 : memref<200x48xbf16, #tpu.memory_space<hbm>>)
        tpu.yield
      }) : () -> ()
      %add3A_195 = arith.constant 2 : i32
      %add3A_196 = arith.addi %mul3A_104, %add3A_195 : i32
      %mul3A_197 = arith.constant 200 : i32
      %mul3A_198 = arith.muli %add3A_196, %mul3A_197 : i32
      %dma_start3A_199 = arith.constant 0 : i32
      %dma_start3A_200 = arith.constant 0 : i32
      %dma_start3A_201 = arith.constant 0 : i32
      %dma_start3A_202 = tpu.memref_slice %arg12[%dma_start3A_199, %dma_start3A_200, %dma_start3A_201] : memref<4x200x48xbf16, #tpu.memory_space<vmem>> -> memref<1x200x48xbf16, #tpu.memory_space<vmem>>
      %dma_start3A_203 = tpu.memref_squeeze %dma_start3A_202 : memref<1x200x48xbf16, #tpu.memory_space<vmem>> -> memref<200x48xbf16, #tpu.memory_space<vmem>>
      %dma_start3A_204 = tpu.memref_slice %arg8[%mul3A_198] : memref<5000xi32, #tpu.memory_space<vmem>> -> memref<200xi32, #tpu.memory_space<vmem>>
      %dma_start3A_205 = arith.constant 0 : i32
      %dma_start3A_206 = arith.constant 0 : i32
      %dma_start3A_207 = tpu.memref_slice %arg3[%dma_start3A_205, %dma_start3A_206] : memref<100000x48xbf16, #tpu.memory_space<hbm>> -> memref<100000x48xbf16, #tpu.memory_space<hbm>>
      tpu.enqueue_indirect_dma source(%dma_start3A_207 : memref<100000x48xbf16, #tpu.memory_space<hbm>>) target(%dma_start3A_203 : memref<200x48xbf16, #tpu.memory_space<vmem>>) offsets(%dma_start3A_204 : memref<200xi32, #tpu.memory_space<vmem>>) semaphore(%arg14 : memref<!tpu.dma_semaphore, #tpu.memory_space<semaphore_mem>>)
      %dma_start3A_208 = arith.constant 1 : i32
      %dma_start3A_209 = arith.constant 0 : i32
      %dma_start3A_210 = arith.constant 0 : i32
      %dma_start3A_211 = tpu.memref_slice %arg12[%dma_start3A_208, %dma_start3A_209, %dma_start3A_210] : memref<4x200x48xbf16, #tpu.memory_space<vmem>> -> memref<1x200x48xbf16, #tpu.memory_space<vmem>>
      %dma_start3A_212 = tpu.memref_squeeze %dma_start3A_211 : memref<1x200x48xbf16, #tpu.memory_space<vmem>> -> memref<200x48xbf16, #tpu.memory_space<vmem>>
      %dma_start3A_213 = tpu.memref_slice %arg9[%mul3A_198] : memref<5000xi32, #tpu.memory_space<vmem>> -> memref<200xi32, #tpu.memory_space<vmem>>
      %dma_start3A_214 = arith.constant 0 : i32
      %dma_start3A_215 = arith.constant 0 : i32
      %dma_start3A_216 = tpu.memref_slice %arg4[%dma_start3A_214, %dma_start3A_215] : memref<100000x48xbf16, #tpu.memory_space<hbm>> -> memref<100000x48xbf16, #tpu.memory_space<hbm>>
      tpu.enqueue_indirect_dma source(%dma_start3A_216 : memref<100000x48xbf16, #tpu.memory_space<hbm>>) target(%dma_start3A_212 : memref<200x48xbf16, #tpu.memory_space<vmem>>) offsets(%dma_start3A_213 : memref<200xi32, #tpu.memory_space<vmem>>) semaphore(%arg14 : memref<!tpu.dma_semaphore, #tpu.memory_space<semaphore_mem>>)
      %dma_start3A_217 = arith.constant 2 : i32
      %dma_start3A_218 = arith.constant 0 : i32
      %dma_start3A_219 = arith.constant 0 : i32
      %dma_start3A_220 = tpu.memref_slice %arg12[%dma_start3A_217, %dma_start3A_218, %dma_start3A_219] : memref<4x200x48xbf16, #tpu.memory_space<vmem>> -> memref<1x200x48xbf16, #tpu.memory_space<vmem>>
      %dma_start3A_221 = tpu.memref_squeeze %dma_start3A_220 : memref<1x200x48xbf16, #tpu.memory_space<vmem>> -> memref<200x48xbf16, #tpu.memory_space<vmem>>
      %dma_start3A_222 = tpu.memref_slice %arg10[%mul3A_198] : memref<5000xi32, #tpu.memory_space<vmem>> -> memref<200xi32, #tpu.memory_space<vmem>>
      %dma_start3A_223 = arith.constant 0 : i32
      %dma_start3A_224 = arith.constant 0 : i32
      %dma_start3A_225 = tpu.memref_slice %arg5[%dma_start3A_223, %dma_start3A_224] : memref<100000x48xbf16, #tpu.memory_space<hbm>> -> memref<100000x48xbf16, #tpu.memory_space<hbm>>
      tpu.enqueue_indirect_dma source(%dma_start3A_225 : memref<100000x48xbf16, #tpu.memory_space<hbm>>) target(%dma_start3A_221 : memref<200x48xbf16, #tpu.memory_space<vmem>>) offsets(%dma_start3A_222 : memref<200xi32, #tpu.memory_space<vmem>>) semaphore(%arg14 : memref<!tpu.dma_semaphore, #tpu.memory_space<semaphore_mem>>)
      %dma_start3A_226 = arith.constant 3 : i32
      %dma_start3A_227 = arith.constant 0 : i32
      %dma_start3A_228 = arith.constant 0 : i32
      %dma_start3A_229 = tpu.memref_slice %arg12[%dma_start3A_226, %dma_start3A_227, %dma_start3A_228] : memref<4x200x48xbf16, #tpu.memory_space<vmem>> -> memref<1x200x48xbf16, #tpu.memory_space<vmem>>
      %dma_start3A_230 = tpu.memref_squeeze %dma_start3A_229 : memref<1x200x48xbf16, #tpu.memory_space<vmem>> -> memref<200x48xbf16, #tpu.memory_space<vmem>>
      %dma_start3A_231 = tpu.memref_slice %arg11[%mul3A_198] : memref<5000xi32, #tpu.memory_space<vmem>> -> memref<200xi32, #tpu.memory_space<vmem>>
      %dma_start3A_232 = arith.constant 0 : i32
      %dma_start3A_233 = arith.constant 0 : i32
      %dma_start3A_234 = tpu.memref_slice %arg6[%dma_start3A_232, %dma_start3A_233] : memref<100000x48xbf16, #tpu.memory_space<hbm>> -> memref<100000x48xbf16, #tpu.memory_space<hbm>>
      tpu.enqueue_indirect_dma source(%dma_start3A_234 : memref<100000x48xbf16, #tpu.memory_space<hbm>>) target(%dma_start3A_230 : memref<200x48xbf16, #tpu.memory_space<vmem>>) offsets(%dma_start3A_231 : memref<200xi32, #tpu.memory_space<vmem>>) semaphore(%arg14 : memref<!tpu.dma_semaphore, #tpu.memory_space<semaphore_mem>>)
      %dma_wait3A_235 = arith.constant 0 : i32
      %dma_wait3A_236 = arith.constant 0 : i32
      %dma_wait3A_237 = arith.constant 0 : i32
      %dma_wait3A_238 = tpu.memref_slice %arg13[%dma_wait3A_235, %dma_wait3A_236, %dma_wait3A_237] : memref<4x200x48xbf16, #tpu.memory_space<vmem>> -> memref<1x200x48xbf16, #tpu.memory_space<vmem>>
      %dma_wait3A_239 = tpu.memref_squeeze %dma_wait3A_238 : memref<1x200x48xbf16, #tpu.memory_space<vmem>> -> memref<200x48xbf16, #tpu.memory_space<vmem>>
      %dma_wait3A_240 = arith.constant 0 : i32
      %dma_wait3A_241 = tpu.memref_slice %arg8[%dma_wait3A_240] : memref<5000xi32, #tpu.memory_space<vmem>> -> memref<200xi32, #tpu.memory_space<vmem>>
      %dma_wait3A_242 = arith.constant 0 : i32
      %dma_wait3A_243 = arith.constant 0 : i32
      %dma_wait3A_244 = tpu.memref_slice %arg3[%dma_wait3A_242, %dma_wait3A_243] : memref<100000x48xbf16, #tpu.memory_space<hbm>> -> memref<100000x48xbf16, #tpu.memory_space<hbm>>
      tpu.wait_indirect_dma semaphore(%arg15 : memref<!tpu.dma_semaphore, #tpu.memory_space<semaphore_mem>>) src(%dma_wait3A_244 : memref<100000x48xbf16, #tpu.memory_space<hbm>>) dst(%dma_wait3A_239 : memref<200x48xbf16, #tpu.memory_space<vmem>>)
      %dma_wait3A_245 = arith.constant 1 : i32
      %dma_wait3A_246 = arith.constant 0 : i32
      %dma_wait3A_247 = arith.constant 0 : i32
      %dma_wait3A_248 = tpu.memref_slice %arg13[%dma_wait3A_245, %dma_wait3A_246, %dma_wait3A_247] : memref<4x200x48xbf16, #tpu.memory_space<vmem>> -> memref<1x200x48xbf16, #tpu.memory_space<vmem>>
      %dma_wait3A_249 = tpu.memref_squeeze %dma_wait3A_248 : memref<1x200x48xbf16, #tpu.memory_space<vmem>> -> memref<200x48xbf16, #tpu.memory_space<vmem>>
      %dma_wait3A_250 = arith.constant 0 : i32
      %dma_wait3A_251 = tpu.memref_slice %arg9[%dma_wait3A_250] : memref<5000xi32, #tpu.memory_space<vmem>> -> memref<200xi32, #tpu.memory_space<vmem>>
      %dma_wait3A_252 = arith.constant 0 : i32
      %dma_wait3A_253 = arith.constant 0 : i32
      %dma_wait3A_254 = tpu.memref_slice %arg4[%dma_wait3A_252, %dma_wait3A_253] : memref<100000x48xbf16, #tpu.memory_space<hbm>> -> memref<100000x48xbf16, #tpu.memory_space<hbm>>
      tpu.wait_indirect_dma semaphore(%arg15 : memref<!tpu.dma_semaphore, #tpu.memory_space<semaphore_mem>>) src(%dma_wait3A_254 : memref<100000x48xbf16, #tpu.memory_space<hbm>>) dst(%dma_wait3A_249 : memref<200x48xbf16, #tpu.memory_space<vmem>>)
      %dma_wait3A_255 = arith.constant 2 : i32
      %dma_wait3A_256 = arith.constant 0 : i32
      %dma_wait3A_257 = arith.constant 0 : i32
      %dma_wait3A_258 = tpu.memref_slice %arg13[%dma_wait3A_255, %dma_wait3A_256, %dma_wait3A_257] : memref<4x200x48xbf16, #tpu.memory_space<vmem>> -> memref<1x200x48xbf16, #tpu.memory_space<vmem>>
      %dma_wait3A_259 = tpu.memref_squeeze %dma_wait3A_258 : memref<1x200x48xbf16, #tpu.memory_space<vmem>> -> memref<200x48xbf16, #tpu.memory_space<vmem>>
      %dma_wait3A_260 = arith.constant 0 : i32
      %dma_wait3A_261 = tpu.memref_slice %arg10[%dma_wait3A_260] : memref<5000xi32, #tpu.memory_space<vmem>> -> memref<200xi32, #tpu.memory_space<vmem>>
      %dma_wait3A_262 = arith.constant 0 : i32
      %dma_wait3A_263 = arith.constant 0 : i32
      %dma_wait3A_264 = tpu.memref_slice %arg5[%dma_wait3A_262, %dma_wait3A_263] : memref<100000x48xbf16, #tpu.memory_space<hbm>> -> memref<100000x48xbf16, #tpu.memory_space<hbm>>
      tpu.wait_indirect_dma semaphore(%arg15 : memref<!tpu.dma_semaphore, #tpu.memory_space<semaphore_mem>>) src(%dma_wait3A_264 : memref<100000x48xbf16, #tpu.memory_space<hbm>>) dst(%dma_wait3A_259 : memref<200x48xbf16, #tpu.memory_space<vmem>>)
      %dma_wait3A_265 = arith.constant 3 : i32
      %dma_wait3A_266 = arith.constant 0 : i32
      %dma_wait3A_267 = arith.constant 0 : i32
      %dma_wait3A_268 = tpu.memref_slice %arg13[%dma_wait3A_265, %dma_wait3A_266, %dma_wait3A_267] : memref<4x200x48xbf16, #tpu.memory_space<vmem>> -> memref<1x200x48xbf16, #tpu.memory_space<vmem>>
      %dma_wait3A_269 = tpu.memref_squeeze %dma_wait3A_268 : memref<1x200x48xbf16, #tpu.memory_space<vmem>> -> memref<200x48xbf16, #tpu.memory_space<vmem>>
      %dma_wait3A_270 = arith.constant 0 : i32
      %dma_wait3A_271 = tpu.memref_slice %arg11[%dma_wait3A_270] : memref<5000xi32, #tpu.memory_space<vmem>> -> memref<200xi32, #tpu.memory_space<vmem>>
      %dma_wait3A_272 = arith.constant 0 : i32
      %dma_wait3A_273 = arith.constant 0 : i32
      %dma_wait3A_274 = tpu.memref_slice %arg6[%dma_wait3A_272, %dma_wait3A_273] : memref<100000x48xbf16, #tpu.memory_space<hbm>> -> memref<100000x48xbf16, #tpu.memory_space<hbm>>
      tpu.wait_indirect_dma semaphore(%arg15 : memref<!tpu.dma_semaphore, #tpu.memory_space<semaphore_mem>>) src(%dma_wait3A_274 : memref<100000x48xbf16, #tpu.memory_space<hbm>>) dst(%dma_wait3A_269 : memref<200x48xbf16, #tpu.memory_space<vmem>>)
      %add3A_275 = arith.constant 1 : i32
      %add3A_276 = arith.addi %mul3A_104, %add3A_275 : i32
      %scan3A_277 = arith.constant 0 : i32
      %scan3A_278 = arith.constant 0 : i32
      %scan3A_279 = arith.constant 100 : i32
      %scan3A_280 = arith.addi %scan3A_278, %scan3A_279 : i32
      %scan3A_281 = arith.constant 2 : i32
      scf.for %scan3A_287 = %scan3A_278 to %scan3A_280 step %scan3A_281  : i32 {
        %mul3A_288 = arith.constant 2 : i32
        %mul3A_289 = arith.muli %scan3A_287, %mul3A_288 : i32
        %get3A = arith.constant 0 : i32
        %get3A_290 = arith.index_cast %get3A : i32 to index
        %get3A_291 = arith.index_cast %mul3A_289 : i32 to index
        %get3A_292 = arith.constant 0 : index
        %get3A_293 = tpu.vector_load %arg13[%get3A_290, %get3A_291, %get3A_292] {strides = array<i32>} : memref<4x200x48xbf16, #tpu.memory_space<vmem>>, vector<1x2x16xbf16>,
        %get3A_294 = vector.shape_cast %get3A_293 : vector<1x2x16xbf16> to vector<2x16xbf16>
        %get3A_295 = arith.constant 1 : i32
        %get3A_296 = arith.index_cast %get3A_295 : i32 to index
        %get3A_297 = arith.index_cast %mul3A_289 : i32 to index
        %get3A_298 = arith.constant 0 : index
        %get3A_299 = tpu.vector_load %arg13[%get3A_296, %get3A_297, %get3A_298] {strides = array<i32>} : memref<4x200x48xbf16, #tpu.memory_space<vmem>>, vector<1x2x16xbf16>,
        %get3A_300 = vector.shape_cast %get3A_299 : vector<1x2x16xbf16> to vector<2x16xbf16>
        %add3A_301 = arith.addf %get3A_294, %get3A_300 : vector<2x16xbf16>
        %get3A_302 = arith.constant 2 : i32
        %get3A_303 = arith.index_cast %get3A_302 : i32 to index
        %get3A_304 = arith.index_cast %mul3A_289 : i32 to index
        %get3A_305 = arith.constant 0 : index
        %get3A_306 = tpu.vector_load %arg13[%get3A_303, %get3A_304, %get3A_305] {strides = array<i32>} : memref<4x200x48xbf16, #tpu.memory_space<vmem>>, vector<1x2x16xbf16>,
        %get3A_307 = vector.shape_cast %get3A_306 : vector<1x2x16xbf16> to vector<2x16xbf16>
        %add3A_308 = arith.addf %add3A_301, %get3A_307 : vector<2x16xbf16>
        %get3A_309 = arith.constant 3 : i32
        %get3A_310 = arith.index_cast %get3A_309 : i32 to index
        %get3A_311 = arith.index_cast %mul3A_289 : i32 to index
        %get3A_312 = arith.constant 0 : index
        %get3A_313 = tpu.vector_load %arg13[%get3A_310, %get3A_311, %get3A_312] {strides = array<i32>} : memref<4x200x48xbf16, #tpu.memory_space<vmem>>, vector<1x2x16xbf16>,
        %get3A_314 = vector.shape_cast %get3A_313 : vector<1x2x16xbf16> to vector<2x16xbf16>
        %add3A_315 = arith.addf %add3A_308, %get3A_314 : vector<2x16xbf16>
        %swap3A = arith.constant 0 : i32
        %swap3A_316 = arith.index_cast %swap3A : i32 to index
        %swap3A_317 = arith.index_cast %mul3A_289 : i32 to index
        %swap3A_318 = arith.constant 0 : index
        %swap3A_319 = tpu.vector_load %arg13[%swap3A_316, %swap3A_317, %swap3A_318] {strides = array<i32>} : memref<4x200x48xbf16, #tpu.memory_space<vmem>>, vector<1x2x16xbf16>,
        %swap3A_320 = vector.shape_cast %swap3A_319 : vector<1x2x16xbf16> to vector<2x16xbf16>
        %swap3A_321 = vector.shape_cast %add3A_315 : vector<2x16xbf16> to vector<1x2x16xbf16>
        tpu.vector_store %arg13[%swap3A_316, %swap3A_317, %swap3A_318], %swap3A_321 {strides = array<i32>} : memref<4x200x48xbf16, #tpu.memory_space<vmem>>, vector<1x2x16xbf16>,
        %get3A_322 = arith.constant 0 : i32
        %get3A_323 = arith.index_cast %get3A_322 : i32 to index
        %get3A_324 = arith.index_cast %mul3A_289 : i32 to index
        %get3A_325 = arith.constant 16 : index
        %get3A_326 = tpu.vector_load %arg13[%get3A_323, %get3A_324, %get3A_325] {strides = array<i32>} : memref<4x200x48xbf16, #tpu.memory_space<vmem>>, vector<1x2x16xbf16>,
        %get3A_327 = vector.shape_cast %get3A_326 : vector<1x2x16xbf16> to vector<2x16xbf16>
        %get3A_328 = arith.constant 1 : i32
        %get3A_329 = arith.index_cast %get3A_328 : i32 to index
        %get3A_330 = arith.index_cast %mul3A_289 : i32 to index
        %get3A_331 = arith.constant 16 : index
        %get3A_332 = tpu.vector_load %arg13[%get3A_329, %get3A_330, %get3A_331] {strides = array<i32>} : memref<4x200x48xbf16, #tpu.memory_space<vmem>>, vector<1x2x16xbf16>,
        %get3A_333 = vector.shape_cast %get3A_332 : vector<1x2x16xbf16> to vector<2x16xbf16>
        %add3A_334 = arith.addf %get3A_327, %get3A_333 : vector<2x16xbf16>
        %get3A_335 = arith.constant 2 : i32
        %get3A_336 = arith.index_cast %get3A_335 : i32 to index
        %get3A_337 = arith.index_cast %mul3A_289 : i32 to index
        %get3A_338 = arith.constant 16 : index
        %get3A_339 = tpu.vector_load %arg13[%get3A_336, %get3A_337, %get3A_338] {strides = array<i32>} : memref<4x200x48xbf16, #tpu.memory_space<vmem>>, vector<1x2x16xbf16>,
        %get3A_340 = vector.shape_cast %get3A_339 : vector<1x2x16xbf16> to vector<2x16xbf16>
        %add3A_341 = arith.addf %add3A_334, %get3A_340 : vector<2x16xbf16>
        %get3A_342 = arith.constant 3 : i32
        %get3A_343 = arith.index_cast %get3A_342 : i32 to index
        %get3A_344 = arith.index_cast %mul3A_289 : i32 to index
        %get3A_345 = arith.constant 16 : index
        %get3A_346 = tpu.vector_load %arg13[%get3A_343, %get3A_344, %get3A_345] {strides = array<i32>} : memref<4x200x48xbf16, #tpu.memory_space<vmem>>, vector<1x2x16xbf16>,
        %get3A_347 = vector.shape_cast %get3A_346 : vector<1x2x16xbf16> to vector<2x16xbf16>
        %add3A_348 = arith.addf %add3A_341, %get3A_347 : vector<2x16xbf16>
        %swap3A_349 = arith.constant 0 : i32
        %swap3A_350 = arith.index_cast %swap3A_349 : i32 to index
        %swap3A_351 = arith.index_cast %mul3A_289 : i32 to index
        %swap3A_352 = arith.constant 16 : index
        %swap3A_353 = tpu.vector_load %arg13[%swap3A_350, %swap3A_351, %swap3A_352] {strides = array<i32>} : memref<4x200x48xbf16, #tpu.memory_space<vmem>>, vector<1x2x16xbf16>,
        %swap3A_354 = vector.shape_cast %swap3A_353 : vector<1x2x16xbf16> to vector<2x16xbf16>
        %swap3A_355 = vector.shape_cast %add3A_348 : vector<2x16xbf16> to vector<1x2x16xbf16>
        tpu.vector_store %arg13[%swap3A_350, %swap3A_351, %swap3A_352], %swap3A_355 {strides = array<i32>} : memref<4x200x48xbf16, #tpu.memory_space<vmem>>, vector<1x2x16xbf16>,
        %get3A_356 = arith.constant 0 : i32
        %get3A_357 = arith.index_cast %get3A_356 : i32 to index
        %get3A_358 = arith.index_cast %mul3A_289 : i32 to index
        %get3A_359 = arith.constant 32 : index
        %get3A_360 = tpu.vector_load %arg13[%get3A_357, %get3A_358, %get3A_359] {strides = array<i32>} : memref<4x200x48xbf16, #tpu.memory_space<vmem>>, vector<1x2x16xbf16>,
        %get3A_361 = vector.shape_cast %get3A_360 : vector<1x2x16xbf16> to vector<2x16xbf16>
        %get3A_362 = arith.constant 1 : i32
        %get3A_363 = arith.index_cast %get3A_362 : i32 to index
        %get3A_364 = arith.index_cast %mul3A_289 : i32 to index
        %get3A_365 = arith.constant 32 : index
        %get3A_366 = tpu.vector_load %arg13[%get3A_363, %get3A_364, %get3A_365] {strides = array<i32>} : memref<4x200x48xbf16, #tpu.memory_space<vmem>>, vector<1x2x16xbf16>,
        %get3A_367 = vector.shape_cast %get3A_366 : vector<1x2x16xbf16> to vector<2x16xbf16>
        %add3A_368 = arith.addf %get3A_361, %get3A_367 : vector<2x16xbf16>
        %get3A_369 = arith.constant 2 : i32
        %get3A_370 = arith.index_cast %get3A_369 : i32 to index
        %get3A_371 = arith.index_cast %mul3A_289 : i32 to index
        %get3A_372 = arith.constant 32 : index
        %get3A_373 = tpu.vector_load %arg13[%get3A_370, %get3A_371, %get3A_372] {strides = array<i32>} : memref<4x200x48xbf16, #tpu.memory_space<vmem>>, vector<1x2x16xbf16>,
        %get3A_374 = vector.shape_cast %get3A_373 : vector<1x2x16xbf16> to vector<2x16xbf16>
        %add3A_375 = arith.addf %add3A_368, %get3A_374 : vector<2x16xbf16>
        %get3A_376 = arith.constant 3 : i32
        %get3A_377 = arith.index_cast %get3A_376 : i32 to index
        %get3A_378 = arith.index_cast %mul3A_289 : i32 to index
        %get3A_379 = arith.constant 32 : index
        %get3A_380 = tpu.vector_load %arg13[%get3A_377, %get3A_378, %get3A_379] {strides = array<i32>} : memref<4x200x48xbf16, #tpu.memory_space<vmem>>, vector<1x2x16xbf16>,
        %get3A_381 = vector.shape_cast %get3A_380 : vector<1x2x16xbf16> to vector<2x16xbf16>
        %add3A_382 = arith.addf %add3A_375, %get3A_381 : vector<2x16xbf16>
        %swap3A_383 = arith.constant 0 : i32
        %swap3A_384 = arith.index_cast %swap3A_383 : i32 to index
        %swap3A_385 = arith.index_cast %mul3A_289 : i32 to index
        %swap3A_386 = arith.constant 32 : index
        %swap3A_387 = tpu.vector_load %arg13[%swap3A_384, %swap3A_385, %swap3A_386] {strides = array<i32>} : memref<4x200x48xbf16, #tpu.memory_space<vmem>>, vector<1x2x16xbf16>,
        %swap3A_388 = vector.shape_cast %swap3A_387 : vector<1x2x16xbf16> to vector<2x16xbf16>
        %swap3A_389 = vector.shape_cast %add3A_382 : vector<2x16xbf16> to vector<1x2x16xbf16>
        tpu.vector_store %arg13[%swap3A_384, %swap3A_385, %swap3A_386], %swap3A_389 {strides = array<i32>} : memref<4x200x48xbf16, #tpu.memory_space<vmem>>, vector<1x2x16xbf16>,
        %scan3A_390 = arith.constant 1 : i32
        %scan3A_391 = arith.addi %scan3A_287, %scan3A_390 : i32
        %mul3A_392 = arith.constant 2 : i32
        %mul3A_393 = arith.muli %scan3A_391, %mul3A_392 : i32
        %get3A_394 = arith.constant 0 : i32
        %get3A_395 = arith.index_cast %get3A_394 : i32 to index
        %get3A_396 = arith.index_cast %mul3A_393 : i32 to index
        %get3A_397 = arith.constant 0 : index
        %get3A_398 = tpu.vector_load %arg13[%get3A_395, %get3A_396, %get3A_397] {strides = array<i32>} : memref<4x200x48xbf16, #tpu.memory_space<vmem>>, vector<1x2x16xbf16>,
        %get3A_399 = vector.shape_cast %get3A_398 : vector<1x2x16xbf16> to vector<2x16xbf16>
        %get3A_400 = arith.constant 1 : i32
        %get3A_401 = arith.index_cast %get3A_400 : i32 to index
        %get3A_402 = arith.index_cast %mul3A_393 : i32 to index
        %get3A_403 = arith.constant 0 : index
        %get3A_404 = tpu.vector_load %arg13[%get3A_401, %get3A_402, %get3A_403] {strides = array<i32>} : memref<4x200x48xbf16, #tpu.memory_space<vmem>>, vector<1x2x16xbf16>,
        %get3A_405 = vector.shape_cast %get3A_404 : vector<1x2x16xbf16> to vector<2x16xbf16>
        %add3A_406 = arith.addf %get3A_399, %get3A_405 : vector<2x16xbf16>
        %get3A_407 = arith.constant 2 : i32
        %get3A_408 = arith.index_cast %get3A_407 : i32 to index
        %get3A_409 = arith.index_cast %mul3A_393 : i32 to index
        %get3A_410 = arith.constant 0 : index
        %get3A_411 = tpu.vector_load %arg13[%get3A_408, %get3A_409, %get3A_410] {strides = array<i32>} : memref<4x200x48xbf16, #tpu.memory_space<vmem>>, vector<1x2x16xbf16>,
        %get3A_412 = vector.shape_cast %get3A_411 : vector<1x2x16xbf16> to vector<2x16xbf16>
        %add3A_413 = arith.addf %add3A_406, %get3A_412 : vector<2x16xbf16>
        %get3A_414 = arith.constant 3 : i32
        %get3A_415 = arith.index_cast %get3A_414 : i32 to index
        %get3A_416 = arith.index_cast %mul3A_393 : i32 to index
        %get3A_417 = arith.constant 0 : index
        %get3A_418 = tpu.vector_load %arg13[%get3A_415, %get3A_416, %get3A_417] {strides = array<i32>} : memref<4x200x48xbf16, #tpu.memory_space<vmem>>, vector<1x2x16xbf16>,
        %get3A_419 = vector.shape_cast %get3A_418 : vector<1x2x16xbf16> to vector<2x16xbf16>
        %add3A_420 = arith.addf %add3A_413, %get3A_419 : vector<2x16xbf16>
        %swap3A_421 = arith.constant 0 : i32
        %swap3A_422 = arith.index_cast %swap3A_421 : i32 to index
        %swap3A_423 = arith.index_cast %mul3A_393 : i32 to index
        %swap3A_424 = arith.constant 0 : index
        %swap3A_425 = tpu.vector_load %arg13[%swap3A_422, %swap3A_423, %swap3A_424] {strides = array<i32>} : memref<4x200x48xbf16, #tpu.memory_space<vmem>>, vector<1x2x16xbf16>,
        %swap3A_426 = vector.shape_cast %swap3A_425 : vector<1x2x16xbf16> to vector<2x16xbf16>
        %swap3A_427 = vector.shape_cast %add3A_420 : vector<2x16xbf16> to vector<1x2x16xbf16>
        tpu.vector_store %arg13[%swap3A_422, %swap3A_423, %swap3A_424], %swap3A_427 {strides = array<i32>} : memref<4x200x48xbf16, #tpu.memory_space<vmem>>, vector<1x2x16xbf16>,
        %get3A_428 = arith.constant 0 : i32
        %get3A_429 = arith.index_cast %get3A_428 : i32 to index
        %get3A_430 = arith.index_cast %mul3A_393 : i32 to index
        %get3A_431 = arith.constant 16 : index
        %get3A_432 = tpu.vector_load %arg13[%get3A_429, %get3A_430, %get3A_431] {strides = array<i32>} : memref<4x200x48xbf16, #tpu.memory_space<vmem>>, vector<1x2x16xbf16>,
        %get3A_433 = vector.shape_cast %get3A_432 : vector<1x2x16xbf16> to vector<2x16xbf16>
        %get3A_434 = arith.constant 1 : i32
        %get3A_435 = arith.index_cast %get3A_434 : i32 to index
        %get3A_436 = arith.index_cast %mul3A_393 : i32 to index
        %get3A_437 = arith.constant 16 : index
        %get3A_438 = tpu.vector_load %arg13[%get3A_435, %get3A_436, %get3A_437] {strides = array<i32>} : memref<4x200x48xbf16, #tpu.memory_space<vmem>>, vector<1x2x16xbf16>,
        %get3A_439 = vector.shape_cast %get3A_438 : vector<1x2x16xbf16> to vector<2x16xbf16>
        %add3A_440 = arith.addf %get3A_433, %get3A_439 : vector<2x16xbf16>
        %get3A_441 = arith.constant 2 : i32
        %get3A_442 = arith.index_cast %get3A_441 : i32 to index
        %get3A_443 = arith.index_cast %mul3A_393 : i32 to index
        %get3A_444 = arith.constant 16 : index
        %get3A_445 = tpu.vector_load %arg13[%get3A_442, %get3A_443, %get3A_444] {strides = array<i32>} : memref<4x200x48xbf16, #tpu.memory_space<vmem>>, vector<1x2x16xbf16>,
        %get3A_446 = vector.shape_cast %get3A_445 : vector<1x2x16xbf16> to vector<2x16xbf16>
        %add3A_447 = arith.addf %add3A_440, %get3A_446 : vector<2x16xbf16>
        %get3A_448 = arith.constant 3 : i32
        %get3A_449 = arith.index_cast %get3A_448 : i32 to index
        %get3A_450 = arith.index_cast %mul3A_393 : i32 to index
        %get3A_451 = arith.constant 16 : index
        %get3A_452 = tpu.vector_load %arg13[%get3A_449, %get3A_450, %get3A_451] {strides = array<i32>} : memref<4x200x48xbf16, #tpu.memory_space<vmem>>, vector<1x2x16xbf16>,
        %get3A_453 = vector.shape_cast %get3A_452 : vector<1x2x16xbf16> to vector<2x16xbf16>
        %add3A_454 = arith.addf %add3A_447, %get3A_453 : vector<2x16xbf16>
        %swap3A_455 = arith.constant 0 : i32
        %swap3A_456 = arith.index_cast %swap3A_455 : i32 to index
        %swap3A_457 = arith.index_cast %mul3A_393 : i32 to index
        %swap3A_458 = arith.constant 16 : index
        %swap3A_459 = tpu.vector_load %arg13[%swap3A_456, %swap3A_457, %swap3A_458] {strides = array<i32>} : memref<4x200x48xbf16, #tpu.memory_space<vmem>>, vector<1x2x16xbf16>,
        %swap3A_460 = vector.shape_cast %swap3A_459 : vector<1x2x16xbf16> to vector<2x16xbf16>
        %swap3A_461 = vector.shape_cast %add3A_454 : vector<2x16xbf16> to vector<1x2x16xbf16>
        tpu.vector_store %arg13[%swap3A_456, %swap3A_457, %swap3A_458], %swap3A_461 {strides = array<i32>} : memref<4x200x48xbf16, #tpu.memory_space<vmem>>, vector<1x2x16xbf16>,
        %get3A_462 = arith.constant 0 : i32
        %get3A_463 = arith.index_cast %get3A_462 : i32 to index
        %get3A_464 = arith.index_cast %mul3A_393 : i32 to index
        %get3A_465 = arith.constant 32 : index
        %get3A_466 = tpu.vector_load %arg13[%get3A_463, %get3A_464, %get3A_465] {strides = array<i32>} : memref<4x200x48xbf16, #tpu.memory_space<vmem>>, vector<1x2x16xbf16>,
        %get3A_467 = vector.shape_cast %get3A_466 : vector<1x2x16xbf16> to vector<2x16xbf16>
        %get3A_468 = arith.constant 1 : i32
        %get3A_469 = arith.index_cast %get3A_468 : i32 to index
        %get3A_470 = arith.index_cast %mul3A_393 : i32 to index
        %get3A_471 = arith.constant 32 : index
        %get3A_472 = tpu.vector_load %arg13[%get3A_469, %get3A_470, %get3A_471] {strides = array<i32>} : memref<4x200x48xbf16, #tpu.memory_space<vmem>>, vector<1x2x16xbf16>,
        %get3A_473 = vector.shape_cast %get3A_472 : vector<1x2x16xbf16> to vector<2x16xbf16>
        %add3A_474 = arith.addf %get3A_467, %get3A_473 : vector<2x16xbf16>
        %get3A_475 = arith.constant 2 : i32
        %get3A_476 = arith.index_cast %get3A_475 : i32 to index
        %get3A_477 = arith.index_cast %mul3A_393 : i32 to index
        %get3A_478 = arith.constant 32 : index
        %get3A_479 = tpu.vector_load %arg13[%get3A_476, %get3A_477, %get3A_478] {strides = array<i32>} : memref<4x200x48xbf16, #tpu.memory_space<vmem>>, vector<1x2x16xbf16>,
        %get3A_480 = vector.shape_cast %get3A_479 : vector<1x2x16xbf16> to vector<2x16xbf16>
        %add3A_481 = arith.addf %add3A_474, %get3A_480 : vector<2x16xbf16>
        %get3A_482 = arith.constant 3 : i32
        %get3A_483 = arith.index_cast %get3A_482 : i32 to index
        %get3A_484 = arith.index_cast %mul3A_393 : i32 to index
        %get3A_485 = arith.constant 32 : index
        %get3A_486 = tpu.vector_load %arg13[%get3A_483, %get3A_484, %get3A_485] {strides = array<i32>} : memref<4x200x48xbf16, #tpu.memory_space<vmem>>, vector<1x2x16xbf16>,
        %get3A_487 = vector.shape_cast %get3A_486 : vector<1x2x16xbf16> to vector<2x16xbf16>
        %add3A_488 = arith.addf %add3A_481, %get3A_487 : vector<2x16xbf16>
        %swap3A_489 = arith.constant 0 : i32
        %swap3A_490 = arith.index_cast %swap3A_489 : i32 to index
        %swap3A_491 = arith.index_cast %mul3A_393 : i32 to index
        %swap3A_492 = arith.constant 32 : index
        %swap3A_493 = tpu.vector_load %arg13[%swap3A_490, %swap3A_491, %swap3A_492] {strides = array<i32>} : memref<4x200x48xbf16, #tpu.memory_space<vmem>>, vector<1x2x16xbf16>,
        %swap3A_494 = vector.shape_cast %swap3A_493 : vector<1x2x16xbf16> to vector<2x16xbf16>
        %swap3A_495 = vector.shape_cast %add3A_488 : vector<2x16xbf16> to vector<1x2x16xbf16>
        tpu.vector_store %arg13[%swap3A_490, %swap3A_491, %swap3A_492], %swap3A_495 {strides = array<i32>} : memref<4x200x48xbf16, #tpu.memory_space<vmem>>, vector<1x2x16xbf16>,
      }
      %scan3A_282 = arith.constant 100 : i32
      %mul3A_283 = arith.constant 200 : i32
      %mul3A_284 = arith.muli %add3A_276, %mul3A_283 : i32
      %add3A_285 = arith.addi %mul3A_2, %mul3A_284 : i32
      %run_scoped3A_286 = arith.constant 0 : i32
      "tpu.region"() ({
        %run_scoped3A_287 = tpu.sem_alloc : memref<!tpu.dma_semaphore, #tpu.memory_space<semaphore_mem>>
        %dma_start3A_288 = arith.constant 0 : i32
        %dma_start3A_289 = arith.constant 0 : i32
        %dma_start3A_290 = tpu.memref_slice %arg13[%run_scoped3A_286, %dma_start3A_288, %dma_start3A_289] : memref<4x200x48xbf16, #tpu.memory_space<vmem>> -> memref<1x200x48xbf16, #tpu.memory_space<vmem>>
        %dma_start3A_291 = tpu.memref_squeeze %dma_start3A_290 : memref<1x200x48xbf16, #tpu.memory_space<vmem>> -> memref<200x48xbf16, #tpu.memory_space<vmem>>
        %dma_start3A_292 = arith.constant 0 : i32
        %dma_start3A_293 = tpu.memref_slice %arg7[%add3A_285, %dma_start3A_292] : memref<160000x128xbf16, #tpu.memory_space<hbm>> -> memref<200x48xbf16, #tpu.memory_space<hbm>>
        %dma_start3A_294 = arith.constant 0 : i32
        %dma_start3A_295 = tpu.memref_slice %arg7[%add3A_285, %dma_start3A_294] : memref<160000x128xbf16, #tpu.memory_space<hbm>> -> memref<200x48xbf16, #tpu.memory_space<hbm>>
        %dma_start3A_296 = arith.constant 0 : i32
        %dma_start3A_297 = arith.constant 0 : i32
        %dma_start3A_298 = tpu.memref_slice %arg13[%run_scoped3A_286, %dma_start3A_296, %dma_start3A_297] : memref<4x200x48xbf16, #tpu.memory_space<vmem>> -> memref<1x200x48xbf16, #tpu.memory_space<vmem>>
        %dma_start3A_299 = tpu.memref_squeeze %dma_start3A_298 : memref<1x200x48xbf16, #tpu.memory_space<vmem>> -> memref<200x48xbf16, #tpu.memory_space<vmem>>
        tpu.enqueue_dma source(%dma_start3A_299 : memref<200x48xbf16, #tpu.memory_space<vmem>>) target(%dma_start3A_295 : memref<200x48xbf16, #tpu.memory_space<hbm>>) target_semaphore(%run_scoped3A_287 : memref<!tpu.dma_semaphore, #tpu.memory_space<semaphore_mem>>)
        %dma_wait3A_300 = arith.constant 0 : i32
        %dma_wait3A_301 = arith.constant 0 : i32
        %dma_wait3A_302 = tpu.memref_slice %arg13[%run_scoped3A_286, %dma_wait3A_300, %dma_wait3A_301] : memref<4x200x48xbf16, #tpu.memory_space<vmem>> -> memref<1x200x48xbf16, #tpu.memory_space<vmem>>
        %dma_wait3A_303 = tpu.memref_squeeze %dma_wait3A_302 : memref<1x200x48xbf16, #tpu.memory_space<vmem>> -> memref<200x48xbf16, #tpu.memory_space<vmem>>
        %dma_wait3A_304 = arith.constant 0 : i32
        %dma_wait3A_305 = tpu.memref_slice %arg7[%add3A_285, %dma_wait3A_304] : memref<160000x128xbf16, #tpu.memory_space<hbm>> -> memref<200x48xbf16, #tpu.memory_space<hbm>>
        %dma_wait3A_306 = arith.constant 0 : i32
        %dma_wait3A_307 = tpu.memref_slice %arg7[%add3A_285, %dma_wait3A_306] : memref<160000x128xbf16, #tpu.memory_space<hbm>> -> memref<200x48xbf16, #tpu.memory_space<hbm>>
        %dma_wait3A_308 = arith.constant 0 : i32
        %dma_wait3A_309 = arith.constant 0 : i32
        %dma_wait3A_310 = tpu.memref_slice %arg13[%run_scoped3A_286, %dma_wait3A_308, %dma_wait3A_309] : memref<4x200x48xbf16, #tpu.memory_space<vmem>> -> memref<1x200x48xbf16, #tpu.memory_space<vmem>>
        %dma_wait3A_311 = tpu.memref_squeeze %dma_wait3A_310 : memref<1x200x48xbf16, #tpu.memory_space<vmem>> -> memref<200x48xbf16, #tpu.memory_space<vmem>>
        tpu.wait_dma2 semaphore(%run_scoped3A_287 : memref<!tpu.dma_semaphore, #tpu.memory_space<semaphore_mem>>) src(%dma_wait3A_311 : memref<200x48xbf16, #tpu.memory_space<vmem>>) dst(%dma_wait3A_307 : memref<200x48xbf16, #tpu.memory_space<hbm>>)
        tpu.yield
      }) : () -> ()
    }
    %scan3A_54 = arith.constant 12 : i32
    %dma_wait3A = arith.constant 0 : i32
    %dma_wait3A_55 = arith.constant 0 : i32
    %dma_wait3A_56 = arith.constant 0 : i32
    %dma_wait3A_57 = tpu.memref_slice %arg12[%dma_wait3A, %dma_wait3A_55, %dma_wait3A_56] : memref<4x200x48xbf16, #tpu.memory_space<vmem>> -> memref<1x200x48xbf16, #tpu.memory_space<vmem>>
    %dma_wait3A_58 = tpu.memref_squeeze %dma_wait3A_57 : memref<1x200x48xbf16, #tpu.memory_space<vmem>> -> memref<200x48xbf16, #tpu.memory_space<vmem>>
    %dma_wait3A_59 = arith.constant 0 : i32
    %dma_wait3A_60 = tpu.memref_slice %arg8[%dma_wait3A_59] : memref<5000xi32, #tpu.memory_space<vmem>> -> memref<200xi32, #tpu.memory_space<vmem>>
    %dma_wait3A_61 = arith.constant 0 : i32
    %dma_wait3A_62 = arith.constant 0 : i32
    %dma_wait3A_63 = tpu.memref_slice %arg3[%dma_wait3A_61, %dma_wait3A_62] : memref<100000x48xbf16, #tpu.memory_space<hbm>> -> memref<100000x48xbf16, #tpu.memory_space<hbm>>
    tpu.wait_indirect_dma semaphore(%arg14 : memref<!tpu.dma_semaphore, #tpu.memory_space<semaphore_mem>>) src(%dma_wait3A_63 : memref<100000x48xbf16, #tpu.memory_space<hbm>>) dst(%dma_wait3A_58 : memref<200x48xbf16, #tpu.memory_space<vmem>>)
    %dma_wait3A_64 = arith.constant 1 : i32
    %dma_wait3A_65 = arith.constant 0 : i32
    %dma_wait3A_66 = arith.constant 0 : i32
    %dma_wait3A_67 = tpu.memref_slice %arg12[%dma_wait3A_64, %dma_wait3A_65, %dma_wait3A_66] : memref<4x200x48xbf16, #tpu.memory_space<vmem>> -> memref<1x200x48xbf16, #tpu.memory_space<vmem>>
    %dma_wait3A_68 = tpu.memref_squeeze %dma_wait3A_67 : memref<1x200x48xbf16, #tpu.memory_space<vmem>> -> memref<200x48xbf16, #tpu.memory_space<vmem>>
    %dma_wait3A_69 = arith.constant 0 : i32
    %dma_wait3A_70 = tpu.memref_slice %arg9[%dma_wait3A_69] : memref<5000xi32, #tpu.memory_space<vmem>> -> memref<200xi32, #tpu.memory_space<vmem>>
    %dma_wait3A_71 = arith.constant 0 : i32
    %dma_wait3A_72 = arith.constant 0 : i32
    %dma_wait3A_73 = tpu.memref_slice %arg4[%dma_wait3A_71, %dma_wait3A_72] : memref<100000x48xbf16, #tpu.memory_space<hbm>> -> memref<100000x48xbf16, #tpu.memory_space<hbm>>
    tpu.wait_indirect_dma semaphore(%arg14 : memref<!tpu.dma_semaphore, #tpu.memory_space<semaphore_mem>>) src(%dma_wait3A_73 : memref<100000x48xbf16, #tpu.memory_space<hbm>>) dst(%dma_wait3A_68 : memref<200x48xbf16, #tpu.memory_space<vmem>>)
    %dma_wait3A_74 = arith.constant 2 : i32
    %dma_wait3A_75 = arith.constant 0 : i32
    %dma_wait3A_76 = arith.constant 0 : i32
    %dma_wait3A_77 = tpu.memref_slice %arg12[%dma_wait3A_74, %dma_wait3A_75, %dma_wait3A_76] : memref<4x200x48xbf16, #tpu.memory_space<vmem>> -> memref<1x200x48xbf16, #tpu.memory_space<vmem>>
    %dma_wait3A_78 = tpu.memref_squeeze %dma_wait3A_77 : memref<1x200x48xbf16, #tpu.memory_space<vmem>> -> memref<200x48xbf16, #tpu.memory_space<vmem>>
    %dma_wait3A_79 = arith.constant 0 : i32
    %dma_wait3A_80 = tpu.memref_slice %arg10[%dma_wait3A_79] : memref<5000xi32, #tpu.memory_space<vmem>> -> memref<200xi32, #tpu.memory_space<vmem>>
    %dma_wait3A_81 = arith.constant 0 : i32
    %dma_wait3A_82 = arith.constant 0 : i32
    %dma_wait3A_83 = tpu.memref_slice %arg5[%dma_wait3A_81, %dma_wait3A_82] : memref<100000x48xbf16, #tpu.memory_space<hbm>> -> memref<100000x48xbf16, #tpu.memory_space<hbm>>
    tpu.wait_indirect_dma semaphore(%arg14 : memref<!tpu.dma_semaphore, #tpu.memory_space<semaphore_mem>>) src(%dma_wait3A_83 : memref<100000x48xbf16, #tpu.memory_space<hbm>>) dst(%dma_wait3A_78 : memref<200x48xbf16, #tpu.memory_space<vmem>>)
    %dma_wait3A_84 = arith.constant 3 : i32
    %dma_wait3A_85 = arith.constant 0 : i32
    %dma_wait3A_86 = arith.constant 0 : i32
    %dma_wait3A_87 = tpu.memref_slice %arg12[%dma_wait3A_84, %dma_wait3A_85, %dma_wait3A_86] : memref<4x200x48xbf16, #tpu.memory_space<vmem>> -> memref<1x200x48xbf16, #tpu.memory_space<vmem>>
    %dma_wait3A_88 = tpu.memref_squeeze %dma_wait3A_87 : memref<1x200x48xbf16, #tpu.memory_space<vmem>> -> memref<200x48xbf16, #tpu.memory_space<vmem>>
    %dma_wait3A_89 = arith.constant 0 : i32
    %dma_wait3A_90 = tpu.memref_slice %arg11[%dma_wait3A_89] : memref<5000xi32, #tpu.memory_space<vmem>> -> memref<200xi32, #tpu.memory_space<vmem>>
    %dma_wait3A_91 = arith.constant 0 : i32
    %dma_wait3A_92 = arith.constant 0 : i32
    %dma_wait3A_93 = tpu.memref_slice %arg6[%dma_wait3A_91, %dma_wait3A_92] : memref<100000x48xbf16, #tpu.memory_space<hbm>> -> memref<100000x48xbf16, #tpu.memory_space<hbm>>
    tpu.wait_indirect_dma semaphore(%arg14 : memref<!tpu.dma_semaphore, #tpu.memory_space<semaphore_mem>>) src(%dma_wait3A_93 : memref<100000x48xbf16, #tpu.memory_space<hbm>>) dst(%dma_wait3A_88 : memref<200x48xbf16, #tpu.memory_space<vmem>>)
    %scan3A_94 = arith.constant 0 : i32
    %scan3A_95 = arith.constant 0 : i32
    %scan3A_96 = arith.constant 100 : i32
    %scan3A_97 = arith.addi %scan3A_95, %scan3A_96 : i32
    %scan3A_98 = arith.constant 2 : i32
    scf.for %scan3A_102 = %scan3A_95 to %scan3A_97 step %scan3A_98  : i32 {
      %mul3A_103 = arith.constant 2 : i32
      %mul3A_104 = arith.muli %scan3A_102, %mul3A_103 : i32
      %get3A = arith.constant 0 : i32
      %get3A_105 = arith.index_cast %get3A : i32 to index
      %get3A_106 = arith.index_cast %mul3A_104 : i32 to index
      %get3A_107 = arith.constant 0 : index
      %get3A_108 = tpu.vector_load %arg12[%get3A_105, %get3A_106, %get3A_107] {strides = array<i32>} : memref<4x200x48xbf16, #tpu.memory_space<vmem>>, vector<1x2x16xbf16>,
      %get3A_109 = vector.shape_cast %get3A_108 : vector<1x2x16xbf16> to vector<2x16xbf16>
      %get3A_110 = arith.constant 1 : i32
      %get3A_111 = arith.index_cast %get3A_110 : i32 to index
      %get3A_112 = arith.index_cast %mul3A_104 : i32 to index
      %get3A_113 = arith.constant 0 : index
      %get3A_114 = tpu.vector_load %arg12[%get3A_111, %get3A_112, %get3A_113] {strides = array<i32>} : memref<4x200x48xbf16, #tpu.memory_space<vmem>>, vector<1x2x16xbf16>,
      %get3A_115 = vector.shape_cast %get3A_114 : vector<1x2x16xbf16> to vector<2x16xbf16>
      %add3A_116 = arith.addf %get3A_109, %get3A_115 : vector<2x16xbf16>
      %get3A_117 = arith.constant 2 : i32
      %get3A_118 = arith.index_cast %get3A_117 : i32 to index
      %get3A_119 = arith.index_cast %mul3A_104 : i32 to index
      %get3A_120 = arith.constant 0 : index
      %get3A_121 = tpu.vector_load %arg12[%get3A_118, %get3A_119, %get3A_120] {strides = array<i32>} : memref<4x200x48xbf16, #tpu.memory_space<vmem>>, vector<1x2x16xbf16>,
      %get3A_122 = vector.shape_cast %get3A_121 : vector<1x2x16xbf16> to vector<2x16xbf16>
      %add3A_123 = arith.addf %add3A_116, %get3A_122 : vector<2x16xbf16>
      %get3A_124 = arith.constant 3 : i32
      %get3A_125 = arith.index_cast %get3A_124 : i32 to index
      %get3A_126 = arith.index_cast %mul3A_104 : i32 to index
      %get3A_127 = arith.constant 0 : index
      %get3A_128 = tpu.vector_load %arg12[%get3A_125, %get3A_126, %get3A_127] {strides = array<i32>} : memref<4x200x48xbf16, #tpu.memory_space<vmem>>, vector<1x2x16xbf16>,
      %get3A_129 = vector.shape_cast %get3A_128 : vector<1x2x16xbf16> to vector<2x16xbf16>
      %add3A_130 = arith.addf %add3A_123, %get3A_129 : vector<2x16xbf16>
      %swap3A = arith.constant 0 : i32
      %swap3A_131 = arith.index_cast %swap3A : i32 to index
      %swap3A_132 = arith.index_cast %mul3A_104 : i32 to index
      %swap3A_133 = arith.constant 0 : index
      %swap3A_134 = tpu.vector_load %arg12[%swap3A_131, %swap3A_132, %swap3A_133] {strides = array<i32>} : memref<4x200x48xbf16, #tpu.memory_space<vmem>>, vector<1x2x16xbf16>,
      %swap3A_135 = vector.shape_cast %swap3A_134 : vector<1x2x16xbf16> to vector<2x16xbf16>
      %swap3A_136 = vector.shape_cast %add3A_130 : vector<2x16xbf16> to vector<1x2x16xbf16>
      tpu.vector_store %arg12[%swap3A_131, %swap3A_132, %swap3A_133], %swap3A_136 {strides = array<i32>} : memref<4x200x48xbf16, #tpu.memory_space<vmem>>, vector<1x2x16xbf16>,
      %get3A_137 = arith.constant 0 : i32
      %get3A_138 = arith.index_cast %get3A_137 : i32 to index
      %get3A_139 = arith.index_cast %mul3A_104 : i32 to index
      %get3A_140 = arith.constant 16 : index
      %get3A_141 = tpu.vector_load %arg12[%get3A_138, %get3A_139, %get3A_140] {strides = array<i32>} : memref<4x200x48xbf16, #tpu.memory_space<vmem>>, vector<1x2x16xbf16>,
      %get3A_142 = vector.shape_cast %get3A_141 : vector<1x2x16xbf16> to vector<2x16xbf16>
      %get3A_143 = arith.constant 1 : i32
      %get3A_144 = arith.index_cast %get3A_143 : i32 to index
      %get3A_145 = arith.index_cast %mul3A_104 : i32 to index
      %get3A_146 = arith.constant 16 : index
      %get3A_147 = tpu.vector_load %arg12[%get3A_144, %get3A_145, %get3A_146] {strides = array<i32>} : memref<4x200x48xbf16, #tpu.memory_space<vmem>>, vector<1x2x16xbf16>,
      %get3A_148 = vector.shape_cast %get3A_147 : vector<1x2x16xbf16> to vector<2x16xbf16>
      %add3A_149 = arith.addf %get3A_142, %get3A_148 : vector<2x16xbf16>
      %get3A_150 = arith.constant 2 : i32
      %get3A_151 = arith.index_cast %get3A_150 : i32 to index
      %get3A_152 = arith.index_cast %mul3A_104 : i32 to index
      %get3A_153 = arith.constant 16 : index
      %get3A_154 = tpu.vector_load %arg12[%get3A_151, %get3A_152, %get3A_153] {strides = array<i32>} : memref<4x200x48xbf16, #tpu.memory_space<vmem>>, vector<1x2x16xbf16>,
      %get3A_155 = vector.shape_cast %get3A_154 : vector<1x2x16xbf16> to vector<2x16xbf16>
      %add3A_156 = arith.addf %add3A_149, %get3A_155 : vector<2x16xbf16>
      %get3A_157 = arith.constant 3 : i32
      %get3A_158 = arith.index_cast %get3A_157 : i32 to index
      %get3A_159 = arith.index_cast %mul3A_104 : i32 to index
      %get3A_160 = arith.constant 16 : index
      %get3A_161 = tpu.vector_load %arg12[%get3A_158, %get3A_159, %get3A_160] {strides = array<i32>} : memref<4x200x48xbf16, #tpu.memory_space<vmem>>, vector<1x2x16xbf16>,
      %get3A_162 = vector.shape_cast %get3A_161 : vector<1x2x16xbf16> to vector<2x16xbf16>
      %add3A_163 = arith.addf %add3A_156, %get3A_162 : vector<2x16xbf16>
      %swap3A_164 = arith.constant 0 : i32
      %swap3A_165 = arith.index_cast %swap3A_164 : i32 to index
      %swap3A_166 = arith.index_cast %mul3A_104 : i32 to index
      %swap3A_167 = arith.constant 16 : index
      %swap3A_168 = tpu.vector_load %arg12[%swap3A_165, %swap3A_166, %swap3A_167] {strides = array<i32>} : memref<4x200x48xbf16, #tpu.memory_space<vmem>>, vector<1x2x16xbf16>,
      %swap3A_169 = vector.shape_cast %swap3A_168 : vector<1x2x16xbf16> to vector<2x16xbf16>
      %swap3A_170 = vector.shape_cast %add3A_163 : vector<2x16xbf16> to vector<1x2x16xbf16>
      tpu.vector_store %arg12[%swap3A_165, %swap3A_166, %swap3A_167], %swap3A_170 {strides = array<i32>} : memref<4x200x48xbf16, #tpu.memory_space<vmem>>, vector<1x2x16xbf16>,
      %get3A_171 = arith.constant 0 : i32
      %get3A_172 = arith.index_cast %get3A_171 : i32 to index
      %get3A_173 = arith.index_cast %mul3A_104 : i32 to index
      %get3A_174 = arith.constant 32 : index
      %get3A_175 = tpu.vector_load %arg12[%get3A_172, %get3A_173, %get3A_174] {strides = array<i32>} : memref<4x200x48xbf16, #tpu.memory_space<vmem>>, vector<1x2x16xbf16>,
      %get3A_176 = vector.shape_cast %get3A_175 : vector<1x2x16xbf16> to vector<2x16xbf16>
      %get3A_177 = arith.constant 1 : i32
      %get3A_178 = arith.index_cast %get3A_177 : i32 to index
      %get3A_179 = arith.index_cast %mul3A_104 : i32 to index
      %get3A_180 = arith.constant 32 : index
      %get3A_181 = tpu.vector_load %arg12[%get3A_178, %get3A_179, %get3A_180] {strides = array<i32>} : memref<4x200x48xbf16, #tpu.memory_space<vmem>>, vector<1x2x16xbf16>,
      %get3A_182 = vector.shape_cast %get3A_181 : vector<1x2x16xbf16> to vector<2x16xbf16>
      %add3A_183 = arith.addf %get3A_176, %get3A_182 : vector<2x16xbf16>
      %get3A_184 = arith.constant 2 : i32
      %get3A_185 = arith.index_cast %get3A_184 : i32 to index
      %get3A_186 = arith.index_cast %mul3A_104 : i32 to index
      %get3A_187 = arith.constant 32 : index
      %get3A_188 = tpu.vector_load %arg12[%get3A_185, %get3A_186, %get3A_187] {strides = array<i32>} : memref<4x200x48xbf16, #tpu.memory_space<vmem>>, vector<1x2x16xbf16>,
      %get3A_189 = vector.shape_cast %get3A_188 : vector<1x2x16xbf16> to vector<2x16xbf16>
      %add3A_190 = arith.addf %add3A_183, %get3A_189 : vector<2x16xbf16>
      %get3A_191 = arith.constant 3 : i32
      %get3A_192 = arith.index_cast %get3A_191 : i32 to index
      %get3A_193 = arith.index_cast %mul3A_104 : i32 to index
      %get3A_194 = arith.constant 32 : index
      %get3A_195 = tpu.vector_load %arg12[%get3A_192, %get3A_193, %get3A_194] {strides = array<i32>} : memref<4x200x48xbf16, #tpu.memory_space<vmem>>, vector<1x2x16xbf16>,
      %get3A_196 = vector.shape_cast %get3A_195 : vector<1x2x16xbf16> to vector<2x16xbf16>
      %add3A_197 = arith.addf %add3A_190, %get3A_196 : vector<2x16xbf16>
      %swap3A_198 = arith.constant 0 : i32
      %swap3A_199 = arith.index_cast %swap3A_198 : i32 to index
      %swap3A_200 = arith.index_cast %mul3A_104 : i32 to index
      %swap3A_201 = arith.constant 32 : index
      %swap3A_202 = tpu.vector_load %arg12[%swap3A_199, %swap3A_200, %swap3A_201] {strides = array<i32>} : memref<4x200x48xbf16, #tpu.memory_space<vmem>>, vector<1x2x16xbf16>,
      %swap3A_203 = vector.shape_cast %swap3A_202 : vector<1x2x16xbf16> to vector<2x16xbf16>
      %swap3A_204 = vector.shape_cast %add3A_197 : vector<2x16xbf16> to vector<1x2x16xbf16>
      tpu.vector_store %arg12[%swap3A_199, %swap3A_200, %swap3A_201], %swap3A_204 {strides = array<i32>} : memref<4x200x48xbf16, #tpu.memory_space<vmem>>, vector<1x2x16xbf16>,
      %scan3A_205 = arith.constant 1 : i32
      %scan3A_206 = arith.addi %scan3A_102, %scan3A_205 : i32
      %mul3A_207 = arith.constant 2 : i32
      %mul3A_208 = arith.muli %scan3A_206, %mul3A_207 : i32
      %get3A_209 = arith.constant 0 : i32
      %get3A_210 = arith.index_cast %get3A_209 : i32 to index
      %get3A_211 = arith.index_cast %mul3A_208 : i32 to index
      %get3A_212 = arith.constant 0 : index
      %get3A_213 = tpu.vector_load %arg12[%get3A_210, %get3A_211, %get3A_212] {strides = array<i32>} : memref<4x200x48xbf16, #tpu.memory_space<vmem>>, vector<1x2x16xbf16>,
      %get3A_214 = vector.shape_cast %get3A_213 : vector<1x2x16xbf16> to vector<2x16xbf16>
      %get3A_215 = arith.constant 1 : i32
      %get3A_216 = arith.index_cast %get3A_215 : i32 to index
      %get3A_217 = arith.index_cast %mul3A_208 : i32 to index
      %get3A_218 = arith.constant 0 : index
      %get3A_219 = tpu.vector_load %arg12[%get3A_216, %get3A_217, %get3A_218] {strides = array<i32>} : memref<4x200x48xbf16, #tpu.memory_space<vmem>>, vector<1x2x16xbf16>,
      %get3A_220 = vector.shape_cast %get3A_219 : vector<1x2x16xbf16> to vector<2x16xbf16>
      %add3A_221 = arith.addf %get3A_214, %get3A_220 : vector<2x16xbf16>
      %get3A_222 = arith.constant 2 : i32
      %get3A_223 = arith.index_cast %get3A_222 : i32 to index
      %get3A_224 = arith.index_cast %mul3A_208 : i32 to index
      %get3A_225 = arith.constant 0 : index
      %get3A_226 = tpu.vector_load %arg12[%get3A_223, %get3A_224, %get3A_225] {strides = array<i32>} : memref<4x200x48xbf16, #tpu.memory_space<vmem>>, vector<1x2x16xbf16>,
      %get3A_227 = vector.shape_cast %get3A_226 : vector<1x2x16xbf16> to vector<2x16xbf16>
      %add3A_228 = arith.addf %add3A_221, %get3A_227 : vector<2x16xbf16>
      %get3A_229 = arith.constant 3 : i32
      %get3A_230 = arith.index_cast %get3A_229 : i32 to index
      %get3A_231 = arith.index_cast %mul3A_208 : i32 to index
      %get3A_232 = arith.constant 0 : index
      %get3A_233 = tpu.vector_load %arg12[%get3A_230, %get3A_231, %get3A_232] {strides = array<i32>} : memref<4x200x48xbf16, #tpu.memory_space<vmem>>, vector<1x2x16xbf16>,
      %get3A_234 = vector.shape_cast %get3A_233 : vector<1x2x16xbf16> to vector<2x16xbf16>
      %add3A_235 = arith.addf %add3A_228, %get3A_234 : vector<2x16xbf16>
      %swap3A_236 = arith.constant 0 : i32
      %swap3A_237 = arith.index_cast %swap3A_236 : i32 to index
      %swap3A_238 = arith.index_cast %mul3A_208 : i32 to index
      %swap3A_239 = arith.constant 0 : index
      %swap3A_240 = tpu.vector_load %arg12[%swap3A_237, %swap3A_238, %swap3A_239] {strides = array<i32>} : memref<4x200x48xbf16, #tpu.memory_space<vmem>>, vector<1x2x16xbf16>,
      %swap3A_241 = vector.shape_cast %swap3A_240 : vector<1x2x16xbf16> to vector<2x16xbf16>
      %swap3A_242 = vector.shape_cast %add3A_235 : vector<2x16xbf16> to vector<1x2x16xbf16>
      tpu.vector_store %arg12[%swap3A_237, %swap3A_238, %swap3A_239], %swap3A_242 {strides = array<i32>} : memref<4x200x48xbf16, #tpu.memory_space<vmem>>, vector<1x2x16xbf16>,
      %get3A_243 = arith.constant 0 : i32
      %get3A_244 = arith.index_cast %get3A_243 : i32 to index
      %get3A_245 = arith.index_cast %mul3A_208 : i32 to index
      %get3A_246 = arith.constant 16 : index
      %get3A_247 = tpu.vector_load %arg12[%get3A_244, %get3A_245, %get3A_246] {strides = array<i32>} : memref<4x200x48xbf16, #tpu.memory_space<vmem>>, vector<1x2x16xbf16>,
      %get3A_248 = vector.shape_cast %get3A_247 : vector<1x2x16xbf16> to vector<2x16xbf16>
      %get3A_249 = arith.constant 1 : i32
      %get3A_250 = arith.index_cast %get3A_249 : i32 to index
      %get3A_251 = arith.index_cast %mul3A_208 : i32 to index
      %get3A_252 = arith.constant 16 : index
      %get3A_253 = tpu.vector_load %arg12[%get3A_250, %get3A_251, %get3A_252] {strides = array<i32>} : memref<4x200x48xbf16, #tpu.memory_space<vmem>>, vector<1x2x16xbf16>,
      %get3A_254 = vector.shape_cast %get3A_253 : vector<1x2x16xbf16> to vector<2x16xbf16>
      %add3A_255 = arith.addf %get3A_248, %get3A_254 : vector<2x16xbf16>
      %get3A_256 = arith.constant 2 : i32
      %get3A_257 = arith.index_cast %get3A_256 : i32 to index
      %get3A_258 = arith.index_cast %mul3A_208 : i32 to index
      %get3A_259 = arith.constant 16 : index
      %get3A_260 = tpu.vector_load %arg12[%get3A_257, %get3A_258, %get3A_259] {strides = array<i32>} : memref<4x200x48xbf16, #tpu.memory_space<vmem>>, vector<1x2x16xbf16>,
      %get3A_261 = vector.shape_cast %get3A_260 : vector<1x2x16xbf16> to vector<2x16xbf16>
      %add3A_262 = arith.addf %add3A_255, %get3A_261 : vector<2x16xbf16>
      %get3A_263 = arith.constant 3 : i32
      %get3A_264 = arith.index_cast %get3A_263 : i32 to index
      %get3A_265 = arith.index_cast %mul3A_208 : i32 to index
      %get3A_266 = arith.constant 16 : index
      %get3A_267 = tpu.vector_load %arg12[%get3A_264, %get3A_265, %get3A_266] {strides = array<i32>} : memref<4x200x48xbf16, #tpu.memory_space<vmem>>, vector<1x2x16xbf16>,
      %get3A_268 = vector.shape_cast %get3A_267 : vector<1x2x16xbf16> to vector<2x16xbf16>
      %add3A_269 = arith.addf %add3A_262, %get3A_268 : vector<2x16xbf16>
      %swap3A_270 = arith.constant 0 : i32
      %swap3A_271 = arith.index_cast %swap3A_270 : i32 to index
      %swap3A_272 = arith.index_cast %mul3A_208 : i32 to index
      %swap3A_273 = arith.constant 16 : index
      %swap3A_274 = tpu.vector_load %arg12[%swap3A_271, %swap3A_272, %swap3A_273] {strides = array<i32>} : memref<4x200x48xbf16, #tpu.memory_space<vmem>>, vector<1x2x16xbf16>,
      %swap3A_275 = vector.shape_cast %swap3A_274 : vector<1x2x16xbf16> to vector<2x16xbf16>
      %swap3A_276 = vector.shape_cast %add3A_269 : vector<2x16xbf16> to vector<1x2x16xbf16>
      tpu.vector_store %arg12[%swap3A_271, %swap3A_272, %swap3A_273], %swap3A_276 {strides = array<i32>} : memref<4x200x48xbf16, #tpu.memory_space<vmem>>, vector<1x2x16xbf16>,
      %get3A_277 = arith.constant 0 : i32
      %get3A_278 = arith.index_cast %get3A_277 : i32 to index
      %get3A_279 = arith.index_cast %mul3A_208 : i32 to index
      %get3A_280 = arith.constant 32 : index
      %get3A_281 = tpu.vector_load %arg12[%get3A_278, %get3A_279, %get3A_280] {strides = array<i32>} : memref<4x200x48xbf16, #tpu.memory_space<vmem>>, vector<1x2x16xbf16>,
      %get3A_282 = vector.shape_cast %get3A_281 : vector<1x2x16xbf16> to vector<2x16xbf16>
      %get3A_283 = arith.constant 1 : i32
      %get3A_284 = arith.index_cast %get3A_283 : i32 to index
      %get3A_285 = arith.index_cast %mul3A_208 : i32 to index
      %get3A_286 = arith.constant 32 : index
      %get3A_287 = tpu.vector_load %arg12[%get3A_284, %get3A_285, %get3A_286] {strides = array<i32>} : memref<4x200x48xbf16, #tpu.memory_space<vmem>>, vector<1x2x16xbf16>,
      %get3A_288 = vector.shape_cast %get3A_287 : vector<1x2x16xbf16> to vector<2x16xbf16>
      %add3A_289 = arith.addf %get3A_282, %get3A_288 : vector<2x16xbf16>
      %get3A_290 = arith.constant 2 : i32
      %get3A_291 = arith.index_cast %get3A_290 : i32 to index
      %get3A_292 = arith.index_cast %mul3A_208 : i32 to index
      %get3A_293 = arith.constant 32 : index
      %get3A_294 = tpu.vector_load %arg12[%get3A_291, %get3A_292, %get3A_293] {strides = array<i32>} : memref<4x200x48xbf16, #tpu.memory_space<vmem>>, vector<1x2x16xbf16>,
      %get3A_295 = vector.shape_cast %get3A_294 : vector<1x2x16xbf16> to vector<2x16xbf16>
      %add3A_296 = arith.addf %add3A_289, %get3A_295 : vector<2x16xbf16>
      %get3A_297 = arith.constant 3 : i32
      %get3A_298 = arith.index_cast %get3A_297 : i32 to index
      %get3A_299 = arith.index_cast %mul3A_208 : i32 to index
      %get3A_300 = arith.constant 32 : index
      %get3A_301 = tpu.vector_load %arg12[%get3A_298, %get3A_299, %get3A_300] {strides = array<i32>} : memref<4x200x48xbf16, #tpu.memory_space<vmem>>, vector<1x2x16xbf16>,
      %get3A_302 = vector.shape_cast %get3A_301 : vector<1x2x16xbf16> to vector<2x16xbf16>
      %add3A_303 = arith.addf %add3A_296, %get3A_302 : vector<2x16xbf16>
      %swap3A_304 = arith.constant 0 : i32
      %swap3A_305 = arith.index_cast %swap3A_304 : i32 to index
      %swap3A_306 = arith.index_cast %mul3A_208 : i32 to index
      %swap3A_307 = arith.constant 32 : index
      %swap3A_308 = tpu.vector_load %arg12[%swap3A_305, %swap3A_306, %swap3A_307] {strides = array<i32>} : memref<4x200x48xbf16, #tpu.memory_space<vmem>>, vector<1x2x16xbf16>,
      %swap3A_309 = vector.shape_cast %swap3A_308 : vector<1x2x16xbf16> to vector<2x16xbf16>
      %swap3A_310 = vector.shape_cast %add3A_303 : vector<2x16xbf16> to vector<1x2x16xbf16>
      tpu.vector_store %arg12[%swap3A_305, %swap3A_306, %swap3A_307], %swap3A_310 {strides = array<i32>} : memref<4x200x48xbf16, #tpu.memory_space<vmem>>, vector<1x2x16xbf16>,
    }
    %scan3A_99 = arith.constant 100 : i32
    %add3A_100 = arith.constant 4800 : i32
    %add3A_101 = arith.addi %mul3A_2, %add3A_100 : i32
    %run_scoped3A = arith.constant 0 : i32
    "tpu.region"() ({
      %run_scoped3A_102 = tpu.sem_alloc : memref<!tpu.dma_semaphore, #tpu.memory_space<semaphore_mem>>
      %dma_start3A_103 = arith.constant 0 : i32
      %dma_start3A_104 = arith.constant 0 : i32
      %dma_start3A_105 = tpu.memref_slice %arg12[%run_scoped3A, %dma_start3A_103, %dma_start3A_104] : memref<4x200x48xbf16, #tpu.memory_space<vmem>> -> memref<1x200x48xbf16, #tpu.memory_space<vmem>>
      %dma_start3A_106 = tpu.memref_squeeze %dma_start3A_105 : memref<1x200x48xbf16, #tpu.memory_space<vmem>> -> memref<200x48xbf16, #tpu.memory_space<vmem>>
      %dma_start3A_107 = arith.constant 0 : i32
      %dma_start3A_108 = tpu.memref_slice %arg7[%add3A_101, %dma_start3A_107] : memref<160000x128xbf16, #tpu.memory_space<hbm>> -> memref<200x48xbf16, #tpu.memory_space<hbm>>
      %dma_start3A_109 = arith.constant 0 : i32
      %dma_start3A_110 = tpu.memref_slice %arg7[%add3A_101, %dma_start3A_109] : memref<160000x128xbf16, #tpu.memory_space<hbm>> -> memref<200x48xbf16, #tpu.memory_space<hbm>>
      %dma_start3A_111 = arith.constant 0 : i32
      %dma_start3A_112 = arith.constant 0 : i32
      %dma_start3A_113 = tpu.memref_slice %arg12[%run_scoped3A, %dma_start3A_111, %dma_start3A_112] : memref<4x200x48xbf16, #tpu.memory_space<vmem>> -> memref<1x200x48xbf16, #tpu.memory_space<vmem>>
      %dma_start3A_114 = tpu.memref_squeeze %dma_start3A_113 : memref<1x200x48xbf16, #tpu.memory_space<vmem>> -> memref<200x48xbf16, #tpu.memory_space<vmem>>
      tpu.enqueue_dma source(%dma_start3A_114 : memref<200x48xbf16, #tpu.memory_space<vmem>>) target(%dma_start3A_110 : memref<200x48xbf16, #tpu.memory_space<hbm>>) target_semaphore(%run_scoped3A_102 : memref<!tpu.dma_semaphore, #tpu.memory_space<semaphore_mem>>)
      %dma_wait3A_115 = arith.constant 0 : i32
      %dma_wait3A_116 = arith.constant 0 : i32
      %dma_wait3A_117 = tpu.memref_slice %arg12[%run_scoped3A, %dma_wait3A_115, %dma_wait3A_116] : memref<4x200x48xbf16, #tpu.memory_space<vmem>> -> memref<1x200x48xbf16, #tpu.memory_space<vmem>>
      %dma_wait3A_118 = tpu.memref_squeeze %dma_wait3A_117 : memref<1x200x48xbf16, #tpu.memory_space<vmem>> -> memref<200x48xbf16, #tpu.memory_space<vmem>>
      %dma_wait3A_119 = arith.constant 0 : i32
      %dma_wait3A_120 = tpu.memref_slice %arg7[%add3A_101, %dma_wait3A_119] : memref<160000x128xbf16, #tpu.memory_space<hbm>> -> memref<200x48xbf16, #tpu.memory_space<hbm>>
      %dma_wait3A_121 = arith.constant 0 : i32
      %dma_wait3A_122 = tpu.memref_slice %arg7[%add3A_101, %dma_wait3A_121] : memref<160000x128xbf16, #tpu.memory_space<hbm>> -> memref<200x48xbf16, #tpu.memory_space<hbm>>
      %dma_wait3A_123 = arith.constant 0 : i32
      %dma_wait3A_124 = arith.constant 0 : i32
      %dma_wait3A_125 = tpu.memref_slice %arg12[%run_scoped3A, %dma_wait3A_123, %dma_wait3A_124] : memref<4x200x48xbf16, #tpu.memory_space<vmem>> -> memref<1x200x48xbf16, #tpu.memory_space<vmem>>
      %dma_wait3A_126 = tpu.memref_squeeze %dma_wait3A_125 : memref<1x200x48xbf16, #tpu.memory_space<vmem>> -> memref<200x48xbf16, #tpu.memory_space<vmem>>
      tpu.wait_dma2 semaphore(%run_scoped3A_102 : memref<!tpu.dma_semaphore, #tpu.memory_space<semaphore_mem>>) src(%dma_wait3A_126 : memref<200x48xbf16, #tpu.memory_space<vmem>>) dst(%dma_wait3A_122 : memref<200x48xbf16, #tpu.memory_space<hbm>>)
      tpu.yield
    }) : () -> ()
    return
  }
}

module attributes {stable_mosaic.version = 14 : i64} {
  func.func @_proj_body(%arg0: i32, %arg1: memref<3200x128xbf16, #tpu.memory_space<vmem>>, %arg2: memref<48x128xf32, #tpu.memory_space<vmem>>, %arg3: memref<1x128xf32, #tpu.memory_space<vmem>>, %arg4: memref<3200x128xf32, #tpu.memory_space<vmem>>) attributes {dimension_semantics = [#tpu.dimension_semantics<arbitrary>], iteration_bounds = array<i64: 50>, scalar_prefetch = 0 : i64, scratch_operands = 0 : i64, tpu.core_type = #tpu.core_type<tc>, window_params = [{transform_indices = @transform_0, window_bounds = array<i64: 3200, 128>}, {pipeline_mode = #tpu.pipeline_mode<synchronous>, transform_indices = @transform_1, window_bounds = array<i64: 48, 128>}, {pipeline_mode = #tpu.pipeline_mode<synchronous>, transform_indices = @transform_2, window_bounds = array<i64: 1, 128>}, {transform_indices = @transform_3, window_bounds = array<i64: 3200, 128>}]} {
    %get3A = arith.constant 0 : index
    %get3A_0 = arith.constant 0 : index
    %get3A_1 = vector.load %arg1[%get3A, %get3A_0] : memref<3200x128xbf16, #tpu.memory_space<vmem>>, vector<3200x48xbf16>
    %convert_element_type3A = arith.extf %get3A_1 : vector<3200x48xbf16> to vector<3200x48xf32>
    %get3A_2 = arith.constant 0 : index
    %get3A_3 = arith.constant 0 : index
    %get3A_4 = vector.load %arg2[%get3A_2, %get3A_3] : memref<48x128xf32, #tpu.memory_space<vmem>>, vector<48x128xf32>
    %dot_general3A = arith.constant dense<0.000000e+00> : vector<3200x128xf32>
    %dot_general3A_5 = tpu.matmul %convert_element_type3A, %get3A_4, %dot_general3A {dimension_numbers = #tpu.dot_dimension_numbers<[1], [0], [0], [1], [0, 0, 1, 1], [], []>, transpose_lhs_hint = false} : vector<3200x48xf32>, vector<48x128xf32>, vector<3200x128xf32> -> vector<3200x128xf32>
    %get3A_6 = arith.constant 0 : index
    %get3A_7 = arith.constant 0 : index
    %get3A_8 = vector.load %arg3[%get3A_6, %get3A_7] : memref<1x128xf32, #tpu.memory_space<vmem>>, vector<1x128xf32>
    %add3A = vector.broadcast %get3A_8 : vector<1x128xf32> to vector<3200x128xf32>
    %add3A_9 = arith.addf %dot_general3A_5, %add3A : vector<3200x128xf32>
    %mul3A = arith.constant 5.000000e-01 : f32
    %mul3A_10 = vector.broadcast %mul3A : f32 to vector<3200x128xf32>
    %mul3A_11 = arith.mulf %mul3A_10, %add3A_9 : vector<3200x128xf32>
    %mul3A_12 = arith.constant 0.707106769 : f32
    %mul3A_13 = vector.broadcast %mul3A_12 : f32 to vector<3200x128xf32>
    %mul3A_14 = arith.mulf %add3A_9, %mul3A_13 : vector<3200x128xf32>
    %erf3A = math.erf %mul3A_14 : vector<3200x128xf32>
    %add3A_15 = arith.constant 1.000000e+00 : f32
    %add3A_16 = vector.broadcast %add3A_15 : f32 to vector<3200x128xf32>
    %add3A_17 = arith.addf %add3A_16, %erf3A : vector<3200x128xf32>
    %mul3A_18 = arith.mulf %mul3A_11, %add3A_17 : vector<3200x128xf32>
    %swap3A = arith.constant 0 : index
    %swap3A_19 = arith.constant 0 : index
    %swap3A_20 = vector.load %arg4[%swap3A, %swap3A_19] : memref<3200x128xf32, #tpu.memory_space<vmem>>, vector<3200x128xf32>
    tpu.vector_store %arg4[%swap3A, %swap3A_19], %mul3A_18 {strides = array<i32>} : memref<3200x128xf32, #tpu.memory_space<vmem>>, vector<3200x128xf32>,
    return
  }
  func.func @transform_0(%arg0: i32) -> (i32, i32) {
    %c0_i32 = arith.constant 0 : i32
    %c0_i32_0 = arith.constant 0 : i32
    return %arg0, %c0_i32 : i32, i32
  }
  func.func @transform_1(%arg0: i32) -> (i32, i32) {
    %c0_i32 = arith.constant 0 : i32
    %c0_i32_0 = arith.constant 0 : i32
    %c0_i32_1 = arith.constant 0 : i32
    return %c0_i32, %c0_i32_0 : i32, i32
  }
  func.func @transform_2(%arg0: i32) -> (i32, i32) {
    %c0_i32 = arith.constant 0 : i32
    %c0_i32_0 = arith.constant 0 : i32
    %c0_i32_1 = arith.constant 0 : i32
    return %c0_i32, %c0_i32_0 : i32, i32
  }
  func.func @transform_3(%arg0: i32) -> (i32, i32) {
    %add3A = arith.constant 0 : i32
    %add3A_0 = arith.addi %arg0, %add3A : i32
    %c0_i32 = arith.constant 0 : i32
    %c0_i32_1 = arith.constant 0 : i32
    return %add3A_0, %c0_i32 : i32, i32
  }
}

module attributes {stable_mosaic.version = 14 : i64} {
  func.func @_proj_body_aliased(%arg0: i32, %arg1: memref<3200x128xbf16, #tpu.memory_space<vmem>>, %arg2: memref<48x128xf32, #tpu.memory_space<vmem>>, %arg3: memref<1x128xf32, #tpu.memory_space<vmem>>, %arg4: memref<320000x128xf32, #tpu.memory_space<any>>, %arg5: memref<3200x128xf32, #tpu.memory_space<vmem>>) attributes {dimension_semantics = [#tpu.dimension_semantics<arbitrary>], iteration_bounds = array<i64: 50>, scalar_prefetch = 0 : i64, scratch_operands = 0 : i64, tpu.core_type = #tpu.core_type<tc>, window_params = [{transform_indices = @transform_0, window_bounds = array<i64: 3200, 128>}, {pipeline_mode = #tpu.pipeline_mode<synchronous>, transform_indices = @transform_1, window_bounds = array<i64: 48, 128>}, {pipeline_mode = #tpu.pipeline_mode<synchronous>, transform_indices = @transform_2, window_bounds = array<i64: 1, 128>}, {}, {transform_indices = @transform_4, window_bounds = array<i64: 3200, 128>}]} {
    %get3A = arith.constant 0 : index
    %get3A_0 = arith.constant 0 : index
    %get3A_1 = vector.load %arg1[%get3A, %get3A_0] : memref<3200x128xbf16, #tpu.memory_space<vmem>>, vector<3200x48xbf16>
    %convert_element_type3A = arith.extf %get3A_1 : vector<3200x48xbf16> to vector<3200x48xf32>
    %get3A_2 = arith.constant 0 : index
    %get3A_3 = arith.constant 0 : index
    %get3A_4 = vector.load %arg2[%get3A_2, %get3A_3] : memref<48x128xf32, #tpu.memory_space<vmem>>, vector<48x128xf32>
    %dot_general3A = arith.constant dense<0.000000e+00> : vector<3200x128xf32>
    %dot_general3A_5 = tpu.matmul %convert_element_type3A, %get3A_4, %dot_general3A {dimension_numbers = #tpu.dot_dimension_numbers<[1], [0], [0], [1], [0, 0, 1, 1], [], []>, transpose_lhs_hint = false} : vector<3200x48xf32>, vector<48x128xf32>, vector<3200x128xf32> -> vector<3200x128xf32>
    %get3A_6 = arith.constant 0 : index
    %get3A_7 = arith.constant 0 : index
    %get3A_8 = vector.load %arg3[%get3A_6, %get3A_7] : memref<1x128xf32, #tpu.memory_space<vmem>>, vector<1x128xf32>
    %add3A = vector.broadcast %get3A_8 : vector<1x128xf32> to vector<3200x128xf32>
    %add3A_9 = arith.addf %dot_general3A_5, %add3A : vector<3200x128xf32>
    %mul3A = arith.constant 5.000000e-01 : f32
    %mul3A_10 = vector.broadcast %mul3A : f32 to vector<3200x128xf32>
    %mul3A_11 = arith.mulf %mul3A_10, %add3A_9 : vector<3200x128xf32>
    %mul3A_12 = arith.constant 0.707106769 : f32
    %mul3A_13 = vector.broadcast %mul3A_12 : f32 to vector<3200x128xf32>
    %mul3A_14 = arith.mulf %add3A_9, %mul3A_13 : vector<3200x128xf32>
    %erf3A = math.erf %mul3A_14 : vector<3200x128xf32>
    %add3A_15 = arith.constant 1.000000e+00 : f32
    %add3A_16 = vector.broadcast %add3A_15 : f32 to vector<3200x128xf32>
    %add3A_17 = arith.addf %add3A_16, %erf3A : vector<3200x128xf32>
    %mul3A_18 = arith.mulf %mul3A_11, %add3A_17 : vector<3200x128xf32>
    %swap3A = arith.constant 0 : index
    %swap3A_19 = arith.constant 0 : index
    %swap3A_20 = vector.load %arg5[%swap3A, %swap3A_19] : memref<3200x128xf32, #tpu.memory_space<vmem>>, vector<3200x128xf32>
    tpu.vector_store %arg5[%swap3A, %swap3A_19], %mul3A_18 {strides = array<i32>} : memref<3200x128xf32, #tpu.memory_space<vmem>>, vector<3200x128xf32>,
    return
  }
  func.func @transform_0(%arg0: i32) -> (i32, i32) {
    %c0_i32 = arith.constant 0 : i32
    %c0_i32_0 = arith.constant 0 : i32
    return %arg0, %c0_i32 : i32, i32
  }
  func.func @transform_1(%arg0: i32) -> (i32, i32) {
    %c0_i32 = arith.constant 0 : i32
    %c0_i32_0 = arith.constant 0 : i32
    %c0_i32_1 = arith.constant 0 : i32
    return %c0_i32, %c0_i32_0 : i32, i32
  }
  func.func @transform_2(%arg0: i32) -> (i32, i32) {
    %c0_i32 = arith.constant 0 : i32
    %c0_i32_0 = arith.constant 0 : i32
    %c0_i32_1 = arith.constant 0 : i32
    return %c0_i32, %c0_i32_0 : i32, i32
  }
  func.func @transform_4(%arg0: i32) -> (i32, i32) {
    %add3A = arith.constant 50 : i32
    %add3A_0 = arith.addi %arg0, %add3A : i32
    %c0_i32 = arith.constant 0 : i32
    %c0_i32_1 = arith.constant 0 : i32
    return %add3A_0, %c0_i32 : i32, i32
  }
}

</mosaic_0001>

<sc_bundles>
// kernel: kernel.6.cloned.1.call-start
scs
__scs_entry_jumppad:
0x0: {  	(pc) =	sbr.rel $0x88, $3  }
0x1: {  	(tag) =	ssettag $0x0;
	lr =	simm.s32 $0x1  }
0x2: {  	[smem:$0x3F9A] =	sst lr;
	_ =	strace $0xD0000000  }
0x3: {  	_ = 	snop  }
0x4: {  	_ = 	snop  }
0x5: {  	_ = 	snop  }
0x6: {  	_ = 	snop  }
0x7: {  	_ = 	snop  }
__scs_overlays_trampoline_lowered:
0x8: {  	[smem:$0x3FA9] =	sst s0  }
0x9: {  	[smem:$0x3FAA] =	sst s1  }
0xa: {  	[smem:$0x3FAB] =	sst s2  }
0xb: {  	[smem:$0x3FAC] =	sst s3  }
0xc: {  	[smem:$0x3FAD] =	sst s4  }
0xd: {  	[smem:$0x3FAE] =	sst s5  }
0xe: {  	[smem:$0x3FAF] =	sst s6  }
0xf: {  	[smem:$0x3FB0] =	sst s7  }
0x10: {  	[smem:$0x3FB1] =	sst s8  }
0x11: {  	[smem:$0x3FB2] =	sst s9;
	s0 =	simm.s32 @!p0 $0x0  }
0x12: {  	s1 =	sld [smem:$0x3F98];
	s0 =	simm.s32 @p0 $0x1  }
0x13: {  	[smem:$0x3FB3] =	sst s0;
	s0 =	simm.s32 @!p1 $0x0  }
0x14: {  	s2 =	sld [smem:$0x3F97];
	s0 =	simm.s32 @p1 $0x1  }
0x15: {  	[smem:$0x3FB4] =	sst s0;
	s0 =	simm.s32 @!p2 $0x0  }
0x16: {  	s3 =	sld [smem:$0x3FDB];
	s0 =	simm.s32 @p2 $0x1  }
0x17: {  	s4 =	simm.s32 $0x1BF5;
	[smem:$0x3FB6] =	sst s0  }
0x18: {  	s0 =	sld [smem:$0x3F99];
	_ =	swait.ge [sflag:s4], $0x0  }
0x19: {  	s7 =	sld [smem:$0x3F9A]  }
0x1a: {  	s8 =	sadd.s32 $0xFFFFE003, lr  }
0x1b: {  	s9 =	sadd.s32 $0xFFFFFEF7, lr;
	s5 =	simm.s32 $0xFFFFFFFF;
	p2 =	slt.u32 s8, $0xFFFFF086  }
0x1c: {  	p1 =	slt.u32 s9, $0xF7A;
	s5 =	simm.s32 @!p2 $0x0  }
0x1d: {  	s5 =	simm.s32 @p1 $0x1;
	p0 =	seq.s32 s7, s2  }
0x1e: {  	s7 =	smul.u32 @!p0 $0xF7A, s2;
	p2 =	seq.s32 @!p0 s5, $0x0  }
0x1f: {  	s9 =	smul.u32 $0xF7A, s1;
	s8 =	simm.s32 @!p0 $0x1BF5;
	p2 =	por !p2, p0  }
0x20: {  	[sflag:s8] =	ssyncset.s32 @!p0 $0xFFFFF086;
	s6 =	sadd.s32 @!p0 s3, s7;
	s7 =	simm.s32 @!p0 $0x108  }
0x21: {  	s3 =	sadd.s32 s3, s9;
	s6 =	sadd.s32 @!p0 $0x88, s6;
	s7 =	simm.s32 @p2 $0x1082  }
0x22: {  	[simem:s7], [sflag:s8] =	dma.local @!p0 [hbm:s6], $0xF7A  }
0x23: {  	s9 =	sor.u32 $0xD0000000, s2;
	s6 =	simm.s32 $0x108;
	_ =	swait.ge @!p0 [sflag:s8], $0x0  }
0x24: {  	s3 =	sadd.s32 $0x88, s3;
	s6 =	simm.s32 @!p1 $0x1082;
	[sflag:s4] =	ssyncset.s32 $0xFFFFF086  }
0x25: {  	[simem:s6], [sflag:s4] =	dma.local [hbm:s3], $0xF7A  }
0x26: {  	[smem:$0x3F9A] =	sst s1;
	(tag) =	ssettag s2;
	_ =	strace s9  }
0x27: {  	s1 =	sld [smem:$0x3FAA]  }
0x28: {  	s2 =	sld [smem:$0x3FAB]  }
0x29: {  	s4 =	sld [smem:$0x3FAD]  }
0x2a: {  	p0 =	seq.s32 s5, $0x0;
	s5 =	sld [smem:$0x3FAE]  }
0x2b: {  	s6 =	sld [smem:$0x3FAF]  }
0x2c: {  	s7 =	sld [smem:$0x3FB0]  }
0x2d: {  	s3 =	simm.s32 $0x108;
	s8 =	sld [smem:$0x3FB1]  }
0x2e: {  	s3 =	simm.s32 @!p0 $0x1082;
	s9 =	sld [smem:$0x3FB2]  }
0x2f: {  	lr =	sadd.s32 s0, s3;
	s0 =	sld [smem:$0x3FA9]  }
0x30: {  	s3 =	sld [smem:$0x3FAC]  }
0x31: {  	[smem:$0x3FB5] =	sst s10  }
0x32: {  	s10 =	sld [smem:$0x3FB3];
	_ =	sdelay $0x3  }
0x33: {  	p0 =	seq.s32 s10, $0x1;
	s10 =	sld [smem:$0x3FB5];
	_ =	sdelay $0x3  }
0x34: {  	[smem:$0x3FB5] =	sst s10  }
0x35: {  	s10 =	sld [smem:$0x3FB4];
	_ =	sdelay $0x3  }
0x36: {  	p1 =	seq.s32 s10, $0x1;
	s10 =	sld [smem:$0x3FB5];
	_ =	sdelay $0x3  }
0x37: {  	[smem:$0x3FB5] =	sst s10  }
0x38: {  	s10 =	sld [smem:$0x3FB6]  }
0x39: {  	_ = 	snop;
	(pc) =	sbr.ind lr, $3  }
0x3a: {  	_ = 	snop  }
0x3b: {  	_ = 	snop  }
0x3c: {  	p2 =	seq.s32 s10, $0x1;
	s10 =	sld [smem:$0x3FB5]  }
0x3d: {  	_ =	shalt  }
0x3e: {  	_ =	shalt  }
0x3f: {  	_ =	shalt  }
0x40: {  	_ =	shalt  }
0x41: {  	_ =	shalt  }
0x42: {  	_ =	shalt  }
0x43: {  	_ =	shalt  }
0x44: {  	_ =	shalt  }
0x45: {  	_ =	shalt  }
0x46: {  	_ =	shalt  }
0x47: {  	_ =	shalt  }
0x48: {  	_ =	shalt  }
0x49: {  	_ =	shalt  }
0x4a: {  	_ =	shalt  }
0x4b: {  	_ =	shalt  }
0x4c: {  	_ =	shalt  }
0x4d: {  	_ =	shalt  }
0x4e: {  	_ =	shalt  }
0x4f: {  	_ =	shalt  }
0x50: {  	_ =	shalt  }
0x51: {  	_ =	shalt  }
0x52: {  	_ =	shalt  }
0x53: {  	_ =	shalt  }
0x54: {  	_ =	shalt  }
0x55: {  	_ =	shalt  }
0x56: {  	_ =	shalt  }
0x57: {  	_ =	shalt  }
0x58: {  	_ =	shalt  }
0x59: {  	_ =	shalt  }
0x5a: {  	_ =	shalt  }
0x5b: {  	_ =	shalt  }
0x5c: {  	_ =	shalt  }
0x5d: {  	_ =	shalt  }
0x5e: {  	_ =	shalt  }
0x5f: {  	_ =	shalt  }
0x60: {  	_ =	shalt  }
0x61: {  	_ =	shalt  }
0x62: {  	_ =	shalt  }
0x63: {  	_ =	shalt  }
0x64: {  	_ =	shalt  }
0x65: {  	_ =	shalt  }
0x66: {  	_ =	shalt  }
0x67: {  	_ =	shalt  }
0x68: {  	_ =	shalt  }
0x69: {  	_ =	shalt  }
0x6a: {  	_ =	shalt  }
0x6b: {  	_ =	shalt  }
0x6c: {  	_ =	shalt  }
0x6d: {  	_ =	shalt  }
0x6e: {  	_ =	shalt  }
0x6f: {  	_ =	shalt  }
0x70: {  	_ =	shalt  }
0x71: {  	_ =	shalt  }
0x72: {  	_ =	shalt  }
0x73: {  	_ =	shalt  }
0x74: {  	_ =	shalt  }
0x75: {  	_ =	shalt  }
0x76: {  	_ =	shalt  }
0x77: {  	_ =	shalt  }
0x78: {  	_ =	shalt  }
0x79: {  	_ =	shalt  }
0x7a: {  	_ =	shalt  }
0x7b: {  	_ =	shalt  }
0x7c: {  	_ =	shalt  }
0x7d: {  	_ =	shalt  }
0x7e: {  	_ =	shalt  }
0x7f: {  	_ =	shalt  }
0x80: {  	_ =	shalt  }
0x81: {  	_ =	shalt  }
0x82: {  	_ =	shalt  }
0x83: {  	_ =	shalt  }
0x84: {  	_ =	shalt  }
0x85: {  	_ =	shalt  }
0x86: {  	_ =	shalt  }
0x87: {  	_ =	shalt  }
.Lfunc_end0:
.L_simem_size_0:
called_computation_lowered:
.L_overlay_start_0:
0x88: {  	s2 =	sld [smem:$0x3FD9]  }
0x89: {  	s3 =	sld [smem:$0x3FFE];
	_ =	sdelay $0x1  }
0x8a: {  	s1 =	srdreg.scid  }
0x8b: {  	s0 =	sand.u32 $0x1, s1  }
0x8c: {  	s16 =	sshll.u32 s0, $0xA;
	s2 =	sadd.s32 s3, s2  }
0x8d: {  	s2 =	sadd.s32 s2, s16  }
0x8e: {  	[smem:$0x3FC1] =	sst s2  }
0x8f: {  	_ = 	snop  }
0x90: {  	(tm) =	ssettm $0x1  }
0x91: {  	s17 =	sld [smem:$0x3FFB];
	_ =	sdelay $0x3  }
0x92: {  	_ =	strace s17  }
0x93: {  	s2 =	sld [smem:$0x3FFC];
	_ =	sdelay $0x3  }
0x94: {  	_ =	strace s2  }
0x95: {  	s2 =	sld [smem:$0x3FFD];
	_ =	sdelay $0x3  }
0x96: {  	_ =	strace s2  }
0x97: {  	_ =	strace $0x8FFFFFFF  }
0x98: {  	s18 =	sld [smem:$0x3FDB];
	_ =	sdelay $0x1  }
0x99: {  	s19 =	simm.s32 $_scs_section_size  }
0x9a: {  	s4 =	simm.s32 $_size__tile_overlayer_lowered;
	s5 =	simm.s32 $_tile_overlayer_lowered  }
0x9b: {  	s22 =	simm.s32 $0x1BFF;
	s21 =	sshll.u32 s5, $0x1;
	s2 =	sadd.s32 s19, s18  }
0x9c: {  	s6 =	simm.s32 $0x0;
	s20 =	sshll.u32 s4, $0x1;
	s4 =	sadd.s32 s21, s2  }
0x9d: {  	[timem:s6], [sflag:s22] =	dma.local [hbm:s4], s20  }
0x9e: {  	_ =	swait.ge [sflag:s22], s20  }
0x9f: {  	s3 =	ssub.s32 $0x0, s20;
	[sflag:s22] =	ssyncset.done $0x0  }
0xa0: {  	[sflag:s22] =	ssyncadd.s32 s3;
	_ =	sdelay $0x1  }
0xa1: {  	s23 =	simm.s32 $0x1B8B  }
0xa2: {  	_ =	swait.ge [sflag:s23], $0x1  }
0xa3: {  	[sflag:s23] =	ssyncset.done $0x0  }
0xa4: {  	s25 =	simm.s32 $0x1B8E;
	s24 =	sld [smem:$0x3FFE];
	[sflag:s23] =	ssyncadd.s32 $0xFFFFFFFF  }
0xa5: {  	s26 =	simm.s32 $execute0_lowered;
	[smem:$0x3FD2] =	sst s25  }
0xa6: {  	s4 =	sshll.u32 s26, $0x1;
	_ =	strace $0x80000046;
	[dreg:$0x1] =	wrdreg $0xFFFFFFFF  }
0xa7: {  	s28 =	simm.s32 $_size_execute0_lowered;
	s2 =	sadd.s32 s2, s4;
	[dreg:$0x0] =	wrdreg $0x0  }
0xa8: {  	s4 =	sshll.u32 s28, $0x1;
	[dreg:$0x2] =	wrdreg s2  }
0xa9: {  	[dreg:$0x3] =	wrdreg s4  }
0xaa: {  	[dreg:$0x4] =	wrdreg $0xC0  }
0xab: {  	_ =	task [dreg:s6], $0x5FFFF  }
0xac: {  	[dreg:$0x1] =	wrdreg $0xFFFFFFFF  }
0xad: {  	[dreg:$0x0] =	wrdreg $0x60  }
0xae: {  	[dreg:$0x2] =	wrdreg s24  }
0xaf: {  	[dreg:$0x3] =	wrdreg $0x9  }
0xb0: {  	_ =	task.clear_ibuf [dreg:s6], $0x4FFFF;
	_ =	strace $0x90000046  }
0xb1: {  	s29 =	simm.s32 $0x9;
	_ =	strace $0x80000048  }
0xb2: {  	_ =	swait.ge [sflag:s29], $0x1  }
0xb3: {  	[sflag:s29] =	ssyncadd.s32 $0xFFFFFFFF  }
0xb4: {  	_ =	strace $0x90000048  }
0xb5: {  	_ =	sfence  }
0xb6: {  	s30 =	sld [smem:$0x0];
	_ =	sdelay $0x2  }
0xb7: {  	s31 =	sshll.u32 s1, $0xD;
	s1 =	sshrl.u32 s1, $0x2  }
0xb8: {  	s3 =	sand.u32 $0x4000, s31;
	s1 =	sadd.s32 s1, s30  }
0xb9: {  	s0 =	sor.u32 s3, s0;
	s1 =	sshll.u32 s1, $0x11  }
0xba: {  	s0 =	sor.u32 s1, s0  }
0xbb: {  	s0 =	sadd.s32 $0x8F2B, s0  }
0xbc: {  	[sflag:s0] =	ssyncadd.remote.s32 $0x1  }
0xbd: {  	_ =	sfence.sel $0xFFFF  }
0xbe: {  	[dreg:$0x0] =	wrdreg $0xFFFFFFFF;
	(pc) =	sbr.abs _section_cstart, $3  }
0xbf: {  	[dreg:$0x1] =	wrdreg $0xFFFFFFFF  }
0xc0: {  	_ =	task.clear_ibuf [dreg:s6], $0x2FFFF;
	_ =	strace $0x9FFFFFFF  }
0xc1: {  	(tm) =	ssettm $0x7FFFFFFF  }
tec
execute0_lowered:
.L_overlay_start_1:
0x0: {  	(tag) =	ssettag $0x1  }
0x1: {  	s0 =	srdreg.scid  }
0x2: {  	s1 =	stileid.u32;
	s2 =	rddreg [dreg:$0x0];
	s4 =	simm.s32 $0x0  }
0x3: {  	s15 =	simm.s32 $0x3;
	s19 =	simm.s32 $0xC8;
	s20 =	simm.s32 $0x4E20  }
0x4: {  	s21 =	simm.s32 $0x60E0;
	s22 =	simm.s32 $0x73A0;
	s23 =	simm.s32 $0x8660  }
0x5: {  	s28 =	simm.s32 $0xD160;
	s29 =	simm.s32 $0x1;
	s30 =	simm.s32 $0x18  }
0x6: {  	s31 =	simm.s32 $0x40;
	s0 =	sand.u32 $0x1, s0;
	s1 =	sshll.u32 s1, $0x1  }
0x7: {  	[smem:$0x7FF] =	sst s4;
	s6 =	sadd.s32 $0x92800, s2;
	s1 =	sor.u32 s0, s1  }
0x8: {  	s7 =	sadd.s32 $0xDBC00, s2;
	s0 =	ssub.s32 $0x2, s0;
	s3 =	smul.u32 $0x1388, s1  }
0x9: {  	s8 =	sadd.s32 $0x14C200, s2;
	s1 =	smul.u32 $0x9C400, s1;
	s10 =	sshrl.u32 s0, $0x1  }
0xa: {  	_ =	strace $0x80000047;
	s0 =	ssub.s32 s0, s10;
	s5 =	sshrl.u32 s3, $0x3  }
0xb: {  	s1 =	sshrl.u32 s1, $0x4;
	s14 =	smax.u32 s0, $0x1;
	s9 =	sadd.s32 s5, s2  }
0xc: {  	s0 =	simm.s32 $0x0;
	s5 =	sadd.s32 $0x49400, s2;
	s24 =	sadd.s32 $0x125000, s9  }
0xd: {  	s1 =	sadd.s32 s8, s1;
	s25 =	sadd.s32 $0x12EC40, s9;
	[dreg:$0x2] =	wrdreg s24  }
0xe: {  	s26 =	sadd.s32 $0x138880, s9;
	s12 =	sadd.s32 $0x1424C0, s9;
	[dreg:$0x3] =	wrdreg s25  }
0xf: {  	s13 =	sadd.s32 $0x9600, s1;
	s1 =	simm.s32 $0x2;
	[dreg:$0x4] =	wrdreg s26  }
0x10: {  	s24 =	simm.s32 $0x9920;
	s25 =	simm.s32 $0xABE0;
	s26 =	simm.s32 $0xBEA0  }
.LBB2_1:
0x11: {  	s9 =	rddreg [dreg:$0x2]  }
0x12: {  	[tilespmem:s4], [sflag:$0x3] =	stream.linear.gather [hbm4b:s9+s4], $0x1388, $0x38;
	[tilespmem:$0xE420] =	vst v63  }
0x13: {  	_ =	swait.ge [sflag:s15], $0x1388  }
0x14: {  	[sflag:s15] =	ssyncset.done $0x0  }
0x15: {  	s10 =	simm.s32 $0x1388;
	s16 =	rddreg [dreg:$0x3];
	[sflag:s15] =	ssyncadd.s32 $0xFFFFEC78  }
0x16: {  	[tilespmem:s10], [sflag:$0x3] =	stream.linear.gather [hbm4b:s16+s4], $0x1388, $0x38;
	[tilespmem:$0xE420] =	vst v63  }
0x17: {  	_ =	swait.ge [sflag:s15], $0x1388  }
0x18: {  	[sflag:s15] =	ssyncset.done $0x0  }
0x19: {  	s11 =	simm.s32 $0x2710;
	s17 =	rddreg [dreg:$0x4];
	[sflag:s15] =	ssyncadd.s32 $0xFFFFEC78  }
0x1a: {  	[tilespmem:s11], [sflag:$0x3] =	stream.linear.gather [hbm4b:s17+s4], $0x1388, $0x38;
	[tilespmem:$0xE420] =	vst v63  }
0x1b: {  	_ =	swait.ge [sflag:s15], $0x1388  }
0x1c: {  	[sflag:s15] =	ssyncset.done $0x0  }
0x1d: {  	s18 =	simm.s32 $0x3A98;
	[sflag:s15] =	ssyncadd.s32 $0xFFFFEC78  }
0x1e: {  	[tilespmem:s18], [sflag:$0x3] =	stream.linear.gather [hbm4b:s12+s4], $0x1388, $0x38;
	[tilespmem:$0xE420] =	vst v63  }
0x1f: {  	_ =	swait.ge [sflag:s15], $0x1388  }
0x20: {  	[sflag:s15] =	ssyncset.done $0x0  }
0x21: {  	[sflag:s15] =	ssyncadd.s32 $0xFFFFEC78  }
0x22: {  	[tilespmem:s20], [sflag:$0x1] =	stream.indirect.gather [hbm4b:s2+s19], $0x18, s4, s19, $0xb8;
	[tilespmem:$0xE420] =	vst v63  }
0x23: {  	_ = 	snop  }
0x24: {  	[tilespmem:s21], [sflag:$0x1] =	stream.indirect.gather [hbm4b:s5+s19], $0x18, s10, s19, $0xb8;
	[tilespmem:$0xE420] =	vst v63  }
0x25: {  	_ = 	snop  }
0x26: {  	[tilespmem:s22], [sflag:$0x1] =	stream.indirect.gather [hbm4b:s6+s19], $0x18, s11, s19, $0xb8;
	[tilespmem:$0xE420] =	vst v63  }
0x27: {  	s16 =	simm.s32 $0x0  }
0x28: {  	[tilespmem:s23], [sflag:$0x1] =	stream.indirect.gather [hbm4b:s7+s19], $0x18, s18, s19, $0xb8;
	[tilespmem:$0xE420] =	vst v63  }
.LBB2_2:
0x29: {  	s18 =	smul.u32 $0x190, s16;
	_ =	sdelay $0x1  }
0x2a: {  	s17 =	sadd.s32 $0xC8, s18  }
0x2b: {  	[tilespmem:s24], [sflag:$0x2] =	stream.indirect.gather [hbm4b:s2+s19], $0x18, s17, s19, $0xb8;
	[tilespmem:$0xE420] =	vst v63  }
0x2c: {  	s9 =	sadd.s32 $0x1450, s18  }
0x2d: {  	[tilespmem:s25], [sflag:$0x2] =	stream.indirect.gather [hbm4b:s5+s19], $0x18, s9, s19, $0xb8;
	[tilespmem:$0xE420] =	vst v63  }
0x2e: {  	s10 =	sadd.s32 $0x27D8, s18  }
0x2f: {  	[tilespmem:s26], [sflag:$0x2] =	stream.indirect.gather [hbm4b:s6+s19], $0x18, s10, s19, $0xb8;
	[tilespmem:$0xE420] =	vst v63  }
0x30: {  	s11 =	sadd.s32 $0x3B60, s18  }
0x31: {  	[tilespmem:s28], [sflag:$0x2] =	stream.indirect.gather [hbm4b:s7+s19], $0x18, s11, s19, $0xb8;
	[tilespmem:$0xE420] =	vst v63  }
0x32: {  	_ =	swait.ge [sflag:s29], $0x12C0  }
0x33: {  	[sflag:s29] =	ssyncset.done $0x0  }
0x34: {  	[sflag:s29] =	ssyncadd.s32 $0xFFFFED40  }
0x35: {  	_ =	swait.ge [sflag:s29], $0x12C0  }
0x36: {  	[sflag:s29] =	ssyncset.done $0x0  }
0x37: {  	[sflag:s29] =	ssyncadd.s32 $0xFFFFED40  }
0x38: {  	_ =	swait.ge [sflag:s29], $0x12C0  }
0x39: {  	[sflag:s29] =	ssyncset.done $0x0  }
0x3a: {  	[sflag:s29] =	ssyncadd.s32 $0xFFFFED40  }
0x3b: {  	_ =	swait.ge [sflag:s29], $0x12C0  }
0x3c: {  	[sflag:s29] =	ssyncset.done $0x0  }
0x3d: {  	s9 =	simm.s32 $0x4E20;
	[sflag:s29] =	ssyncadd.s32 $0xFFFFED40  }
0x3e: {  	v4 =	vld.msk [tilespmem:s9+$0x3840], $0xff  }
0x3f: {  	v5 =	vld.msk [tilespmem:s9+$0x3858], $0xff  }
0x40: {  	v6 =	vld.msk [tilespmem:s9+$0x3848], $0xff  }
0x41: {  	v7 =	vld.msk [tilespmem:s9+$0x3860], $0xff  }
0x42: {  	v8 =	vld.msk [tilespmem:s9+$0x3850], $0xff  }
0x43: {  	v9 =	vld.msk [tilespmem:s9+$0x3868], $0xff  }
0x44: {  	v10 =	vld.msk [tilespmem:s9+$0x3870], $0xff  }
0x45: {  	v11 =	vld.msk [tilespmem:s9+$0x3888], $0xff  }
0x46: {  	v1 =	vld.msk [tilespmem:s9+$0x3878], $0xff  }
0x47: {  	v0 =	vld.msk [tilespmem:s9+$0x3890], $0xff  }
0x48: {  	v3 =	vld.msk [tilespmem:s9+$0x2580], $0xff  }
0x49: {  	v12 =	vld.msk [tilespmem:s9+$0x2598], $0xff  }
0x4a: {  	v13 =	vld.msk [tilespmem:s9+$0x2588], $0xff  }
0x4b: {  	v14 =	vld.msk [tilespmem:s9+$0x25A0], $0xff  }
0x4c: {  	v15 =	vld.msk [tilespmem:s9+$0x2590], $0xff  }
0x4d: {  	v16 =	vld.msk [tilespmem:s9+$0x25A8], $0xff  }
0x4e: {  	v17 =	vld.msk [tilespmem:s9+$0x25B0], $0xff  }
0x4f: {  	v18 =	vld.msk [tilespmem:s9+$0x25C8], $0xff  }
0x50: {  	v19 =	vld.msk [tilespmem:s9+$0x25B8], $0xff  }
0x51: {  	v2 =	vld.msk [tilespmem:s9+$0x25D0], $0xff  }
0x52: {  	v20 =	vld.msk [tilespmem:s9+$0x12C0], $0xff  }
0x53: {  	v21 =	vld.msk [tilespmem:s9+$0x12D8], $0xff  }
0x54: {  	v22 =	vld.msk [tilespmem:s9+$0x12C8], $0xff  }
0x55: {  	v23 =	vld.msk [tilespmem:s9+$0x12E0], $0xff  }
0x56: {  	v24 =	vld.msk [tilespmem:s9+$0x12D0], $0xff  }
0x57: {  	v25 =	vld.msk [tilespmem:s9+$0x12E8], $0xff  }
0x58: {  	v26 =	vld.msk [tilespmem:s9+$0x12F0], $0xff  }
0x59: {  	v27 =	vld.msk [tilespmem:s9+$0x1308], $0xff  }
0x5a: {  	v28 =	vld.msk [tilespmem:s9+$0x0], $0xff  }
0x5b: {  	v29 =	vld.msk [tilespmem:s9+$0x18], $0xff  }
0x5c: {  	v30 =	vld.msk [tilespmem:s9+$0x8], $0xff  }
0x5d: {  	v31 =	vld.msk [tilespmem:s9+$0x20], $0xff  }
0x5e: {  	v32 =	vld.msk [tilespmem:s9+$0x12F8], $0xff  }
0x5f: {  	v33 =	vld.msk [tilespmem:s9+$0x1310], $0xff;
	v20 =	vadd.bf16 v20, v28  }
0x60: {  	v34 =	vld.msk [tilespmem:s9+$0x10], $0xff;
	v21 =	vadd.bf16 v21, v29  }
0x61: {  	v35 =	vld.msk [tilespmem:s9+$0x28], $0xff;
	v22 =	vadd.bf16 v22, v30;
	v20 =	vadd.bf16 v3, v20  }
0x62: {  	v36 =	vld.msk [tilespmem:s9+$0x30], $0xff;
	v23 =	vadd.bf16 v23, v31;
	v12 =	vadd.bf16 v12, v21  }
0x63: {  	v59 =	vld.msk [tilespmem:s9+$0x48], $0xff;
	v13 =	vadd.bf16 v13, v22;
	v4 =	vadd.bf16 v4, v20  }
0x64: {  	v60 =	vld.msk [tilespmem:s9+$0x1300], $0xff;
	v5 =	vadd.bf16 v5, v12;
	v12 =	vadd.bf16 v14, v23  }
0x65: {  	v61 =	vld.msk [tilespmem:s9+$0x38], $0xff;
	v6 =	vadd.bf16 v6, v13;
	v13 =	vadd.bf16 v24, v34  }
0x66: {  	v62 =	vld.msk [tilespmem:s9+$0x50], $0xff;
	v7 =	vadd.bf16 v7, v12;
	v12 =	vadd.bf16 v25, v35  }
0x67: {  	v63 =	vld.msk [tilespmem:s9+$0x40], $0xff;
	v14 =	vadd.bf16 v26, v36;
	v13 =	vadd.bf16 v15, v13  }
0x68: {  	v3 =	vld.msk [tilespmem:s9+$0x1318], $0xff;
	v15 =	vadd.bf16 v27, v59;
	v12 =	vadd.bf16 v16, v12  }
0x69: {  	[tilespmem:s9+$0x0] =	vst.msk $0xff, v4;
	v4 =	vld.msk [tilespmem:s9+$0x58], $0xff;
	v8 =	vadd.bf16 v8, v13;
	v13 =	vadd.bf16 v17, v14  }
0x6a: {  	[tilespmem:s9+$0x18] =	vst.msk $0xff, v5;
	v5 =	vld.msk [tilespmem:s9+$0x25C0], $0xff;
	v9 =	vadd.bf16 v9, v12;
	v12 =	vadd.bf16 v18, v15  }
0x6b: {  	[tilespmem:s9+$0x8] =	vst.msk $0xff, v6;
	v6 =	vld.msk [tilespmem:s9+$0x25D8], $0xff;
	v10 =	vadd.bf16 v10, v13;
	v13 =	vadd.bf16 v32, v61  }
0x6c: {  	[tilespmem:s9+$0x20] =	vst.msk $0xff, v7;
	v7 =	vld.msk [tilespmem:s9+$0x3880], $0xff;
	v14 =	vadd.bf16 v33, v62;
	v11 =	vadd.bf16 v11, v12  }
0x6d: {  	s10 =	simm.s32 $0x0;
	s11 =	simm.s32 $0x4E80;
	[tilespmem:s9+$0x10] =	vst.msk $0xff, v8;
	v8 =	vld.msk [tilespmem:s9+$0x3898], $0xff;
	v12 =	vadd.bf16 v19, v13;
	v13 =	vadd.bf16 v60, v63  }
.LBB2_3:
0x6e: {  	v15 =	vld.msk [tilespmem:s11+$0x3840], $0xff;
	[tilespmem:s9+$0x28] =	vst.msk $0xff, v9;
	v2 =	vadd.bf16 v2, v14;
	v3 =	vadd.bf16 v3, v4  }
0x6f: {  	v4 =	vld.msk [tilespmem:s11+$0x3858], $0xff;
	[tilespmem:s9+$0x30] =	vst.msk $0xff, v10;
	v1 =	vadd.bf16 v1, v12;
	v5 =	vadd.bf16 v5, v13  }
0x70: {  	v9 =	vld.msk [tilespmem:s11+$0x3848], $0xff;
	[tilespmem:s9+$0x48] =	vst.msk $0xff, v11;
	v0 =	vadd.bf16 v0, v2;
	v2 =	vadd.bf16 v6, v3  }
0x71: {  	v6 =	vld.msk [tilespmem:s11+$0x3860], $0xff;
	[tilespmem:s9+$0x38] =	vst.msk $0xff, v1;
	v1 =	vadd.bf16 v7, v5  }
0x72: {  	v5 =	vld.msk [tilespmem:s11+$0x3850], $0xff;
	[tilespmem:s9+$0x50] =	vst.msk $0xff, v0;
	v0 =	vadd.bf16 v8, v2  }
0x73: {  	v7 =	vld.msk [tilespmem:s11+$0x3868], $0xff;
	[tilespmem:s9+$0x40] =	vst.msk $0xff, v1  }
0x74: {  	v8 =	vld.msk [tilespmem:s11+$0x3870], $0xff;
	[tilespmem:s9+$0x58] =	vst.msk $0xff, v0;
	s9 =	smov.u32 s11  }
0x75: {  	v11 =	vld.msk [tilespmem:s11+$0x3888], $0xff  }
0x76: {  	v1 =	vld.msk [tilespmem:s11+$0x3878], $0xff  }
0x77: {  	v0 =	vld.msk [tilespmem:s11+$0x3890], $0xff  }
0x78: {  	v3 =	vld.msk [tilespmem:s11+$0x2580], $0xff  }
0x79: {  	v10 =	vld.msk [tilespmem:s11+$0x2598], $0xff  }
0x7a: {  	v12 =	vld.msk [tilespmem:s11+$0x2588], $0xff  }
0x7b: {  	v13 =	vld.msk [tilespmem:s11+$0x25A0], $0xff  }
0x7c: {  	v14 =	vld.msk [tilespmem:s11+$0x2590], $0xff  }
0x7d: {  	v16 =	vld.msk [tilespmem:s11+$0x25A8], $0xff  }
0x7e: {  	v17 =	vld.msk [tilespmem:s11+$0x25B0], $0xff  }
0x7f: {  	v18 =	vld.msk [tilespmem:s11+$0x25C8], $0xff  }
0x80: {  	v19 =	vld.msk [tilespmem:s11+$0x25B8], $0xff  }
0x81: {  	v2 =	vld.msk [tilespmem:s11+$0x25D0], $0xff  }
0x82: {  	v20 =	vld.msk [tilespmem:s11+$0x12C0], $0xff  }
0x83: {  	v21 =	vld.msk [tilespmem:s11+$0x12D8], $0xff  }
0x84: {  	v22 =	vld.msk [tilespmem:s11+$0x12C8], $0xff  }
0x85: {  	v23 =	vld.msk [tilespmem:s11+$0x12E0], $0xff  }
0x86: {  	v24 =	vld.msk [tilespmem:s11+$0x12D0], $0xff  }
0x87: {  	v25 =	vld.msk [tilespmem:s11+$0x12E8], $0xff  }
0x88: {  	v26 =	vld.msk [tilespmem:s11+$0x12F0], $0xff  }
0x89: {  	v27 =	vld.msk [tilespmem:s11+$0x1308], $0xff  }
0x8a: {  	v28 =	vld.msk [tilespmem:s11+$0x0], $0xff  }
0x8b: {  	v29 =	vld.msk [tilespmem:s11+$0x18], $0xff  }
0x8c: {  	v30 =	vld.msk [tilespmem:s11+$0x8], $0xff  }
0x8d: {  	v31 =	vld.msk [tilespmem:s11+$0x20], $0xff  }
0x8e: {  	v32 =	vld.msk [tilespmem:s11+$0x12F8], $0xff  }
0x8f: {  	v20 =	vadd.bf16 v20, v28;
	v28 =	vld.msk [tilespmem:s11+$0x1310], $0xff  }
0x90: {  	v21 =	vadd.bf16 v21, v29;
	v29 =	vld.msk [tilespmem:s11+$0x10], $0xff  }
0x91: {  	v3 =	vadd.bf16 v3, v20;
	v20 =	vadd.bf16 v22, v30;
	v22 =	vld.msk [tilespmem:s11+$0x28], $0xff  }
0x92: {  	v10 =	vadd.bf16 v10, v21;
	v21 =	vadd.bf16 v23, v31;
	v23 =	vld.msk [tilespmem:s11+$0x30], $0xff  }
0x93: {  	v15 =	vadd.bf16 v15, v3;
	v3 =	vadd.bf16 v12, v20;
	v12 =	vld.msk [tilespmem:s11+$0x48], $0xff  }
0x94: {  	v10 =	vadd.bf16 v4, v10;
	v4 =	vadd.bf16 v13, v21;
	v13 =	vld.msk [tilespmem:s11+$0x1300], $0xff  }
0x95: {  	v20 =	vadd.bf16 v9, v3;
	v9 =	vadd.bf16 v24, v29;
	v3 =	vld.msk [tilespmem:s11+$0x1318], $0xff  }
0x96: {  	v21 =	vadd.bf16 v6, v4;
	v4 =	vadd.bf16 v25, v22;
	v6 =	vld.msk [tilespmem:s11+$0x38], $0xff  }
0x97: {  	s10 =	sadd.s32 $0x2, s10;
	v9 =	vadd.bf16 v14, v9;
	v14 =	vadd.bf16 v26, v23;
	v22 =	vld.msk [tilespmem:s11+$0x50], $0xff  }
0x98: {  	p0 =	slt.u32 s10, $0x62;
	v16 =	vadd.bf16 v16, v4;
	v12 =	vadd.bf16 v27, v12;
	v23 =	vld.msk [tilespmem:s11+$0x40], $0xff  }
.Ltmp0:
0x99: {  	[tilespmem:s11+$0x0] =	vst.msk $0xff, v15;
	v15 =	vadd.bf16 v5, v9;
	v14 =	vadd.bf16 v17, v14;
	v4 =	vld.msk [tilespmem:s11+$0x58], $0xff;
	(pc) =	sbr.rel @p0 .LBB2_3-.Ltmp0, $4  }
0x9a: {  	[tilespmem:s11+$0x18] =	vst.msk $0xff, v10;
	v9 =	vadd.bf16 v7, v16;
	v7 =	vadd.bf16 v18, v12;
	v5 =	vld.msk [tilespmem:s11+$0x25C0], $0xff  }
0x9b: {  	[tilespmem:s11+$0x8] =	vst.msk $0xff, v20;
	v10 =	vadd.bf16 v8, v14;
	v8 =	vadd.bf16 v32, v6;
	v6 =	vld.msk [tilespmem:s11+$0x25D8], $0xff  }
0x9c: {  	[tilespmem:s11+$0x20] =	vst.msk $0xff, v21;
	v11 =	vadd.bf16 v11, v7;
	v14 =	vadd.bf16 v28, v22;
	v7 =	vld.msk [tilespmem:s11+$0x3880], $0xff  }
0x9d: {  	s11 =	sadd.s32 $0x60, s11;
	[tilespmem:s9+$0x10] =	vst.msk $0xff, v15;
	v12 =	vadd.bf16 v19, v8;
	v13 =	vadd.bf16 v13, v23;
	v8 =	vld.msk [tilespmem:s9+$0x3898], $0xff  }
0x9e: {  	[tilespmem:s9+$0x28] =	vst.msk $0xff, v9;
	v2 =	vadd.bf16 v2, v14;
	v3 =	vadd.bf16 v3, v4  }
0x9f: {  	[tilespmem:s9+$0x30] =	vst.msk $0xff, v10;
	v1 =	vadd.bf16 v1, v12;
	v4 =	vadd.bf16 v5, v13  }
0xa0: {  	[tilespmem:s9+$0x48] =	vst.msk $0xff, v11;
	v0 =	vadd.bf16 v0, v2;
	v2 =	vadd.bf16 v6, v3  }
0xa1: {  	[tilespmem:s9+$0x38] =	vst.msk $0xff, v1;
	v1 =	vadd.bf16 v7, v4  }
0xa2: {  	s10 =	sadd.s32 s3, s18;
	[tilespmem:s9+$0x50] =	vst.msk $0xff, v0;
	v0 =	vadd.bf16 v8, v2  }
0xa3: {  	s10 =	sshll.u32 s10, $0x3;
	[tilespmem:s9+$0x40] =	vst.msk $0xff, v1  }
0xa4: {  	s10 =	sadd.s32 s8, s10;
	[tilespmem:s9+$0x58] =	vst.msk $0xff, v0  }
0xa5: {  	[hbm4b:s10+s30] =	stream.strided.scatter [tilespmem:s20], [sflag:$0x3], $0x12C0, s31, s30, $0x38;
	[tilespmem:$0xE420] =	vst v63  }
0xa6: {  	_ =	swait.ge [sflag:s15], $0x12C0  }
0xa7: {  	[sflag:s15] =	ssyncset.done $0x0  }
0xa8: {  	s11 =	sadd.s32 $0x190, s18;
	[sflag:s15] =	ssyncadd.s32 $0xFFFFED40  }
0xa9: {  	[tilespmem:s20], [sflag:$0x1] =	stream.indirect.gather [hbm4b:s2+s19], $0x18, s11, s19, $0xb8;
	[tilespmem:$0xE420] =	vst v63  }
0xaa: {  	s10 =	sadd.s32 $0x1518, s18  }
0xab: {  	[tilespmem:s21], [sflag:$0x1] =	stream.indirect.gather [hbm4b:s5+s19], $0x18, s10, s19, $0xb8;
	[tilespmem:$0xE420] =	vst v63  }
0xac: {  	s11 =	sadd.s32 $0x28A0, s18  }
0xad: {  	[tilespmem:s22], [sflag:$0x1] =	stream.indirect.gather [hbm4b:s6+s19], $0x18, s11, s19, $0xb8;
	[tilespmem:$0xE420] =	vst v63  }
0xae: {  	s18 =	sadd.s32 $0x3C28, s18  }
0xaf: {  	[tilespmem:s23], [sflag:$0x1] =	stream.indirect.gather [hbm4b:s7+s19], $0x18, s18, s19, $0xb8;
	[tilespmem:$0xE420] =	vst v63  }
0xb0: {  	_ =	swait.ge [sflag:s1], $0x12C0  }
0xb1: {  	[sflag:s1] =	ssyncset.done $0x0  }
0xb2: {  	[sflag:s1] =	ssyncadd.s32 $0xFFFFED40  }
0xb3: {  	_ =	swait.ge [sflag:s1], $0x12C0  }
0xb4: {  	[sflag:s1] =	ssyncset.done $0x0  }
0xb5: {  	[sflag:s1] =	ssyncadd.s32 $0xFFFFED40  }
0xb6: {  	_ =	swait.ge [sflag:s1], $0x12C0  }
0xb7: {  	[sflag:s1] =	ssyncset.done $0x0  }
0xb8: {  	[sflag:s1] =	ssyncadd.s32 $0xFFFFED40  }
0xb9: {  	_ =	swait.ge [sflag:s1], $0x12C0  }
0xba: {  	[sflag:s1] =	ssyncset.done $0x0  }
0xbb: {  	s18 =	simm.s32 $0x9920;
	[sflag:s1] =	ssyncadd.s32 $0xFFFFED40  }
0xbc: {  	v4 =	vld.msk [tilespmem:s18+$0x3840], $0xff  }
0xbd: {  	v5 =	vld.msk [tilespmem:s18+$0x3858], $0xff  }
0xbe: {  	v6 =	vld.msk [tilespmem:s18+$0x3848], $0xff  }
0xbf: {  	v7 =	vld.msk [tilespmem:s18+$0x3860], $0xff  }
0xc0: {  	v8 =	vld.msk [tilespmem:s18+$0x3850], $0xff  }
0xc1: {  	v9 =	vld.msk [tilespmem:s18+$0x3868], $0xff  }
0xc2: {  	v10 =	vld.msk [tilespmem:s18+$0x3870], $0xff  }
0xc3: {  	v11 =	vld.msk [tilespmem:s18+$0x3888], $0xff  }
0xc4: {  	v1 =	vld.msk [tilespmem:s18+$0x3878], $0xff  }
0xc5: {  	v0 =	vld.msk [tilespmem:s18+$0x3890], $0xff  }
0xc6: {  	v3 =	vld.msk [tilespmem:s18+$0x2580], $0xff  }
0xc7: {  	v12 =	vld.msk [tilespmem:s18+$0x2598], $0xff  }
0xc8: {  	v13 =	vld.msk [tilespmem:s18+$0x2588], $0xff  }
0xc9: {  	v14 =	vld.msk [tilespmem:s18+$0x25A0], $0xff  }
0xca: {  	v15 =	vld.msk [tilespmem:s18+$0x2590], $0xff  }
0xcb: {  	v16 =	vld.msk [tilespmem:s18+$0x25A8], $0xff  }
0xcc: {  	v17 =	vld.msk [tilespmem:s18+$0x25B0], $0xff  }
0xcd: {  	v18 =	vld.msk [tilespmem:s18+$0x25C8], $0xff  }
0xce: {  	v19 =	vld.msk [tilespmem:s18+$0x25B8], $0xff  }
0xcf: {  	v2 =	vld.msk [tilespmem:s18+$0x25D0], $0xff  }
0xd0: {  	v20 =	vld.msk [tilespmem:s18+$0x12C0], $0xff  }
0xd1: {  	v21 =	vld.msk [tilespmem:s18+$0x12D8], $0xff  }
0xd2: {  	v22 =	vld.msk [tilespmem:s18+$0x12C8], $0xff  }
0xd3: {  	v23 =	vld.msk [tilespmem:s18+$0x12E0], $0xff  }
0xd4: {  	v24 =	vld.msk [tilespmem:s18+$0x12D0], $0xff  }
0xd5: {  	v25 =	vld.msk [tilespmem:s18+$0x12E8], $0xff  }
0xd6: {  	v26 =	vld.msk [tilespmem:s18+$0x12F0], $0xff  }
0xd7: {  	v27 =	vld.msk [tilespmem:s18+$0x1308], $0xff  }
0xd8: {  	v28 =	vld.msk [tilespmem:s18+$0x0], $0xff  }
0xd9: {  	v29 =	vld.msk [tilespmem:s18+$0x18], $0xff  }
0xda: {  	v30 =	vld.msk [tilespmem:s18+$0x8], $0xff  }
0xdb: {  	v31 =	vld.msk [tilespmem:s18+$0x20], $0xff  }
0xdc: {  	v32 =	vld.msk [tilespmem:s18+$0x12F8], $0xff  }
0xdd: {  	v33 =	vld.msk [tilespmem:s18+$0x1310], $0xff;
	v20 =	vadd.bf16 v20, v28  }
0xde: {  	v34 =	vld.msk [tilespmem:s18+$0x10], $0xff;
	v21 =	vadd.bf16 v21, v29  }
0xdf: {  	v35 =	vld.msk [tilespmem:s18+$0x28], $0xff;
	v22 =	vadd.bf16 v22, v30;
	v20 =	vadd.bf16 v3, v20  }
0xe0: {  	v36 =	vld.msk [tilespmem:s18+$0x30], $0xff;
	v23 =	vadd.bf16 v23, v31;
	v12 =	vadd.bf16 v12, v21  }
0xe1: {  	v59 =	vld.msk [tilespmem:s18+$0x48], $0xff;
	v13 =	vadd.bf16 v13, v22;
	v4 =	vadd.bf16 v4, v20  }
0xe2: {  	v60 =	vld.msk [tilespmem:s18+$0x1300], $0xff;
	v5 =	vadd.bf16 v5, v12;
	v12 =	vadd.bf16 v14, v23  }
0xe3: {  	v61 =	vld.msk [tilespmem:s18+$0x38], $0xff;
	v6 =	vadd.bf16 v6, v13;
	v13 =	vadd.bf16 v24, v34  }
0xe4: {  	v62 =	vld.msk [tilespmem:s18+$0x50], $0xff;
	v7 =	vadd.bf16 v7, v12;
	v12 =	vadd.bf16 v25, v35  }
0xe5: {  	v63 =	vld.msk [tilespmem:s18+$0x40], $0xff;
	v14 =	vadd.bf16 v26, v36;
	v13 =	vadd.bf16 v15, v13  }
0xe6: {  	v3 =	vld.msk [tilespmem:s18+$0x1318], $0xff;
	v15 =	vadd.bf16 v27, v59;
	v12 =	vadd.bf16 v16, v12  }
0xe7: {  	[tilespmem:s18+$0x0] =	vst.msk $0xff, v4;
	v4 =	vld.msk [tilespmem:s18+$0x58], $0xff;
	v8 =	vadd.bf16 v8, v13;
	v13 =	vadd.bf16 v17, v14  }
0xe8: {  	[tilespmem:s18+$0x18] =	vst.msk $0xff, v5;
	v5 =	vld.msk [tilespmem:s18+$0x25C0], $0xff;
	v9 =	vadd.bf16 v9, v12;
	v12 =	vadd.bf16 v18, v15  }
0xe9: {  	[tilespmem:s18+$0x8] =	vst.msk $0xff, v6;
	v6 =	vld.msk [tilespmem:s18+$0x25D8], $0xff;
	v10 =	vadd.bf16 v10, v13;
	v13 =	vadd.bf16 v32, v61  }
0xea: {  	[tilespmem:s18+$0x20] =	vst.msk $0xff, v7;
	v7 =	vld.msk [tilespmem:s18+$0x3880], $0xff;
	v14 =	vadd.bf16 v33, v62;
	v11 =	vadd.bf16 v11, v12  }
0xeb: {  	s9 =	simm.s32 $0x0;
	s10 =	simm.s32 $0x9980;
	[tilespmem:s18+$0x10] =	vst.msk $0xff, v8;
	v8 =	vld.msk [tilespmem:s18+$0x3898], $0xff;
	v12 =	vadd.bf16 v19, v13;
	v13 =	vadd.bf16 v60, v63  }
.LBB2_5:
0xec: {  	v15 =	vld.msk [tilespmem:s10+$0x3840], $0xff;
	[tilespmem:s18+$0x28] =	vst.msk $0xff, v9;
	v2 =	vadd.bf16 v2, v14;
	v3 =	vadd.bf16 v3, v4  }
0xed: {  	v4 =	vld.msk [tilespmem:s10+$0x3858], $0xff;
	[tilespmem:s18+$0x30] =	vst.msk $0xff, v10;
	v1 =	vadd.bf16 v1, v12;
	v5 =	vadd.bf16 v5, v13  }
0xee: {  	v9 =	vld.msk [tilespmem:s10+$0x3848], $0xff;
	[tilespmem:s18+$0x48] =	vst.msk $0xff, v11;
	v0 =	vadd.bf16 v0, v2;
	v2 =	vadd.bf16 v6, v3  }
0xef: {  	v6 =	vld.msk [tilespmem:s10+$0x3860], $0xff;
	[tilespmem:s18+$0x38] =	vst.msk $0xff, v1;
	v1 =	vadd.bf16 v7, v5  }
0xf0: {  	v5 =	vld.msk [tilespmem:s10+$0x3850], $0xff;
	[tilespmem:s18+$0x50] =	vst.msk $0xff, v0;
	v0 =	vadd.bf16 v8, v2  }
0xf1: {  	v7 =	vld.msk [tilespmem:s10+$0x3868], $0xff;
	[tilespmem:s18+$0x40] =	vst.msk $0xff, v1  }
0xf2: {  	v8 =	vld.msk [tilespmem:s10+$0x3870], $0xff;
	[tilespmem:s18+$0x58] =	vst.msk $0xff, v0;
	s18 =	smov.u32 s10  }
0xf3: {  	v11 =	vld.msk [tilespmem:s10+$0x3888], $0xff  }
0xf4: {  	v1 =	vld.msk [tilespmem:s10+$0x3878], $0xff  }
0xf5: {  	v0 =	vld.msk [tilespmem:s10+$0x3890], $0xff  }
0xf6: {  	v3 =	vld.msk [tilespmem:s10+$0x2580], $0xff  }
0xf7: {  	v10 =	vld.msk [tilespmem:s10+$0x2598], $0xff  }
0xf8: {  	v12 =	vld.msk [tilespmem:s10+$0x2588], $0xff  }
0xf9: {  	v13 =	vld.msk [tilespmem:s10+$0x25A0], $0xff  }
0xfa: {  	v14 =	vld.msk [tilespmem:s10+$0x2590], $0xff  }
0xfb: {  	v16 =	vld.msk [tilespmem:s10+$0x25A8], $0xff  }
0xfc: {  	v17 =	vld.msk [tilespmem:s10+$0x25B0], $0xff  }
0xfd: {  	v18 =	vld.msk [tilespmem:s10+$0x25C8], $0xff  }
0xfe: {  	v19 =	vld.msk [tilespmem:s10+$0x25B8], $0xff  }
0xff: {  	v2 =	vld.msk [tilespmem:s10+$0x25D0], $0xff  }
0x100: {  	v20 =	vld.msk [tilespmem:s10+$0x12C0], $0xff  }
0x101: {  	v21 =	vld.msk [tilespmem:s10+$0x12D8], $0xff  }
0x102: {  	v22 =	vld.msk [tilespmem:s10+$0x12C8], $0xff  }
0x103: {  	v23 =	vld.msk [tilespmem:s10+$0x12E0], $0xff  }
0x104: {  	v24 =	vld.msk [tilespmem:s10+$0x12D0], $0xff  }
0x105: {  	v25 =	vld.msk [tilespmem:s10+$0x12E8], $0xff  }
0x106: {  	v26 =	vld.msk [tilespmem:s10+$0x12F0], $0xff  }
0x107: {  	v27 =	vld.msk [tilespmem:s10+$0x1308], $0xff  }
0x108: {  	v28 =	vld.msk [tilespmem:s10+$0x0], $0xff  }
0x109: {  	v29 =	vld.msk [tilespmem:s10+$0x18], $0xff  }
0x10a: {  	v30 =	vld.msk [tilespmem:s10+$0x8], $0xff  }
0x10b: {  	v31 =	vld.msk [tilespmem:s10+$0x20], $0xff  }
0x10c: {  	v32 =	vld.msk [tilespmem:s10+$0x12F8], $0xff  }
0x10d: {  	v20 =	vadd.bf16 v20, v28;
	v28 =	vld.msk [tilespmem:s10+$0x1310], $0xff  }
0x10e: {  	v21 =	vadd.bf16 v21, v29;
	v29 =	vld.msk [tilespmem:s10+$0x10], $0xff  }
0x10f: {  	v3 =	vadd.bf16 v3, v20;
	v20 =	vadd.bf16 v22, v30;
	v22 =	vld.msk [tilespmem:s10+$0x28], $0xff  }
0x110: {  	v10 =	vadd.bf16 v10, v21;
	v21 =	vadd.bf16 v23, v31;
	v23 =	vld.msk [tilespmem:s10+$0x30], $0xff  }
0x111: {  	v15 =	vadd.bf16 v15, v3;
	v3 =	vadd.bf16 v12, v20;
	v12 =	vld.msk [tilespmem:s10+$0x48], $0xff  }
0x112: {  	v10 =	vadd.bf16 v4, v10;
	v4 =	vadd.bf16 v13, v21;
	v13 =	vld.msk [tilespmem:s10+$0x1300], $0xff  }
0x113: {  	v20 =	vadd.bf16 v9, v3;
	v9 =	vadd.bf16 v24, v29;
	v3 =	vld.msk [tilespmem:s10+$0x1318], $0xff  }
0x114: {  	v21 =	vadd.bf16 v6, v4;
	v4 =	vadd.bf16 v25, v22;
	v6 =	vld.msk [tilespmem:s10+$0x38], $0xff  }
0x115: {  	s9 =	sadd.s32 $0x2, s9;
	v9 =	vadd.bf16 v14, v9;
	v14 =	vadd.bf16 v26, v23;
	v22 =	vld.msk [tilespmem:s10+$0x50], $0xff  }
0x116: {  	p0 =	slt.u32 s9, $0x62;
	v16 =	vadd.bf16 v16, v4;
	v12 =	vadd.bf16 v27, v12;
	v23 =	vld.msk [tilespmem:s10+$0x40], $0xff  }
.Ltmp1:
0x117: {  	[tilespmem:s10+$0x0] =	vst.msk $0xff, v15;
	v15 =	vadd.bf16 v5, v9;
	v14 =	vadd.bf16 v17, v14;
	v4 =	vld.msk [tilespmem:s10+$0x58], $0xff;
	(pc) =	sbr.rel @p0 .LBB2_5-.Ltmp1, $4  }
0x118: {  	[tilespmem:s10+$0x18] =	vst.msk $0xff, v10;
	v9 =	vadd.bf16 v7, v16;
	v7 =	vadd.bf16 v18, v12;
	v5 =	vld.msk [tilespmem:s10+$0x25C0], $0xff  }
0x119: {  	[tilespmem:s10+$0x8] =	vst.msk $0xff, v20;
	v10 =	vadd.bf16 v8, v14;
	v8 =	vadd.bf16 v32, v6;
	v6 =	vld.msk [tilespmem:s10+$0x25D8], $0xff  }
0x11a: {  	[tilespmem:s10+$0x20] =	vst.msk $0xff, v21;
	v11 =	vadd.bf16 v11, v7;
	v14 =	vadd.bf16 v28, v22;
	v7 =	vld.msk [tilespmem:s10+$0x3880], $0xff  }
0x11b: {  	s10 =	sadd.s32 $0x60, s10;
	[tilespmem:s18+$0x10] =	vst.msk $0xff, v15;
	v12 =	vadd.bf16 v19, v8;
	v13 =	vadd.bf16 v13, v23;
	v8 =	vld.msk [tilespmem:s18+$0x3898], $0xff  }
0x11c: {  	[tilespmem:s18+$0x28] =	vst.msk $0xff, v9;
	v2 =	vadd.bf16 v2, v14;
	v3 =	vadd.bf16 v3, v4  }
0x11d: {  	[tilespmem:s18+$0x30] =	vst.msk $0xff, v10;
	v1 =	vadd.bf16 v1, v12;
	v60 =	vadd.bf16 v5, v13  }
0x11e: {  	[tilespmem:s18+$0x48] =	vst.msk $0xff, v11;
	v0 =	vadd.bf16 v0, v2;
	v61 =	vadd.bf16 v6, v3  }
0x11f: {  	s9 =	sadd.s32 s3, s17;
	[tilespmem:s18+$0x38] =	vst.msk $0xff, v1;
	v62 =	vadd.bf16 v7, v60  }
0x120: {  	s16 =	sadd.s32 $0x1, s16;
	s9 =	sshll.u32 s9, $0x3;
	[tilespmem:s18+$0x50] =	vst.msk $0xff, v0;
	v63 =	vadd.bf16 v8, v61  }
0x121: {  	p0 =	sne.s32 s16, $0xC;
	s9 =	sand.u32 $0xFFFFFC0, s9;
	[tilespmem:s18+$0x40] =	vst.msk $0xff, v62  }
.Ltmp2:
0x122: {  	s9 =	sadd.s32 s8, s9;
	[tilespmem:s18+$0x58] =	vst.msk $0xff, v63;
	(pc) =	sbr.rel @p0 .LBB2_2-.Ltmp2, $4  }
0x123: {  	[hbm4b:s9+s30] =	stream.strided.scatter [tilespmem:s24], [sflag:$0x3], $0x12C0, s31, s30, $0x38;
	[tilespmem:$0xE420] =	vst v63  }
0x124: {  	_ =	swait.ge [sflag:s15], $0x12C0  }
0x125: {  	[sflag:s15] =	ssyncset.done $0x0  }
0x126: {  	[sflag:s15] =	ssyncadd.s32 $0xFFFFED40  }
0x127: {  	_ =	swait.ge [sflag:s29], $0x12C0  }
0x128: {  	[sflag:s29] =	ssyncset.done $0x0  }
0x129: {  	[sflag:s29] =	ssyncadd.s32 $0xFFFFED40  }
0x12a: {  	_ =	swait.ge [sflag:s29], $0x12C0  }
0x12b: {  	[sflag:s29] =	ssyncset.done $0x0  }
0x12c: {  	[sflag:s29] =	ssyncadd.s32 $0xFFFFED40  }
0x12d: {  	_ =	swait.ge [sflag:s29], $0x12C0  }
0x12e: {  	[sflag:s29] =	ssyncset.done $0x0  }
0x12f: {  	[sflag:s29] =	ssyncadd.s32 $0xFFFFED40  }
0x130: {  	_ =	swait.ge [sflag:s29], $0x12C0  }
0x131: {  	[sflag:s29] =	ssyncset.done $0x0  }
0x132: {  	s9 =	simm.s32 $0x4E20;
	[sflag:s29] =	ssyncadd.s32 $0xFFFFED40  }
0x133: {  	v4 =	vld.msk [tilespmem:s9+$0x3840], $0xff  }
0x134: {  	v5 =	vld.msk [tilespmem:s9+$0x3858], $0xff  }
0x135: {  	v6 =	vld.msk [tilespmem:s9+$0x3848], $0xff  }
0x136: {  	v7 =	vld.msk [tilespmem:s9+$0x3860], $0xff  }
0x137: {  	v8 =	vld.msk [tilespmem:s9+$0x3850], $0xff  }
0x138: {  	v9 =	vld.msk [tilespmem:s9+$0x3868], $0xff  }
0x139: {  	v10 =	vld.msk [tilespmem:s9+$0x3870], $0xff  }
0x13a: {  	v11 =	vld.msk [tilespmem:s9+$0x3888], $0xff  }
0x13b: {  	v1 =	vld.msk [tilespmem:s9+$0x3878], $0xff  }
0x13c: {  	v0 =	vld.msk [tilespmem:s9+$0x3890], $0xff  }
0x13d: {  	v3 =	vld.msk [tilespmem:s9+$0x2580], $0xff  }
0x13e: {  	v12 =	vld.msk [tilespmem:s9+$0x2598], $0xff  }
0x13f: {  	v13 =	vld.msk [tilespmem:s9+$0x2588], $0xff  }
0x140: {  	v14 =	vld.msk [tilespmem:s9+$0x25A0], $0xff  }
0x141: {  	v15 =	vld.msk [tilespmem:s9+$0x2590], $0xff  }
0x142: {  	v16 =	vld.msk [tilespmem:s9+$0x25A8], $0xff  }
0x143: {  	v17 =	vld.msk [tilespmem:s9+$0x25B0], $0xff  }
0x144: {  	v18 =	vld.msk [tilespmem:s9+$0x25C8], $0xff  }
0x145: {  	v19 =	vld.msk [tilespmem:s9+$0x25B8], $0xff  }
0x146: {  	v2 =	vld.msk [tilespmem:s9+$0x25D0], $0xff  }
0x147: {  	v20 =	vld.msk [tilespmem:s9+$0x12C0], $0xff  }
0x148: {  	v21 =	vld.msk [tilespmem:s9+$0x12D8], $0xff  }
0x149: {  	v22 =	vld.msk [tilespmem:s9+$0x12C8], $0xff  }
0x14a: {  	v23 =	vld.msk [tilespmem:s9+$0x12E0], $0xff  }
0x14b: {  	v24 =	vld.msk [tilespmem:s9+$0x12D0], $0xff  }
0x14c: {  	v25 =	vld.msk [tilespmem:s9+$0x12E8], $0xff  }
0x14d: {  	v26 =	vld.msk [tilespmem:s9+$0x12F0], $0xff  }
0x14e: {  	v27 =	vld.msk [tilespmem:s9+$0x1308], $0xff  }
0x14f: {  	v28 =	vld.msk [tilespmem:s9+$0x0], $0xff  }
0x150: {  	v29 =	vld.msk [tilespmem:s9+$0x18], $0xff  }
0x151: {  	v30 =	vld.msk [tilespmem:s9+$0x8], $0xff  }
0x152: {  	v31 =	vld.msk [tilespmem:s9+$0x20], $0xff  }
0x153: {  	v32 =	vld.msk [tilespmem:s9+$0x12F8], $0xff  }
0x154: {  	v33 =	vld.msk [tilespmem:s9+$0x1310], $0xff;
	v20 =	vadd.bf16 v20, v28  }
0x155: {  	v34 =	vld.msk [tilespmem:s9+$0x10], $0xff;
	v21 =	vadd.bf16 v21, v29  }
0x156: {  	v35 =	vld.msk [tilespmem:s9+$0x28], $0xff;
	v22 =	vadd.bf16 v22, v30;
	v20 =	vadd.bf16 v3, v20  }
0x157: {  	v36 =	vld.msk [tilespmem:s9+$0x30], $0xff;
	v23 =	vadd.bf16 v23, v31;
	v12 =	vadd.bf16 v12, v21  }
0x158: {  	v59 =	vld.msk [tilespmem:s9+$0x48], $0xff;
	v13 =	vadd.bf16 v13, v22;
	v4 =	vadd.bf16 v4, v20  }
0x159: {  	v60 =	vld.msk [tilespmem:s9+$0x1300], $0xff;
	v5 =	vadd.bf16 v5, v12;
	v12 =	vadd.bf16 v14, v23  }
0x15a: {  	v61 =	vld.msk [tilespmem:s9+$0x38], $0xff;
	v6 =	vadd.bf16 v6, v13;
	v13 =	vadd.bf16 v24, v34  }
0x15b: {  	v62 =	vld.msk [tilespmem:s9+$0x50], $0xff;
	v7 =	vadd.bf16 v7, v12;
	v12 =	vadd.bf16 v25, v35  }
0x15c: {  	v63 =	vld.msk [tilespmem:s9+$0x40], $0xff;
	v14 =	vadd.bf16 v26, v36;
	v13 =	vadd.bf16 v15, v13  }
0x15d: {  	v3 =	vld.msk [tilespmem:s9+$0x1318], $0xff;
	v15 =	vadd.bf16 v27, v59;
	v12 =	vadd.bf16 v16, v12  }
0x15e: {  	[tilespmem:s9+$0x0] =	vst.msk $0xff, v4;
	v4 =	vld.msk [tilespmem:s9+$0x58], $0xff;
	v8 =	vadd.bf16 v8, v13;
	v13 =	vadd.bf16 v17, v14  }
0x15f: {  	[tilespmem:s9+$0x18] =	vst.msk $0xff, v5;
	v5 =	vld.msk [tilespmem:s9+$0x25C0], $0xff;
	v9 =	vadd.bf16 v9, v12;
	v12 =	vadd.bf16 v18, v15  }
0x160: {  	[tilespmem:s9+$0x8] =	vst.msk $0xff, v6;
	v6 =	vld.msk [tilespmem:s9+$0x25D8], $0xff;
	v10 =	vadd.bf16 v10, v13;
	v13 =	vadd.bf16 v32, v61  }
0x161: {  	[tilespmem:s9+$0x20] =	vst.msk $0xff, v7;
	v7 =	vld.msk [tilespmem:s9+$0x3880], $0xff;
	v14 =	vadd.bf16 v33, v62;
	v11 =	vadd.bf16 v11, v12  }
0x162: {  	s10 =	simm.s32 $0x0;
	s11 =	simm.s32 $0x4E80;
	[tilespmem:s9+$0x10] =	vst.msk $0xff, v8;
	v8 =	vld.msk [tilespmem:s9+$0x3898], $0xff;
	v12 =	vadd.bf16 v19, v13;
	v13 =	vadd.bf16 v60, v63  }
.LBB2_8:
0x163: {  	v15 =	vld.msk [tilespmem:s11+$0x3840], $0xff;
	[tilespmem:s9+$0x28] =	vst.msk $0xff, v9;
	v2 =	vadd.bf16 v2, v14;
	v3 =	vadd.bf16 v3, v4  }
0x164: {  	v4 =	vld.msk [tilespmem:s11+$0x3858], $0xff;
	[tilespmem:s9+$0x30] =	vst.msk $0xff, v10;
	v1 =	vadd.bf16 v1, v12;
	v5 =	vadd.bf16 v5, v13  }
0x165: {  	v9 =	vld.msk [tilespmem:s11+$0x3848], $0xff;
	[tilespmem:s9+$0x48] =	vst.msk $0xff, v11;
	v0 =	vadd.bf16 v0, v2;
	v2 =	vadd.bf16 v6, v3  }
0x166: {  	v6 =	vld.msk [tilespmem:s11+$0x3860], $0xff;
	[tilespmem:s9+$0x38] =	vst.msk $0xff, v1;
	v1 =	vadd.bf16 v7, v5  }
0x167: {  	v5 =	vld.msk [tilespmem:s11+$0x3850], $0xff;
	[tilespmem:s9+$0x50] =	vst.msk $0xff, v0;
	v0 =	vadd.bf16 v8, v2  }
0x168: {  	v7 =	vld.msk [tilespmem:s11+$0x3868], $0xff;
	[tilespmem:s9+$0x40] =	vst.msk $0xff, v1  }
0x169: {  	v8 =	vld.msk [tilespmem:s11+$0x3870], $0xff;
	[tilespmem:s9+$0x58] =	vst.msk $0xff, v0;
	s9 =	smov.u32 s11  }
0x16a: {  	v11 =	vld.msk [tilespmem:s11+$0x3888], $0xff  }
0x16b: {  	v1 =	vld.msk [tilespmem:s11+$0x3878], $0xff  }
0x16c: {  	v0 =	vld.msk [tilespmem:s11+$0x3890], $0xff  }
0x16d: {  	v3 =	vld.msk [tilespmem:s11+$0x2580], $0xff  }
0x16e: {  	v10 =	vld.msk [tilespmem:s11+$0x2598], $0xff  }
0x16f: {  	v12 =	vld.msk [tilespmem:s11+$0x2588], $0xff  }
0x170: {  	v13 =	vld.msk [tilespmem:s11+$0x25A0], $0xff  }
0x171: {  	v14 =	vld.msk [tilespmem:s11+$0x2590], $0xff  }
0x172: {  	v16 =	vld.msk [tilespmem:s11+$0x25A8], $0xff  }
0x173: {  	v17 =	vld.msk [tilespmem:s11+$0x25B0], $0xff  }
0x174: {  	v18 =	vld.msk [tilespmem:s11+$0x25C8], $0xff  }
0x175: {  	v19 =	vld.msk [tilespmem:s11+$0x25B8], $0xff  }
0x176: {  	v2 =	vld.msk [tilespmem:s11+$0x25D0], $0xff  }
0x177: {  	v20 =	vld.msk [tilespmem:s11+$0x12C0], $0xff  }
0x178: {  	v21 =	vld.msk [tilespmem:s11+$0x12D8], $0xff  }
0x179: {  	v22 =	vld.msk [tilespmem:s11+$0x12C8], $0xff  }
0x17a: {  	v23 =	vld.msk [tilespmem:s11+$0x12E0], $0xff  }
0x17b: {  	v24 =	vld.msk [tilespmem:s11+$0x12D0], $0xff  }
0x17c: {  	v25 =	vld.msk [tilespmem:s11+$0x12E8], $0xff  }
0x17d: {  	v26 =	vld.msk [tilespmem:s11+$0x12F0], $0xff  }
0x17e: {  	v27 =	vld.msk [tilespmem:s11+$0x1308], $0xff  }
0x17f: {  	v28 =	vld.msk [tilespmem:s11+$0x0], $0xff  }
0x180: {  	v29 =	vld.msk [tilespmem:s11+$0x18], $0xff  }
0x181: {  	v30 =	vld.msk [tilespmem:s11+$0x8], $0xff  }
0x182: {  	v31 =	vld.msk [tilespmem:s11+$0x20], $0xff  }
0x183: {  	v32 =	vld.msk [tilespmem:s11+$0x12F8], $0xff  }
0x184: {  	v20 =	vadd.bf16 v20, v28;
	v28 =	vld.msk [tilespmem:s11+$0x1310], $0xff  }
0x185: {  	v21 =	vadd.bf16 v21, v29;
	v29 =	vld.msk [tilespmem:s11+$0x10], $0xff  }
0x186: {  	v3 =	vadd.bf16 v3, v20;
	v20 =	vadd.bf16 v22, v30;
	v22 =	vld.msk [tilespmem:s11+$0x28], $0xff  }
0x187: {  	v10 =	vadd.bf16 v10, v21;
	v21 =	vadd.bf16 v23, v31;
	v23 =	vld.msk [tilespmem:s11+$0x30], $0xff  }
0x188: {  	v15 =	vadd.bf16 v15, v3;
	v3 =	vadd.bf16 v12, v20;
	v12 =	vld.msk [tilespmem:s11+$0x48], $0xff  }
0x189: {  	v10 =	vadd.bf16 v4, v10;
	v4 =	vadd.bf16 v13, v21;
	v13 =	vld.msk [tilespmem:s11+$0x1300], $0xff  }
0x18a: {  	v20 =	vadd.bf16 v9, v3;
	v9 =	vadd.bf16 v24, v29;
	v3 =	vld.msk [tilespmem:s11+$0x1318], $0xff  }
0x18b: {  	v21 =	vadd.bf16 v6, v4;
	v4 =	vadd.bf16 v25, v22;
	v6 =	vld.msk [tilespmem:s11+$0x38], $0xff  }
0x18c: {  	s10 =	sadd.s32 $0x2, s10;
	v9 =	vadd.bf16 v14, v9;
	v14 =	vadd.bf16 v26, v23;
	v22 =	vld.msk [tilespmem:s11+$0x50], $0xff  }
0x18d: {  	p0 =	slt.u32 s10, $0x62;
	v16 =	vadd.bf16 v16, v4;
	v12 =	vadd.bf16 v27, v12;
	v23 =	vld.msk [tilespmem:s11+$0x40], $0xff  }
.Ltmp3:
0x18e: {  	[tilespmem:s11+$0x0] =	vst.msk $0xff, v15;
	v15 =	vadd.bf16 v5, v9;
	v14 =	vadd.bf16 v17, v14;
	v4 =	vld.msk [tilespmem:s11+$0x58], $0xff;
	(pc) =	sbr.rel @p0 .LBB2_8-.Ltmp3, $4  }
0x18f: {  	[tilespmem:s11+$0x18] =	vst.msk $0xff, v10;
	v9 =	vadd.bf16 v7, v16;
	v7 =	vadd.bf16 v18, v12;
	v5 =	vld.msk [tilespmem:s11+$0x25C0], $0xff  }
0x190: {  	[tilespmem:s11+$0x8] =	vst.msk $0xff, v20;
	v10 =	vadd.bf16 v8, v14;
	v8 =	vadd.bf16 v32, v6;
	v6 =	vld.msk [tilespmem:s11+$0x25D8], $0xff  }
0x191: {  	[tilespmem:s11+$0x20] =	vst.msk $0xff, v21;
	v11 =	vadd.bf16 v11, v7;
	v14 =	vadd.bf16 v28, v22;
	v7 =	vld.msk [tilespmem:s11+$0x3880], $0xff  }
0x192: {  	s11 =	sadd.s32 $0x60, s11;
	[tilespmem:s9+$0x10] =	vst.msk $0xff, v15;
	v12 =	vadd.bf16 v19, v8;
	v13 =	vadd.bf16 v13, v23;
	v8 =	vld.msk [tilespmem:s9+$0x3898], $0xff  }
0x193: {  	[tilespmem:s9+$0x28] =	vst.msk $0xff, v9;
	v2 =	vadd.bf16 v2, v14;
	v3 =	vadd.bf16 v3, v4  }
0x194: {  	[tilespmem:s9+$0x30] =	vst.msk $0xff, v10;
	v1 =	vadd.bf16 v1, v12;
	v60 =	vadd.bf16 v5, v13  }
0x195: {  	[tilespmem:s9+$0x48] =	vst.msk $0xff, v11;
	v0 =	vadd.bf16 v0, v2;
	v61 =	vadd.bf16 v6, v3  }
0x196: {  	[tilespmem:s9+$0x38] =	vst.msk $0xff, v1;
	v62 =	vadd.bf16 v7, v60  }
0x197: {  	s0 =	sadd.s32 $0x1, s0;
	[tilespmem:s9+$0x50] =	vst.msk $0xff, v0;
	v63 =	vadd.bf16 v8, v61  }
0x198: {  	p0 =	sne.s32 s0, s14;
	[tilespmem:s9+$0x40] =	vst.msk $0xff, v62  }
.Ltmp4:
0x199: {  	[tilespmem:s9+$0x58] =	vst.msk $0xff, v63;
	(pc) =	sbr.rel @p0 .LBB2_1-.Ltmp4, $4  }
0x19a: {  	[hbm4b:s13+s30] =	stream.strided.scatter [tilespmem:s20], [sflag:$0x3], $0x12C0, s31, s30, $0x38;
	[tilespmem:$0xE420] =	vst v63  }
0x19b: {  	_ =	swait.ge [sflag:s15], $0x12C0  }
0x19c: {  	[sflag:s15] =	ssyncset.done $0x0  }
0x19d: {  	[sflag:s15] =	ssyncadd.s32 $0xFFFFED40  }
0x19e: {  	_ =	sfence.sel $0x180000  }
0x19f: {  	[bflag:$0x0] =	sbarrier.arrive $0xFFFF  }
0x1a0: {  	_ =	strace $0x90000047  }
0x1a1: {  	s0 =	stileid.u32;
	[bflag:$0x2] =	sbarrier.arrive $0xFFFF  }
0x1a2: {  	p0 =	sne.s32 s0, $0x0;
	s0 =	rddreg [dreg:$0x1]  }
0x1a3: {  	s0 =	sadd.s32 @!p0 $0x100000, s0  }
0x1a4: {  	[sflag:s0] =	ssyncadd.tile.s32 @!p0 $0x1;
	_ =	shalt  }
.Lfunc_end2:
_tile_overlayer_lowered:
.L_overlay_start_2:
0x1a5: {  	(tag) =	ssettag $0x2  }
0x1a6: {  	s0 =	rddreg [dreg:$0x0];
	s2 =	stileid.u32  }
0x1a7: {  	s1 =	rddreg [dreg:$0x1];
	p0 =	sne.s32 s2, $0x0  }
0x1a8: {  	s3 =	rddreg [dreg:$0x2];
	[bflag:$0x3] =	sbarrier.arrive $0xFFFF;
	s2 =	simm.s32 @!p0 $0x1C03  }
0x1a9: {  	[timem:s3], [sflag:s2] =	dma.local @!p0 [hbm:s0], s1  }
0x1aa: {  	s0 =	simm.s32 @!p0 $0x3  }
0x1ab: {  	_ =	swait.ge @!p0 [sflag:s0], s1  }
0x1ac: {  	s1 =	ssub.s32 @!p0 $0x0, s1;
	[sflag:s0] =	ssyncset.done @!p0 $0x0  }
0x1ad: {  	[sflag:s0] =	ssyncadd.s32 @!p0 s1  }
0x1ae: {  	[bflag:$0x3] =	sbarrier.arrive $0xFFFF  }
0x1af: {  	_ =	shalt  }

// kernel: kernel.9.cloned.1.call-start
scs
__scs_entry_jumppad:
0x0: {  	(pc) =	sbr.rel $0x88, $3  }
0x1: {  	(tag) =	ssettag $0x0;
	lr =	simm.s32 $0x1  }
0x2: {  	[smem:$0x3F9A] =	sst lr;
	_ =	strace $0xD0000000  }
0x3: {  	_ = 	snop  }
0x4: {  	_ = 	snop  }
0x5: {  	_ = 	snop  }
0x6: {  	_ = 	snop  }
0x7: {  	_ = 	snop  }
__scs_overlays_trampoline_lowered:
0x8: {  	[smem:$0x3FA9] =	sst s0  }
0x9: {  	[smem:$0x3FAA] =	sst s1  }
0xa: {  	[smem:$0x3FAB] =	sst s2  }
0xb: {  	[smem:$0x3FAC] =	sst s3  }
0xc: {  	[smem:$0x3FAD] =	sst s4  }
0xd: {  	[smem:$0x3FAE] =	sst s5  }
0xe: {  	[smem:$0x3FAF] =	sst s6  }
0xf: {  	[smem:$0x3FB0] =	sst s7  }
0x10: {  	[smem:$0x3FB1] =	sst s8  }
0x11: {  	[smem:$0x3FB2] =	sst s9;
	s0 =	simm.s32 @!p0 $0x0  }
0x12: {  	s1 =	sld [smem:$0x3F98];
	s0 =	simm.s32 @p0 $0x1  }
0x13: {  	[smem:$0x3FB3] =	sst s0;
	s0 =	simm.s32 @!p1 $0x0  }
0x14: {  	s2 =	sld [smem:$0x3F97];
	s0 =	simm.s32 @p1 $0x1  }
0x15: {  	[smem:$0x3FB4] =	sst s0;
	s0 =	simm.s32 @!p2 $0x0  }
0x16: {  	s3 =	sld [smem:$0x3FDB];
	s0 =	simm.s32 @p2 $0x1  }
0x17: {  	s4 =	simm.s32 $0x1BF5;
	[smem:$0x3FB6] =	sst s0  }
0x18: {  	s0 =	sld [smem:$0x3F99];
	_ =	swait.ge [sflag:s4], $0x0  }
0x19: {  	s7 =	sld [smem:$0x3F9A]  }
0x1a: {  	s8 =	sadd.s32 $0xFFFFE003, lr  }
0x1b: {  	s9 =	sadd.s32 $0xFFFFFEF7, lr;
	s5 =	simm.s32 $0xFFFFFFFF;
	p2 =	slt.u32 s8, $0xFFFFF086  }
0x1c: {  	p1 =	slt.u32 s9, $0xF7A;
	s5 =	simm.s32 @!p2 $0x0  }
0x1d: {  	s5 =	simm.s32 @p1 $0x1;
	p0 =	seq.s32 s7, s2  }
0x1e: {  	s7 =	smul.u32 @!p0 $0xF7A, s2;
	p2 =	seq.s32 @!p0 s5, $0x0  }
0x1f: {  	s9 =	smul.u32 $0xF7A, s1;
	s8 =	simm.s32 @!p0 $0x1BF5;
	p2 =	por !p2, p0  }
0x20: {  	[sflag:s8] =	ssyncset.s32 @!p0 $0xFFFFF086;
	s6 =	sadd.s32 @!p0 s3, s7;
	s7 =	simm.s32 @!p0 $0x108  }
0x21: {  	s3 =	sadd.s32 s3, s9;
	s6 =	sadd.s32 @!p0 $0x88, s6;
	s7 =	simm.s32 @p2 $0x1082  }
0x22: {  	[simem:s7], [sflag:s8] =	dma.local @!p0 [hbm:s6], $0xF7A  }
0x23: {  	s9 =	sor.u32 $0xD0000000, s2;
	s6 =	simm.s32 $0x108;
	_ =	swait.ge @!p0 [sflag:s8], $0x0  }
0x24: {  	s3 =	sadd.s32 $0x88, s3;
	s6 =	simm.s32 @!p1 $0x1082;
	[sflag:s4] =	ssyncset.s32 $0xFFFFF086  }
0x25: {  	[simem:s6], [sflag:s4] =	dma.local [hbm:s3], $0xF7A  }
0x26: {  	[smem:$0x3F9A] =	sst s1;
	(tag) =	ssettag s2;
	_ =	strace s9  }
0x27: {  	s1 =	sld [smem:$0x3FAA]  }
0x28: {  	s2 =	sld [smem:$0x3FAB]  }
0x29: {  	s4 =	sld [smem:$0x3FAD]  }
0x2a: {  	p0 =	seq.s32 s5, $0x0;
	s5 =	sld [smem:$0x3FAE]  }
0x2b: {  	s6 =	sld [smem:$0x3FAF]  }
0x2c: {  	s7 =	sld [smem:$0x3FB0]  }
0x2d: {  	s3 =	simm.s32 $0x108;
	s8 =	sld [smem:$0x3FB1]  }
0x2e: {  	s3 =	simm.s32 @!p0 $0x1082;
	s9 =	sld [smem:$0x3FB2]  }
0x2f: {  	lr =	sadd.s32 s0, s3;
	s0 =	sld [smem:$0x3FA9]  }
0x30: {  	s3 =	sld [smem:$0x3FAC]  }
0x31: {  	[smem:$0x3FB5] =	sst s10  }
0x32: {  	s10 =	sld [smem:$0x3FB3];
	_ =	sdelay $0x3  }
0x33: {  	p0 =	seq.s32 s10, $0x1;
	s10 =	sld [smem:$0x3FB5];
	_ =	sdelay $0x3  }
0x34: {  	[smem:$0x3FB5] =	sst s10  }
0x35: {  	s10 =	sld [smem:$0x3FB4];
	_ =	sdelay $0x3  }
0x36: {  	p1 =	seq.s32 s10, $0x1;
	s10 =	sld [smem:$0x3FB5];
	_ =	sdelay $0x3  }
0x37: {  	[smem:$0x3FB5] =	sst s10  }
0x38: {  	s10 =	sld [smem:$0x3FB6]  }
0x39: {  	_ = 	snop;
	(pc) =	sbr.ind lr, $3  }
0x3a: {  	_ = 	snop  }
0x3b: {  	_ = 	snop  }
0x3c: {  	p2 =	seq.s32 s10, $0x1;
	s10 =	sld [smem:$0x3FB5]  }
0x3d: {  	_ =	shalt  }
0x3e: {  	_ =	shalt  }
0x3f: {  	_ =	shalt  }
0x40: {  	_ =	shalt  }
0x41: {  	_ =	shalt  }
0x42: {  	_ =	shalt  }
0x43: {  	_ =	shalt  }
0x44: {  	_ =	shalt  }
0x45: {  	_ =	shalt  }
0x46: {  	_ =	shalt  }
0x47: {  	_ =	shalt  }
0x48: {  	_ =	shalt  }
0x49: {  	_ =	shalt  }
0x4a: {  	_ =	shalt  }
0x4b: {  	_ =	shalt  }
0x4c: {  	_ =	shalt  }
0x4d: {  	_ =	shalt  }
0x4e: {  	_ =	shalt  }
0x4f: {  	_ =	shalt  }
0x50: {  	_ =	shalt  }
0x51: {  	_ =	shalt  }
0x52: {  	_ =	shalt  }
0x53: {  	_ =	shalt  }
0x54: {  	_ =	shalt  }
0x55: {  	_ =	shalt  }
0x56: {  	_ =	shalt  }
0x57: {  	_ =	shalt  }
0x58: {  	_ =	shalt  }
0x59: {  	_ =	shalt  }
0x5a: {  	_ =	shalt  }
0x5b: {  	_ =	shalt  }
0x5c: {  	_ =	shalt  }
0x5d: {  	_ =	shalt  }
0x5e: {  	_ =	shalt  }
0x5f: {  	_ =	shalt  }
0x60: {  	_ =	shalt  }
0x61: {  	_ =	shalt  }
0x62: {  	_ =	shalt  }
0x63: {  	_ =	shalt  }
0x64: {  	_ =	shalt  }
0x65: {  	_ =	shalt  }
0x66: {  	_ =	shalt  }
0x67: {  	_ =	shalt  }
0x68: {  	_ =	shalt  }
0x69: {  	_ =	shalt  }
0x6a: {  	_ =	shalt  }
0x6b: {  	_ =	shalt  }
0x6c: {  	_ =	shalt  }
0x6d: {  	_ =	shalt  }
0x6e: {  	_ =	shalt  }
0x6f: {  	_ =	shalt  }
0x70: {  	_ =	shalt  }
0x71: {  	_ =	shalt  }
0x72: {  	_ =	shalt  }
0x73: {  	_ =	shalt  }
0x74: {  	_ =	shalt  }
0x75: {  	_ =	shalt  }
0x76: {  	_ =	shalt  }
0x77: {  	_ =	shalt  }
0x78: {  	_ =	shalt  }
0x79: {  	_ =	shalt  }
0x7a: {  	_ =	shalt  }
0x7b: {  	_ =	shalt  }
0x7c: {  	_ =	shalt  }
0x7d: {  	_ =	shalt  }
0x7e: {  	_ =	shalt  }
0x7f: {  	_ =	shalt  }
0x80: {  	_ =	shalt  }
0x81: {  	_ =	shalt  }
0x82: {  	_ =	shalt  }
0x83: {  	_ =	shalt  }
0x84: {  	_ =	shalt  }
0x85: {  	_ =	shalt  }
0x86: {  	_ =	shalt  }
0x87: {  	_ =	shalt  }
.Lfunc_end0:
.L_simem_size_0:
called_computation.1_lowered:
.L_overlay_start_0:
0x88: {  	s2 =	sld [smem:$0x3FD9]  }
0x89: {  	s3 =	sld [smem:$0x3FFE];
	_ =	sdelay $0x1  }
0x8a: {  	s1 =	srdreg.scid  }
0x8b: {  	s0 =	sand.u32 $0x1, s1  }
0x8c: {  	s17 =	sshll.u32 s0, $0xA;
	s2 =	sadd.s32 s3, s2  }
0x8d: {  	s2 =	sadd.s32 s2, s17  }
0x8e: {  	[smem:$0x3FC1] =	sst s2  }
0x8f: {  	_ = 	snop  }
0x90: {  	(tm) =	ssettm $0x1  }
0x91: {  	s18 =	sld [smem:$0x3FFB];
	_ =	sdelay $0x3  }
0x92: {  	_ =	strace s18  }
0x93: {  	s2 =	sld [smem:$0x3FFC];
	_ =	sdelay $0x3  }
0x94: {  	_ =	strace s2  }
0x95: {  	s2 =	sld [smem:$0x3FFD];
	_ =	sdelay $0x3  }
0x96: {  	_ =	strace s2  }
0x97: {  	_ =	strace $0x8FFFFFFF  }
0x98: {  	s19 =	sld [smem:$0x3FDB];
	_ =	sdelay $0x1  }
0x99: {  	s20 =	simm.s32 $_scs_section_size  }
0x9a: {  	s4 =	simm.s32 $_size__tile_overlayer_lowered;
	s5 =	simm.s32 $_tile_overlayer_lowered  }
0x9b: {  	s6 =	simm.s32 $0x1BFF;
	s21 =	sshll.u32 s5, $0x1;
	s3 =	sadd.s32 s20, s19  }
0x9c: {  	s22 =	simm.s32 $0x0;
	s4 =	sshll.u32 s4, $0x1;
	s5 =	sadd.s32 s21, s3  }
0x9d: {  	[timem:s22], [sflag:s6] =	dma.local [hbm:s5], s4  }
0x9e: {  	_ =	swait.ge [sflag:s6], s4  }
0x9f: {  	s4 =	ssub.s32 $0x0, s4;
	[sflag:s6] =	ssyncset.done $0x0  }
0xa0: {  	[sflag:s6] =	ssyncadd.s32 s4;
	_ =	sdelay $0x1  }
0xa1: {  	s23 =	simm.s32 $0x1B8B  }
0xa2: {  	_ =	swait.ge [sflag:s23], $0x1  }
0xa3: {  	[sflag:s23] =	ssyncset.done $0x0  }
0xa4: {  	[sflag:s23] =	ssyncadd.s32 $0xFFFFFFFF  }
0xa5: {  	s4 =	sld [smem:$0x0]  }
0xa6: {  	s5 =	sand.u32 $0xFFFFFFFE, s1  }
0xa7: {  	p0 =	sne.s32 s1, s5  }
0xa8: {  	s5 =	sshll.u32 @p0 s5, $0xE  }
0xa9: {  	s5 =	sadd.s32 @p0 $0x11B8D, s5;
	s6 =	sshll.u32 @p0 s4, $0x11  }
0xaa: {  	s5 =	sor.u32 @p0 s6, s5  }
0xab: {  	[sflag:s5] =	ssyncadd.remote.s32 @p0 $0x1;
	_ =	sdelay $0x1  }
0xac: {  	s5 =	simm.s32 @p0 $0x1B8D  }
0xad: {  	_ =	swait.eq @p0 [sflag:s5], $0x1  }
0xae: {  	[sflag:s5] =	ssyncadd.s32 @p0 $0xFFFFFFFF  }
0xaf: {  	s6 =	sshll.u32 @!p0 s1, $0xE  }
0xb0: {  	s6 =	sor.u32 @!p0 $0x4000, s6;
	s5 =	simm.s32 @!p0 $0x1B8D  }
0xb1: {  	s4 =	sshll.u32 @!p0 s4, $0x11;
	s6 =	sadd.s32 @!p0 $0x11B8D, s6;
	_ =	swait.eq @!p0 [sflag:s5], $0x1  }
0xb2: {  	s4 =	sor.u32 @!p0 s4, s6;
	[sflag:s5] =	ssyncadd.s32 @!p0 $0xFFFFFFFF  }
0xb3: {  	s25 =	simm.s32 $0x1B8E;
	s24 =	sld [smem:$0x3FFE];
	[sflag:s4] =	ssyncadd.remote.s32 @!p0 $0x1  }
0xb4: {  	s26 =	simm.s32 $execute0_lowered;
	[smem:$0x3FD2] =	sst s25  }
0xb5: {  	s5 =	sshll.u32 s26, $0x1;
	_ =	strace $0x80000049;
	[dreg:$0x1] =	wrdreg $0xFFFFFFFF  }
0xb6: {  	s28 =	simm.s32 $_size_execute0_lowered;
	s3 =	sadd.s32 s3, s5;
	[dreg:$0x0] =	wrdreg $0x0  }
0xb7: {  	s5 =	sshll.u32 s28, $0x1;
	[dreg:$0x2] =	wrdreg s3  }
0xb8: {  	[dreg:$0x3] =	wrdreg s5  }
0xb9: {  	[dreg:$0x4] =	wrdreg $0xC0  }
0xba: {  	_ =	task [dreg:s22], $0x5FFFF  }
0xbb: {  	[dreg:$0x1] =	wrdreg $0xFFFFFFFF  }
0xbc: {  	[dreg:$0x0] =	wrdreg $0x60  }
0xbd: {  	[dreg:$0x2] =	wrdreg s24  }
0xbe: {  	[dreg:$0x3] =	wrdreg $0xA  }
0xbf: {  	_ =	task.clear_ibuf [dreg:s22], $0x4FFFF;
	_ =	strace $0x90000049  }
0xc0: {  	s29 =	simm.s32 $0xA;
	_ =	strace $0x8000004B  }
0xc1: {  	_ =	swait.ge [sflag:s29], $0x1  }
0xc2: {  	[sflag:s29] =	ssyncadd.s32 $0xFFFFFFFF  }
0xc3: {  	_ =	strace $0x9000004B  }
0xc4: {  	_ =	sfence  }
0xc5: {  	s30 =	sld [smem:$0x0];
	_ =	sdelay $0x2  }
0xc6: {  	s31 =	sshll.u32 s1, $0xD;
	s1 =	sshrl.u32 s1, $0x2  }
0xc7: {  	s4 =	sand.u32 $0x4000, s31;
	s1 =	sadd.s32 s1, s30  }
0xc8: {  	s0 =	sor.u32 s4, s0;
	s1 =	sshll.u32 s1, $0x11  }
0xc9: {  	s0 =	sor.u32 s1, s0  }
0xca: {  	s0 =	sadd.s32 $0x8F2B, s0  }
0xcb: {  	[sflag:s0] =	ssyncadd.remote.s32 $0x1  }
0xcc: {  	_ =	sfence.sel $0xFFFF  }
0xcd: {  	[dreg:$0x0] =	wrdreg $0xFFFFFFFF;
	(pc) =	sbr.abs _section_cstart, $3  }
0xce: {  	[dreg:$0x1] =	wrdreg $0xFFFFFFFF  }
0xcf: {  	_ =	task.clear_ibuf [dreg:s22], $0x2FFFF;
	_ =	strace $0x9FFFFFFF  }
0xd0: {  	(tm) =	ssettm $0x7FFFFFFF  }
0xd1: {  	_ =	shalt  }
tec
execute0_lowered:
.L_overlay_start_1:
0x0: {  	(tag) =	ssettag $0x1  }
0x1: {  	s0 =	srdreg.scid  }
0x2: {  	s1 =	stileid.u32;
	s2 =	rddreg [dreg:$0x0];
	s4 =	simm.s32 $0x0  }
0x3: {  	s15 =	simm.s32 $0x3;
	s19 =	simm.s32 $0xC8;
	s20 =	simm.s32 $0x4E20  }
0x4: {  	s21 =	simm.s32 $0x60E0;
	s22 =	simm.s32 $0x73A0;
	s23 =	simm.s32 $0x8660  }
0x5: {  	s28 =	simm.s32 $0xD160;
	s29 =	simm.s32 $0x1;
	s30 =	simm.s32 $0x18  }
0x6: {  	s31 =	simm.s32 $0x40;
	s0 =	sand.u32 $0x1, s0;
	s1 =	sshll.u32 s1, $0x1  }
0x7: {  	[smem:$0x7FF] =	sst s4;
	s6 =	sadd.s32 $0x92800, s2;
	s1 =	sor.u32 s0, s1  }
0x8: {  	s7 =	sadd.s32 $0xDBC00, s2;
	s0 =	ssub.s32 $0x2, s0;
	s3 =	smul.u32 $0x1388, s1  }
0x9: {  	s8 =	sadd.s32 $0x284A00, s2;
	s1 =	smul.u32 $0x9C400, s1;
	s10 =	sshrl.u32 s0, $0x1  }
0xa: {  	_ =	strace $0x8000004A;
	s0 =	ssub.s32 s0, s10;
	s5 =	sshrl.u32 s3, $0x3  }
0xb: {  	s1 =	sshrl.u32 s1, $0x4;
	s14 =	smax.u32 s0, $0x1;
	s9 =	sadd.s32 s5, s2  }
0xc: {  	s0 =	simm.s32 $0x0;
	s5 =	sadd.s32 $0x49400, s2;
	s24 =	sadd.s32 $0x129E20, s9  }
0xd: {  	s1 =	sadd.s32 s8, s1;
	s25 =	sadd.s32 $0x133A60, s9;
	[dreg:$0x2] =	wrdreg s24  }
0xe: {  	s26 =	sadd.s32 $0x13D6A0, s9;
	s12 =	sadd.s32 $0x1472E0, s9;
	[dreg:$0x3] =	wrdreg s25  }
0xf: {  	s13 =	sadd.s32 $0x9600, s1;
	s1 =	simm.s32 $0x2;
	[dreg:$0x4] =	wrdreg s26  }
0x10: {  	s24 =	simm.s32 $0x9920;
	s25 =	simm.s32 $0xABE0;
	s26 =	simm.s32 $0xBEA0  }
.LBB2_1:
0x11: {  	s9 =	rddreg [dreg:$0x2]  }
0x12: {  	[tilespmem:s4], [sflag:$0x3] =	stream.linear.gather [hbm4b:s9+s4], $0x1388, $0x38;
	[tilespmem:$0xE420] =	vst v63  }
0x13: {  	_ =	swait.ge [sflag:s15], $0x1388  }
0x14: {  	[sflag:s15] =	ssyncset.done $0x0  }
0x15: {  	s10 =	simm.s32 $0x1388;
	s16 =	rddreg [dreg:$0x3];
	[sflag:s15] =	ssyncadd.s32 $0xFFFFEC78  }
0x16: {  	[tilespmem:s10], [sflag:$0x3] =	stream.linear.gather [hbm4b:s16+s4], $0x1388, $0x38;
	[tilespmem:$0xE420] =	vst v63  }
0x17: {  	_ =	swait.ge [sflag:s15], $0x1388  }
0x18: {  	[sflag:s15] =	ssyncset.done $0x0  }
0x19: {  	s11 =	simm.s32 $0x2710;
	s17 =	rddreg [dreg:$0x4];
	[sflag:s15] =	ssyncadd.s32 $0xFFFFEC78  }
0x1a: {  	[tilespmem:s11], [sflag:$0x3] =	stream.linear.gather [hbm4b:s17+s4], $0x1388, $0x38;
	[tilespmem:$0xE420] =	vst v63  }
0x1b: {  	_ =	swait.ge [sflag:s15], $0x1388  }
0x1c: {  	[sflag:s15] =	ssyncset.done $0x0  }
0x1d: {  	s18 =	simm.s32 $0x3A98;
	[sflag:s15] =	ssyncadd.s32 $0xFFFFEC78  }
0x1e: {  	[tilespmem:s18], [sflag:$0x3] =	stream.linear.gather [hbm4b:s12+s4], $0x1388, $0x38;
	[tilespmem:$0xE420] =	vst v63  }
0x1f: {  	_ =	swait.ge [sflag:s15], $0x1388  }
0x20: {  	[sflag:s15] =	ssyncset.done $0x0  }
0x21: {  	[sflag:s15] =	ssyncadd.s32 $0xFFFFEC78  }
0x22: {  	[tilespmem:s20], [sflag:$0x1] =	stream.indirect.gather [hbm4b:s2+s19], $0x18, s4, s19, $0xb8;
	[tilespmem:$0xE420] =	vst v63  }
0x23: {  	_ = 	snop  }
0x24: {  	[tilespmem:s21], [sflag:$0x1] =	stream.indirect.gather [hbm4b:s5+s19], $0x18, s10, s19, $0xb8;
	[tilespmem:$0xE420] =	vst v63  }
0x25: {  	_ = 	snop  }
0x26: {  	[tilespmem:s22], [sflag:$0x1] =	stream.indirect.gather [hbm4b:s6+s19], $0x18, s11, s19, $0xb8;
	[tilespmem:$0xE420] =	vst v63  }
0x27: {  	s16 =	simm.s32 $0x0  }
0x28: {  	[tilespmem:s23], [sflag:$0x1] =	stream.indirect.gather [hbm4b:s7+s19], $0x18, s18, s19, $0xb8;
	[tilespmem:$0xE420] =	vst v63  }
.LBB2_2:
0x29: {  	s18 =	smul.u32 $0x190, s16;
	_ =	sdelay $0x1  }
0x2a: {  	s17 =	sadd.s32 $0xC8, s18  }
0x2b: {  	[tilespmem:s24], [sflag:$0x2] =	stream.indirect.gather [hbm4b:s2+s19], $0x18, s17, s19, $0xb8;
	[tilespmem:$0xE420] =	vst v63  }
0x2c: {  	s9 =	sadd.s32 $0x1450, s18  }
0x2d: {  	[tilespmem:s25], [sflag:$0x2] =	stream.indirect.gather [hbm4b:s5+s19], $0x18, s9, s19, $0xb8;
	[tilespmem:$0xE420] =	vst v63  }
0x2e: {  	s10 =	sadd.s32 $0x27D8, s18  }
0x2f: {  	[tilespmem:s26], [sflag:$0x2] =	stream.indirect.gather [hbm4b:s6+s19], $0x18, s10, s19, $0xb8;
	[tilespmem:$0xE420] =	vst v63  }
0x30: {  	s11 =	sadd.s32 $0x3B60, s18  }
0x31: {  	[tilespmem:s28], [sflag:$0x2] =	stream.indirect.gather [hbm4b:s7+s19], $0x18, s11, s19, $0xb8;
	[tilespmem:$0xE420] =	vst v63  }
0x32: {  	_ =	swait.ge [sflag:s29], $0x12C0  }
0x33: {  	[sflag:s29] =	ssyncset.done $0x0  }
0x34: {  	[sflag:s29] =	ssyncadd.s32 $0xFFFFED40  }
0x35: {  	_ =	swait.ge [sflag:s29], $0x12C0  }
0x36: {  	[sflag:s29] =	ssyncset.done $0x0  }
0x37: {  	[sflag:s29] =	ssyncadd.s32 $0xFFFFED40  }
0x38: {  	_ =	swait.ge [sflag:s29], $0x12C0  }
0x39: {  	[sflag:s29] =	ssyncset.done $0x0  }
0x3a: {  	[sflag:s29] =	ssyncadd.s32 $0xFFFFED40  }
0x3b: {  	_ =	swait.ge [sflag:s29], $0x12C0  }
0x3c: {  	[sflag:s29] =	ssyncset.done $0x0  }
0x3d: {  	s9 =	simm.s32 $0x4E20;
	[sflag:s29] =	ssyncadd.s32 $0xFFFFED40  }
0x3e: {  	v4 =	vld.msk [tilespmem:s9+$0x3840], $0xff  }
0x3f: {  	v5 =	vld.msk [tilespmem:s9+$0x3858], $0xff  }
0x40: {  	v6 =	vld.msk [tilespmem:s9+$0x3848], $0xff  }
0x41: {  	v7 =	vld.msk [tilespmem:s9+$0x3860], $0xff  }
0x42: {  	v8 =	vld.msk [tilespmem:s9+$0x3850], $0xff  }
0x43: {  	v9 =	vld.msk [tilespmem:s9+$0x3868], $0xff  }
0x44: {  	v10 =	vld.msk [tilespmem:s9+$0x3870], $0xff  }
0x45: {  	v11 =	vld.msk [tilespmem:s9+$0x3888], $0xff  }
0x46: {  	v1 =	vld.msk [tilespmem:s9+$0x3878], $0xff  }
0x47: {  	v0 =	vld.msk [tilespmem:s9+$0x3890], $0xff  }
0x48: {  	v3 =	vld.msk [tilespmem:s9+$0x2580], $0xff  }
0x49: {  	v12 =	vld.msk [tilespmem:s9+$0x2598], $0xff  }
0x4a: {  	v13 =	vld.msk [tilespmem:s9+$0x2588], $0xff  }
0x4b: {  	v14 =	vld.msk [tilespmem:s9+$0x25A0], $0xff  }
0x4c: {  	v15 =	vld.msk [tilespmem:s9+$0x2590], $0xff  }
0x4d: {  	v16 =	vld.msk [tilespmem:s9+$0x25A8], $0xff  }
0x4e: {  	v17 =	vld.msk [tilespmem:s9+$0x25B0], $0xff  }
0x4f: {  	v18 =	vld.msk [tilespmem:s9+$0x25C8], $0xff  }
0x50: {  	v19 =	vld.msk [tilespmem:s9+$0x25B8], $0xff  }
0x51: {  	v2 =	vld.msk [tilespmem:s9+$0x25D0], $0xff  }
0x52: {  	v20 =	vld.msk [tilespmem:s9+$0x12C0], $0xff  }
0x53: {  	v21 =	vld.msk [tilespmem:s9+$0x12D8], $0xff  }
0x54: {  	v22 =	vld.msk [tilespmem:s9+$0x12C8], $0xff  }
0x55: {  	v23 =	vld.msk [tilespmem:s9+$0x12E0], $0xff  }
0x56: {  	v24 =	vld.msk [tilespmem:s9+$0x12D0], $0xff  }
0x57: {  	v25 =	vld.msk [tilespmem:s9+$0x12E8], $0xff  }
0x58: {  	v26 =	vld.msk [tilespmem:s9+$0x12F0], $0xff  }
0x59: {  	v27 =	vld.msk [tilespmem:s9+$0x1308], $0xff  }
0x5a: {  	v28 =	vld.msk [tilespmem:s9+$0x0], $0xff  }
0x5b: {  	v29 =	vld.msk [tilespmem:s9+$0x18], $0xff  }
0x5c: {  	v30 =	vld.msk [tilespmem:s9+$0x8], $0xff  }
0x5d: {  	v31 =	vld.msk [tilespmem:s9+$0x20], $0xff  }
0x5e: {  	v32 =	vld.msk [tilespmem:s9+$0x12F8], $0xff  }
0x5f: {  	v33 =	vld.msk [tilespmem:s9+$0x1310], $0xff;
	v20 =	vadd.bf16 v20, v28  }
0x60: {  	v34 =	vld.msk [tilespmem:s9+$0x10], $0xff;
	v21 =	vadd.bf16 v21, v29  }
0x61: {  	v35 =	vld.msk [tilespmem:s9+$0x28], $0xff;
	v22 =	vadd.bf16 v22, v30;
	v20 =	vadd.bf16 v3, v20  }
0x62: {  	v36 =	vld.msk [tilespmem:s9+$0x30], $0xff;
	v23 =	vadd.bf16 v23, v31;
	v12 =	vadd.bf16 v12, v21  }
0x63: {  	v59 =	vld.msk [tilespmem:s9+$0x48], $0xff;
	v13 =	vadd.bf16 v13, v22;
	v4 =	vadd.bf16 v4, v20  }
0x64: {  	v60 =	vld.msk [tilespmem:s9+$0x1300], $0xff;
	v5 =	vadd.bf16 v5, v12;
	v12 =	vadd.bf16 v14, v23  }
0x65: {  	v61 =	vld.msk [tilespmem:s9+$0x38], $0xff;
	v6 =	vadd.bf16 v6, v13;
	v13 =	vadd.bf16 v24, v34  }
0x66: {  	v62 =	vld.msk [tilespmem:s9+$0x50], $0xff;
	v7 =	vadd.bf16 v7, v12;
	v12 =	vadd.bf16 v25, v35  }
0x67: {  	v63 =	vld.msk [tilespmem:s9+$0x40], $0xff;
	v14 =	vadd.bf16 v26, v36;
	v13 =	vadd.bf16 v15, v13  }
0x68: {  	v3 =	vld.msk [tilespmem:s9+$0x1318], $0xff;
	v15 =	vadd.bf16 v27, v59;
	v12 =	vadd.bf16 v16, v12  }
0x69: {  	[tilespmem:s9+$0x0] =	vst.msk $0xff, v4;
	v4 =	vld.msk [tilespmem:s9+$0x58], $0xff;
	v8 =	vadd.bf16 v8, v13;
	v13 =	vadd.bf16 v17, v14  }
0x6a: {  	[tilespmem:s9+$0x18] =	vst.msk $0xff, v5;
	v5 =	vld.msk [tilespmem:s9+$0x25C0], $0xff;
	v9 =	vadd.bf16 v9, v12;
	v12 =	vadd.bf16 v18, v15  }
0x6b: {  	[tilespmem:s9+$0x8] =	vst.msk $0xff, v6;
	v6 =	vld.msk [tilespmem:s9+$0x25D8], $0xff;
	v10 =	vadd.bf16 v10, v13;
	v13 =	vadd.bf16 v32, v61  }
0x6c: {  	[tilespmem:s9+$0x20] =	vst.msk $0xff, v7;
	v7 =	vld.msk [tilespmem:s9+$0x3880], $0xff;
	v14 =	vadd.bf16 v33, v62;
	v11 =	vadd.bf16 v11, v12  }
0x6d: {  	s10 =	simm.s32 $0x0;
	s11 =	simm.s32 $0x4E80;
	[tilespmem:s9+$0x10] =	vst.msk $0xff, v8;
	v8 =	vld.msk [tilespmem:s9+$0x3898], $0xff;
	v12 =	vadd.bf16 v19, v13;
	v13 =	vadd.bf16 v60, v63  }
.LBB2_3:
0x6e: {  	v15 =	vld.msk [tilespmem:s11+$0x3840], $0xff;
	[tilespmem:s9+$0x28] =	vst.msk $0xff, v9;
	v2 =	vadd.bf16 v2, v14;
	v3 =	vadd.bf16 v3, v4  }
0x6f: {  	v4 =	vld.msk [tilespmem:s11+$0x3858], $0xff;
	[tilespmem:s9+$0x30] =	vst.msk $0xff, v10;
	v1 =	vadd.bf16 v1, v12;
	v5 =	vadd.bf16 v5, v13  }
0x70: {  	v9 =	vld.msk [tilespmem:s11+$0x3848], $0xff;
	[tilespmem:s9+$0x48] =	vst.msk $0xff, v11;
	v0 =	vadd.bf16 v0, v2;
	v2 =	vadd.bf16 v6, v3  }
0x71: {  	v6 =	vld.msk [tilespmem:s11+$0x3860], $0xff;
	[tilespmem:s9+$0x38] =	vst.msk $0xff, v1;
	v1 =	vadd.bf16 v7, v5  }
0x72: {  	v5 =	vld.msk [tilespmem:s11+$0x3850], $0xff;
	[tilespmem:s9+$0x50] =	vst.msk $0xff, v0;
	v0 =	vadd.bf16 v8, v2  }
0x73: {  	v7 =	vld.msk [tilespmem:s11+$0x3868], $0xff;
	[tilespmem:s9+$0x40] =	vst.msk $0xff, v1  }
0x74: {  	v8 =	vld.msk [tilespmem:s11+$0x3870], $0xff;
	[tilespmem:s9+$0x58] =	vst.msk $0xff, v0;
	s9 =	smov.u32 s11  }
0x75: {  	v11 =	vld.msk [tilespmem:s11+$0x3888], $0xff  }
0x76: {  	v1 =	vld.msk [tilespmem:s11+$0x3878], $0xff  }
0x77: {  	v0 =	vld.msk [tilespmem:s11+$0x3890], $0xff  }
0x78: {  	v3 =	vld.msk [tilespmem:s11+$0x2580], $0xff  }
0x79: {  	v10 =	vld.msk [tilespmem:s11+$0x2598], $0xff  }
0x7a: {  	v12 =	vld.msk [tilespmem:s11+$0x2588], $0xff  }
0x7b: {  	v13 =	vld.msk [tilespmem:s11+$0x25A0], $0xff  }
0x7c: {  	v14 =	vld.msk [tilespmem:s11+$0x2590], $0xff  }
0x7d: {  	v16 =	vld.msk [tilespmem:s11+$0x25A8], $0xff  }
0x7e: {  	v17 =	vld.msk [tilespmem:s11+$0x25B0], $0xff  }
0x7f: {  	v18 =	vld.msk [tilespmem:s11+$0x25C8], $0xff  }
0x80: {  	v19 =	vld.msk [tilespmem:s11+$0x25B8], $0xff  }
0x81: {  	v2 =	vld.msk [tilespmem:s11+$0x25D0], $0xff  }
0x82: {  	v20 =	vld.msk [tilespmem:s11+$0x12C0], $0xff  }
0x83: {  	v21 =	vld.msk [tilespmem:s11+$0x12D8], $0xff  }
0x84: {  	v22 =	vld.msk [tilespmem:s11+$0x12C8], $0xff  }
0x85: {  	v23 =	vld.msk [tilespmem:s11+$0x12E0], $0xff  }
0x86: {  	v24 =	vld.msk [tilespmem:s11+$0x12D0], $0xff  }
0x87: {  	v25 =	vld.msk [tilespmem:s11+$0x12E8], $0xff  }
0x88: {  	v26 =	vld.msk [tilespmem:s11+$0x12F0], $0xff  }
0x89: {  	v27 =	vld.msk [tilespmem:s11+$0x1308], $0xff  }
0x8a: {  	v28 =	vld.msk [tilespmem:s11+$0x0], $0xff  }
0x8b: {  	v29 =	vld.msk [tilespmem:s11+$0x18], $0xff  }
0x8c: {  	v30 =	vld.msk [tilespmem:s11+$0x8], $0xff  }
0x8d: {  	v31 =	vld.msk [tilespmem:s11+$0x20], $0xff  }
0x8e: {  	v32 =	vld.msk [tilespmem:s11+$0x12F8], $0xff  }
0x8f: {  	v20 =	vadd.bf16 v20, v28;
	v28 =	vld.msk [tilespmem:s11+$0x1310], $0xff  }
0x90: {  	v21 =	vadd.bf16 v21, v29;
	v29 =	vld.msk [tilespmem:s11+$0x10], $0xff  }
0x91: {  	v3 =	vadd.bf16 v3, v20;
	v20 =	vadd.bf16 v22, v30;
	v22 =	vld.msk [tilespmem:s11+$0x28], $0xff  }
0x92: {  	v10 =	vadd.bf16 v10, v21;
	v21 =	vadd.bf16 v23, v31;
	v23 =	vld.msk [tilespmem:s11+$0x30], $0xff  }
0x93: {  	v15 =	vadd.bf16 v15, v3;
	v3 =	vadd.bf16 v12, v20;
	v12 =	vld.msk [tilespmem:s11+$0x48], $0xff  }
0x94: {  	v10 =	vadd.bf16 v4, v10;
	v4 =	vadd.bf16 v13, v21;
	v13 =	vld.msk [tilespmem:s11+$0x1300], $0xff  }
0x95: {  	v20 =	vadd.bf16 v9, v3;
	v9 =	vadd.bf16 v24, v29;
	v3 =	vld.msk [tilespmem:s11+$0x1318], $0xff  }
0x96: {  	v21 =	vadd.bf16 v6, v4;
	v4 =	vadd.bf16 v25, v22;
	v6 =	vld.msk [tilespmem:s11+$0x38], $0xff  }
0x97: {  	s10 =	sadd.s32 $0x2, s10;
	v9 =	vadd.bf16 v14, v9;
	v14 =	vadd.bf16 v26, v23;
	v22 =	vld.msk [tilespmem:s11+$0x50], $0xff  }
0x98: {  	p0 =	slt.u32 s10, $0x62;
	v16 =	vadd.bf16 v16, v4;
	v12 =	vadd.bf16 v27, v12;
	v23 =	vld.msk [tilespmem:s11+$0x40], $0xff  }
.Ltmp0:
0x99: {  	[tilespmem:s11+$0x0] =	vst.msk $0xff, v15;
	v15 =	vadd.bf16 v5, v9;
	v14 =	vadd.bf16 v17, v14;
	v4 =	vld.msk [tilespmem:s11+$0x58], $0xff;
	(pc) =	sbr.rel @p0 .LBB2_3-.Ltmp0, $4  }
0x9a: {  	[tilespmem:s11+$0x18] =	vst.msk $0xff, v10;
	v9 =	vadd.bf16 v7, v16;
	v7 =	vadd.bf16 v18, v12;
	v5 =	vld.msk [tilespmem:s11+$0x25C0], $0xff  }
0x9b: {  	[tilespmem:s11+$0x8] =	vst.msk $0xff, v20;
	v10 =	vadd.bf16 v8, v14;
	v8 =	vadd.bf16 v32, v6;
	v6 =	vld.msk [tilespmem:s11+$0x25D8], $0xff  }
0x9c: {  	[tilespmem:s11+$0x20] =	vst.msk $0xff, v21;
	v11 =	vadd.bf16 v11, v7;
	v14 =	vadd.bf16 v28, v22;
	v7 =	vld.msk [tilespmem:s11+$0x3880], $0xff  }
0x9d: {  	s11 =	sadd.s32 $0x60, s11;
	[tilespmem:s9+$0x10] =	vst.msk $0xff, v15;
	v12 =	vadd.bf16 v19, v8;
	v13 =	vadd.bf16 v13, v23;
	v8 =	vld.msk [tilespmem:s9+$0x3898], $0xff  }
0x9e: {  	[tilespmem:s9+$0x28] =	vst.msk $0xff, v9;
	v2 =	vadd.bf16 v2, v14;
	v3 =	vadd.bf16 v3, v4  }
0x9f: {  	[tilespmem:s9+$0x30] =	vst.msk $0xff, v10;
	v1 =	vadd.bf16 v1, v12;
	v4 =	vadd.bf16 v5, v13  }
0xa0: {  	[tilespmem:s9+$0x48] =	vst.msk $0xff, v11;
	v0 =	vadd.bf16 v0, v2;
	v2 =	vadd.bf16 v6, v3  }
0xa1: {  	[tilespmem:s9+$0x38] =	vst.msk $0xff, v1;
	v1 =	vadd.bf16 v7, v4  }
0xa2: {  	s10 =	sadd.s32 s3, s18;
	[tilespmem:s9+$0x50] =	vst.msk $0xff, v0;
	v0 =	vadd.bf16 v8, v2  }
0xa3: {  	s10 =	sshll.u32 s10, $0x3;
	[tilespmem:s9+$0x40] =	vst.msk $0xff, v1  }
0xa4: {  	s10 =	sadd.s32 s8, s10;
	[tilespmem:s9+$0x58] =	vst.msk $0xff, v0  }
0xa5: {  	[hbm4b:s10+s30] =	stream.strided.scatter [tilespmem:s20], [sflag:$0x3], $0x12C0, s31, s30, $0x38;
	[tilespmem:$0xE420] =	vst v63  }
0xa6: {  	_ =	swait.ge [sflag:s15], $0x12C0  }
0xa7: {  	[sflag:s15] =	ssyncset.done $0x0  }
0xa8: {  	s11 =	sadd.s32 $0x190, s18;
	[sflag:s15] =	ssyncadd.s32 $0xFFFFED40  }
0xa9: {  	[tilespmem:s20], [sflag:$0x1] =	stream.indirect.gather [hbm4b:s2+s19], $0x18, s11, s19, $0xb8;
	[tilespmem:$0xE420] =	vst v63  }
0xaa: {  	s10 =	sadd.s32 $0x1518, s18  }
0xab: {  	[tilespmem:s21], [sflag:$0x1] =	stream.indirect.gather [hbm4b:s5+s19], $0x18, s10, s19, $0xb8;
	[tilespmem:$0xE420] =	vst v63  }
0xac: {  	s11 =	sadd.s32 $0x28A0, s18  }
0xad: {  	[tilespmem:s22], [sflag:$0x1] =	stream.indirect.gather [hbm4b:s6+s19], $0x18, s11, s19, $0xb8;
	[tilespmem:$0xE420] =	vst v63  }
0xae: {  	s18 =	sadd.s32 $0x3C28, s18  }
0xaf: {  	[tilespmem:s23], [sflag:$0x1] =	stream.indirect.gather [hbm4b:s7+s19], $0x18, s18, s19, $0xb8;
	[tilespmem:$0xE420] =	vst v63  }
0xb0: {  	_ =	swait.ge [sflag:s1], $0x12C0  }
0xb1: {  	[sflag:s1] =	ssyncset.done $0x0  }
0xb2: {  	[sflag:s1] =	ssyncadd.s32 $0xFFFFED40  }
0xb3: {  	_ =	swait.ge [sflag:s1], $0x12C0  }
0xb4: {  	[sflag:s1] =	ssyncset.done $0x0  }
0xb5: {  	[sflag:s1] =	ssyncadd.s32 $0xFFFFED40  }
0xb6: {  	_ =	swait.ge [sflag:s1], $0x12C0  }
0xb7: {  	[sflag:s1] =	ssyncset.done $0x0  }
0xb8: {  	[sflag:s1] =	ssyncadd.s32 $0xFFFFED40  }
0xb9: {  	_ =	swait.ge [sflag:s1], $0x12C0  }
0xba: {  	[sflag:s1] =	ssyncset.done $0x0  }
0xbb: {  	s18 =	simm.s32 $0x9920;
	[sflag:s1] =	ssyncadd.s32 $0xFFFFED40  }
0xbc: {  	v4 =	vld.msk [tilespmem:s18+$0x3840], $0xff  }
0xbd: {  	v5 =	vld.msk [tilespmem:s18+$0x3858], $0xff  }
0xbe: {  	v6 =	vld.msk [tilespmem:s18+$0x3848], $0xff  }
0xbf: {  	v7 =	vld.msk [tilespmem:s18+$0x3860], $0xff  }
0xc0: {  	v8 =	vld.msk [tilespmem:s18+$0x3850], $0xff  }
0xc1: {  	v9 =	vld.msk [tilespmem:s18+$0x3868], $0xff  }
0xc2: {  	v10 =	vld.msk [tilespmem:s18+$0x3870], $0xff  }
0xc3: {  	v11 =	vld.msk [tilespmem:s18+$0x3888], $0xff  }
0xc4: {  	v1 =	vld.msk [tilespmem:s18+$0x3878], $0xff  }
0xc5: {  	v0 =	vld.msk [tilespmem:s18+$0x3890], $0xff  }
0xc6: {  	v3 =	vld.msk [tilespmem:s18+$0x2580], $0xff  }
0xc7: {  	v12 =	vld.msk [tilespmem:s18+$0x2598], $0xff  }
0xc8: {  	v13 =	vld.msk [tilespmem:s18+$0x2588], $0xff  }
0xc9: {  	v14 =	vld.msk [tilespmem:s18+$0x25A0], $0xff  }
0xca: {  	v15 =	vld.msk [tilespmem:s18+$0x2590], $0xff  }
0xcb: {  	v16 =	vld.msk [tilespmem:s18+$0x25A8], $0xff  }
0xcc: {  	v17 =	vld.msk [tilespmem:s18+$0x25B0], $0xff  }
0xcd: {  	v18 =	vld.msk [tilespmem:s18+$0x25C8], $0xff  }
0xce: {  	v19 =	vld.msk [tilespmem:s18+$0x25B8], $0xff  }
0xcf: {  	v2 =	vld.msk [tilespmem:s18+$0x25D0], $0xff  }
0xd0: {  	v20 =	vld.msk [tilespmem:s18+$0x12C0], $0xff  }
0xd1: {  	v21 =	vld.msk [tilespmem:s18+$0x12D8], $0xff  }
0xd2: {  	v22 =	vld.msk [tilespmem:s18+$0x12C8], $0xff  }
0xd3: {  	v23 =	vld.msk [tilespmem:s18+$0x12E0], $0xff  }
0xd4: {  	v24 =	vld.msk [tilespmem:s18+$0x12D0], $0xff  }
0xd5: {  	v25 =	vld.msk [tilespmem:s18+$0x12E8], $0xff  }
0xd6: {  	v26 =	vld.msk [tilespmem:s18+$0x12F0], $0xff  }
0xd7: {  	v27 =	vld.msk [tilespmem:s18+$0x1308], $0xff  }
0xd8: {  	v28 =	vld.msk [tilespmem:s18+$0x0], $0xff  }
0xd9: {  	v29 =	vld.msk [tilespmem:s18+$0x18], $0xff  }
0xda: {  	v30 =	vld.msk [tilespmem:s18+$0x8], $0xff  }
0xdb: {  	v31 =	vld.msk [tilespmem:s18+$0x20], $0xff  }
0xdc: {  	v32 =	vld.msk [tilespmem:s18+$0x12F8], $0xff  }
0xdd: {  	v33 =	vld.msk [tilespmem:s18+$0x1310], $0xff;
	v20 =	vadd.bf16 v20, v28  }
0xde: {  	v34 =	vld.msk [tilespmem:s18+$0x10], $0xff;
	v21 =	vadd.bf16 v21, v29  }
0xdf: {  	v35 =	vld.msk [tilespmem:s18+$0x28], $0xff;
	v22 =	vadd.bf16 v22, v30;
	v20 =	vadd.bf16 v3, v20  }
0xe0: {  	v36 =	vld.msk [tilespmem:s18+$0x30], $0xff;
	v23 =	vadd.bf16 v23, v31;
	v12 =	vadd.bf16 v12, v21  }
0xe1: {  	v59 =	vld.msk [tilespmem:s18+$0x48], $0xff;
	v13 =	vadd.bf16 v13, v22;
	v4 =	vadd.bf16 v4, v20  }
0xe2: {  	v60 =	vld.msk [tilespmem:s18+$0x1300], $0xff;
	v5 =	vadd.bf16 v5, v12;
	v12 =	vadd.bf16 v14, v23  }
0xe3: {  	v61 =	vld.msk [tilespmem:s18+$0x38], $0xff;
	v6 =	vadd.bf16 v6, v13;
	v13 =	vadd.bf16 v24, v34  }
0xe4: {  	v62 =	vld.msk [tilespmem:s18+$0x50], $0xff;
	v7 =	vadd.bf16 v7, v12;
	v12 =	vadd.bf16 v25, v35  }
0xe5: {  	v63 =	vld.msk [tilespmem:s18+$0x40], $0xff;
	v14 =	vadd.bf16 v26, v36;
	v13 =	vadd.bf16 v15, v13  }
0xe6: {  	v3 =	vld.msk [tilespmem:s18+$0x1318], $0xff;
	v15 =	vadd.bf16 v27, v59;
	v12 =	vadd.bf16 v16, v12  }
0xe7: {  	[tilespmem:s18+$0x0] =	vst.msk $0xff, v4;
	v4 =	vld.msk [tilespmem:s18+$0x58], $0xff;
	v8 =	vadd.bf16 v8, v13;
	v13 =	vadd.bf16 v17, v14  }
0xe8: {  	[tilespmem:s18+$0x18] =	vst.msk $0xff, v5;
	v5 =	vld.msk [tilespmem:s18+$0x25C0], $0xff;
	v9 =	vadd.bf16 v9, v12;
	v12 =	vadd.bf16 v18, v15  }
0xe9: {  	[tilespmem:s18+$0x8] =	vst.msk $0xff, v6;
	v6 =	vld.msk [tilespmem:s18+$0x25D8], $0xff;
	v10 =	vadd.bf16 v10, v13;
	v13 =	vadd.bf16 v32, v61  }
0xea: {  	[tilespmem:s18+$0x20] =	vst.msk $0xff, v7;
	v7 =	vld.msk [tilespmem:s18+$0x3880], $0xff;
	v14 =	vadd.bf16 v33, v62;
	v11 =	vadd.bf16 v11, v12  }
0xeb: {  	s9 =	simm.s32 $0x0;
	s10 =	simm.s32 $0x9980;
	[tilespmem:s18+$0x10] =	vst.msk $0xff, v8;
	v8 =	vld.msk [tilespmem:s18+$0x3898], $0xff;
	v12 =	vadd.bf16 v19, v13;
	v13 =	vadd.bf16 v60, v63  }
.LBB2_5:
0xec: {  	v15 =	vld.msk [tilespmem:s10+$0x3840], $0xff;
	[tilespmem:s18+$0x28] =	vst.msk $0xff, v9;
	v2 =	vadd.bf16 v2, v14;
	v3 =	vadd.bf16 v3, v4  }
0xed: {  	v4 =	vld.msk [tilespmem:s10+$0x3858], $0xff;
	[tilespmem:s18+$0x30] =	vst.msk $0xff, v10;
	v1 =	vadd.bf16 v1, v12;
	v5 =	vadd.bf16 v5, v13  }
0xee: {  	v9 =	vld.msk [tilespmem:s10+$0x3848], $0xff;
	[tilespmem:s18+$0x48] =	vst.msk $0xff, v11;
	v0 =	vadd.bf16 v0, v2;
	v2 =	vadd.bf16 v6, v3  }
0xef: {  	v6 =	vld.msk [tilespmem:s10+$0x3860], $0xff;
	[tilespmem:s18+$0x38] =	vst.msk $0xff, v1;
	v1 =	vadd.bf16 v7, v5  }
0xf0: {  	v5 =	vld.msk [tilespmem:s10+$0x3850], $0xff;
	[tilespmem:s18+$0x50] =	vst.msk $0xff, v0;
	v0 =	vadd.bf16 v8, v2  }
0xf1: {  	v7 =	vld.msk [tilespmem:s10+$0x3868], $0xff;
	[tilespmem:s18+$0x40] =	vst.msk $0xff, v1  }
0xf2: {  	v8 =	vld.msk [tilespmem:s10+$0x3870], $0xff;
	[tilespmem:s18+$0x58] =	vst.msk $0xff, v0;
	s18 =	smov.u32 s10  }
0xf3: {  	v11 =	vld.msk [tilespmem:s10+$0x3888], $0xff  }
0xf4: {  	v1 =	vld.msk [tilespmem:s10+$0x3878], $0xff  }
0xf5: {  	v0 =	vld.msk [tilespmem:s10+$0x3890], $0xff  }
0xf6: {  	v3 =	vld.msk [tilespmem:s10+$0x2580], $0xff  }
0xf7: {  	v10 =	vld.msk [tilespmem:s10+$0x2598], $0xff  }
0xf8: {  	v12 =	vld.msk [tilespmem:s10+$0x2588], $0xff  }
0xf9: {  	v13 =	vld.msk [tilespmem:s10+$0x25A0], $0xff  }
0xfa: {  	v14 =	vld.msk [tilespmem:s10+$0x2590], $0xff  }
0xfb: {  	v16 =	vld.msk [tilespmem:s10+$0x25A8], $0xff  }
0xfc: {  	v17 =	vld.msk [tilespmem:s10+$0x25B0], $0xff  }
0xfd: {  	v18 =	vld.msk [tilespmem:s10+$0x25C8], $0xff  }
0xfe: {  	v19 =	vld.msk [tilespmem:s10+$0x25B8], $0xff  }
0xff: {  	v2 =	vld.msk [tilespmem:s10+$0x25D0], $0xff  }
0x100: {  	v20 =	vld.msk [tilespmem:s10+$0x12C0], $0xff  }
0x101: {  	v21 =	vld.msk [tilespmem:s10+$0x12D8], $0xff  }
0x102: {  	v22 =	vld.msk [tilespmem:s10+$0x12C8], $0xff  }
0x103: {  	v23 =	vld.msk [tilespmem:s10+$0x12E0], $0xff  }
0x104: {  	v24 =	vld.msk [tilespmem:s10+$0x12D0], $0xff  }
0x105: {  	v25 =	vld.msk [tilespmem:s10+$0x12E8], $0xff  }
0x106: {  	v26 =	vld.msk [tilespmem:s10+$0x12F0], $0xff  }
0x107: {  	v27 =	vld.msk [tilespmem:s10+$0x1308], $0xff  }
0x108: {  	v28 =	vld.msk [tilespmem:s10+$0x0], $0xff  }
0x109: {  	v29 =	vld.msk [tilespmem:s10+$0x18], $0xff  }
0x10a: {  	v30 =	vld.msk [tilespmem:s10+$0x8], $0xff  }
0x10b: {  	v31 =	vld.msk [tilespmem:s10+$0x20], $0xff  }
0x10c: {  	v32 =	vld.msk [tilespmem:s10+$0x12F8], $0xff  }
0x10d: {  	v20 =	vadd.bf16 v20, v28;
	v28 =	vld.msk [tilespmem:s10+$0x1310], $0xff  }
0x10e: {  	v21 =	vadd.bf16 v21, v29;
	v29 =	vld.msk [tilespmem:s10+$0x10], $0xff  }
0x10f: {  	v3 =	vadd.bf16 v3, v20;
	v20 =	vadd.bf16 v22, v30;
	v22 =	vld.msk [tilespmem:s10+$0x28], $0xff  }
0x110: {  	v10 =	vadd.bf16 v10, v21;
	v21 =	vadd.bf16 v23, v31;
	v23 =	vld.msk [tilespmem:s10+$0x30], $0xff  }
0x111: {  	v15 =	vadd.bf16 v15, v3;
	v3 =	vadd.bf16 v12, v20;
	v12 =	vld.msk [tilespmem:s10+$0x48], $0xff  }
0x112: {  	v10 =	vadd.bf16 v4, v10;
	v4 =	vadd.bf16 v13, v21;
	v13 =	vld.msk [tilespmem:s10+$0x1300], $0xff  }
0x113: {  	v20 =	vadd.bf16 v9, v3;
	v9 =	vadd.bf16 v24, v29;
	v3 =	vld.msk [tilespmem:s10+$0x1318], $0xff  }
0x114: {  	v21 =	vadd.bf16 v6, v4;
	v4 =	vadd.bf16 v25, v22;
	v6 =	vld.msk [tilespmem:s10+$0x38], $0xff  }
0x115: {  	s9 =	sadd.s32 $0x2, s9;
	v9 =	vadd.bf16 v14, v9;
	v14 =	vadd.bf16 v26, v23;
	v22 =	vld.msk [tilespmem:s10+$0x50], $0xff  }
0x116: {  	p0 =	slt.u32 s9, $0x62;
	v16 =	vadd.bf16 v16, v4;
	v12 =	vadd.bf16 v27, v12;
	v23 =	vld.msk [tilespmem:s10+$0x40], $0xff  }
.Ltmp1:
0x117: {  	[tilespmem:s10+$0x0] =	vst.msk $0xff, v15;
	v15 =	vadd.bf16 v5, v9;
	v14 =	vadd.bf16 v17, v14;
	v4 =	vld.msk [tilespmem:s10+$0x58], $0xff;
	(pc) =	sbr.rel @p0 .LBB2_5-.Ltmp1, $4  }
0x118: {  	[tilespmem:s10+$0x18] =	vst.msk $0xff, v10;
	v9 =	vadd.bf16 v7, v16;
	v7 =	vadd.bf16 v18, v12;
	v5 =	vld.msk [tilespmem:s10+$0x25C0], $0xff  }
0x119: {  	[tilespmem:s10+$0x8] =	vst.msk $0xff, v20;
	v10 =	vadd.bf16 v8, v14;
	v8 =	vadd.bf16 v32, v6;
	v6 =	vld.msk [tilespmem:s10+$0x25D8], $0xff  }
0x11a: {  	[tilespmem:s10+$0x20] =	vst.msk $0xff, v21;
	v11 =	vadd.bf16 v11, v7;
	v14 =	vadd.bf16 v28, v22;
	v7 =	vld.msk [tilespmem:s10+$0x3880], $0xff  }
0x11b: {  	s10 =	sadd.s32 $0x60, s10;
	[tilespmem:s18+$0x10] =	vst.msk $0xff, v15;
	v12 =	vadd.bf16 v19, v8;
	v13 =	vadd.bf16 v13, v23;
	v8 =	vld.msk [tilespmem:s18+$0x3898], $0xff  }
0x11c: {  	[tilespmem:s18+$0x28] =	vst.msk $0xff, v9;
	v2 =	vadd.bf16 v2, v14;
	v3 =	vadd.bf16 v3, v4  }
0x11d: {  	[tilespmem:s18+$0x30] =	vst.msk $0xff, v10;
	v1 =	vadd.bf16 v1, v12;
	v60 =	vadd.bf16 v5, v13  }
0x11e: {  	[tilespmem:s18+$0x48] =	vst.msk $0xff, v11;
	v0 =	vadd.bf16 v0, v2;
	v61 =	vadd.bf16 v6, v3  }
0x11f: {  	s9 =	sadd.s32 s3, s17;
	[tilespmem:s18+$0x38] =	vst.msk $0xff, v1;
	v62 =	vadd.bf16 v7, v60  }
0x120: {  	s16 =	sadd.s32 $0x1, s16;
	s9 =	sshll.u32 s9, $0x3;
	[tilespmem:s18+$0x50] =	vst.msk $0xff, v0;
	v63 =	vadd.bf16 v8, v61  }
0x121: {  	p0 =	sne.s32 s16, $0xC;
	s9 =	sand.u32 $0xFFFFFC0, s9;
	[tilespmem:s18+$0x40] =	vst.msk $0xff, v62  }
.Ltmp2:
0x122: {  	s9 =	sadd.s32 s8, s9;
	[tilespmem:s18+$0x58] =	vst.msk $0xff, v63;
	(pc) =	sbr.rel @p0 .LBB2_2-.Ltmp2, $4  }
0x123: {  	[hbm4b:s9+s30] =	stream.strided.scatter [tilespmem:s24], [sflag:$0x3], $0x12C0, s31, s30, $0x38;
	[tilespmem:$0xE420] =	vst v63  }
0x124: {  	_ =	swait.ge [sflag:s15], $0x12C0  }
0x125: {  	[sflag:s15] =	ssyncset.done $0x0  }
0x126: {  	[sflag:s15] =	ssyncadd.s32 $0xFFFFED40  }
0x127: {  	_ =	swait.ge [sflag:s29], $0x12C0  }
0x128: {  	[sflag:s29] =	ssyncset.done $0x0  }
0x129: {  	[sflag:s29] =	ssyncadd.s32 $0xFFFFED40  }
0x12a: {  	_ =	swait.ge [sflag:s29], $0x12C0  }
0x12b: {  	[sflag:s29] =	ssyncset.done $0x0  }
0x12c: {  	[sflag:s29] =	ssyncadd.s32 $0xFFFFED40  }
0x12d: {  	_ =	swait.ge [sflag:s29], $0x12C0  }
0x12e: {  	[sflag:s29] =	ssyncset.done $0x0  }
0x12f: {  	[sflag:s29] =	ssyncadd.s32 $0xFFFFED40  }
0x130: {  	_ =	swait.ge [sflag:s29], $0x12C0  }
0x131: {  	[sflag:s29] =	ssyncset.done $0x0  }
0x132: {  	s9 =	simm.s32 $0x4E20;
	[sflag:s29] =	ssyncadd.s32 $0xFFFFED40  }
0x133: {  	v4 =	vld.msk [tilespmem:s9+$0x3840], $0xff  }
0x134: {  	v5 =	vld.msk [tilespmem:s9+$0x3858], $0xff  }
0x135: {  	v6 =	vld.msk [tilespmem:s9+$0x3848], $0xff  }
0x136: {  	v7 =	vld.msk [tilespmem:s9+$0x3860], $0xff  }
0x137: {  	v8 =	vld.msk [tilespmem:s9+$0x3850], $0xff  }
0x138: {  	v9 =	vld.msk [tilespmem:s9+$0x3868], $0xff  }
0x139: {  	v10 =	vld.msk [tilespmem:s9+$0x3870], $0xff  }
0x13a: {  	v11 =	vld.msk [tilespmem:s9+$0x3888], $0xff  }
0x13b: {  	v1 =	vld.msk [tilespmem:s9+$0x3878], $0xff  }
0x13c: {  	v0 =	vld.msk [tilespmem:s9+$0x3890], $0xff  }
0x13d: {  	v3 =	vld.msk [tilespmem:s9+$0x2580], $0xff  }
0x13e: {  	v12 =	vld.msk [tilespmem:s9+$0x2598], $0xff  }
0x13f: {  	v13 =	vld.msk [tilespmem:s9+$0x2588], $0xff  }
0x140: {  	v14 =	vld.msk [tilespmem:s9+$0x25A0], $0xff  }
0x141: {  	v15 =	vld.msk [tilespmem:s9+$0x2590], $0xff  }
0x142: {  	v16 =	vld.msk [tilespmem:s9+$0x25A8], $0xff  }
0x143: {  	v17 =	vld.msk [tilespmem:s9+$0x25B0], $0xff  }
0x144: {  	v18 =	vld.msk [tilespmem:s9+$0x25C8], $0xff  }
0x145: {  	v19 =	vld.msk [tilespmem:s9+$0x25B8], $0xff  }
0x146: {  	v2 =	vld.msk [tilespmem:s9+$0x25D0], $0xff  }
0x147: {  	v20 =	vld.msk [tilespmem:s9+$0x12C0], $0xff  }
0x148: {  	v21 =	vld.msk [tilespmem:s9+$0x12D8], $0xff  }
0x149: {  	v22 =	vld.msk [tilespmem:s9+$0x12C8], $0xff  }
0x14a: {  	v23 =	vld.msk [tilespmem:s9+$0x12E0], $0xff  }
0x14b: {  	v24 =	vld.msk [tilespmem:s9+$0x12D0], $0xff  }
0x14c: {  	v25 =	vld.msk [tilespmem:s9+$0x12E8], $0xff  }
0x14d: {  	v26 =	vld.msk [tilespmem:s9+$0x12F0], $0xff  }
0x14e: {  	v27 =	vld.msk [tilespmem:s9+$0x1308], $0xff  }
0x14f: {  	v28 =	vld.msk [tilespmem:s9+$0x0], $0xff  }
0x150: {  	v29 =	vld.msk [tilespmem:s9+$0x18], $0xff  }
0x151: {  	v30 =	vld.msk [tilespmem:s9+$0x8], $0xff  }
0x152: {  	v31 =	vld.msk [tilespmem:s9+$0x20], $0xff  }
0x153: {  	v32 =	vld.msk [tilespmem:s9+$0x12F8], $0xff  }
0x154: {  	v33 =	vld.msk [tilespmem:s9+$0x1310], $0xff;
	v20 =	vadd.bf16 v20, v28  }
0x155: {  	v34 =	vld.msk [tilespmem:s9+$0x10], $0xff;
	v21 =	vadd.bf16 v21, v29  }
0x156: {  	v35 =	vld.msk [tilespmem:s9+$0x28], $0xff;
	v22 =	vadd.bf16 v22, v30;
	v20 =	vadd.bf16 v3, v20  }
0x157: {  	v36 =	vld.msk [tilespmem:s9+$0x30], $0xff;
	v23 =	vadd.bf16 v23, v31;
	v12 =	vadd.bf16 v12, v21  }
0x158: {  	v59 =	vld.msk [tilespmem:s9+$0x48], $0xff;
	v13 =	vadd.bf16 v13, v22;
	v4 =	vadd.bf16 v4, v20  }
0x159: {  	v60 =	vld.msk [tilespmem:s9+$0x1300], $0xff;
	v5 =	vadd.bf16 v5, v12;
	v12 =	vadd.bf16 v14, v23  }
0x15a: {  	v61 =	vld.msk [tilespmem:s9+$0x38], $0xff;
	v6 =	vadd.bf16 v6, v13;
	v13 =	vadd.bf16 v24, v34  }
0x15b: {  	v62 =	vld.msk [tilespmem:s9+$0x50], $0xff;
	v7 =	vadd.bf16 v7, v12;
	v12 =	vadd.bf16 v25, v35  }
0x15c: {  	v63 =	vld.msk [tilespmem:s9+$0x40], $0xff;
	v14 =	vadd.bf16 v26, v36;
	v13 =	vadd.bf16 v15, v13  }
0x15d: {  	v3 =	vld.msk [tilespmem:s9+$0x1318], $0xff;
	v15 =	vadd.bf16 v27, v59;
	v12 =	vadd.bf16 v16, v12  }
0x15e: {  	[tilespmem:s9+$0x0] =	vst.msk $0xff, v4;
	v4 =	vld.msk [tilespmem:s9+$0x58], $0xff;
	v8 =	vadd.bf16 v8, v13;
	v13 =	vadd.bf16 v17, v14  }
0x15f: {  	[tilespmem:s9+$0x18] =	vst.msk $0xff, v5;
	v5 =	vld.msk [tilespmem:s9+$0x25C0], $0xff;
	v9 =	vadd.bf16 v9, v12;
	v12 =	vadd.bf16 v18, v15  }
0x160: {  	[tilespmem:s9+$0x8] =	vst.msk $0xff, v6;
	v6 =	vld.msk [tilespmem:s9+$0x25D8], $0xff;
	v10 =	vadd.bf16 v10, v13;
	v13 =	vadd.bf16 v32, v61  }
0x161: {  	[tilespmem:s9+$0x20] =	vst.msk $0xff, v7;
	v7 =	vld.msk [tilespmem:s9+$0x3880], $0xff;
	v14 =	vadd.bf16 v33, v62;
	v11 =	vadd.bf16 v11, v12  }
0x162: {  	s10 =	simm.s32 $0x0;
	s11 =	simm.s32 $0x4E80;
	[tilespmem:s9+$0x10] =	vst.msk $0xff, v8;
	v8 =	vld.msk [tilespmem:s9+$0x3898], $0xff;
	v12 =	vadd.bf16 v19, v13;
	v13 =	vadd.bf16 v60, v63  }
.LBB2_8:
0x163: {  	v15 =	vld.msk [tilespmem:s11+$0x3840], $0xff;
	[tilespmem:s9+$0x28] =	vst.msk $0xff, v9;
	v2 =	vadd.bf16 v2, v14;
	v3 =	vadd.bf16 v3, v4  }
0x164: {  	v4 =	vld.msk [tilespmem:s11+$0x3858], $0xff;
	[tilespmem:s9+$0x30] =	vst.msk $0xff, v10;
	v1 =	vadd.bf16 v1, v12;
	v5 =	vadd.bf16 v5, v13  }
0x165: {  	v9 =	vld.msk [tilespmem:s11+$0x3848], $0xff;
	[tilespmem:s9+$0x48] =	vst.msk $0xff, v11;
	v0 =	vadd.bf16 v0, v2;
	v2 =	vadd.bf16 v6, v3  }
0x166: {  	v6 =	vld.msk [tilespmem:s11+$0x3860], $0xff;
	[tilespmem:s9+$0x38] =	vst.msk $0xff, v1;
	v1 =	vadd.bf16 v7, v5  }
0x167: {  	v5 =	vld.msk [tilespmem:s11+$0x3850], $0xff;
	[tilespmem:s9+$0x50] =	vst.msk $0xff, v0;
	v0 =	vadd.bf16 v8, v2  }
0x168: {  	v7 =	vld.msk [tilespmem:s11+$0x3868], $0xff;
	[tilespmem:s9+$0x40] =	vst.msk $0xff, v1  }
0x169: {  	v8 =	vld.msk [tilespmem:s11+$0x3870], $0xff;
	[tilespmem:s9+$0x58] =	vst.msk $0xff, v0;
	s9 =	smov.u32 s11  }
0x16a: {  	v11 =	vld.msk [tilespmem:s11+$0x3888], $0xff  }
0x16b: {  	v1 =	vld.msk [tilespmem:s11+$0x3878], $0xff  }
0x16c: {  	v0 =	vld.msk [tilespmem:s11+$0x3890], $0xff  }
0x16d: {  	v3 =	vld.msk [tilespmem:s11+$0x2580], $0xff  }
0x16e: {  	v10 =	vld.msk [tilespmem:s11+$0x2598], $0xff  }
0x16f: {  	v12 =	vld.msk [tilespmem:s11+$0x2588], $0xff  }
0x170: {  	v13 =	vld.msk [tilespmem:s11+$0x25A0], $0xff  }
0x171: {  	v14 =	vld.msk [tilespmem:s11+$0x2590], $0xff  }
0x172: {  	v16 =	vld.msk [tilespmem:s11+$0x25A8], $0xff  }
0x173: {  	v17 =	vld.msk [tilespmem:s11+$0x25B0], $0xff  }
0x174: {  	v18 =	vld.msk [tilespmem:s11+$0x25C8], $0xff  }
0x175: {  	v19 =	vld.msk [tilespmem:s11+$0x25B8], $0xff  }
0x176: {  	v2 =	vld.msk [tilespmem:s11+$0x25D0], $0xff  }
0x177: {  	v20 =	vld.msk [tilespmem:s11+$0x12C0], $0xff  }
0x178: {  	v21 =	vld.msk [tilespmem:s11+$0x12D8], $0xff  }
0x179: {  	v22 =	vld.msk [tilespmem:s11+$0x12C8], $0xff  }
0x17a: {  	v23 =	vld.msk [tilespmem:s11+$0x12E0], $0xff  }
0x17b: {  	v24 =	vld.msk [tilespmem:s11+$0x12D0], $0xff  }
0x17c: {  	v25 =	vld.msk [tilespmem:s11+$0x12E8], $0xff  }
0x17d: {  	v26 =	vld.msk [tilespmem:s11+$0x12F0], $0xff  }
0x17e: {  	v27 =	vld.msk [tilespmem:s11+$0x1308], $0xff  }
0x17f: {  	v28 =	vld.msk [tilespmem:s11+$0x0], $0xff  }
0x180: {  	v29 =	vld.msk [tilespmem:s11+$0x18], $0xff  }
0x181: {  	v30 =	vld.msk [tilespmem:s11+$0x8], $0xff  }
0x182: {  	v31 =	vld.msk [tilespmem:s11+$0x20], $0xff  }
0x183: {  	v32 =	vld.msk [tilespmem:s11+$0x12F8], $0xff  }
0x184: {  	v20 =	vadd.bf16 v20, v28;
	v28 =	vld.msk [tilespmem:s11+$0x1310], $0xff  }
0x185: {  	v21 =	vadd.bf16 v21, v29;
	v29 =	vld.msk [tilespmem:s11+$0x10], $0xff  }
0x186: {  	v3 =	vadd.bf16 v3, v20;
	v20 =	vadd.bf16 v22, v30;
	v22 =	vld.msk [tilespmem:s11+$0x28], $0xff  }
0x187: {  	v10 =	vadd.bf16 v10, v21;
	v21 =	vadd.bf16 v23, v31;
	v23 =	vld.msk [tilespmem:s11+$0x30], $0xff  }
0x188: {  	v15 =	vadd.bf16 v15, v3;
	v3 =	vadd.bf16 v12, v20;
	v12 =	vld.msk [tilespmem:s11+$0x48], $0xff  }
0x189: {  	v10 =	vadd.bf16 v4, v10;
	v4 =	vadd.bf16 v13, v21;
	v13 =	vld.msk [tilespmem:s11+$0x1300], $0xff  }
0x18a: {  	v20 =	vadd.bf16 v9, v3;
	v9 =	vadd.bf16 v24, v29;
	v3 =	vld.msk [tilespmem:s11+$0x1318], $0xff  }
0x18b: {  	v21 =	vadd.bf16 v6, v4;
	v4 =	vadd.bf16 v25, v22;
	v6 =	vld.msk [tilespmem:s11+$0x38], $0xff  }
0x18c: {  	s10 =	sadd.s32 $0x2, s10;
	v9 =	vadd.bf16 v14, v9;
	v14 =	vadd.bf16 v26, v23;
	v22 =	vld.msk [tilespmem:s11+$0x50], $0xff  }
0x18d: {  	p0 =	slt.u32 s10, $0x62;
	v16 =	vadd.bf16 v16, v4;
	v12 =	vadd.bf16 v27, v12;
	v23 =	vld.msk [tilespmem:s11+$0x40], $0xff  }
.Ltmp3:
0x18e: {  	[tilespmem:s11+$0x0] =	vst.msk $0xff, v15;
	v15 =	vadd.bf16 v5, v9;
	v14 =	vadd.bf16 v17, v14;
	v4 =	vld.msk [tilespmem:s11+$0x58], $0xff;
	(pc) =	sbr.rel @p0 .LBB2_8-.Ltmp3, $4  }
0x18f: {  	[tilespmem:s11+$0x18] =	vst.msk $0xff, v10;
	v9 =	vadd.bf16 v7, v16;
	v7 =	vadd.bf16 v18, v12;
	v5 =	vld.msk [tilespmem:s11+$0x25C0], $0xff  }
0x190: {  	[tilespmem:s11+$0x8] =	vst.msk $0xff, v20;
	v10 =	vadd.bf16 v8, v14;
	v8 =	vadd.bf16 v32, v6;
	v6 =	vld.msk [tilespmem:s11+$0x25D8], $0xff  }
0x191: {  	[tilespmem:s11+$0x20] =	vst.msk $0xff, v21;
	v11 =	vadd.bf16 v11, v7;
	v14 =	vadd.bf16 v28, v22;
	v7 =	vld.msk [tilespmem:s11+$0x3880], $0xff  }
0x192: {  	s11 =	sadd.s32 $0x60, s11;
	[tilespmem:s9+$0x10] =	vst.msk $0xff, v15;
	v12 =	vadd.bf16 v19, v8;
	v13 =	vadd.bf16 v13, v23;
	v8 =	vld.msk [tilespmem:s9+$0x3898], $0xff  }
0x193: {  	[tilespmem:s9+$0x28] =	vst.msk $0xff, v9;
	v2 =	vadd.bf16 v2, v14;
	v3 =	vadd.bf16 v3, v4  }
0x194: {  	[tilespmem:s9+$0x30] =	vst.msk $0xff, v10;
	v1 =	vadd.bf16 v1, v12;
	v60 =	vadd.bf16 v5, v13  }
0x195: {  	[tilespmem:s9+$0x48] =	vst.msk $0xff, v11;
	v0 =	vadd.bf16 v0, v2;
	v61 =	vadd.bf16 v6, v3  }
0x196: {  	[tilespmem:s9+$0x38] =	vst.msk $0xff, v1;
	v62 =	vadd.bf16 v7, v60  }
0x197: {  	s0 =	sadd.s32 $0x1, s0;
	[tilespmem:s9+$0x50] =	vst.msk $0xff, v0;
	v63 =	vadd.bf16 v8, v61  }
0x198: {  	p0 =	sne.s32 s0, s14;
	[tilespmem:s9+$0x40] =	vst.msk $0xff, v62  }
.Ltmp4:
0x199: {  	[tilespmem:s9+$0x58] =	vst.msk $0xff, v63;
	(pc) =	sbr.rel @p0 .LBB2_1-.Ltmp4, $4  }
0x19a: {  	[hbm4b:s13+s30] =	stream.strided.scatter [tilespmem:s20], [sflag:$0x3], $0x12C0, s31, s30, $0x38;
	[tilespmem:$0xE420] =	vst v63  }
0x19b: {  	_ =	swait.ge [sflag:s15], $0x12C0  }
0x19c: {  	[sflag:s15] =	ssyncset.done $0x0  }
0x19d: {  	[sflag:s15] =	ssyncadd.s32 $0xFFFFED40  }
0x19e: {  	_ =	sfence.sel $0x180000  }
0x19f: {  	[bflag:$0x0] =	sbarrier.arrive $0xFFFF  }
0x1a0: {  	_ =	strace $0x9000004A  }
0x1a1: {  	s0 =	stileid.u32;
	[bflag:$0x2] =	sbarrier.arrive $0xFFFF  }
0x1a2: {  	p0 =	sne.s32 s0, $0x0;
	s0 =	rddreg [dreg:$0x1]  }
0x1a3: {  	s0 =	sadd.s32 @!p0 $0x100000, s0  }
0x1a4: {  	[sflag:s0] =	ssyncadd.tile.s32 @!p0 $0x1;
	_ =	shalt  }
.Lfunc_end2:
_tile_overlayer_lowered:
.L_overlay_start_2:
0x1a5: {  	(tag) =	ssettag $0x2  }
0x1a6: {  	s0 =	rddreg [dreg:$0x0];
	s2 =	stileid.u32  }
0x1a7: {  	s1 =	rddreg [dreg:$0x1];
	p0 =	sne.s32 s2, $0x0  }
0x1a8: {  	s3 =	rddreg [dreg:$0x2];
	[bflag:$0x3] =	sbarrier.arrive $0xFFFF;
	s2 =	simm.s32 @!p0 $0x1C03  }
0x1a9: {  	[timem:s3], [sflag:s2] =	dma.local @!p0 [hbm:s0], s1  }
0x1aa: {  	s0 =	simm.s32 @!p0 $0x3  }
0x1ab: {  	_ =	swait.ge @!p0 [sflag:s0], s1  }
0x1ac: {  	s1 =	ssub.s32 @!p0 $0x0, s1;
	[sflag:s0] =	ssyncset.done @!p0 $0x0  }
0x1ad: {  	[sflag:s0] =	ssyncadd.s32 @!p0 s1  }
0x1ae: {  	[bflag:$0x3] =	sbarrier.arrive $0xFFFF  }
0x1af: {  	_ =	shalt  }

</sc_bundles>
